<compile_context>
chip_gen: v7x
topology: tpu7x:2x2x1
jax: 0.10.2.dev20260603
libtpu: 0.0.44.dev20260713+nightly
codegen_flags: <defaults>
</compile_context>

<pallas_src>
import functools

import jax
import jax.numpy as jnp
from jax import lax
from jax.experimental import pallas as pl
from jax.experimental.pallas import tpu as pltpu
from jax.experimental.pallas import tpu_sc as plsc

N = 10000
D = 128
E = 320000
NC = 2
NS = 16
L = 16

CH = 64
CPT = 314
KP = CPT // 2
PER_TILE = CPT * CH
EP = NS * PER_TILE
ACC = 10240
DUMMY = N
OPT = ACC // NS

BLK = 1000
NBLK = N // BLK


def _sc_kernel(with_counts):
    mesh = plsc.VectorSubcoreMesh(core_axis_name="c", subcore_axis_name="s",
                                  num_cores=NC, num_subcores=NS)
    out_type = [jax.ShapeDtypeStruct((2, ACC, D), jnp.float32)]
    if with_counts:
        out_type.append(jax.ShapeDtypeStruct((2, ACC, D), jnp.float32))
    scratch = [
        pltpu.VMEM((CH,), jnp.int32),
        pltpu.VMEM((CH,), jnp.int32),
        pltpu.VMEM((CH,), jnp.int32),
        pltpu.VMEM((CH,), jnp.int32),
        pltpu.VMEM((CH, D), jnp.float32),
        pltpu.VMEM((CH, D), jnp.float32),
        pltpu.VMEM_SHARED((ACC, D), jnp.float32),
        pltpu.SemaphoreType.DMA,
        pltpu.SemaphoreType.DMA,
        pltpu.SemaphoreType.DMA,
        pltpu.SemaphoreType.DMA,
    ]

    def body(*refs):
        if with_counts:
            (src_hbm, dst_hbm, m_hbm, zrow_hbm, ones_hbm,
             sums_out, counts_out,
             sidx0, sidx1, didx0, didx1, rows0, rows1,
             acc_sh, sem0, sem1, ssem0, ssem1) = refs
        else:
            (src_hbm, dst_hbm, m_hbm, zrow_hbm, ones_hbm,
             sums_out,
             sidx0, sidx1, didx0, didx1, rows0, rows1,
             acc_sh, sem0, sem1, ssem0, ssem1) = refs
        c = lax.axis_index("c")
        t = lax.axis_index("s")
        on0 = c == 0

        def phase(d, out_ref, counting):
            @pl.when(on0)
            def _():
                pltpu.sync_copy(zrow_hbm, rows0)
                for i in range(ACC // CH // NS):
                    blk = i * NS + t
                    pltpu.sync_copy(rows0, acc_sh.at[pl.ds(blk * CH, CH)])
            plsc.subcore_barrier()

            @pl.when(on0)
            def _():
                base = d * EP + t * PER_TILE

                def eoff(g):
                    return pl.multiple_of(base + g * CH, CH)

                if counting:
                    pltpu.sync_copy(ones_hbm, rows0)
                    pltpu.sync_copy(dst_hbm.at[pl.ds(eoff(0), CH)], didx0)

                    def cstep(k, _):
                        c0 = pltpu.async_copy(rows0, acc_sh.at[didx0], sem0,
                                              add=True)
                        pltpu.sync_copy(dst_hbm.at[pl.ds(eoff(2 * k + 1), CH)],
                                        didx1)
                        c1 = pltpu.async_copy(rows0, acc_sh.at[didx1], sem1,
                                              add=True)
                        c0.wait()

                        @pl.when(k < KP - 1)
                        def _():
                            pltpu.sync_copy(
                                dst_hbm.at[pl.ds(eoff(2 * k + 2), CH)], didx0)
                        c1.wait()
                        return _
                    lax.fori_loop(0, KP, cstep, None)
                else:
                    pltpu.sync_copy(src_hbm.at[pl.ds(eoff(0), CH)], sidx0)
                    pltpu.sync_copy(dst_hbm.at[pl.ds(eoff(0), CH)], didx0)
                    cp0 = pltpu.async_copy(m_hbm.at[sidx0], rows0, sem0)

                    def step(k, _):
                        pltpu.sync_copy(src_hbm.at[pl.ds(eoff(2 * k + 1), CH)],
                                        sidx1)
                        pltpu.sync_copy(dst_hbm.at[pl.ds(eoff(2 * k + 1), CH)],
                                        didx1)
                        cp1 = pltpu.async_copy(m_hbm.at[sidx1], rows1, sem1)
                        pltpu.make_async_copy(m_hbm.at[sidx0], rows0,
                                              sem0).wait()
                        s0 = pltpu.async_copy(rows0, acc_sh.at[didx0], ssem0,
                                              add=True)
                        cp1.wait()
                        s1 = pltpu.async_copy(rows1, acc_sh.at[didx1], ssem1,
                                              add=True)
                        s0.wait()

                        @pl.when(k < KP - 1)
                        def _():
                            pltpu.sync_copy(
                                src_hbm.at[pl.ds(eoff(2 * k + 2), CH)], sidx0)
                            pltpu.sync_copy(
                                dst_hbm.at[pl.ds(eoff(2 * k + 2), CH)], didx0)
                            pltpu.async_copy(m_hbm.at[sidx0], rows0, sem0)
                        s1.wait()
                        return _
                    lax.fori_loop(0, KP, step, None)
            plsc.subcore_barrier()

            @pl.when(on0)
            def _():
                ob = t * OPT
                pltpu.sync_copy(acc_sh.at[pl.ds(ob, OPT)],
                                out_ref.at[d, pl.ds(ob, OPT)])
            plsc.subcore_barrier()

        phase(0, sums_out, False)
        phase(1, sums_out, False)
        if with_counts:
            phase(0, counts_out, True)
            phase(1, counts_out, True)

    return pl.kernel(body, out_type=out_type, mesh=mesh, scratch_types=scratch)


def _mm_body(x_ref, wm_ref, wr_ref, m_ref, r_ref):
    x = x_ref[...]
    m_ref[...] = jnp.dot(x, wm_ref[0], preferred_element_type=jnp.float32)
    r_ref[...] = jnp.dot(x, wr_ref[0], preferred_element_type=jnp.float32)


def _mm(xcat, Wm, Wr):
    return pl.pallas_call(
        _mm_body,
        grid=(2, NBLK),
        in_specs=[
            pl.BlockSpec((BLK, D), lambda t, b: (t * NBLK + b, 0)),
            pl.BlockSpec((1, D, D), lambda t, b: (t, 0, 0)),
            pl.BlockSpec((1, D, D), lambda t, b: (t, 0, 0)),
        ],
        out_specs=[
            pl.BlockSpec((BLK, D), lambda t, b: (t * NBLK + b, 0)),
            pl.BlockSpec((BLK, D), lambda t, b: (t * NBLK + b, 0)),
        ],
        out_shape=[
            jax.ShapeDtypeStruct((2 * N, D), jnp.float32),
            jax.ShapeDtypeStruct((2 * N, D), jnp.float32),
        ],
    )(xcat, Wm, Wr)


def _combine_body(sums_ref, counts_ref, root_ref, out_ref, *, act):
    cnt = counts_ref[0, :, 0:1]
    h = sums_ref[0] / jnp.maximum(cnt, 1.0) + root_ref[...]
    if act:
        h = jnp.maximum(h, 0.0)
    out_ref[...] = h


def _combine(sums, counts, root, act):
    return pl.pallas_call(
        functools.partial(_combine_body, act=act),
        grid=(2, NBLK),
        in_specs=[
            pl.BlockSpec((1, BLK, D), lambda t, b: (1 - t, b, 0)),
            pl.BlockSpec((1, BLK, D), lambda t, b: (1 - t, b, 0)),
            pl.BlockSpec((BLK, D), lambda t, b: (t * NBLK + b, 0)),
        ],
        out_specs=pl.BlockSpec((BLK, D), lambda t, b: (t * NBLK + b, 0)),
        out_shape=jax.ShapeDtypeStruct((2 * N, D), jnp.float32),
    )(sums, counts, root)


def kernel(x_user, x_item, edge_index_u2i, edge_index_i2u,
           W1_u2i, W1_i2u, W1_root_user, W1_root_item,
           W2_u2i, W2_i2u, W2_root_user, W2_root_item):
    ei_u2i = edge_index_u2i.astype(jnp.int32)
    ei_i2u = edge_index_i2u.astype(jnp.int32)
    pad = EP - E
    src_all = jnp.concatenate([
        ei_u2i[0], jnp.zeros((pad,), jnp.int32),
        ei_i2u[0] + N, jnp.full((pad,), N, jnp.int32),
    ])
    dpad = jnp.full((pad,), DUMMY, jnp.int32)
    dst_all = jnp.concatenate([ei_u2i[1], dpad, ei_i2u[1], dpad])

    zrow = jnp.zeros((CH, D), jnp.float32)
    ones = jnp.ones((CH, D), jnp.float32)

    xcat = jnp.concatenate([x_user, x_item], axis=0)
    W1m = jnp.stack([W1_u2i, W1_i2u])
    W1r = jnp.stack([W1_root_user, W1_root_item])
    W2m = jnp.stack([W2_u2i, W2_i2u])
    W2r = jnp.stack([W2_root_user, W2_root_item])

    m1, r1 = _mm(xcat, W1m, W1r)
    sums1, counts = _sc_kernel(True)(src_all, dst_all, m1, zrow, ones)
    h1 = _combine(sums1, counts, r1, act=True)
    m2, r2 = _mm(h1, W2m, W2r)
    (sums2,) = _sc_kernel(False)(src_all, dst_all, m2, zrow, ones)
    out = _combine(sums2, counts, r2, act=False)
    return out

# --- scband reference (transcript-rebuilt; emitter-appended) ---
"""Pipeline reference for scband-general-hetero-2680059592836 (READ-ONLY COPY).

The authoritative reference and input builder live on the scoring server;
editing this copy changes nothing except your own understanding.
"""

import jax, jax.numpy as jnp
import numpy as np

N_USER = 10000
N_ITEM = 10000
E = 320000
D = 128


def _seg_mean(msgs, dst, n):
    s = jax.ops.segment_sum(msgs, dst, num_segments=n)
    c = jax.ops.segment_sum(jnp.ones((dst.shape[0], 1), dtype=msgs.dtype), dst, num_segments=n)
    return s / jnp.maximum(c, 1.0)


def setup_inputs(seed: int = 0) -> dict:
    key = jax.random.key(seed)
    ks = jax.random.split(key, 12)
    scale = 1.0 / np.sqrt(D)
    inp = {
        'x_user': jax.random.normal(ks[0], (N_USER, D), dtype=jnp.float32),
        'x_item': jax.random.normal(ks[1], (N_ITEM, D), dtype=jnp.float32),
        'edge_index_u2i': jax.random.randint(ks[2], (2, E), 0, N_ITEM, dtype=jnp.int64 if jax.config.read('jax_enable_x64') else jnp.int32),
        'edge_index_i2u': jax.random.randint(ks[3], (2, E), 0, N_USER, dtype=jnp.int64 if jax.config.read('jax_enable_x64') else jnp.int32),
        'W1_u2i': jax.random.normal(ks[4], (D, D), dtype=jnp.float32) * scale,
        'W1_i2u': jax.random.normal(ks[5], (D, D), dtype=jnp.float32) * scale,
        'W1_root_user': jax.random.normal(ks[6], (D, D), dtype=jnp.float32) * scale,
        'W1_root_item': jax.random.normal(ks[7], (D, D), dtype=jnp.float32) * scale,
        'W2_u2i': jax.random.normal(ks[8], (D, D), dtype=jnp.float32) * scale,
        'W2_i2u': jax.random.normal(ks[9], (D, D), dtype=jnp.float32) * scale,
        'W2_root_user': jax.random.normal(ks[10], (D, D), dtype=jnp.float32) * scale,
        'W2_root_item': jax.random.normal(ks[11], (D, D), dtype=jnp.float32) * scale,
    }
    return inp


def _hetero_layer(xu, xi, Wu2i, Wi2u, Wru, Wri, ei_u2i, ei_i2u, apply_act):
    # transform-then-gather (standard GraphConv optimization): N x D x D matmul,
    # then memory-bound gather over E edges and segment-mean scatter to dst.
    m_src_u = xu @ Wu2i                      # [N_USER, D]
    msgs_u2i = jnp.take(m_src_u, ei_u2i[0], axis=0)   # gather over edges [E, D]
    agg_item = _seg_mean(msgs_u2i, ei_u2i[1], N_ITEM)  # scatter-mean
    m_src_i = xi @ Wi2u
    msgs_i2u = jnp.take(m_src_i, ei_i2u[0], axis=0)
    agg_user = _seg_mean(msgs_i2u, ei_i2u[1], N_USER)
    # hetero_aggr_method='mean' across edge types: each node type receives from exactly one edge type here
    hu = agg_user + xu @ Wru
    hi = agg_item + xi @ Wri
    if apply_act:
        hu = jax.nn.relu(hu)
        hi = jax.nn.relu(hi)
    return hu, hi


def reference(x_user, x_item, edge_index_u2i, edge_index_i2u,
              W1_u2i, W1_i2u, W1_root_user, W1_root_item,
              W2_u2i, W2_i2u, W2_root_user, W2_root_item):
    hu, hi = _hetero_layer(x_user, x_item, W1_u2i, W1_i2u, W1_root_user, W1_root_item,
                           edge_index_u2i, edge_index_i2u, apply_act=True)
    hu, hi = _hetero_layer(hu, hi, W2_u2i, W2_i2u, W2_root_user, W2_root_item,
                           edge_index_u2i, edge_index_i2u, apply_act=False)
    return jnp.concatenate([hu, hi], axis=0)

if __name__ == "__main__":
    import jax
    _d = setup_inputs()
    print(jax.jit(kernel)(*tuple(_d.values())))

</pallas_src>

<mosaic_0001>
#map = affine_map<(d0, d1) -> (0)>
#map1 = affine_map<(d0, d1) -> (0, 0)>
#map2 = affine_map<(d0, d1) -> (0, 0, 0)>
module attributes {stable_mosaic.version = 14 : i64} {
  func.func @body(%arg0: i32, %arg1: i32, %arg2: memref<643072xi32, #tpu.memory_space<hbm>>, %arg3: memref<643072xi32, #tpu.memory_space<hbm>>, %arg4: memref<20000x128xf32, #tpu.memory_space<hbm>>, %arg5: memref<64x128xf32, #tpu.memory_space<hbm>>, %arg6: memref<64x128xf32, #tpu.memory_space<hbm>>, %arg7: memref<2x10240x128xf32, #tpu.memory_space<hbm>>, %arg8: memref<2x10240x128xf32, #tpu.memory_space<hbm>>, %arg9: memref<64xi32, #tpu.memory_space<vmem>>, %arg10: memref<64xi32, #tpu.memory_space<vmem>>, %arg11: memref<64xi32, #tpu.memory_space<vmem>>, %arg12: memref<64xi32, #tpu.memory_space<vmem>>, %arg13: memref<64x128xf32, #tpu.memory_space<vmem>>, %arg14: memref<64x128xf32, #tpu.memory_space<vmem>>, %arg15: memref<10240x128xf32, #tpu.memory_space<vmem_shared>>, %arg16: memref<!tpu.dma_semaphore, #tpu.memory_space<semaphore_mem>>, %arg17: memref<!tpu.dma_semaphore, #tpu.memory_space<semaphore_mem>>, %arg18: memref<!tpu.dma_semaphore, #tpu.memory_space<semaphore_mem>>, %arg19: memref<!tpu.dma_semaphore, #tpu.memory_space<semaphore_mem>>) attributes {dimension_semantics = [#tpu.dimension_semantics<core_parallel>, #tpu.dimension_semantics<subcore_parallel>], iteration_bounds = array<i64: 2, 16>, scalar_prefetch = 0 : i64, scratch_operands = 11 : i64, tpu.core_type = #tpu.core_type<sc_vector_subcore>, window_params = [{transform_indices = #map}, {transform_indices = #map}, {transform_indices = #map1}, {transform_indices = #map1}, {transform_indices = #map1}, {transform_indices = #map2}, {transform_indices = #map2}]} {
    %eq3A = arith.constant 0 : i32
    %eq3A_0 = arith.cmpi eq, %arg0, %eq3A : i32
    %convert_element_type3A = arith.extui %eq3A_0 : i1 to i32
    %cond3A = arith.constant 0 : i32
    %cond3A_1 = arith.cmpi ne, %convert_element_type3A, %cond3A : i32
    scf.if %cond3A_1 {
      "tpu.region"() ({
        %run_scoped3A = tpu.sem_alloc : memref<!tpu.dma_semaphore, #tpu.memory_space<semaphore_mem>>
        tpu.enqueue_dma source(%arg5 : memref<64x128xf32, #tpu.memory_space<hbm>>) target(%arg13 : memref<64x128xf32, #tpu.memory_space<vmem>>) target_semaphore(%run_scoped3A : memref<!tpu.dma_semaphore, #tpu.memory_space<semaphore_mem>>)
        tpu.wait_dma2 semaphore(%run_scoped3A : memref<!tpu.dma_semaphore, #tpu.memory_space<semaphore_mem>>) src(%arg5 : memref<64x128xf32, #tpu.memory_space<hbm>>) dst(%arg13 : memref<64x128xf32, #tpu.memory_space<vmem>>)
        tpu.yield
      }) : () -> ()
      %add3A = arith.constant 0 : i32
      %add3A_46 = arith.addi %add3A, %arg1 : i32
      %mul3A = arith.constant 64 : i32
      %mul3A_47 = arith.muli %add3A_46, %mul3A : i32
      "tpu.region"() ({
        %run_scoped3A = tpu.sem_alloc : memref<!tpu.dma_semaphore, #tpu.memory_space<semaphore_mem>>
        %dma_start3A = arith.constant 0 : i32
        %dma_start3A_84 = tpu.memref_slice %arg15[%mul3A_47, %dma_start3A] : memref<10240x128xf32, #tpu.memory_space<vmem_shared>> -> memref<64x128xf32, #tpu.memory_space<vmem_shared>>
        %dma_start3A_85 = arith.constant 0 : i32
        %dma_start3A_86 = tpu.memref_slice %arg15[%mul3A_47, %dma_start3A_85] : memref<10240x128xf32, #tpu.memory_space<vmem_shared>> -> memref<64x128xf32, #tpu.memory_space<vmem_shared>>
        tpu.enqueue_dma source(%arg13 : memref<64x128xf32, #tpu.memory_space<vmem>>) target(%dma_start3A_86 : memref<64x128xf32, #tpu.memory_space<vmem_shared>>) target_semaphore(%run_scoped3A : memref<!tpu.dma_semaphore, #tpu.memory_space<semaphore_mem>>)
        %dma_wait3A = arith.constant 0 : i32
        %dma_wait3A_87 = tpu.memref_slice %arg15[%mul3A_47, %dma_wait3A] : memref<10240x128xf32, #tpu.memory_space<vmem_shared>> -> memref<64x128xf32, #tpu.memory_space<vmem_shared>>
        %dma_wait3A_88 = arith.constant 0 : i32
        %dma_wait3A_89 = tpu.memref_slice %arg15[%mul3A_47, %dma_wait3A_88] : memref<10240x128xf32, #tpu.memory_space<vmem_shared>> -> memref<64x128xf32, #tpu.memory_space<vmem_shared>>
        tpu.wait_dma2 semaphore(%run_scoped3A : memref<!tpu.dma_semaphore, #tpu.memory_space<semaphore_mem>>) src(%arg13 : memref<64x128xf32, #tpu.memory_space<vmem>>) dst(%dma_wait3A_89 : memref<64x128xf32, #tpu.memory_space<vmem_shared>>)
        tpu.yield
      }) : () -> ()
      %add3A_48 = arith.constant 16 : i32
      %add3A_49 = arith.addi %add3A_48, %arg1 : i32
      %mul3A_50 = arith.constant 64 : i32
      %mul3A_51 = arith.muli %add3A_49, %mul3A_50 : i32
      "tpu.region"() ({
        %run_scoped3A = tpu.sem_alloc : memref<!tpu.dma_semaphore, #tpu.memory_space<semaphore_mem>>
        %dma_start3A = arith.constant 0 : i32
        %dma_start3A_84 = tpu.memref_slice %arg15[%mul3A_51, %dma_start3A] : memref<10240x128xf32, #tpu.memory_space<vmem_shared>> -> memref<64x128xf32, #tpu.memory_space<vmem_shared>>
        %dma_start3A_85 = arith.constant 0 : i32
        %dma_start3A_86 = tpu.memref_slice %arg15[%mul3A_51, %dma_start3A_85] : memref<10240x128xf32, #tpu.memory_space<vmem_shared>> -> memref<64x128xf32, #tpu.memory_space<vmem_shared>>
        tpu.enqueue_dma source(%arg13 : memref<64x128xf32, #tpu.memory_space<vmem>>) target(%dma_start3A_86 : memref<64x128xf32, #tpu.memory_space<vmem_shared>>) target_semaphore(%run_scoped3A : memref<!tpu.dma_semaphore, #tpu.memory_space<semaphore_mem>>)
        %dma_wait3A = arith.constant 0 : i32
        %dma_wait3A_87 = tpu.memref_slice %arg15[%mul3A_51, %dma_wait3A] : memref<10240x128xf32, #tpu.memory_space<vmem_shared>> -> memref<64x128xf32, #tpu.memory_space<vmem_shared>>
        %dma_wait3A_88 = arith.constant 0 : i32
        %dma_wait3A_89 = tpu.memref_slice %arg15[%mul3A_51, %dma_wait3A_88] : memref<10240x128xf32, #tpu.memory_space<vmem_shared>> -> memref<64x128xf32, #tpu.memory_space<vmem_shared>>
        tpu.wait_dma2 semaphore(%run_scoped3A : memref<!tpu.dma_semaphore, #tpu.memory_space<semaphore_mem>>) src(%arg13 : memref<64x128xf32, #tpu.memory_space<vmem>>) dst(%dma_wait3A_89 : memref<64x128xf32, #tpu.memory_space<vmem_shared>>)
        tpu.yield
      }) : () -> ()
      %add3A_52 = arith.constant 32 : i32
      %add3A_53 = arith.addi %add3A_52, %arg1 : i32
      %mul3A_54 = arith.constant 64 : i32
      %mul3A_55 = arith.muli %add3A_53, %mul3A_54 : i32
      "tpu.region"() ({
        %run_scoped3A = tpu.sem_alloc : memref<!tpu.dma_semaphore, #tpu.memory_space<semaphore_mem>>
        %dma_start3A = arith.constant 0 : i32
        %dma_start3A_84 = tpu.memref_slice %arg15[%mul3A_55, %dma_start3A] : memref<10240x128xf32, #tpu.memory_space<vmem_shared>> -> memref<64x128xf32, #tpu.memory_space<vmem_shared>>
        %dma_start3A_85 = arith.constant 0 : i32
        %dma_start3A_86 = tpu.memref_slice %arg15[%mul3A_55, %dma_start3A_85] : memref<10240x128xf32, #tpu.memory_space<vmem_shared>> -> memref<64x128xf32, #tpu.memory_space<vmem_shared>>
        tpu.enqueue_dma source(%arg13 : memref<64x128xf32, #tpu.memory_space<vmem>>) target(%dma_start3A_86 : memref<64x128xf32, #tpu.memory_space<vmem_shared>>) target_semaphore(%run_scoped3A : memref<!tpu.dma_semaphore, #tpu.memory_space<semaphore_mem>>)
        %dma_wait3A = arith.constant 0 : i32
        %dma_wait3A_87 = tpu.memref_slice %arg15[%mul3A_55, %dma_wait3A] : memref<10240x128xf32, #tpu.memory_space<vmem_shared>> -> memref<64x128xf32, #tpu.memory_space<vmem_shared>>
        %dma_wait3A_88 = arith.constant 0 : i32
        %dma_wait3A_89 = tpu.memref_slice %arg15[%mul3A_55, %dma_wait3A_88] : memref<10240x128xf32, #tpu.memory_space<vmem_shared>> -> memref<64x128xf32, #tpu.memory_space<vmem_shared>>
        tpu.wait_dma2 semaphore(%run_scoped3A : memref<!tpu.dma_semaphore, #tpu.memory_space<semaphore_mem>>) src(%arg13 : memref<64x128xf32, #tpu.memory_space<vmem>>) dst(%dma_wait3A_89 : memref<64x128xf32, #tpu.memory_space<vmem_shared>>)
        tpu.yield
      }) : () -> ()
      %add3A_56 = arith.constant 48 : i32
      %add3A_57 = arith.addi %add3A_56, %arg1 : i32
      %mul3A_58 = arith.constant 64 : i32
      %mul3A_59 = arith.muli %add3A_57, %mul3A_58 : i32
      "tpu.region"() ({
        %run_scoped3A = tpu.sem_alloc : memref<!tpu.dma_semaphore, #tpu.memory_space<semaphore_mem>>
        %dma_start3A = arith.constant 0 : i32
        %dma_start3A_84 = tpu.memref_slice %arg15[%mul3A_59, %dma_start3A] : memref<10240x128xf32, #tpu.memory_space<vmem_shared>> -> memref<64x128xf32, #tpu.memory_space<vmem_shared>>
        %dma_start3A_85 = arith.constant 0 : i32
        %dma_start3A_86 = tpu.memref_slice %arg15[%mul3A_59, %dma_start3A_85] : memref<10240x128xf32, #tpu.memory_space<vmem_shared>> -> memref<64x128xf32, #tpu.memory_space<vmem_shared>>
        tpu.enqueue_dma source(%arg13 : memref<64x128xf32, #tpu.memory_space<vmem>>) target(%dma_start3A_86 : memref<64x128xf32, #tpu.memory_space<vmem_shared>>) target_semaphore(%run_scoped3A : memref<!tpu.dma_semaphore, #tpu.memory_space<semaphore_mem>>)
        %dma_wait3A = arith.constant 0 : i32
        %dma_wait3A_87 = tpu.memref_slice %arg15[%mul3A_59, %dma_wait3A] : memref<10240x128xf32, #tpu.memory_space<vmem_shared>> -> memref<64x128xf32, #tpu.memory_space<vmem_shared>>
        %dma_wait3A_88 = arith.constant 0 : i32
        %dma_wait3A_89 = tpu.memref_slice %arg15[%mul3A_59, %dma_wait3A_88] : memref<10240x128xf32, #tpu.memory_space<vmem_shared>> -> memref<64x128xf32, #tpu.memory_space<vmem_shared>>
        tpu.wait_dma2 semaphore(%run_scoped3A : memref<!tpu.dma_semaphore, #tpu.memory_space<semaphore_mem>>) src(%arg13 : memref<64x128xf32, #tpu.memory_space<vmem>>) dst(%dma_wait3A_89 : memref<64x128xf32, #tpu.memory_space<vmem_shared>>)
        tpu.yield
      }) : () -> ()
      %add3A_60 = arith.constant 64 : i32
      %add3A_61 = arith.addi %add3A_60, %arg1 : i32
      %mul3A_62 = arith.constant 64 : i32
      %mul3A_63 = arith.muli %add3A_61, %mul3A_62 : i32
      "tpu.region"() ({
        %run_scoped3A = tpu.sem_alloc : memref<!tpu.dma_semaphore, #tpu.memory_space<semaphore_mem>>
        %dma_start3A = arith.constant 0 : i32
        %dma_start3A_84 = tpu.memref_slice %arg15[%mul3A_63, %dma_start3A] : memref<10240x128xf32, #tpu.memory_space<vmem_shared>> -> memref<64x128xf32, #tpu.memory_space<vmem_shared>>
        %dma_start3A_85 = arith.constant 0 : i32
        %dma_start3A_86 = tpu.memref_slice %arg15[%mul3A_63, %dma_start3A_85] : memref<10240x128xf32, #tpu.memory_space<vmem_shared>> -> memref<64x128xf32, #tpu.memory_space<vmem_shared>>
        tpu.enqueue_dma source(%arg13 : memref<64x128xf32, #tpu.memory_space<vmem>>) target(%dma_start3A_86 : memref<64x128xf32, #tpu.memory_space<vmem_shared>>) target_semaphore(%run_scoped3A : memref<!tpu.dma_semaphore, #tpu.memory_space<semaphore_mem>>)
        %dma_wait3A = arith.constant 0 : i32
        %dma_wait3A_87 = tpu.memref_slice %arg15[%mul3A_63, %dma_wait3A] : memref<10240x128xf32, #tpu.memory_space<vmem_shared>> -> memref<64x128xf32, #tpu.memory_space<vmem_shared>>
        %dma_wait3A_88 = arith.constant 0 : i32
        %dma_wait3A_89 = tpu.memref_slice %arg15[%mul3A_63, %dma_wait3A_88] : memref<10240x128xf32, #tpu.memory_space<vmem_shared>> -> memref<64x128xf32, #tpu.memory_space<vmem_shared>>
        tpu.wait_dma2 semaphore(%run_scoped3A : memref<!tpu.dma_semaphore, #tpu.memory_space<semaphore_mem>>) src(%arg13 : memref<64x128xf32, #tpu.memory_space<vmem>>) dst(%dma_wait3A_89 : memref<64x128xf32, #tpu.memory_space<vmem_shared>>)
        tpu.yield
      }) : () -> ()
      %add3A_64 = arith.constant 80 : i32
      %add3A_65 = arith.addi %add3A_64, %arg1 : i32
      %mul3A_66 = arith.constant 64 : i32
      %mul3A_67 = arith.muli %add3A_65, %mul3A_66 : i32
      "tpu.region"() ({
        %run_scoped3A = tpu.sem_alloc : memref<!tpu.dma_semaphore, #tpu.memory_space<semaphore_mem>>
        %dma_start3A = arith.constant 0 : i32
        %dma_start3A_84 = tpu.memref_slice %arg15[%mul3A_67, %dma_start3A] : memref<10240x128xf32, #tpu.memory_space<vmem_shared>> -> memref<64x128xf32, #tpu.memory_space<vmem_shared>>
        %dma_start3A_85 = arith.constant 0 : i32
        %dma_start3A_86 = tpu.memref_slice %arg15[%mul3A_67, %dma_start3A_85] : memref<10240x128xf32, #tpu.memory_space<vmem_shared>> -> memref<64x128xf32, #tpu.memory_space<vmem_shared>>
        tpu.enqueue_dma source(%arg13 : memref<64x128xf32, #tpu.memory_space<vmem>>) target(%dma_start3A_86 : memref<64x128xf32, #tpu.memory_space<vmem_shared>>) target_semaphore(%run_scoped3A : memref<!tpu.dma_semaphore, #tpu.memory_space<semaphore_mem>>)
        %dma_wait3A = arith.constant 0 : i32
        %dma_wait3A_87 = tpu.memref_slice %arg15[%mul3A_67, %dma_wait3A] : memref<10240x128xf32, #tpu.memory_space<vmem_shared>> -> memref<64x128xf32, #tpu.memory_space<vmem_shared>>
        %dma_wait3A_88 = arith.constant 0 : i32
        %dma_wait3A_89 = tpu.memref_slice %arg15[%mul3A_67, %dma_wait3A_88] : memref<10240x128xf32, #tpu.memory_space<vmem_shared>> -> memref<64x128xf32, #tpu.memory_space<vmem_shared>>
        tpu.wait_dma2 semaphore(%run_scoped3A : memref<!tpu.dma_semaphore, #tpu.memory_space<semaphore_mem>>) src(%arg13 : memref<64x128xf32, #tpu.memory_space<vmem>>) dst(%dma_wait3A_89 : memref<64x128xf32, #tpu.memory_space<vmem_shared>>)
        tpu.yield
      }) : () -> ()
      %add3A_68 = arith.constant 96 : i32
      %add3A_69 = arith.addi %add3A_68, %arg1 : i32
      %mul3A_70 = arith.constant 64 : i32
      %mul3A_71 = arith.muli %add3A_69, %mul3A_70 : i32
      "tpu.region"() ({
        %run_scoped3A = tpu.sem_alloc : memref<!tpu.dma_semaphore, #tpu.memory_space<semaphore_mem>>
        %dma_start3A = arith.constant 0 : i32
        %dma_start3A_84 = tpu.memref_slice %arg15[%mul3A_71, %dma_start3A] : memref<10240x128xf32, #tpu.memory_space<vmem_shared>> -> memref<64x128xf32, #tpu.memory_space<vmem_shared>>
        %dma_start3A_85 = arith.constant 0 : i32
        %dma_start3A_86 = tpu.memref_slice %arg15[%mul3A_71, %dma_start3A_85] : memref<10240x128xf32, #tpu.memory_space<vmem_shared>> -> memref<64x128xf32, #tpu.memory_space<vmem_shared>>
        tpu.enqueue_dma source(%arg13 : memref<64x128xf32, #tpu.memory_space<vmem>>) target(%dma_start3A_86 : memref<64x128xf32, #tpu.memory_space<vmem_shared>>) target_semaphore(%run_scoped3A : memref<!tpu.dma_semaphore, #tpu.memory_space<semaphore_mem>>)
        %dma_wait3A = arith.constant 0 : i32
        %dma_wait3A_87 = tpu.memref_slice %arg15[%mul3A_71, %dma_wait3A] : memref<10240x128xf32, #tpu.memory_space<vmem_shared>> -> memref<64x128xf32, #tpu.memory_space<vmem_shared>>
        %dma_wait3A_88 = arith.constant 0 : i32
        %dma_wait3A_89 = tpu.memref_slice %arg15[%mul3A_71, %dma_wait3A_88] : memref<10240x128xf32, #tpu.memory_space<vmem_shared>> -> memref<64x128xf32, #tpu.memory_space<vmem_shared>>
        tpu.wait_dma2 semaphore(%run_scoped3A : memref<!tpu.dma_semaphore, #tpu.memory_space<semaphore_mem>>) src(%arg13 : memref<64x128xf32, #tpu.memory_space<vmem>>) dst(%dma_wait3A_89 : memref<64x128xf32, #tpu.memory_space<vmem_shared>>)
        tpu.yield
      }) : () -> ()
      %add3A_72 = arith.constant 112 : i32
      %add3A_73 = arith.addi %add3A_72, %arg1 : i32
      %mul3A_74 = arith.constant 64 : i32
      %mul3A_75 = arith.muli %add3A_73, %mul3A_74 : i32
      "tpu.region"() ({
        %run_scoped3A = tpu.sem_alloc : memref<!tpu.dma_semaphore, #tpu.memory_space<semaphore_mem>>
        %dma_start3A = arith.constant 0 : i32
        %dma_start3A_84 = tpu.memref_slice %arg15[%mul3A_75, %dma_start3A] : memref<10240x128xf32, #tpu.memory_space<vmem_shared>> -> memref<64x128xf32, #tpu.memory_space<vmem_shared>>
        %dma_start3A_85 = arith.constant 0 : i32
        %dma_start3A_86 = tpu.memref_slice %arg15[%mul3A_75, %dma_start3A_85] : memref<10240x128xf32, #tpu.memory_space<vmem_shared>> -> memref<64x128xf32, #tpu.memory_space<vmem_shared>>
        tpu.enqueue_dma source(%arg13 : memref<64x128xf32, #tpu.memory_space<vmem>>) target(%dma_start3A_86 : memref<64x128xf32, #tpu.memory_space<vmem_shared>>) target_semaphore(%run_scoped3A : memref<!tpu.dma_semaphore, #tpu.memory_space<semaphore_mem>>)
        %dma_wait3A = arith.constant 0 : i32
        %dma_wait3A_87 = tpu.memref_slice %arg15[%mul3A_75, %dma_wait3A] : memref<10240x128xf32, #tpu.memory_space<vmem_shared>> -> memref<64x128xf32, #tpu.memory_space<vmem_shared>>
        %dma_wait3A_88 = arith.constant 0 : i32
        %dma_wait3A_89 = tpu.memref_slice %arg15[%mul3A_75, %dma_wait3A_88] : memref<10240x128xf32, #tpu.memory_space<vmem_shared>> -> memref<64x128xf32, #tpu.memory_space<vmem_shared>>
        tpu.wait_dma2 semaphore(%run_scoped3A : memref<!tpu.dma_semaphore, #tpu.memory_space<semaphore_mem>>) src(%arg13 : memref<64x128xf32, #tpu.memory_space<vmem>>) dst(%dma_wait3A_89 : memref<64x128xf32, #tpu.memory_space<vmem_shared>>)
        tpu.yield
      }) : () -> ()
      %add3A_76 = arith.constant 128 : i32
      %add3A_77 = arith.addi %add3A_76, %arg1 : i32
      %mul3A_78 = arith.constant 64 : i32
      %mul3A_79 = arith.muli %add3A_77, %mul3A_78 : i32
      "tpu.region"() ({
        %run_scoped3A = tpu.sem_alloc : memref<!tpu.dma_semaphore, #tpu.memory_space<semaphore_mem>>
        %dma_start3A = arith.constant 0 : i32
        %dma_start3A_84 = tpu.memref_slice %arg15[%mul3A_79, %dma_start3A] : memref<10240x128xf32, #tpu.memory_space<vmem_shared>> -> memref<64x128xf32, #tpu.memory_space<vmem_shared>>
        %dma_start3A_85 = arith.constant 0 : i32
        %dma_start3A_86 = tpu.memref_slice %arg15[%mul3A_79, %dma_start3A_85] : memref<10240x128xf32, #tpu.memory_space<vmem_shared>> -> memref<64x128xf32, #tpu.memory_space<vmem_shared>>
        tpu.enqueue_dma source(%arg13 : memref<64x128xf32, #tpu.memory_space<vmem>>) target(%dma_start3A_86 : memref<64x128xf32, #tpu.memory_space<vmem_shared>>) target_semaphore(%run_scoped3A : memref<!tpu.dma_semaphore, #tpu.memory_space<semaphore_mem>>)
        %dma_wait3A = arith.constant 0 : i32
        %dma_wait3A_87 = tpu.memref_slice %arg15[%mul3A_79, %dma_wait3A] : memref<10240x128xf32, #tpu.memory_space<vmem_shared>> -> memref<64x128xf32, #tpu.memory_space<vmem_shared>>
        %dma_wait3A_88 = arith.constant 0 : i32
        %dma_wait3A_89 = tpu.memref_slice %arg15[%mul3A_79, %dma_wait3A_88] : memref<10240x128xf32, #tpu.memory_space<vmem_shared>> -> memref<64x128xf32, #tpu.memory_space<vmem_shared>>
        tpu.wait_dma2 semaphore(%run_scoped3A : memref<!tpu.dma_semaphore, #tpu.memory_space<semaphore_mem>>) src(%arg13 : memref<64x128xf32, #tpu.memory_space<vmem>>) dst(%dma_wait3A_89 : memref<64x128xf32, #tpu.memory_space<vmem_shared>>)
        tpu.yield
      }) : () -> ()
      %add3A_80 = arith.constant 144 : i32
      %add3A_81 = arith.addi %add3A_80, %arg1 : i32
      %mul3A_82 = arith.constant 64 : i32
      %mul3A_83 = arith.muli %add3A_81, %mul3A_82 : i32
      "tpu.region"() ({
        %run_scoped3A = tpu.sem_alloc : memref<!tpu.dma_semaphore, #tpu.memory_space<semaphore_mem>>
        %dma_start3A = arith.constant 0 : i32
        %dma_start3A_84 = tpu.memref_slice %arg15[%mul3A_83, %dma_start3A] : memref<10240x128xf32, #tpu.memory_space<vmem_shared>> -> memref<64x128xf32, #tpu.memory_space<vmem_shared>>
        %dma_start3A_85 = arith.constant 0 : i32
        %dma_start3A_86 = tpu.memref_slice %arg15[%mul3A_83, %dma_start3A_85] : memref<10240x128xf32, #tpu.memory_space<vmem_shared>> -> memref<64x128xf32, #tpu.memory_space<vmem_shared>>
        tpu.enqueue_dma source(%arg13 : memref<64x128xf32, #tpu.memory_space<vmem>>) target(%dma_start3A_86 : memref<64x128xf32, #tpu.memory_space<vmem_shared>>) target_semaphore(%run_scoped3A : memref<!tpu.dma_semaphore, #tpu.memory_space<semaphore_mem>>)
        %dma_wait3A = arith.constant 0 : i32
        %dma_wait3A_87 = tpu.memref_slice %arg15[%mul3A_83, %dma_wait3A] : memref<10240x128xf32, #tpu.memory_space<vmem_shared>> -> memref<64x128xf32, #tpu.memory_space<vmem_shared>>
        %dma_wait3A_88 = arith.constant 0 : i32
        %dma_wait3A_89 = tpu.memref_slice %arg15[%mul3A_83, %dma_wait3A_88] : memref<10240x128xf32, #tpu.memory_space<vmem_shared>> -> memref<64x128xf32, #tpu.memory_space<vmem_shared>>
        tpu.wait_dma2 semaphore(%run_scoped3A : memref<!tpu.dma_semaphore, #tpu.memory_space<semaphore_mem>>) src(%arg13 : memref<64x128xf32, #tpu.memory_space<vmem>>) dst(%dma_wait3A_89 : memref<64x128xf32, #tpu.memory_space<vmem_shared>>)
        tpu.yield
      }) : () -> ()
    } else {
    }
    %barrier3A = arith.constant 0 : index
    tpu.barrier barrier_id(%barrier3A)
    %convert_element_type3A_2 = arith.extui %eq3A_0 : i1 to i32
    %cond3A_3 = arith.constant 0 : i32
    %cond3A_4 = arith.cmpi ne, %convert_element_type3A_2, %cond3A_3 : i32
    scf.if %cond3A_4 {
      %mul3A = arith.constant 20096 : i32
      %mul3A_46 = arith.muli %arg1, %mul3A : i32
      %add3A = arith.constant 0 : i32
      %add3A_47 = arith.addi %add3A, %mul3A_46 : i32
      %add3A_48 = arith.constant 0 : i32
      %add3A_49 = arith.addi %add3A_47, %add3A_48 : i32
      %multiple_of3A = tpu.assume_multiple %add3A_49, 64 : i32
      "tpu.region"() ({
        %run_scoped3A = tpu.sem_alloc : memref<!tpu.dma_semaphore, #tpu.memory_space<semaphore_mem>>
        %dma_start3A_59 = tpu.memref_slice %arg2[%multiple_of3A] : memref<643072xi32, #tpu.memory_space<hbm>> -> memref<64xi32, #tpu.memory_space<hbm>>
        %dma_start3A_60 = tpu.memref_slice %arg2[%multiple_of3A] : memref<643072xi32, #tpu.memory_space<hbm>> -> memref<64xi32, #tpu.memory_space<hbm>>
        tpu.enqueue_dma source(%dma_start3A_60 : memref<64xi32, #tpu.memory_space<hbm>>) target(%arg9 : memref<64xi32, #tpu.memory_space<vmem>>) target_semaphore(%run_scoped3A : memref<!tpu.dma_semaphore, #tpu.memory_space<semaphore_mem>>)
        %dma_wait3A = tpu.memref_slice %arg2[%multiple_of3A] : memref<643072xi32, #tpu.memory_space<hbm>> -> memref<64xi32, #tpu.memory_space<hbm>>
        %dma_wait3A_61 = tpu.memref_slice %arg2[%multiple_of3A] : memref<643072xi32, #tpu.memory_space<hbm>> -> memref<64xi32, #tpu.memory_space<hbm>>
        tpu.wait_dma2 semaphore(%run_scoped3A : memref<!tpu.dma_semaphore, #tpu.memory_space<semaphore_mem>>) src(%dma_wait3A_61 : memref<64xi32, #tpu.memory_space<hbm>>) dst(%arg9 : memref<64xi32, #tpu.memory_space<vmem>>)
        tpu.yield
      }) : () -> ()
      %add3A_50 = arith.constant 0 : i32
      %add3A_51 = arith.addi %add3A_47, %add3A_50 : i32
      %multiple_of3A_52 = tpu.assume_multiple %add3A_51, 64 : i32
      "tpu.region"() ({
        %run_scoped3A = tpu.sem_alloc : memref<!tpu.dma_semaphore, #tpu.memory_space<semaphore_mem>>
        %dma_start3A_59 = tpu.memref_slice %arg3[%multiple_of3A_52] : memref<643072xi32, #tpu.memory_space<hbm>> -> memref<64xi32, #tpu.memory_space<hbm>>
        %dma_start3A_60 = tpu.memref_slice %arg3[%multiple_of3A_52] : memref<643072xi32, #tpu.memory_space<hbm>> -> memref<64xi32, #tpu.memory_space<hbm>>
        tpu.enqueue_dma source(%dma_start3A_60 : memref<64xi32, #tpu.memory_space<hbm>>) target(%arg11 : memref<64xi32, #tpu.memory_space<vmem>>) target_semaphore(%run_scoped3A : memref<!tpu.dma_semaphore, #tpu.memory_space<semaphore_mem>>)
        %dma_wait3A = tpu.memref_slice %arg3[%multiple_of3A_52] : memref<643072xi32, #tpu.memory_space<hbm>> -> memref<64xi32, #tpu.memory_space<hbm>>
        %dma_wait3A_61 = tpu.memref_slice %arg3[%multiple_of3A_52] : memref<643072xi32, #tpu.memory_space<hbm>> -> memref<64xi32, #tpu.memory_space<hbm>>
        tpu.wait_dma2 semaphore(%run_scoped3A : memref<!tpu.dma_semaphore, #tpu.memory_space<semaphore_mem>>) src(%dma_wait3A_61 : memref<64xi32, #tpu.memory_space<hbm>>) dst(%arg11 : memref<64xi32, #tpu.memory_space<vmem>>)
        tpu.yield
      }) : () -> ()
      %dma_start3A = arith.constant 0 : i32
      %dma_start3A_53 = arith.constant 0 : i32
      %dma_start3A_54 = tpu.memref_slice %arg4[%dma_start3A, %dma_start3A_53] : memref<20000x128xf32, #tpu.memory_space<hbm>> -> memref<20000x128xf32, #tpu.memory_space<hbm>>
      tpu.enqueue_indirect_dma source(%dma_start3A_54 : memref<20000x128xf32, #tpu.memory_space<hbm>>) target(%arg13 : memref<64x128xf32, #tpu.memory_space<vmem>>) offsets(%arg9 : memref<64xi32, #tpu.memory_space<vmem>>) semaphore(%arg16 : memref<!tpu.dma_semaphore, #tpu.memory_space<semaphore_mem>>)
      %scan3A = arith.constant 0 : i32
      %scan3A_55 = arith.constant 157 : i32
      %scan3A_56 = arith.addi %scan3A, %scan3A_55 : i32
      %scan3A_57 = arith.constant 1 : i32
      scf.for %scan3A_59 = %scan3A to %scan3A_56 step %scan3A_57  : i32 {
        %mul3A_60 = arith.constant 2 : i32
        %mul3A_61 = arith.muli %mul3A_60, %scan3A_59 : i32
        %add3A_62 = arith.constant 1 : i32
        %add3A_63 = arith.addi %mul3A_61, %add3A_62 : i32
        %mul3A_64 = arith.constant 64 : i32
        %mul3A_65 = arith.muli %add3A_63, %mul3A_64 : i32
        %add3A_66 = arith.addi %add3A_47, %mul3A_65 : i32
        %multiple_of3A_67 = tpu.assume_multiple %add3A_66, 64 : i32
        "tpu.region"() ({
          %run_scoped3A = tpu.sem_alloc : memref<!tpu.dma_semaphore, #tpu.memory_space<semaphore_mem>>
          %dma_start3A_100 = tpu.memref_slice %arg2[%multiple_of3A_67] : memref<643072xi32, #tpu.memory_space<hbm>> -> memref<64xi32, #tpu.memory_space<hbm>>
          %dma_start3A_101 = tpu.memref_slice %arg2[%multiple_of3A_67] : memref<643072xi32, #tpu.memory_space<hbm>> -> memref<64xi32, #tpu.memory_space<hbm>>
          tpu.enqueue_dma source(%dma_start3A_101 : memref<64xi32, #tpu.memory_space<hbm>>) target(%arg10 : memref<64xi32, #tpu.memory_space<vmem>>) target_semaphore(%run_scoped3A : memref<!tpu.dma_semaphore, #tpu.memory_space<semaphore_mem>>)
          %dma_wait3A_102 = tpu.memref_slice %arg2[%multiple_of3A_67] : memref<643072xi32, #tpu.memory_space<hbm>> -> memref<64xi32, #tpu.memory_space<hbm>>
          %dma_wait3A_103 = tpu.memref_slice %arg2[%multiple_of3A_67] : memref<643072xi32, #tpu.memory_space<hbm>> -> memref<64xi32, #tpu.memory_space<hbm>>
          tpu.wait_dma2 semaphore(%run_scoped3A : memref<!tpu.dma_semaphore, #tpu.memory_space<semaphore_mem>>) src(%dma_wait3A_103 : memref<64xi32, #tpu.memory_space<hbm>>) dst(%arg10 : memref<64xi32, #tpu.memory_space<vmem>>)
          tpu.yield
        }) : () -> ()
        %mul3A_68 = arith.constant 2 : i32
        %mul3A_69 = arith.muli %mul3A_68, %scan3A_59 : i32
        %add3A_70 = arith.constant 1 : i32
        %add3A_71 = arith.addi %mul3A_69, %add3A_70 : i32
        %mul3A_72 = arith.constant 64 : i32
        %mul3A_73 = arith.muli %add3A_71, %mul3A_72 : i32
        %add3A_74 = arith.addi %add3A_47, %mul3A_73 : i32
        %multiple_of3A_75 = tpu.assume_multiple %add3A_74, 64 : i32
        "tpu.region"() ({
          %run_scoped3A = tpu.sem_alloc : memref<!tpu.dma_semaphore, #tpu.memory_space<semaphore_mem>>
          %dma_start3A_100 = tpu.memref_slice %arg3[%multiple_of3A_75] : memref<643072xi32, #tpu.memory_space<hbm>> -> memref<64xi32, #tpu.memory_space<hbm>>
          %dma_start3A_101 = tpu.memref_slice %arg3[%multiple_of3A_75] : memref<643072xi32, #tpu.memory_space<hbm>> -> memref<64xi32, #tpu.memory_space<hbm>>
          tpu.enqueue_dma source(%dma_start3A_101 : memref<64xi32, #tpu.memory_space<hbm>>) target(%arg12 : memref<64xi32, #tpu.memory_space<vmem>>) target_semaphore(%run_scoped3A : memref<!tpu.dma_semaphore, #tpu.memory_space<semaphore_mem>>)
          %dma_wait3A_102 = tpu.memref_slice %arg3[%multiple_of3A_75] : memref<643072xi32, #tpu.memory_space<hbm>> -> memref<64xi32, #tpu.memory_space<hbm>>
          %dma_wait3A_103 = tpu.memref_slice %arg3[%multiple_of3A_75] : memref<643072xi32, #tpu.memory_space<hbm>> -> memref<64xi32, #tpu.memory_space<hbm>>
          tpu.wait_dma2 semaphore(%run_scoped3A : memref<!tpu.dma_semaphore, #tpu.memory_space<semaphore_mem>>) src(%dma_wait3A_103 : memref<64xi32, #tpu.memory_space<hbm>>) dst(%arg12 : memref<64xi32, #tpu.memory_space<vmem>>)
          tpu.yield
        }) : () -> ()
        %dma_start3A_76 = arith.constant 0 : i32
        %dma_start3A_77 = arith.constant 0 : i32
        %dma_start3A_78 = tpu.memref_slice %arg4[%dma_start3A_76, %dma_start3A_77] : memref<20000x128xf32, #tpu.memory_space<hbm>> -> memref<20000x128xf32, #tpu.memory_space<hbm>>
        tpu.enqueue_indirect_dma source(%dma_start3A_78 : memref<20000x128xf32, #tpu.memory_space<hbm>>) target(%arg14 : memref<64x128xf32, #tpu.memory_space<vmem>>) offsets(%arg10 : memref<64xi32, #tpu.memory_space<vmem>>) semaphore(%arg17 : memref<!tpu.dma_semaphore, #tpu.memory_space<semaphore_mem>>)
        %dma_wait3A = arith.constant 0 : i32
        %dma_wait3A_79 = arith.constant 0 : i32
        %dma_wait3A_80 = tpu.memref_slice %arg4[%dma_wait3A, %dma_wait3A_79] : memref<20000x128xf32, #tpu.memory_space<hbm>> -> memref<20000x128xf32, #tpu.memory_space<hbm>>
        tpu.wait_indirect_dma semaphore(%arg16 : memref<!tpu.dma_semaphore, #tpu.memory_space<semaphore_mem>>) src(%dma_wait3A_80 : memref<20000x128xf32, #tpu.memory_space<hbm>>) dst(%arg13 : memref<64x128xf32, #tpu.memory_space<vmem>>)
        %dma_start3A_81 = arith.constant 0 : i32
        %dma_start3A_82 = arith.constant 0 : i32
        %dma_start3A_83 = tpu.memref_slice %arg15[%dma_start3A_81, %dma_start3A_82] : memref<10240x128xf32, #tpu.memory_space<vmem_shared>> -> memref<10240x128xf32, #tpu.memory_space<vmem_shared>>
        tpu.enqueue_indirect_dma source(%arg13 : memref<64x128xf32, #tpu.memory_space<vmem>>) target(%dma_start3A_83 : memref<10240x128xf32, #tpu.memory_space<vmem_shared>>) offsets(%arg11 : memref<64xi32, #tpu.memory_space<vmem>>) semaphore(%arg18 : memref<!tpu.dma_semaphore, #tpu.memory_space<semaphore_mem>>) {add = true}
        %dma_wait3A_84 = arith.constant 0 : i32
        %dma_wait3A_85 = arith.constant 0 : i32
        %dma_wait3A_86 = tpu.memref_slice %arg4[%dma_wait3A_84, %dma_wait3A_85] : memref<20000x128xf32, #tpu.memory_space<hbm>> -> memref<20000x128xf32, #tpu.memory_space<hbm>>
        tpu.wait_indirect_dma semaphore(%arg17 : memref<!tpu.dma_semaphore, #tpu.memory_space<semaphore_mem>>) src(%dma_wait3A_86 : memref<20000x128xf32, #tpu.memory_space<hbm>>) dst(%arg14 : memref<64x128xf32, #tpu.memory_space<vmem>>)
        %dma_start3A_87 = arith.constant 0 : i32
        %dma_start3A_88 = arith.constant 0 : i32
        %dma_start3A_89 = tpu.memref_slice %arg15[%dma_start3A_87, %dma_start3A_88] : memref<10240x128xf32, #tpu.memory_space<vmem_shared>> -> memref<10240x128xf32, #tpu.memory_space<vmem_shared>>
        tpu.enqueue_indirect_dma source(%arg14 : memref<64x128xf32, #tpu.memory_space<vmem>>) target(%dma_start3A_89 : memref<10240x128xf32, #tpu.memory_space<vmem_shared>>) offsets(%arg12 : memref<64xi32, #tpu.memory_space<vmem>>) semaphore(%arg19 : memref<!tpu.dma_semaphore, #tpu.memory_space<semaphore_mem>>) {add = true}
        %dma_wait3A_90 = arith.constant 0 : i32
        %dma_wait3A_91 = arith.constant 0 : i32
        %dma_wait3A_92 = tpu.memref_slice %arg15[%dma_wait3A_90, %dma_wait3A_91] : memref<10240x128xf32, #tpu.memory_space<vmem_shared>> -> memref<10240x128xf32, #tpu.memory_space<vmem_shared>>
        tpu.wait_indirect_dma semaphore(%arg18 : memref<!tpu.dma_semaphore, #tpu.memory_space<semaphore_mem>>) src(%arg13 : memref<64x128xf32, #tpu.memory_space<vmem>>) dst(%dma_wait3A_92 : memref<10240x128xf32, #tpu.memory_space<vmem_shared>>)
        %lt3A = arith.constant 156 : i32
        %lt3A_93 = arith.cmpi slt, %scan3A_59, %lt3A : i32
        %convert_element_type3A_94 = arith.extui %lt3A_93 : i1 to i32
        %cond3A_95 = arith.constant 0 : i32
        %cond3A_96 = arith.cmpi ne, %convert_element_type3A_94, %cond3A_95 : i32
        scf.if %cond3A_96 {
          %mul3A_100 = arith.constant 2 : i32
          %mul3A_101 = arith.muli %mul3A_100, %scan3A_59 : i32
          %add3A_102 = arith.constant 2 : i32
          %add3A_103 = arith.addi %mul3A_101, %add3A_102 : i32
          %mul3A_104 = arith.constant 64 : i32
          %mul3A_105 = arith.muli %add3A_103, %mul3A_104 : i32
          %add3A_106 = arith.addi %add3A_47, %mul3A_105 : i32
          %multiple_of3A_107 = tpu.assume_multiple %add3A_106, 64 : i32
          "tpu.region"() ({
            %run_scoped3A = tpu.sem_alloc : memref<!tpu.dma_semaphore, #tpu.memory_space<semaphore_mem>>
            %dma_start3A_119 = tpu.memref_slice %arg2[%multiple_of3A_107] : memref<643072xi32, #tpu.memory_space<hbm>> -> memref<64xi32, #tpu.memory_space<hbm>>
            %dma_start3A_120 = tpu.memref_slice %arg2[%multiple_of3A_107] : memref<643072xi32, #tpu.memory_space<hbm>> -> memref<64xi32, #tpu.memory_space<hbm>>
            tpu.enqueue_dma source(%dma_start3A_120 : memref<64xi32, #tpu.memory_space<hbm>>) target(%arg9 : memref<64xi32, #tpu.memory_space<vmem>>) target_semaphore(%run_scoped3A : memref<!tpu.dma_semaphore, #tpu.memory_space<semaphore_mem>>)
            %dma_wait3A_121 = tpu.memref_slice %arg2[%multiple_of3A_107] : memref<643072xi32, #tpu.memory_space<hbm>> -> memref<64xi32, #tpu.memory_space<hbm>>
            %dma_wait3A_122 = tpu.memref_slice %arg2[%multiple_of3A_107] : memref<643072xi32, #tpu.memory_space<hbm>> -> memref<64xi32, #tpu.memory_space<hbm>>
            tpu.wait_dma2 semaphore(%run_scoped3A : memref<!tpu.dma_semaphore, #tpu.memory_space<semaphore_mem>>) src(%dma_wait3A_122 : memref<64xi32, #tpu.memory_space<hbm>>) dst(%arg9 : memref<64xi32, #tpu.memory_space<vmem>>)
            tpu.yield
          }) : () -> ()
          %mul3A_108 = arith.constant 2 : i32
          %mul3A_109 = arith.muli %mul3A_108, %scan3A_59 : i32
          %add3A_110 = arith.constant 2 : i32
          %add3A_111 = arith.addi %mul3A_109, %add3A_110 : i32
          %mul3A_112 = arith.constant 64 : i32
          %mul3A_113 = arith.muli %add3A_111, %mul3A_112 : i32
          %add3A_114 = arith.addi %add3A_47, %mul3A_113 : i32
          %multiple_of3A_115 = tpu.assume_multiple %add3A_114, 64 : i32
          "tpu.region"() ({
            %run_scoped3A = tpu.sem_alloc : memref<!tpu.dma_semaphore, #tpu.memory_space<semaphore_mem>>
            %dma_start3A_119 = tpu.memref_slice %arg3[%multiple_of3A_115] : memref<643072xi32, #tpu.memory_space<hbm>> -> memref<64xi32, #tpu.memory_space<hbm>>
            %dma_start3A_120 = tpu.memref_slice %arg3[%multiple_of3A_115] : memref<643072xi32, #tpu.memory_space<hbm>> -> memref<64xi32, #tpu.memory_space<hbm>>
            tpu.enqueue_dma source(%dma_start3A_120 : memref<64xi32, #tpu.memory_space<hbm>>) target(%arg11 : memref<64xi32, #tpu.memory_space<vmem>>) target_semaphore(%run_scoped3A : memref<!tpu.dma_semaphore, #tpu.memory_space<semaphore_mem>>)
            %dma_wait3A_121 = tpu.memref_slice %arg3[%multiple_of3A_115] : memref<643072xi32, #tpu.memory_space<hbm>> -> memref<64xi32, #tpu.memory_space<hbm>>
            %dma_wait3A_122 = tpu.memref_slice %arg3[%multiple_of3A_115] : memref<643072xi32, #tpu.memory_space<hbm>> -> memref<64xi32, #tpu.memory_space<hbm>>
            tpu.wait_dma2 semaphore(%run_scoped3A : memref<!tpu.dma_semaphore, #tpu.memory_space<semaphore_mem>>) src(%dma_wait3A_122 : memref<64xi32, #tpu.memory_space<hbm>>) dst(%arg11 : memref<64xi32, #tpu.memory_space<vmem>>)
            tpu.yield
          }) : () -> ()
          %dma_start3A_116 = arith.constant 0 : i32
          %dma_start3A_117 = arith.constant 0 : i32
          %dma_start3A_118 = tpu.memref_slice %arg4[%dma_start3A_116, %dma_start3A_117] : memref<20000x128xf32, #tpu.memory_space<hbm>> -> memref<20000x128xf32, #tpu.memory_space<hbm>>
          tpu.enqueue_indirect_dma source(%dma_start3A_118 : memref<20000x128xf32, #tpu.memory_space<hbm>>) target(%arg13 : memref<64x128xf32, #tpu.memory_space<vmem>>) offsets(%arg9 : memref<64xi32, #tpu.memory_space<vmem>>) semaphore(%arg16 : memref<!tpu.dma_semaphore, #tpu.memory_space<semaphore_mem>>)
        } else {
        }
        %dma_wait3A_97 = arith.constant 0 : i32
        %dma_wait3A_98 = arith.constant 0 : i32
        %dma_wait3A_99 = tpu.memref_slice %arg15[%dma_wait3A_97, %dma_wait3A_98] : memref<10240x128xf32, #tpu.memory_space<vmem_shared>> -> memref<10240x128xf32, #tpu.memory_space<vmem_shared>>
        tpu.wait_indirect_dma semaphore(%arg19 : memref<!tpu.dma_semaphore, #tpu.memory_space<semaphore_mem>>) src(%arg14 : memref<64x128xf32, #tpu.memory_space<vmem>>) dst(%dma_wait3A_99 : memref<10240x128xf32, #tpu.memory_space<vmem_shared>>)
      }
      %scan3A_58 = arith.constant 157 : i32
    } else {
    }
    %barrier3A_5 = arith.constant 0 : index
    tpu.barrier barrier_id(%barrier3A_5)
    %convert_element_type3A_6 = arith.extui %eq3A_0 : i1 to i32
    %cond3A_7 = arith.constant 0 : i32
    %cond3A_8 = arith.cmpi ne, %convert_element_type3A_6, %cond3A_7 : i32
    scf.if %cond3A_8 {
      %mul3A = arith.constant 640 : i32
      %mul3A_46 = arith.muli %arg1, %mul3A : i32
      %run_scoped3A = arith.constant 0 : i32
      "tpu.region"() ({
        %run_scoped3A_47 = tpu.sem_alloc : memref<!tpu.dma_semaphore, #tpu.memory_space<semaphore_mem>>
        %dma_start3A = arith.constant 0 : i32
        %dma_start3A_48 = tpu.memref_slice %arg7[%run_scoped3A, %mul3A_46, %dma_start3A] : memref<2x10240x128xf32, #tpu.memory_space<hbm>> -> memref<1x640x128xf32, #tpu.memory_space<hbm>>
        %dma_start3A_49 = tpu.memref_squeeze %dma_start3A_48 : memref<1x640x128xf32, #tpu.memory_space<hbm>> -> memref<640x128xf32, #tpu.memory_space<hbm>>
        %dma_start3A_50 = arith.constant 0 : i32
        %dma_start3A_51 = tpu.memref_slice %arg15[%mul3A_46, %dma_start3A_50] : memref<10240x128xf32, #tpu.memory_space<vmem_shared>> -> memref<640x128xf32, #tpu.memory_space<vmem_shared>>
        tpu.enqueue_dma source(%dma_start3A_51 : memref<640x128xf32, #tpu.memory_space<vmem_shared>>) target(%dma_start3A_49 : memref<640x128xf32, #tpu.memory_space<hbm>>) target_semaphore(%run_scoped3A_47 : memref<!tpu.dma_semaphore, #tpu.memory_space<semaphore_mem>>)
        %dma_wait3A = arith.constant 0 : i32
        %dma_wait3A_52 = tpu.memref_slice %arg7[%run_scoped3A, %mul3A_46, %dma_wait3A] : memref<2x10240x128xf32, #tpu.memory_space<hbm>> -> memref<1x640x128xf32, #tpu.memory_space<hbm>>
        %dma_wait3A_53 = tpu.memref_squeeze %dma_wait3A_52 : memref<1x640x128xf32, #tpu.memory_space<hbm>> -> memref<640x128xf32, #tpu.memory_space<hbm>>
        %dma_wait3A_54 = arith.constant 0 : i32
        %dma_wait3A_55 = tpu.memref_slice %arg15[%mul3A_46, %dma_wait3A_54] : memref<10240x128xf32, #tpu.memory_space<vmem_shared>> -> memref<640x128xf32, #tpu.memory_space<vmem_shared>>
        tpu.wait_dma2 semaphore(%run_scoped3A_47 : memref<!tpu.dma_semaphore, #tpu.memory_space<semaphore_mem>>) src(%dma_wait3A_55 : memref<640x128xf32, #tpu.memory_space<vmem_shared>>) dst(%dma_wait3A_53 : memref<640x128xf32, #tpu.memory_space<hbm>>)
        tpu.yield
      }) : () -> ()
    } else {
    }
    %barrier3A_9 = arith.constant 0 : index
    tpu.barrier barrier_id(%barrier3A_9)
    %convert_element_type3A_10 = arith.extui %eq3A_0 : i1 to i32
    %cond3A_11 = arith.constant 0 : i32
    %cond3A_12 = arith.cmpi ne, %convert_element_type3A_10, %cond3A_11 : i32
    scf.if %cond3A_12 {
      "tpu.region"() ({
        %run_scoped3A = tpu.sem_alloc : memref<!tpu.dma_semaphore, #tpu.memory_space<semaphore_mem>>
        tpu.enqueue_dma source(%arg5 : memref<64x128xf32, #tpu.memory_space<hbm>>) target(%arg13 : memref<64x128xf32, #tpu.memory_space<vmem>>) target_semaphore(%run_scoped3A : memref<!tpu.dma_semaphore, #tpu.memory_space<semaphore_mem>>)
        tpu.wait_dma2 semaphore(%run_scoped3A : memref<!tpu.dma_semaphore, #tpu.memory_space<semaphore_mem>>) src(%arg5 : memref<64x128xf32, #tpu.memory_space<hbm>>) dst(%arg13 : memref<64x128xf32, #tpu.memory_space<vmem>>)
        tpu.yield
      }) : () -> ()
      %add3A = arith.constant 0 : i32
      %add3A_46 = arith.addi %add3A, %arg1 : i32
      %mul3A = arith.constant 64 : i32
      %mul3A_47 = arith.muli %add3A_46, %mul3A : i32
      "tpu.region"() ({
        %run_scoped3A = tpu.sem_alloc : memref<!tpu.dma_semaphore, #tpu.memory_space<semaphore_mem>>
        %dma_start3A = arith.constant 0 : i32
        %dma_start3A_84 = tpu.memref_slice %arg15[%mul3A_47, %dma_start3A] : memref<10240x128xf32, #tpu.memory_space<vmem_shared>> -> memref<64x128xf32, #tpu.memory_space<vmem_shared>>
        %dma_start3A_85 = arith.constant 0 : i32
        %dma_start3A_86 = tpu.memref_slice %arg15[%mul3A_47, %dma_start3A_85] : memref<10240x128xf32, #tpu.memory_space<vmem_shared>> -> memref<64x128xf32, #tpu.memory_space<vmem_shared>>
        tpu.enqueue_dma source(%arg13 : memref<64x128xf32, #tpu.memory_space<vmem>>) target(%dma_start3A_86 : memref<64x128xf32, #tpu.memory_space<vmem_shared>>) target_semaphore(%run_scoped3A : memref<!tpu.dma_semaphore, #tpu.memory_space<semaphore_mem>>)
        %dma_wait3A = arith.constant 0 : i32
        %dma_wait3A_87 = tpu.memref_slice %arg15[%mul3A_47, %dma_wait3A] : memref<10240x128xf32, #tpu.memory_space<vmem_shared>> -> memref<64x128xf32, #tpu.memory_space<vmem_shared>>
        %dma_wait3A_88 = arith.constant 0 : i32
        %dma_wait3A_89 = tpu.memref_slice %arg15[%mul3A_47, %dma_wait3A_88] : memref<10240x128xf32, #tpu.memory_space<vmem_shared>> -> memref<64x128xf32, #tpu.memory_space<vmem_shared>>
        tpu.wait_dma2 semaphore(%run_scoped3A : memref<!tpu.dma_semaphore, #tpu.memory_space<semaphore_mem>>) src(%arg13 : memref<64x128xf32, #tpu.memory_space<vmem>>) dst(%dma_wait3A_89 : memref<64x128xf32, #tpu.memory_space<vmem_shared>>)
        tpu.yield
      }) : () -> ()
      %add3A_48 = arith.constant 16 : i32
      %add3A_49 = arith.addi %add3A_48, %arg1 : i32
      %mul3A_50 = arith.constant 64 : i32
      %mul3A_51 = arith.muli %add3A_49, %mul3A_50 : i32
      "tpu.region"() ({
        %run_scoped3A = tpu.sem_alloc : memref<!tpu.dma_semaphore, #tpu.memory_space<semaphore_mem>>
        %dma_start3A = arith.constant 0 : i32
        %dma_start3A_84 = tpu.memref_slice %arg15[%mul3A_51, %dma_start3A] : memref<10240x128xf32, #tpu.memory_space<vmem_shared>> -> memref<64x128xf32, #tpu.memory_space<vmem_shared>>
        %dma_start3A_85 = arith.constant 0 : i32
        %dma_start3A_86 = tpu.memref_slice %arg15[%mul3A_51, %dma_start3A_85] : memref<10240x128xf32, #tpu.memory_space<vmem_shared>> -> memref<64x128xf32, #tpu.memory_space<vmem_shared>>
        tpu.enqueue_dma source(%arg13 : memref<64x128xf32, #tpu.memory_space<vmem>>) target(%dma_start3A_86 : memref<64x128xf32, #tpu.memory_space<vmem_shared>>) target_semaphore(%run_scoped3A : memref<!tpu.dma_semaphore, #tpu.memory_space<semaphore_mem>>)
        %dma_wait3A = arith.constant 0 : i32
        %dma_wait3A_87 = tpu.memref_slice %arg15[%mul3A_51, %dma_wait3A] : memref<10240x128xf32, #tpu.memory_space<vmem_shared>> -> memref<64x128xf32, #tpu.memory_space<vmem_shared>>
        %dma_wait3A_88 = arith.constant 0 : i32
        %dma_wait3A_89 = tpu.memref_slice %arg15[%mul3A_51, %dma_wait3A_88] : memref<10240x128xf32, #tpu.memory_space<vmem_shared>> -> memref<64x128xf32, #tpu.memory_space<vmem_shared>>
        tpu.wait_dma2 semaphore(%run_scoped3A : memref<!tpu.dma_semaphore, #tpu.memory_space<semaphore_mem>>) src(%arg13 : memref<64x128xf32, #tpu.memory_space<vmem>>) dst(%dma_wait3A_89 : memref<64x128xf32, #tpu.memory_space<vmem_shared>>)
        tpu.yield
      }) : () -> ()
      %add3A_52 = arith.constant 32 : i32
      %add3A_53 = arith.addi %add3A_52, %arg1 : i32
      %mul3A_54 = arith.constant 64 : i32
      %mul3A_55 = arith.muli %add3A_53, %mul3A_54 : i32
      "tpu.region"() ({
        %run_scoped3A = tpu.sem_alloc : memref<!tpu.dma_semaphore, #tpu.memory_space<semaphore_mem>>
        %dma_start3A = arith.constant 0 : i32
        %dma_start3A_84 = tpu.memref_slice %arg15[%mul3A_55, %dma_start3A] : memref<10240x128xf32, #tpu.memory_space<vmem_shared>> -> memref<64x128xf32, #tpu.memory_space<vmem_shared>>
        %dma_start3A_85 = arith.constant 0 : i32
        %dma_start3A_86 = tpu.memref_slice %arg15[%mul3A_55, %dma_start3A_85] : memref<10240x128xf32, #tpu.memory_space<vmem_shared>> -> memref<64x128xf32, #tpu.memory_space<vmem_shared>>
        tpu.enqueue_dma source(%arg13 : memref<64x128xf32, #tpu.memory_space<vmem>>) target(%dma_start3A_86 : memref<64x128xf32, #tpu.memory_space<vmem_shared>>) target_semaphore(%run_scoped3A : memref<!tpu.dma_semaphore, #tpu.memory_space<semaphore_mem>>)
        %dma_wait3A = arith.constant 0 : i32
        %dma_wait3A_87 = tpu.memref_slice %arg15[%mul3A_55, %dma_wait3A] : memref<10240x128xf32, #tpu.memory_space<vmem_shared>> -> memref<64x128xf32, #tpu.memory_space<vmem_shared>>
        %dma_wait3A_88 = arith.constant 0 : i32
        %dma_wait3A_89 = tpu.memref_slice %arg15[%mul3A_55, %dma_wait3A_88] : memref<10240x128xf32, #tpu.memory_space<vmem_shared>> -> memref<64x128xf32, #tpu.memory_space<vmem_shared>>
        tpu.wait_dma2 semaphore(%run_scoped3A : memref<!tpu.dma_semaphore, #tpu.memory_space<semaphore_mem>>) src(%arg13 : memref<64x128xf32, #tpu.memory_space<vmem>>) dst(%dma_wait3A_89 : memref<64x128xf32, #tpu.memory_space<vmem_shared>>)
        tpu.yield
      }) : () -> ()
      %add3A_56 = arith.constant 48 : i32
      %add3A_57 = arith.addi %add3A_56, %arg1 : i32
      %mul3A_58 = arith.constant 64 : i32
      %mul3A_59 = arith.muli %add3A_57, %mul3A_58 : i32
      "tpu.region"() ({
        %run_scoped3A = tpu.sem_alloc : memref<!tpu.dma_semaphore, #tpu.memory_space<semaphore_mem>>
        %dma_start3A = arith.constant 0 : i32
        %dma_start3A_84 = tpu.memref_slice %arg15[%mul3A_59, %dma_start3A] : memref<10240x128xf32, #tpu.memory_space<vmem_shared>> -> memref<64x128xf32, #tpu.memory_space<vmem_shared>>
        %dma_start3A_85 = arith.constant 0 : i32
        %dma_start3A_86 = tpu.memref_slice %arg15[%mul3A_59, %dma_start3A_85] : memref<10240x128xf32, #tpu.memory_space<vmem_shared>> -> memref<64x128xf32, #tpu.memory_space<vmem_shared>>
        tpu.enqueue_dma source(%arg13 : memref<64x128xf32, #tpu.memory_space<vmem>>) target(%dma_start3A_86 : memref<64x128xf32, #tpu.memory_space<vmem_shared>>) target_semaphore(%run_scoped3A : memref<!tpu.dma_semaphore, #tpu.memory_space<semaphore_mem>>)
        %dma_wait3A = arith.constant 0 : i32
        %dma_wait3A_87 = tpu.memref_slice %arg15[%mul3A_59, %dma_wait3A] : memref<10240x128xf32, #tpu.memory_space<vmem_shared>> -> memref<64x128xf32, #tpu.memory_space<vmem_shared>>
        %dma_wait3A_88 = arith.constant 0 : i32
        %dma_wait3A_89 = tpu.memref_slice %arg15[%mul3A_59, %dma_wait3A_88] : memref<10240x128xf32, #tpu.memory_space<vmem_shared>> -> memref<64x128xf32, #tpu.memory_space<vmem_shared>>
        tpu.wait_dma2 semaphore(%run_scoped3A : memref<!tpu.dma_semaphore, #tpu.memory_space<semaphore_mem>>) src(%arg13 : memref<64x128xf32, #tpu.memory_space<vmem>>) dst(%dma_wait3A_89 : memref<64x128xf32, #tpu.memory_space<vmem_shared>>)
        tpu.yield
      }) : () -> ()
      %add3A_60 = arith.constant 64 : i32
      %add3A_61 = arith.addi %add3A_60, %arg1 : i32
      %mul3A_62 = arith.constant 64 : i32
      %mul3A_63 = arith.muli %add3A_61, %mul3A_62 : i32
      "tpu.region"() ({
        %run_scoped3A = tpu.sem_alloc : memref<!tpu.dma_semaphore, #tpu.memory_space<semaphore_mem>>
        %dma_start3A = arith.constant 0 : i32
        %dma_start3A_84 = tpu.memref_slice %arg15[%mul3A_63, %dma_start3A] : memref<10240x128xf32, #tpu.memory_space<vmem_shared>> -> memref<64x128xf32, #tpu.memory_space<vmem_shared>>
        %dma_start3A_85 = arith.constant 0 : i32
        %dma_start3A_86 = tpu.memref_slice %arg15[%mul3A_63, %dma_start3A_85] : memref<10240x128xf32, #tpu.memory_space<vmem_shared>> -> memref<64x128xf32, #tpu.memory_space<vmem_shared>>
        tpu.enqueue_dma source(%arg13 : memref<64x128xf32, #tpu.memory_space<vmem>>) target(%dma_start3A_86 : memref<64x128xf32, #tpu.memory_space<vmem_shared>>) target_semaphore(%run_scoped3A : memref<!tpu.dma_semaphore, #tpu.memory_space<semaphore_mem>>)
        %dma_wait3A = arith.constant 0 : i32
        %dma_wait3A_87 = tpu.memref_slice %arg15[%mul3A_63, %dma_wait3A] : memref<10240x128xf32, #tpu.memory_space<vmem_shared>> -> memref<64x128xf32, #tpu.memory_space<vmem_shared>>
        %dma_wait3A_88 = arith.constant 0 : i32
        %dma_wait3A_89 = tpu.memref_slice %arg15[%mul3A_63, %dma_wait3A_88] : memref<10240x128xf32, #tpu.memory_space<vmem_shared>> -> memref<64x128xf32, #tpu.memory_space<vmem_shared>>
        tpu.wait_dma2 semaphore(%run_scoped3A : memref<!tpu.dma_semaphore, #tpu.memory_space<semaphore_mem>>) src(%arg13 : memref<64x128xf32, #tpu.memory_space<vmem>>) dst(%dma_wait3A_89 : memref<64x128xf32, #tpu.memory_space<vmem_shared>>)
        tpu.yield
      }) : () -> ()
      %add3A_64 = arith.constant 80 : i32
      %add3A_65 = arith.addi %add3A_64, %arg1 : i32
      %mul3A_66 = arith.constant 64 : i32
      %mul3A_67 = arith.muli %add3A_65, %mul3A_66 : i32
      "tpu.region"() ({
        %run_scoped3A = tpu.sem_alloc : memref<!tpu.dma_semaphore, #tpu.memory_space<semaphore_mem>>
        %dma_start3A = arith.constant 0 : i32
        %dma_start3A_84 = tpu.memref_slice %arg15[%mul3A_67, %dma_start3A] : memref<10240x128xf32, #tpu.memory_space<vmem_shared>> -> memref<64x128xf32, #tpu.memory_space<vmem_shared>>
        %dma_start3A_85 = arith.constant 0 : i32
        %dma_start3A_86 = tpu.memref_slice %arg15[%mul3A_67, %dma_start3A_85] : memref<10240x128xf32, #tpu.memory_space<vmem_shared>> -> memref<64x128xf32, #tpu.memory_space<vmem_shared>>
        tpu.enqueue_dma source(%arg13 : memref<64x128xf32, #tpu.memory_space<vmem>>) target(%dma_start3A_86 : memref<64x128xf32, #tpu.memory_space<vmem_shared>>) target_semaphore(%run_scoped3A : memref<!tpu.dma_semaphore, #tpu.memory_space<semaphore_mem>>)
        %dma_wait3A = arith.constant 0 : i32
        %dma_wait3A_87 = tpu.memref_slice %arg15[%mul3A_67, %dma_wait3A] : memref<10240x128xf32, #tpu.memory_space<vmem_shared>> -> memref<64x128xf32, #tpu.memory_space<vmem_shared>>
        %dma_wait3A_88 = arith.constant 0 : i32
        %dma_wait3A_89 = tpu.memref_slice %arg15[%mul3A_67, %dma_wait3A_88] : memref<10240x128xf32, #tpu.memory_space<vmem_shared>> -> memref<64x128xf32, #tpu.memory_space<vmem_shared>>
        tpu.wait_dma2 semaphore(%run_scoped3A : memref<!tpu.dma_semaphore, #tpu.memory_space<semaphore_mem>>) src(%arg13 : memref<64x128xf32, #tpu.memory_space<vmem>>) dst(%dma_wait3A_89 : memref<64x128xf32, #tpu.memory_space<vmem_shared>>)
        tpu.yield
      }) : () -> ()
      %add3A_68 = arith.constant 96 : i32
      %add3A_69 = arith.addi %add3A_68, %arg1 : i32
      %mul3A_70 = arith.constant 64 : i32
      %mul3A_71 = arith.muli %add3A_69, %mul3A_70 : i32
      "tpu.region"() ({
        %run_scoped3A = tpu.sem_alloc : memref<!tpu.dma_semaphore, #tpu.memory_space<semaphore_mem>>
        %dma_start3A = arith.constant 0 : i32
        %dma_start3A_84 = tpu.memref_slice %arg15[%mul3A_71, %dma_start3A] : memref<10240x128xf32, #tpu.memory_space<vmem_shared>> -> memref<64x128xf32, #tpu.memory_space<vmem_shared>>
        %dma_start3A_85 = arith.constant 0 : i32
        %dma_start3A_86 = tpu.memref_slice %arg15[%mul3A_71, %dma_start3A_85] : memref<10240x128xf32, #tpu.memory_space<vmem_shared>> -> memref<64x128xf32, #tpu.memory_space<vmem_shared>>
        tpu.enqueue_dma source(%arg13 : memref<64x128xf32, #tpu.memory_space<vmem>>) target(%dma_start3A_86 : memref<64x128xf32, #tpu.memory_space<vmem_shared>>) target_semaphore(%run_scoped3A : memref<!tpu.dma_semaphore, #tpu.memory_space<semaphore_mem>>)
        %dma_wait3A = arith.constant 0 : i32
        %dma_wait3A_87 = tpu.memref_slice %arg15[%mul3A_71, %dma_wait3A] : memref<10240x128xf32, #tpu.memory_space<vmem_shared>> -> memref<64x128xf32, #tpu.memory_space<vmem_shared>>
        %dma_wait3A_88 = arith.constant 0 : i32
        %dma_wait3A_89 = tpu.memref_slice %arg15[%mul3A_71, %dma_wait3A_88] : memref<10240x128xf32, #tpu.memory_space<vmem_shared>> -> memref<64x128xf32, #tpu.memory_space<vmem_shared>>
        tpu.wait_dma2 semaphore(%run_scoped3A : memref<!tpu.dma_semaphore, #tpu.memory_space<semaphore_mem>>) src(%arg13 : memref<64x128xf32, #tpu.memory_space<vmem>>) dst(%dma_wait3A_89 : memref<64x128xf32, #tpu.memory_space<vmem_shared>>)
        tpu.yield
      }) : () -> ()
      %add3A_72 = arith.constant 112 : i32
      %add3A_73 = arith.addi %add3A_72, %arg1 : i32
      %mul3A_74 = arith.constant 64 : i32
      %mul3A_75 = arith.muli %add3A_73, %mul3A_74 : i32
      "tpu.region"() ({
        %run_scoped3A = tpu.sem_alloc : memref<!tpu.dma_semaphore, #tpu.memory_space<semaphore_mem>>
        %dma_start3A = arith.constant 0 : i32
        %dma_start3A_84 = tpu.memref_slice %arg15[%mul3A_75, %dma_start3A] : memref<10240x128xf32, #tpu.memory_space<vmem_shared>> -> memref<64x128xf32, #tpu.memory_space<vmem_shared>>
        %dma_start3A_85 = arith.constant 0 : i32
        %dma_start3A_86 = tpu.memref_slice %arg15[%mul3A_75, %dma_start3A_85] : memref<10240x128xf32, #tpu.memory_space<vmem_shared>> -> memref<64x128xf32, #tpu.memory_space<vmem_shared>>
        tpu.enqueue_dma source(%arg13 : memref<64x128xf32, #tpu.memory_space<vmem>>) target(%dma_start3A_86 : memref<64x128xf32, #tpu.memory_space<vmem_shared>>) target_semaphore(%run_scoped3A : memref<!tpu.dma_semaphore, #tpu.memory_space<semaphore_mem>>)
        %dma_wait3A = arith.constant 0 : i32
        %dma_wait3A_87 = tpu.memref_slice %arg15[%mul3A_75, %dma_wait3A] : memref<10240x128xf32, #tpu.memory_space<vmem_shared>> -> memref<64x128xf32, #tpu.memory_space<vmem_shared>>
        %dma_wait3A_88 = arith.constant 0 : i32
        %dma_wait3A_89 = tpu.memref_slice %arg15[%mul3A_75, %dma_wait3A_88] : memref<10240x128xf32, #tpu.memory_space<vmem_shared>> -> memref<64x128xf32, #tpu.memory_space<vmem_shared>>
        tpu.wait_dma2 semaphore(%run_scoped3A : memref<!tpu.dma_semaphore, #tpu.memory_space<semaphore_mem>>) src(%arg13 : memref<64x128xf32, #tpu.memory_space<vmem>>) dst(%dma_wait3A_89 : memref<64x128xf32, #tpu.memory_space<vmem_shared>>)
        tpu.yield
      }) : () -> ()
      %add3A_76 = arith.constant 128 : i32
      %add3A_77 = arith.addi %add3A_76, %arg1 : i32
      %mul3A_78 = arith.constant 64 : i32
      %mul3A_79 = arith.muli %add3A_77, %mul3A_78 : i32
      "tpu.region"() ({
        %run_scoped3A = tpu.sem_alloc : memref<!tpu.dma_semaphore, #tpu.memory_space<semaphore_mem>>
        %dma_start3A = arith.constant 0 : i32
        %dma_start3A_84 = tpu.memref_slice %arg15[%mul3A_79, %dma_start3A] : memref<10240x128xf32, #tpu.memory_space<vmem_shared>> -> memref<64x128xf32, #tpu.memory_space<vmem_shared>>
        %dma_start3A_85 = arith.constant 0 : i32
        %dma_start3A_86 = tpu.memref_slice %arg15[%mul3A_79, %dma_start3A_85] : memref<10240x128xf32, #tpu.memory_space<vmem_shared>> -> memref<64x128xf32, #tpu.memory_space<vmem_shared>>
        tpu.enqueue_dma source(%arg13 : memref<64x128xf32, #tpu.memory_space<vmem>>) target(%dma_start3A_86 : memref<64x128xf32, #tpu.memory_space<vmem_shared>>) target_semaphore(%run_scoped3A : memref<!tpu.dma_semaphore, #tpu.memory_space<semaphore_mem>>)
        %dma_wait3A = arith.constant 0 : i32
        %dma_wait3A_87 = tpu.memref_slice %arg15[%mul3A_79, %dma_wait3A] : memref<10240x128xf32, #tpu.memory_space<vmem_shared>> -> memref<64x128xf32, #tpu.memory_space<vmem_shared>>
        %dma_wait3A_88 = arith.constant 0 : i32
        %dma_wait3A_89 = tpu.memref_slice %arg15[%mul3A_79, %dma_wait3A_88] : memref<10240x128xf32, #tpu.memory_space<vmem_shared>> -> memref<64x128xf32, #tpu.memory_space<vmem_shared>>
        tpu.wait_dma2 semaphore(%run_scoped3A : memref<!tpu.dma_semaphore, #tpu.memory_space<semaphore_mem>>) src(%arg13 : memref<64x128xf32, #tpu.memory_space<vmem>>) dst(%dma_wait3A_89 : memref<64x128xf32, #tpu.memory_space<vmem_shared>>)
        tpu.yield
      }) : () -> ()
      %add3A_80 = arith.constant 144 : i32
      %add3A_81 = arith.addi %add3A_80, %arg1 : i32
      %mul3A_82 = arith.constant 64 : i32
      %mul3A_83 = arith.muli %add3A_81, %mul3A_82 : i32
      "tpu.region"() ({
        %run_scoped3A = tpu.sem_alloc : memref<!tpu.dma_semaphore, #tpu.memory_space<semaphore_mem>>
        %dma_start3A = arith.constant 0 : i32
        %dma_start3A_84 = tpu.memref_slice %arg15[%mul3A_83, %dma_start3A] : memref<10240x128xf32, #tpu.memory_space<vmem_shared>> -> memref<64x128xf32, #tpu.memory_space<vmem_shared>>
        %dma_start3A_85 = arith.constant 0 : i32
        %dma_start3A_86 = tpu.memref_slice %arg15[%mul3A_83, %dma_start3A_85] : memref<10240x128xf32, #tpu.memory_space<vmem_shared>> -> memref<64x128xf32, #tpu.memory_space<vmem_shared>>
        tpu.enqueue_dma source(%arg13 : memref<64x128xf32, #tpu.memory_space<vmem>>) target(%dma_start3A_86 : memref<64x128xf32, #tpu.memory_space<vmem_shared>>) target_semaphore(%run_scoped3A : memref<!tpu.dma_semaphore, #tpu.memory_space<semaphore_mem>>)
        %dma_wait3A = arith.constant 0 : i32
        %dma_wait3A_87 = tpu.memref_slice %arg15[%mul3A_83, %dma_wait3A] : memref<10240x128xf32, #tpu.memory_space<vmem_shared>> -> memref<64x128xf32, #tpu.memory_space<vmem_shared>>
        %dma_wait3A_88 = arith.constant 0 : i32
        %dma_wait3A_89 = tpu.memref_slice %arg15[%mul3A_83, %dma_wait3A_88] : memref<10240x128xf32, #tpu.memory_space<vmem_shared>> -> memref<64x128xf32, #tpu.memory_space<vmem_shared>>
        tpu.wait_dma2 semaphore(%run_scoped3A : memref<!tpu.dma_semaphore, #tpu.memory_space<semaphore_mem>>) src(%arg13 : memref<64x128xf32, #tpu.memory_space<vmem>>) dst(%dma_wait3A_89 : memref<64x128xf32, #tpu.memory_space<vmem_shared>>)
        tpu.yield
      }) : () -> ()
    } else {
    }
    %barrier3A_13 = arith.constant 0 : index
    tpu.barrier barrier_id(%barrier3A_13)
    %convert_element_type3A_14 = arith.extui %eq3A_0 : i1 to i32
    %cond3A_15 = arith.constant 0 : i32
    %cond3A_16 = arith.cmpi ne, %convert_element_type3A_14, %cond3A_15 : i32
    scf.if %cond3A_16 {
      %mul3A = arith.constant 20096 : i32
      %mul3A_46 = arith.muli %arg1, %mul3A : i32
      %add3A = arith.constant 321536 : i32
      %add3A_47 = arith.addi %add3A, %mul3A_46 : i32
      %add3A_48 = arith.constant 0 : i32
      %add3A_49 = arith.addi %add3A_47, %add3A_48 : i32
      %multiple_of3A = tpu.assume_multiple %add3A_49, 64 : i32
      "tpu.region"() ({
        %run_scoped3A = tpu.sem_alloc : memref<!tpu.dma_semaphore, #tpu.memory_space<semaphore_mem>>
        %dma_start3A_59 = tpu.memref_slice %arg2[%multiple_of3A] : memref<643072xi32, #tpu.memory_space<hbm>> -> memref<64xi32, #tpu.memory_space<hbm>>
        %dma_start3A_60 = tpu.memref_slice %arg2[%multiple_of3A] : memref<643072xi32, #tpu.memory_space<hbm>> -> memref<64xi32, #tpu.memory_space<hbm>>
        tpu.enqueue_dma source(%dma_start3A_60 : memref<64xi32, #tpu.memory_space<hbm>>) target(%arg9 : memref<64xi32, #tpu.memory_space<vmem>>) target_semaphore(%run_scoped3A : memref<!tpu.dma_semaphore, #tpu.memory_space<semaphore_mem>>)
        %dma_wait3A = tpu.memref_slice %arg2[%multiple_of3A] : memref<643072xi32, #tpu.memory_space<hbm>> -> memref<64xi32, #tpu.memory_space<hbm>>
        %dma_wait3A_61 = tpu.memref_slice %arg2[%multiple_of3A] : memref<643072xi32, #tpu.memory_space<hbm>> -> memref<64xi32, #tpu.memory_space<hbm>>
        tpu.wait_dma2 semaphore(%run_scoped3A : memref<!tpu.dma_semaphore, #tpu.memory_space<semaphore_mem>>) src(%dma_wait3A_61 : memref<64xi32, #tpu.memory_space<hbm>>) dst(%arg9 : memref<64xi32, #tpu.memory_space<vmem>>)
        tpu.yield
      }) : () -> ()
      %add3A_50 = arith.constant 0 : i32
      %add3A_51 = arith.addi %add3A_47, %add3A_50 : i32
      %multiple_of3A_52 = tpu.assume_multiple %add3A_51, 64 : i32
      "tpu.region"() ({
        %run_scoped3A = tpu.sem_alloc : memref<!tpu.dma_semaphore, #tpu.memory_space<semaphore_mem>>
        %dma_start3A_59 = tpu.memref_slice %arg3[%multiple_of3A_52] : memref<643072xi32, #tpu.memory_space<hbm>> -> memref<64xi32, #tpu.memory_space<hbm>>
        %dma_start3A_60 = tpu.memref_slice %arg3[%multiple_of3A_52] : memref<643072xi32, #tpu.memory_space<hbm>> -> memref<64xi32, #tpu.memory_space<hbm>>
        tpu.enqueue_dma source(%dma_start3A_60 : memref<64xi32, #tpu.memory_space<hbm>>) target(%arg11 : memref<64xi32, #tpu.memory_space<vmem>>) target_semaphore(%run_scoped3A : memref<!tpu.dma_semaphore, #tpu.memory_space<semaphore_mem>>)
        %dma_wait3A = tpu.memref_slice %arg3[%multiple_of3A_52] : memref<643072xi32, #tpu.memory_space<hbm>> -> memref<64xi32, #tpu.memory_space<hbm>>
        %dma_wait3A_61 = tpu.memref_slice %arg3[%multiple_of3A_52] : memref<643072xi32, #tpu.memory_space<hbm>> -> memref<64xi32, #tpu.memory_space<hbm>>
        tpu.wait_dma2 semaphore(%run_scoped3A : memref<!tpu.dma_semaphore, #tpu.memory_space<semaphore_mem>>) src(%dma_wait3A_61 : memref<64xi32, #tpu.memory_space<hbm>>) dst(%arg11 : memref<64xi32, #tpu.memory_space<vmem>>)
        tpu.yield
      }) : () -> ()
      %dma_start3A = arith.constant 0 : i32
      %dma_start3A_53 = arith.constant 0 : i32
      %dma_start3A_54 = tpu.memref_slice %arg4[%dma_start3A, %dma_start3A_53] : memref<20000x128xf32, #tpu.memory_space<hbm>> -> memref<20000x128xf32, #tpu.memory_space<hbm>>
      tpu.enqueue_indirect_dma source(%dma_start3A_54 : memref<20000x128xf32, #tpu.memory_space<hbm>>) target(%arg13 : memref<64x128xf32, #tpu.memory_space<vmem>>) offsets(%arg9 : memref<64xi32, #tpu.memory_space<vmem>>) semaphore(%arg16 : memref<!tpu.dma_semaphore, #tpu.memory_space<semaphore_mem>>)
      %scan3A = arith.constant 0 : i32
      %scan3A_55 = arith.constant 157 : i32
      %scan3A_56 = arith.addi %scan3A, %scan3A_55 : i32
      %scan3A_57 = arith.constant 1 : i32
      scf.for %scan3A_59 = %scan3A to %scan3A_56 step %scan3A_57  : i32 {
        %mul3A_60 = arith.constant 2 : i32
        %mul3A_61 = arith.muli %mul3A_60, %scan3A_59 : i32
        %add3A_62 = arith.constant 1 : i32
        %add3A_63 = arith.addi %mul3A_61, %add3A_62 : i32
        %mul3A_64 = arith.constant 64 : i32
        %mul3A_65 = arith.muli %add3A_63, %mul3A_64 : i32
        %add3A_66 = arith.addi %add3A_47, %mul3A_65 : i32
        %multiple_of3A_67 = tpu.assume_multiple %add3A_66, 64 : i32
        "tpu.region"() ({
          %run_scoped3A = tpu.sem_alloc : memref<!tpu.dma_semaphore, #tpu.memory_space<semaphore_mem>>
          %dma_start3A_100 = tpu.memref_slice %arg2[%multiple_of3A_67] : memref<643072xi32, #tpu.memory_space<hbm>> -> memref<64xi32, #tpu.memory_space<hbm>>
          %dma_start3A_101 = tpu.memref_slice %arg2[%multiple_of3A_67] : memref<643072xi32, #tpu.memory_space<hbm>> -> memref<64xi32, #tpu.memory_space<hbm>>
          tpu.enqueue_dma source(%dma_start3A_101 : memref<64xi32, #tpu.memory_space<hbm>>) target(%arg10 : memref<64xi32, #tpu.memory_space<vmem>>) target_semaphore(%run_scoped3A : memref<!tpu.dma_semaphore, #tpu.memory_space<semaphore_mem>>)
          %dma_wait3A_102 = tpu.memref_slice %arg2[%multiple_of3A_67] : memref<643072xi32, #tpu.memory_space<hbm>> -> memref<64xi32, #tpu.memory_space<hbm>>
          %dma_wait3A_103 = tpu.memref_slice %arg2[%multiple_of3A_67] : memref<643072xi32, #tpu.memory_space<hbm>> -> memref<64xi32, #tpu.memory_space<hbm>>
          tpu.wait_dma2 semaphore(%run_scoped3A : memref<!tpu.dma_semaphore, #tpu.memory_space<semaphore_mem>>) src(%dma_wait3A_103 : memref<64xi32, #tpu.memory_space<hbm>>) dst(%arg10 : memref<64xi32, #tpu.memory_space<vmem>>)
          tpu.yield
        }) : () -> ()
        %mul3A_68 = arith.constant 2 : i32
        %mul3A_69 = arith.muli %mul3A_68, %scan3A_59 : i32
        %add3A_70 = arith.constant 1 : i32
        %add3A_71 = arith.addi %mul3A_69, %add3A_70 : i32
        %mul3A_72 = arith.constant 64 : i32
        %mul3A_73 = arith.muli %add3A_71, %mul3A_72 : i32
        %add3A_74 = arith.addi %add3A_47, %mul3A_73 : i32
        %multiple_of3A_75 = tpu.assume_multiple %add3A_74, 64 : i32
        "tpu.region"() ({
          %run_scoped3A = tpu.sem_alloc : memref<!tpu.dma_semaphore, #tpu.memory_space<semaphore_mem>>
          %dma_start3A_100 = tpu.memref_slice %arg3[%multiple_of3A_75] : memref<643072xi32, #tpu.memory_space<hbm>> -> memref<64xi32, #tpu.memory_space<hbm>>
          %dma_start3A_101 = tpu.memref_slice %arg3[%multiple_of3A_75] : memref<643072xi32, #tpu.memory_space<hbm>> -> memref<64xi32, #tpu.memory_space<hbm>>
          tpu.enqueue_dma source(%dma_start3A_101 : memref<64xi32, #tpu.memory_space<hbm>>) target(%arg12 : memref<64xi32, #tpu.memory_space<vmem>>) target_semaphore(%run_scoped3A : memref<!tpu.dma_semaphore, #tpu.memory_space<semaphore_mem>>)
          %dma_wait3A_102 = tpu.memref_slice %arg3[%multiple_of3A_75] : memref<643072xi32, #tpu.memory_space<hbm>> -> memref<64xi32, #tpu.memory_space<hbm>>
          %dma_wait3A_103 = tpu.memref_slice %arg3[%multiple_of3A_75] : memref<643072xi32, #tpu.memory_space<hbm>> -> memref<64xi32, #tpu.memory_space<hbm>>
          tpu.wait_dma2 semaphore(%run_scoped3A : memref<!tpu.dma_semaphore, #tpu.memory_space<semaphore_mem>>) src(%dma_wait3A_103 : memref<64xi32, #tpu.memory_space<hbm>>) dst(%arg12 : memref<64xi32, #tpu.memory_space<vmem>>)
          tpu.yield
        }) : () -> ()
        %dma_start3A_76 = arith.constant 0 : i32
        %dma_start3A_77 = arith.constant 0 : i32
        %dma_start3A_78 = tpu.memref_slice %arg4[%dma_start3A_76, %dma_start3A_77] : memref<20000x128xf32, #tpu.memory_space<hbm>> -> memref<20000x128xf32, #tpu.memory_space<hbm>>
        tpu.enqueue_indirect_dma source(%dma_start3A_78 : memref<20000x128xf32, #tpu.memory_space<hbm>>) target(%arg14 : memref<64x128xf32, #tpu.memory_space<vmem>>) offsets(%arg10 : memref<64xi32, #tpu.memory_space<vmem>>) semaphore(%arg17 : memref<!tpu.dma_semaphore, #tpu.memory_space<semaphore_mem>>)
        %dma_wait3A = arith.constant 0 : i32
        %dma_wait3A_79 = arith.constant 0 : i32
        %dma_wait3A_80 = tpu.memref_slice %arg4[%dma_wait3A, %dma_wait3A_79] : memref<20000x128xf32, #tpu.memory_space<hbm>> -> memref<20000x128xf32, #tpu.memory_space<hbm>>
        tpu.wait_indirect_dma semaphore(%arg16 : memref<!tpu.dma_semaphore, #tpu.memory_space<semaphore_mem>>) src(%dma_wait3A_80 : memref<20000x128xf32, #tpu.memory_space<hbm>>) dst(%arg13 : memref<64x128xf32, #tpu.memory_space<vmem>>)
        %dma_start3A_81 = arith.constant 0 : i32
        %dma_start3A_82 = arith.constant 0 : i32
        %dma_start3A_83 = tpu.memref_slice %arg15[%dma_start3A_81, %dma_start3A_82] : memref<10240x128xf32, #tpu.memory_space<vmem_shared>> -> memref<10240x128xf32, #tpu.memory_space<vmem_shared>>
        tpu.enqueue_indirect_dma source(%arg13 : memref<64x128xf32, #tpu.memory_space<vmem>>) target(%dma_start3A_83 : memref<10240x128xf32, #tpu.memory_space<vmem_shared>>) offsets(%arg11 : memref<64xi32, #tpu.memory_space<vmem>>) semaphore(%arg18 : memref<!tpu.dma_semaphore, #tpu.memory_space<semaphore_mem>>) {add = true}
        %dma_wait3A_84 = arith.constant 0 : i32
        %dma_wait3A_85 = arith.constant 0 : i32
        %dma_wait3A_86 = tpu.memref_slice %arg4[%dma_wait3A_84, %dma_wait3A_85] : memref<20000x128xf32, #tpu.memory_space<hbm>> -> memref<20000x128xf32, #tpu.memory_space<hbm>>
        tpu.wait_indirect_dma semaphore(%arg17 : memref<!tpu.dma_semaphore, #tpu.memory_space<semaphore_mem>>) src(%dma_wait3A_86 : memref<20000x128xf32, #tpu.memory_space<hbm>>) dst(%arg14 : memref<64x128xf32, #tpu.memory_space<vmem>>)
        %dma_start3A_87 = arith.constant 0 : i32
        %dma_start3A_88 = arith.constant 0 : i32
        %dma_start3A_89 = tpu.memref_slice %arg15[%dma_start3A_87, %dma_start3A_88] : memref<10240x128xf32, #tpu.memory_space<vmem_shared>> -> memref<10240x128xf32, #tpu.memory_space<vmem_shared>>
        tpu.enqueue_indirect_dma source(%arg14 : memref<64x128xf32, #tpu.memory_space<vmem>>) target(%dma_start3A_89 : memref<10240x128xf32, #tpu.memory_space<vmem_shared>>) offsets(%arg12 : memref<64xi32, #tpu.memory_space<vmem>>) semaphore(%arg19 : memref<!tpu.dma_semaphore, #tpu.memory_space<semaphore_mem>>) {add = true}
        %dma_wait3A_90 = arith.constant 0 : i32
        %dma_wait3A_91 = arith.constant 0 : i32
        %dma_wait3A_92 = tpu.memref_slice %arg15[%dma_wait3A_90, %dma_wait3A_91] : memref<10240x128xf32, #tpu.memory_space<vmem_shared>> -> memref<10240x128xf32, #tpu.memory_space<vmem_shared>>
        tpu.wait_indirect_dma semaphore(%arg18 : memref<!tpu.dma_semaphore, #tpu.memory_space<semaphore_mem>>) src(%arg13 : memref<64x128xf32, #tpu.memory_space<vmem>>) dst(%dma_wait3A_92 : memref<10240x128xf32, #tpu.memory_space<vmem_shared>>)
        %lt3A = arith.constant 156 : i32
        %lt3A_93 = arith.cmpi slt, %scan3A_59, %lt3A : i32
        %convert_element_type3A_94 = arith.extui %lt3A_93 : i1 to i32
        %cond3A_95 = arith.constant 0 : i32
        %cond3A_96 = arith.cmpi ne, %convert_element_type3A_94, %cond3A_95 : i32
        scf.if %cond3A_96 {
          %mul3A_100 = arith.constant 2 : i32
          %mul3A_101 = arith.muli %mul3A_100, %scan3A_59 : i32
          %add3A_102 = arith.constant 2 : i32
          %add3A_103 = arith.addi %mul3A_101, %add3A_102 : i32
          %mul3A_104 = arith.constant 64 : i32
          %mul3A_105 = arith.muli %add3A_103, %mul3A_104 : i32
          %add3A_106 = arith.addi %add3A_47, %mul3A_105 : i32
          %multiple_of3A_107 = tpu.assume_multiple %add3A_106, 64 : i32
          "tpu.region"() ({
            %run_scoped3A = tpu.sem_alloc : memref<!tpu.dma_semaphore, #tpu.memory_space<semaphore_mem>>
            %dma_start3A_119 = tpu.memref_slice %arg2[%multiple_of3A_107] : memref<643072xi32, #tpu.memory_space<hbm>> -> memref<64xi32, #tpu.memory_space<hbm>>
            %dma_start3A_120 = tpu.memref_slice %arg2[%multiple_of3A_107] : memref<643072xi32, #tpu.memory_space<hbm>> -> memref<64xi32, #tpu.memory_space<hbm>>
            tpu.enqueue_dma source(%dma_start3A_120 : memref<64xi32, #tpu.memory_space<hbm>>) target(%arg9 : memref<64xi32, #tpu.memory_space<vmem>>) target_semaphore(%run_scoped3A : memref<!tpu.dma_semaphore, #tpu.memory_space<semaphore_mem>>)
            %dma_wait3A_121 = tpu.memref_slice %arg2[%multiple_of3A_107] : memref<643072xi32, #tpu.memory_space<hbm>> -> memref<64xi32, #tpu.memory_space<hbm>>
            %dma_wait3A_122 = tpu.memref_slice %arg2[%multiple_of3A_107] : memref<643072xi32, #tpu.memory_space<hbm>> -> memref<64xi32, #tpu.memory_space<hbm>>
            tpu.wait_dma2 semaphore(%run_scoped3A : memref<!tpu.dma_semaphore, #tpu.memory_space<semaphore_mem>>) src(%dma_wait3A_122 : memref<64xi32, #tpu.memory_space<hbm>>) dst(%arg9 : memref<64xi32, #tpu.memory_space<vmem>>)
            tpu.yield
          }) : () -> ()
          %mul3A_108 = arith.constant 2 : i32
          %mul3A_109 = arith.muli %mul3A_108, %scan3A_59 : i32
          %add3A_110 = arith.constant 2 : i32
          %add3A_111 = arith.addi %mul3A_109, %add3A_110 : i32
          %mul3A_112 = arith.constant 64 : i32
          %mul3A_113 = arith.muli %add3A_111, %mul3A_112 : i32
          %add3A_114 = arith.addi %add3A_47, %mul3A_113 : i32
          %multiple_of3A_115 = tpu.assume_multiple %add3A_114, 64 : i32
          "tpu.region"() ({
            %run_scoped3A = tpu.sem_alloc : memref<!tpu.dma_semaphore, #tpu.memory_space<semaphore_mem>>
            %dma_start3A_119 = tpu.memref_slice %arg3[%multiple_of3A_115] : memref<643072xi32, #tpu.memory_space<hbm>> -> memref<64xi32, #tpu.memory_space<hbm>>
            %dma_start3A_120 = tpu.memref_slice %arg3[%multiple_of3A_115] : memref<643072xi32, #tpu.memory_space<hbm>> -> memref<64xi32, #tpu.memory_space<hbm>>
            tpu.enqueue_dma source(%dma_start3A_120 : memref<64xi32, #tpu.memory_space<hbm>>) target(%arg11 : memref<64xi32, #tpu.memory_space<vmem>>) target_semaphore(%run_scoped3A : memref<!tpu.dma_semaphore, #tpu.memory_space<semaphore_mem>>)
            %dma_wait3A_121 = tpu.memref_slice %arg3[%multiple_of3A_115] : memref<643072xi32, #tpu.memory_space<hbm>> -> memref<64xi32, #tpu.memory_space<hbm>>
            %dma_wait3A_122 = tpu.memref_slice %arg3[%multiple_of3A_115] : memref<643072xi32, #tpu.memory_space<hbm>> -> memref<64xi32, #tpu.memory_space<hbm>>
            tpu.wait_dma2 semaphore(%run_scoped3A : memref<!tpu.dma_semaphore, #tpu.memory_space<semaphore_mem>>) src(%dma_wait3A_122 : memref<64xi32, #tpu.memory_space<hbm>>) dst(%arg11 : memref<64xi32, #tpu.memory_space<vmem>>)
            tpu.yield
          }) : () -> ()
          %dma_start3A_116 = arith.constant 0 : i32
          %dma_start3A_117 = arith.constant 0 : i32
          %dma_start3A_118 = tpu.memref_slice %arg4[%dma_start3A_116, %dma_start3A_117] : memref<20000x128xf32, #tpu.memory_space<hbm>> -> memref<20000x128xf32, #tpu.memory_space<hbm>>
          tpu.enqueue_indirect_dma source(%dma_start3A_118 : memref<20000x128xf32, #tpu.memory_space<hbm>>) target(%arg13 : memref<64x128xf32, #tpu.memory_space<vmem>>) offsets(%arg9 : memref<64xi32, #tpu.memory_space<vmem>>) semaphore(%arg16 : memref<!tpu.dma_semaphore, #tpu.memory_space<semaphore_mem>>)
        } else {
        }
        %dma_wait3A_97 = arith.constant 0 : i32
        %dma_wait3A_98 = arith.constant 0 : i32
        %dma_wait3A_99 = tpu.memref_slice %arg15[%dma_wait3A_97, %dma_wait3A_98] : memref<10240x128xf32, #tpu.memory_space<vmem_shared>> -> memref<10240x128xf32, #tpu.memory_space<vmem_shared>>
        tpu.wait_indirect_dma semaphore(%arg19 : memref<!tpu.dma_semaphore, #tpu.memory_space<semaphore_mem>>) src(%arg14 : memref<64x128xf32, #tpu.memory_space<vmem>>) dst(%dma_wait3A_99 : memref<10240x128xf32, #tpu.memory_space<vmem_shared>>)
      }
      %scan3A_58 = arith.constant 157 : i32
    } else {
    }
    %barrier3A_17 = arith.constant 0 : index
    tpu.barrier barrier_id(%barrier3A_17)
    %convert_element_type3A_18 = arith.extui %eq3A_0 : i1 to i32
    %cond3A_19 = arith.constant 0 : i32
    %cond3A_20 = arith.cmpi ne, %convert_element_type3A_18, %cond3A_19 : i32
    scf.if %cond3A_20 {
      %mul3A = arith.constant 640 : i32
      %mul3A_46 = arith.muli %arg1, %mul3A : i32
      %run_scoped3A = arith.constant 1 : i32
      "tpu.region"() ({
        %run_scoped3A_47 = tpu.sem_alloc : memref<!tpu.dma_semaphore, #tpu.memory_space<semaphore_mem>>
        %dma_start3A = arith.constant 0 : i32
        %dma_start3A_48 = tpu.memref_slice %arg7[%run_scoped3A, %mul3A_46, %dma_start3A] : memref<2x10240x128xf32, #tpu.memory_space<hbm>> -> memref<1x640x128xf32, #tpu.memory_space<hbm>>
        %dma_start3A_49 = tpu.memref_squeeze %dma_start3A_48 : memref<1x640x128xf32, #tpu.memory_space<hbm>> -> memref<640x128xf32, #tpu.memory_space<hbm>>
        %dma_start3A_50 = arith.constant 0 : i32
        %dma_start3A_51 = tpu.memref_slice %arg15[%mul3A_46, %dma_start3A_50] : memref<10240x128xf32, #tpu.memory_space<vmem_shared>> -> memref<640x128xf32, #tpu.memory_space<vmem_shared>>
        tpu.enqueue_dma source(%dma_start3A_51 : memref<640x128xf32, #tpu.memory_space<vmem_shared>>) target(%dma_start3A_49 : memref<640x128xf32, #tpu.memory_space<hbm>>) target_semaphore(%run_scoped3A_47 : memref<!tpu.dma_semaphore, #tpu.memory_space<semaphore_mem>>)
        %dma_wait3A = arith.constant 0 : i32
        %dma_wait3A_52 = tpu.memref_slice %arg7[%run_scoped3A, %mul3A_46, %dma_wait3A] : memref<2x10240x128xf32, #tpu.memory_space<hbm>> -> memref<1x640x128xf32, #tpu.memory_space<hbm>>
        %dma_wait3A_53 = tpu.memref_squeeze %dma_wait3A_52 : memref<1x640x128xf32, #tpu.memory_space<hbm>> -> memref<640x128xf32, #tpu.memory_space<hbm>>
        %dma_wait3A_54 = arith.constant 0 : i32
        %dma_wait3A_55 = tpu.memref_slice %arg15[%mul3A_46, %dma_wait3A_54] : memref<10240x128xf32, #tpu.memory_space<vmem_shared>> -> memref<640x128xf32, #tpu.memory_space<vmem_shared>>
        tpu.wait_dma2 semaphore(%run_scoped3A_47 : memref<!tpu.dma_semaphore, #tpu.memory_space<semaphore_mem>>) src(%dma_wait3A_55 : memref<640x128xf32, #tpu.memory_space<vmem_shared>>) dst(%dma_wait3A_53 : memref<640x128xf32, #tpu.memory_space<hbm>>)
        tpu.yield
      }) : () -> ()
    } else {
    }
    %barrier3A_21 = arith.constant 0 : index
    tpu.barrier barrier_id(%barrier3A_21)
    %convert_element_type3A_22 = arith.extui %eq3A_0 : i1 to i32
    %cond3A_23 = arith.constant 0 : i32
    %cond3A_24 = arith.cmpi ne, %convert_element_type3A_22, %cond3A_23 : i32
    scf.if %cond3A_24 {
      "tpu.region"() ({
        %run_scoped3A = tpu.sem_alloc : memref<!tpu.dma_semaphore, #tpu.memory_space<semaphore_mem>>
        tpu.enqueue_dma source(%arg5 : memref<64x128xf32, #tpu.memory_space<hbm>>) target(%arg13 : memref<64x128xf32, #tpu.memory_space<vmem>>) target_semaphore(%run_scoped3A : memref<!tpu.dma_semaphore, #tpu.memory_space<semaphore_mem>>)
        tpu.wait_dma2 semaphore(%run_scoped3A : memref<!tpu.dma_semaphore, #tpu.memory_space<semaphore_mem>>) src(%arg5 : memref<64x128xf32, #tpu.memory_space<hbm>>) dst(%arg13 : memref<64x128xf32, #tpu.memory_space<vmem>>)
        tpu.yield
      }) : () -> ()
      %add3A = arith.constant 0 : i32
      %add3A_46 = arith.addi %add3A, %arg1 : i32
      %mul3A = arith.constant 64 : i32
      %mul3A_47 = arith.muli %add3A_46, %mul3A : i32
      "tpu.region"() ({
        %run_scoped3A = tpu.sem_alloc : memref<!tpu.dma_semaphore, #tpu.memory_space<semaphore_mem>>
        %dma_start3A = arith.constant 0 : i32
        %dma_start3A_84 = tpu.memref_slice %arg15[%mul3A_47, %dma_start3A] : memref<10240x128xf32, #tpu.memory_space<vmem_shared>> -> memref<64x128xf32, #tpu.memory_space<vmem_shared>>
        %dma_start3A_85 = arith.constant 0 : i32
        %dma_start3A_86 = tpu.memref_slice %arg15[%mul3A_47, %dma_start3A_85] : memref<10240x128xf32, #tpu.memory_space<vmem_shared>> -> memref<64x128xf32, #tpu.memory_space<vmem_shared>>
        tpu.enqueue_dma source(%arg13 : memref<64x128xf32, #tpu.memory_space<vmem>>) target(%dma_start3A_86 : memref<64x128xf32, #tpu.memory_space<vmem_shared>>) target_semaphore(%run_scoped3A : memref<!tpu.dma_semaphore, #tpu.memory_space<semaphore_mem>>)
        %dma_wait3A = arith.constant 0 : i32
        %dma_wait3A_87 = tpu.memref_slice %arg15[%mul3A_47, %dma_wait3A] : memref<10240x128xf32, #tpu.memory_space<vmem_shared>> -> memref<64x128xf32, #tpu.memory_space<vmem_shared>>
        %dma_wait3A_88 = arith.constant 0 : i32
        %dma_wait3A_89 = tpu.memref_slice %arg15[%mul3A_47, %dma_wait3A_88] : memref<10240x128xf32, #tpu.memory_space<vmem_shared>> -> memref<64x128xf32, #tpu.memory_space<vmem_shared>>
        tpu.wait_dma2 semaphore(%run_scoped3A : memref<!tpu.dma_semaphore, #tpu.memory_space<semaphore_mem>>) src(%arg13 : memref<64x128xf32, #tpu.memory_space<vmem>>) dst(%dma_wait3A_89 : memref<64x128xf32, #tpu.memory_space<vmem_shared>>)
        tpu.yield
      }) : () -> ()
      %add3A_48 = arith.constant 16 : i32
      %add3A_49 = arith.addi %add3A_48, %arg1 : i32
      %mul3A_50 = arith.constant 64 : i32
      %mul3A_51 = arith.muli %add3A_49, %mul3A_50 : i32
      "tpu.region"() ({
        %run_scoped3A = tpu.sem_alloc : memref<!tpu.dma_semaphore, #tpu.memory_space<semaphore_mem>>
        %dma_start3A = arith.constant 0 : i32
        %dma_start3A_84 = tpu.memref_slice %arg15[%mul3A_51, %dma_start3A] : memref<10240x128xf32, #tpu.memory_space<vmem_shared>> -> memref<64x128xf32, #tpu.memory_space<vmem_shared>>
        %dma_start3A_85 = arith.constant 0 : i32
        %dma_start3A_86 = tpu.memref_slice %arg15[%mul3A_51, %dma_start3A_85] : memref<10240x128xf32, #tpu.memory_space<vmem_shared>> -> memref<64x128xf32, #tpu.memory_space<vmem_shared>>
        tpu.enqueue_dma source(%arg13 : memref<64x128xf32, #tpu.memory_space<vmem>>) target(%dma_start3A_86 : memref<64x128xf32, #tpu.memory_space<vmem_shared>>) target_semaphore(%run_scoped3A : memref<!tpu.dma_semaphore, #tpu.memory_space<semaphore_mem>>)
        %dma_wait3A = arith.constant 0 : i32
        %dma_wait3A_87 = tpu.memref_slice %arg15[%mul3A_51, %dma_wait3A] : memref<10240x128xf32, #tpu.memory_space<vmem_shared>> -> memref<64x128xf32, #tpu.memory_space<vmem_shared>>
        %dma_wait3A_88 = arith.constant 0 : i32
        %dma_wait3A_89 = tpu.memref_slice %arg15[%mul3A_51, %dma_wait3A_88] : memref<10240x128xf32, #tpu.memory_space<vmem_shared>> -> memref<64x128xf32, #tpu.memory_space<vmem_shared>>
        tpu.wait_dma2 semaphore(%run_scoped3A : memref<!tpu.dma_semaphore, #tpu.memory_space<semaphore_mem>>) src(%arg13 : memref<64x128xf32, #tpu.memory_space<vmem>>) dst(%dma_wait3A_89 : memref<64x128xf32, #tpu.memory_space<vmem_shared>>)
        tpu.yield
      }) : () -> ()
      %add3A_52 = arith.constant 32 : i32
      %add3A_53 = arith.addi %add3A_52, %arg1 : i32
      %mul3A_54 = arith.constant 64 : i32
      %mul3A_55 = arith.muli %add3A_53, %mul3A_54 : i32
      "tpu.region"() ({
        %run_scoped3A = tpu.sem_alloc : memref<!tpu.dma_semaphore, #tpu.memory_space<semaphore_mem>>
        %dma_start3A = arith.constant 0 : i32
        %dma_start3A_84 = tpu.memref_slice %arg15[%mul3A_55, %dma_start3A] : memref<10240x128xf32, #tpu.memory_space<vmem_shared>> -> memref<64x128xf32, #tpu.memory_space<vmem_shared>>
        %dma_start3A_85 = arith.constant 0 : i32
        %dma_start3A_86 = tpu.memref_slice %arg15[%mul3A_55, %dma_start3A_85] : memref<10240x128xf32, #tpu.memory_space<vmem_shared>> -> memref<64x128xf32, #tpu.memory_space<vmem_shared>>
        tpu.enqueue_dma source(%arg13 : memref<64x128xf32, #tpu.memory_space<vmem>>) target(%dma_start3A_86 : memref<64x128xf32, #tpu.memory_space<vmem_shared>>) target_semaphore(%run_scoped3A : memref<!tpu.dma_semaphore, #tpu.memory_space<semaphore_mem>>)
        %dma_wait3A = arith.constant 0 : i32
        %dma_wait3A_87 = tpu.memref_slice %arg15[%mul3A_55, %dma_wait3A] : memref<10240x128xf32, #tpu.memory_space<vmem_shared>> -> memref<64x128xf32, #tpu.memory_space<vmem_shared>>
        %dma_wait3A_88 = arith.constant 0 : i32
        %dma_wait3A_89 = tpu.memref_slice %arg15[%mul3A_55, %dma_wait3A_88] : memref<10240x128xf32, #tpu.memory_space<vmem_shared>> -> memref<64x128xf32, #tpu.memory_space<vmem_shared>>
        tpu.wait_dma2 semaphore(%run_scoped3A : memref<!tpu.dma_semaphore, #tpu.memory_space<semaphore_mem>>) src(%arg13 : memref<64x128xf32, #tpu.memory_space<vmem>>) dst(%dma_wait3A_89 : memref<64x128xf32, #tpu.memory_space<vmem_shared>>)
        tpu.yield
      }) : () -> ()
      %add3A_56 = arith.constant 48 : i32
      %add3A_57 = arith.addi %add3A_56, %arg1 : i32
      %mul3A_58 = arith.constant 64 : i32
      %mul3A_59 = arith.muli %add3A_57, %mul3A_58 : i32
      "tpu.region"() ({
        %run_scoped3A = tpu.sem_alloc : memref<!tpu.dma_semaphore, #tpu.memory_space<semaphore_mem>>
        %dma_start3A = arith.constant 0 : i32
        %dma_start3A_84 = tpu.memref_slice %arg15[%mul3A_59, %dma_start3A] : memref<10240x128xf32, #tpu.memory_space<vmem_shared>> -> memref<64x128xf32, #tpu.memory_space<vmem_shared>>
        %dma_start3A_85 = arith.constant 0 : i32
        %dma_start3A_86 = tpu.memref_slice %arg15[%mul3A_59, %dma_start3A_85] : memref<10240x128xf32, #tpu.memory_space<vmem_shared>> -> memref<64x128xf32, #tpu.memory_space<vmem_shared>>
        tpu.enqueue_dma source(%arg13 : memref<64x128xf32, #tpu.memory_space<vmem>>) target(%dma_start3A_86 : memref<64x128xf32, #tpu.memory_space<vmem_shared>>) target_semaphore(%run_scoped3A : memref<!tpu.dma_semaphore, #tpu.memory_space<semaphore_mem>>)
        %dma_wait3A = arith.constant 0 : i32
        %dma_wait3A_87 = tpu.memref_slice %arg15[%mul3A_59, %dma_wait3A] : memref<10240x128xf32, #tpu.memory_space<vmem_shared>> -> memref<64x128xf32, #tpu.memory_space<vmem_shared>>
        %dma_wait3A_88 = arith.constant 0 : i32
        %dma_wait3A_89 = tpu.memref_slice %arg15[%mul3A_59, %dma_wait3A_88] : memref<10240x128xf32, #tpu.memory_space<vmem_shared>> -> memref<64x128xf32, #tpu.memory_space<vmem_shared>>
        tpu.wait_dma2 semaphore(%run_scoped3A : memref<!tpu.dma_semaphore, #tpu.memory_space<semaphore_mem>>) src(%arg13 : memref<64x128xf32, #tpu.memory_space<vmem>>) dst(%dma_wait3A_89 : memref<64x128xf32, #tpu.memory_space<vmem_shared>>)
        tpu.yield
      }) : () -> ()
      %add3A_60 = arith.constant 64 : i32
      %add3A_61 = arith.addi %add3A_60, %arg1 : i32
      %mul3A_62 = arith.constant 64 : i32
      %mul3A_63 = arith.muli %add3A_61, %mul3A_62 : i32
      "tpu.region"() ({
        %run_scoped3A = tpu.sem_alloc : memref<!tpu.dma_semaphore, #tpu.memory_space<semaphore_mem>>
        %dma_start3A = arith.constant 0 : i32
        %dma_start3A_84 = tpu.memref_slice %arg15[%mul3A_63, %dma_start3A] : memref<10240x128xf32, #tpu.memory_space<vmem_shared>> -> memref<64x128xf32, #tpu.memory_space<vmem_shared>>
        %dma_start3A_85 = arith.constant 0 : i32
        %dma_start3A_86 = tpu.memref_slice %arg15[%mul3A_63, %dma_start3A_85] : memref<10240x128xf32, #tpu.memory_space<vmem_shared>> -> memref<64x128xf32, #tpu.memory_space<vmem_shared>>
        tpu.enqueue_dma source(%arg13 : memref<64x128xf32, #tpu.memory_space<vmem>>) target(%dma_start3A_86 : memref<64x128xf32, #tpu.memory_space<vmem_shared>>) target_semaphore(%run_scoped3A : memref<!tpu.dma_semaphore, #tpu.memory_space<semaphore_mem>>)
        %dma_wait3A = arith.constant 0 : i32
        %dma_wait3A_87 = tpu.memref_slice %arg15[%mul3A_63, %dma_wait3A] : memref<10240x128xf32, #tpu.memory_space<vmem_shared>> -> memref<64x128xf32, #tpu.memory_space<vmem_shared>>
        %dma_wait3A_88 = arith.constant 0 : i32
        %dma_wait3A_89 = tpu.memref_slice %arg15[%mul3A_63, %dma_wait3A_88] : memref<10240x128xf32, #tpu.memory_space<vmem_shared>> -> memref<64x128xf32, #tpu.memory_space<vmem_shared>>
        tpu.wait_dma2 semaphore(%run_scoped3A : memref<!tpu.dma_semaphore, #tpu.memory_space<semaphore_mem>>) src(%arg13 : memref<64x128xf32, #tpu.memory_space<vmem>>) dst(%dma_wait3A_89 : memref<64x128xf32, #tpu.memory_space<vmem_shared>>)
        tpu.yield
      }) : () -> ()
      %add3A_64 = arith.constant 80 : i32
      %add3A_65 = arith.addi %add3A_64, %arg1 : i32
      %mul3A_66 = arith.constant 64 : i32
      %mul3A_67 = arith.muli %add3A_65, %mul3A_66 : i32
      "tpu.region"() ({
        %run_scoped3A = tpu.sem_alloc : memref<!tpu.dma_semaphore, #tpu.memory_space<semaphore_mem>>
        %dma_start3A = arith.constant 0 : i32
        %dma_start3A_84 = tpu.memref_slice %arg15[%mul3A_67, %dma_start3A] : memref<10240x128xf32, #tpu.memory_space<vmem_shared>> -> memref<64x128xf32, #tpu.memory_space<vmem_shared>>
        %dma_start3A_85 = arith.constant 0 : i32
        %dma_start3A_86 = tpu.memref_slice %arg15[%mul3A_67, %dma_start3A_85] : memref<10240x128xf32, #tpu.memory_space<vmem_shared>> -> memref<64x128xf32, #tpu.memory_space<vmem_shared>>
        tpu.enqueue_dma source(%arg13 : memref<64x128xf32, #tpu.memory_space<vmem>>) target(%dma_start3A_86 : memref<64x128xf32, #tpu.memory_space<vmem_shared>>) target_semaphore(%run_scoped3A : memref<!tpu.dma_semaphore, #tpu.memory_space<semaphore_mem>>)
        %dma_wait3A = arith.constant 0 : i32
        %dma_wait3A_87 = tpu.memref_slice %arg15[%mul3A_67, %dma_wait3A] : memref<10240x128xf32, #tpu.memory_space<vmem_shared>> -> memref<64x128xf32, #tpu.memory_space<vmem_shared>>
        %dma_wait3A_88 = arith.constant 0 : i32
        %dma_wait3A_89 = tpu.memref_slice %arg15[%mul3A_67, %dma_wait3A_88] : memref<10240x128xf32, #tpu.memory_space<vmem_shared>> -> memref<64x128xf32, #tpu.memory_space<vmem_shared>>
        tpu.wait_dma2 semaphore(%run_scoped3A : memref<!tpu.dma_semaphore, #tpu.memory_space<semaphore_mem>>) src(%arg13 : memref<64x128xf32, #tpu.memory_space<vmem>>) dst(%dma_wait3A_89 : memref<64x128xf32, #tpu.memory_space<vmem_shared>>)
        tpu.yield
      }) : () -> ()
      %add3A_68 = arith.constant 96 : i32
      %add3A_69 = arith.addi %add3A_68, %arg1 : i32
      %mul3A_70 = arith.constant 64 : i32
      %mul3A_71 = arith.muli %add3A_69, %mul3A_70 : i32
      "tpu.region"() ({
        %run_scoped3A = tpu.sem_alloc : memref<!tpu.dma_semaphore, #tpu.memory_space<semaphore_mem>>
        %dma_start3A = arith.constant 0 : i32
        %dma_start3A_84 = tpu.memref_slice %arg15[%mul3A_71, %dma_start3A] : memref<10240x128xf32, #tpu.memory_space<vmem_shared>> -> memref<64x128xf32, #tpu.memory_space<vmem_shared>>
        %dma_start3A_85 = arith.constant 0 : i32
        %dma_start3A_86 = tpu.memref_slice %arg15[%mul3A_71, %dma_start3A_85] : memref<10240x128xf32, #tpu.memory_space<vmem_shared>> -> memref<64x128xf32, #tpu.memory_space<vmem_shared>>
        tpu.enqueue_dma source(%arg13 : memref<64x128xf32, #tpu.memory_space<vmem>>) target(%dma_start3A_86 : memref<64x128xf32, #tpu.memory_space<vmem_shared>>) target_semaphore(%run_scoped3A : memref<!tpu.dma_semaphore, #tpu.memory_space<semaphore_mem>>)
        %dma_wait3A = arith.constant 0 : i32
        %dma_wait3A_87 = tpu.memref_slice %arg15[%mul3A_71, %dma_wait3A] : memref<10240x128xf32, #tpu.memory_space<vmem_shared>> -> memref<64x128xf32, #tpu.memory_space<vmem_shared>>
        %dma_wait3A_88 = arith.constant 0 : i32
        %dma_wait3A_89 = tpu.memref_slice %arg15[%mul3A_71, %dma_wait3A_88] : memref<10240x128xf32, #tpu.memory_space<vmem_shared>> -> memref<64x128xf32, #tpu.memory_space<vmem_shared>>
        tpu.wait_dma2 semaphore(%run_scoped3A : memref<!tpu.dma_semaphore, #tpu.memory_space<semaphore_mem>>) src(%arg13 : memref<64x128xf32, #tpu.memory_space<vmem>>) dst(%dma_wait3A_89 : memref<64x128xf32, #tpu.memory_space<vmem_shared>>)
        tpu.yield
      }) : () -> ()
      %add3A_72 = arith.constant 112 : i32
      %add3A_73 = arith.addi %add3A_72, %arg1 : i32
      %mul3A_74 = arith.constant 64 : i32
      %mul3A_75 = arith.muli %add3A_73, %mul3A_74 : i32
      "tpu.region"() ({
        %run_scoped3A = tpu.sem_alloc : memref<!tpu.dma_semaphore, #tpu.memory_space<semaphore_mem>>
        %dma_start3A = arith.constant 0 : i32
        %dma_start3A_84 = tpu.memref_slice %arg15[%mul3A_75, %dma_start3A] : memref<10240x128xf32, #tpu.memory_space<vmem_shared>> -> memref<64x128xf32, #tpu.memory_space<vmem_shared>>
        %dma_start3A_85 = arith.constant 0 : i32
        %dma_start3A_86 = tpu.memref_slice %arg15[%mul3A_75, %dma_start3A_85] : memref<10240x128xf32, #tpu.memory_space<vmem_shared>> -> memref<64x128xf32, #tpu.memory_space<vmem_shared>>
        tpu.enqueue_dma source(%arg13 : memref<64x128xf32, #tpu.memory_space<vmem>>) target(%dma_start3A_86 : memref<64x128xf32, #tpu.memory_space<vmem_shared>>) target_semaphore(%run_scoped3A : memref<!tpu.dma_semaphore, #tpu.memory_space<semaphore_mem>>)
        %dma_wait3A = arith.constant 0 : i32
        %dma_wait3A_87 = tpu.memref_slice %arg15[%mul3A_75, %dma_wait3A] : memref<10240x128xf32, #tpu.memory_space<vmem_shared>> -> memref<64x128xf32, #tpu.memory_space<vmem_shared>>
        %dma_wait3A_88 = arith.constant 0 : i32
        %dma_wait3A_89 = tpu.memref_slice %arg15[%mul3A_75, %dma_wait3A_88] : memref<10240x128xf32, #tpu.memory_space<vmem_shared>> -> memref<64x128xf32, #tpu.memory_space<vmem_shared>>
        tpu.wait_dma2 semaphore(%run_scoped3A : memref<!tpu.dma_semaphore, #tpu.memory_space<semaphore_mem>>) src(%arg13 : memref<64x128xf32, #tpu.memory_space<vmem>>) dst(%dma_wait3A_89 : memref<64x128xf32, #tpu.memory_space<vmem_shared>>)
        tpu.yield
      }) : () -> ()
      %add3A_76 = arith.constant 128 : i32
      %add3A_77 = arith.addi %add3A_76, %arg1 : i32
      %mul3A_78 = arith.constant 64 : i32
      %mul3A_79 = arith.muli %add3A_77, %mul3A_78 : i32
      "tpu.region"() ({
        %run_scoped3A = tpu.sem_alloc : memref<!tpu.dma_semaphore, #tpu.memory_space<semaphore_mem>>
        %dma_start3A = arith.constant 0 : i32
        %dma_start3A_84 = tpu.memref_slice %arg15[%mul3A_79, %dma_start3A] : memref<10240x128xf32, #tpu.memory_space<vmem_shared>> -> memref<64x128xf32, #tpu.memory_space<vmem_shared>>
        %dma_start3A_85 = arith.constant 0 : i32
        %dma_start3A_86 = tpu.memref_slice %arg15[%mul3A_79, %dma_start3A_85] : memref<10240x128xf32, #tpu.memory_space<vmem_shared>> -> memref<64x128xf32, #tpu.memory_space<vmem_shared>>
        tpu.enqueue_dma source(%arg13 : memref<64x128xf32, #tpu.memory_space<vmem>>) target(%dma_start3A_86 : memref<64x128xf32, #tpu.memory_space<vmem_shared>>) target_semaphore(%run_scoped3A : memref<!tpu.dma_semaphore, #tpu.memory_space<semaphore_mem>>)
        %dma_wait3A = arith.constant 0 : i32
        %dma_wait3A_87 = tpu.memref_slice %arg15[%mul3A_79, %dma_wait3A] : memref<10240x128xf32, #tpu.memory_space<vmem_shared>> -> memref<64x128xf32, #tpu.memory_space<vmem_shared>>
        %dma_wait3A_88 = arith.constant 0 : i32
        %dma_wait3A_89 = tpu.memref_slice %arg15[%mul3A_79, %dma_wait3A_88] : memref<10240x128xf32, #tpu.memory_space<vmem_shared>> -> memref<64x128xf32, #tpu.memory_space<vmem_shared>>
        tpu.wait_dma2 semaphore(%run_scoped3A : memref<!tpu.dma_semaphore, #tpu.memory_space<semaphore_mem>>) src(%arg13 : memref<64x128xf32, #tpu.memory_space<vmem>>) dst(%dma_wait3A_89 : memref<64x128xf32, #tpu.memory_space<vmem_shared>>)
        tpu.yield
      }) : () -> ()
      %add3A_80 = arith.constant 144 : i32
      %add3A_81 = arith.addi %add3A_80, %arg1 : i32
      %mul3A_82 = arith.constant 64 : i32
      %mul3A_83 = arith.muli %add3A_81, %mul3A_82 : i32
      "tpu.region"() ({
        %run_scoped3A = tpu.sem_alloc : memref<!tpu.dma_semaphore, #tpu.memory_space<semaphore_mem>>
        %dma_start3A = arith.constant 0 : i32
        %dma_start3A_84 = tpu.memref_slice %arg15[%mul3A_83, %dma_start3A] : memref<10240x128xf32, #tpu.memory_space<vmem_shared>> -> memref<64x128xf32, #tpu.memory_space<vmem_shared>>
        %dma_start3A_85 = arith.constant 0 : i32
        %dma_start3A_86 = tpu.memref_slice %arg15[%mul3A_83, %dma_start3A_85] : memref<10240x128xf32, #tpu.memory_space<vmem_shared>> -> memref<64x128xf32, #tpu.memory_space<vmem_shared>>
        tpu.enqueue_dma source(%arg13 : memref<64x128xf32, #tpu.memory_space<vmem>>) target(%dma_start3A_86 : memref<64x128xf32, #tpu.memory_space<vmem_shared>>) target_semaphore(%run_scoped3A : memref<!tpu.dma_semaphore, #tpu.memory_space<semaphore_mem>>)
        %dma_wait3A = arith.constant 0 : i32
        %dma_wait3A_87 = tpu.memref_slice %arg15[%mul3A_83, %dma_wait3A] : memref<10240x128xf32, #tpu.memory_space<vmem_shared>> -> memref<64x128xf32, #tpu.memory_space<vmem_shared>>
        %dma_wait3A_88 = arith.constant 0 : i32
        %dma_wait3A_89 = tpu.memref_slice %arg15[%mul3A_83, %dma_wait3A_88] : memref<10240x128xf32, #tpu.memory_space<vmem_shared>> -> memref<64x128xf32, #tpu.memory_space<vmem_shared>>
        tpu.wait_dma2 semaphore(%run_scoped3A : memref<!tpu.dma_semaphore, #tpu.memory_space<semaphore_mem>>) src(%arg13 : memref<64x128xf32, #tpu.memory_space<vmem>>) dst(%dma_wait3A_89 : memref<64x128xf32, #tpu.memory_space<vmem_shared>>)
        tpu.yield
      }) : () -> ()
    } else {
    }
    %barrier3A_25 = arith.constant 0 : index
    tpu.barrier barrier_id(%barrier3A_25)
    %convert_element_type3A_26 = arith.extui %eq3A_0 : i1 to i32
    %cond3A_27 = arith.constant 0 : i32
    %cond3A_28 = arith.cmpi ne, %convert_element_type3A_26, %cond3A_27 : i32
    scf.if %cond3A_28 {
      %mul3A = arith.constant 20096 : i32
      %mul3A_46 = arith.muli %arg1, %mul3A : i32
      %add3A = arith.constant 0 : i32
      %add3A_47 = arith.addi %add3A, %mul3A_46 : i32
      "tpu.region"() ({
        %run_scoped3A = tpu.sem_alloc : memref<!tpu.dma_semaphore, #tpu.memory_space<semaphore_mem>>
        tpu.enqueue_dma source(%arg6 : memref<64x128xf32, #tpu.memory_space<hbm>>) target(%arg13 : memref<64x128xf32, #tpu.memory_space<vmem>>) target_semaphore(%run_scoped3A : memref<!tpu.dma_semaphore, #tpu.memory_space<semaphore_mem>>)
        tpu.wait_dma2 semaphore(%run_scoped3A : memref<!tpu.dma_semaphore, #tpu.memory_space<semaphore_mem>>) src(%arg6 : memref<64x128xf32, #tpu.memory_space<hbm>>) dst(%arg13 : memref<64x128xf32, #tpu.memory_space<vmem>>)
        tpu.yield
      }) : () -> ()
      %add3A_48 = arith.constant 0 : i32
      %add3A_49 = arith.addi %add3A_47, %add3A_48 : i32
      %multiple_of3A = tpu.assume_multiple %add3A_49, 64 : i32
      "tpu.region"() ({
        %run_scoped3A = tpu.sem_alloc : memref<!tpu.dma_semaphore, #tpu.memory_space<semaphore_mem>>
        %dma_start3A = tpu.memref_slice %arg3[%multiple_of3A] : memref<643072xi32, #tpu.memory_space<hbm>> -> memref<64xi32, #tpu.memory_space<hbm>>
        %dma_start3A_54 = tpu.memref_slice %arg3[%multiple_of3A] : memref<643072xi32, #tpu.memory_space<hbm>> -> memref<64xi32, #tpu.memory_space<hbm>>
        tpu.enqueue_dma source(%dma_start3A_54 : memref<64xi32, #tpu.memory_space<hbm>>) target(%arg11 : memref<64xi32, #tpu.memory_space<vmem>>) target_semaphore(%run_scoped3A : memref<!tpu.dma_semaphore, #tpu.memory_space<semaphore_mem>>)
        %dma_wait3A = tpu.memref_slice %arg3[%multiple_of3A] : memref<643072xi32, #tpu.memory_space<hbm>> -> memref<64xi32, #tpu.memory_space<hbm>>
        %dma_wait3A_55 = tpu.memref_slice %arg3[%multiple_of3A] : memref<643072xi32, #tpu.memory_space<hbm>> -> memref<64xi32, #tpu.memory_space<hbm>>
        tpu.wait_dma2 semaphore(%run_scoped3A : memref<!tpu.dma_semaphore, #tpu.memory_space<semaphore_mem>>) src(%dma_wait3A_55 : memref<64xi32, #tpu.memory_space<hbm>>) dst(%arg11 : memref<64xi32, #tpu.memory_space<vmem>>)
        tpu.yield
      }) : () -> ()
      %scan3A = arith.constant 0 : i32
      %scan3A_50 = arith.constant 157 : i32
      %scan3A_51 = arith.addi %scan3A, %scan3A_50 : i32
      %scan3A_52 = arith.constant 1 : i32
      scf.for %scan3A_54 = %scan3A to %scan3A_51 step %scan3A_52  : i32 {
        %dma_start3A = arith.constant 0 : i32
        %dma_start3A_55 = arith.constant 0 : i32
        %dma_start3A_56 = tpu.memref_slice %arg15[%dma_start3A, %dma_start3A_55] : memref<10240x128xf32, #tpu.memory_space<vmem_shared>> -> memref<10240x128xf32, #tpu.memory_space<vmem_shared>>
        tpu.enqueue_indirect_dma source(%arg13 : memref<64x128xf32, #tpu.memory_space<vmem>>) target(%dma_start3A_56 : memref<10240x128xf32, #tpu.memory_space<vmem_shared>>) offsets(%arg11 : memref<64xi32, #tpu.memory_space<vmem>>) semaphore(%arg16 : memref<!tpu.dma_semaphore, #tpu.memory_space<semaphore_mem>>) {add = true}
        %mul3A_57 = arith.constant 2 : i32
        %mul3A_58 = arith.muli %mul3A_57, %scan3A_54 : i32
        %add3A_59 = arith.constant 1 : i32
        %add3A_60 = arith.addi %mul3A_58, %add3A_59 : i32
        %mul3A_61 = arith.constant 64 : i32
        %mul3A_62 = arith.muli %add3A_60, %mul3A_61 : i32
        %add3A_63 = arith.addi %add3A_47, %mul3A_62 : i32
        %multiple_of3A_64 = tpu.assume_multiple %add3A_63, 64 : i32
        "tpu.region"() ({
          %run_scoped3A = tpu.sem_alloc : memref<!tpu.dma_semaphore, #tpu.memory_space<semaphore_mem>>
          %dma_start3A_77 = tpu.memref_slice %arg3[%multiple_of3A_64] : memref<643072xi32, #tpu.memory_space<hbm>> -> memref<64xi32, #tpu.memory_space<hbm>>
          %dma_start3A_78 = tpu.memref_slice %arg3[%multiple_of3A_64] : memref<643072xi32, #tpu.memory_space<hbm>> -> memref<64xi32, #tpu.memory_space<hbm>>
          tpu.enqueue_dma source(%dma_start3A_78 : memref<64xi32, #tpu.memory_space<hbm>>) target(%arg12 : memref<64xi32, #tpu.memory_space<vmem>>) target_semaphore(%run_scoped3A : memref<!tpu.dma_semaphore, #tpu.memory_space<semaphore_mem>>)
          %dma_wait3A_79 = tpu.memref_slice %arg3[%multiple_of3A_64] : memref<643072xi32, #tpu.memory_space<hbm>> -> memref<64xi32, #tpu.memory_space<hbm>>
          %dma_wait3A_80 = tpu.memref_slice %arg3[%multiple_of3A_64] : memref<643072xi32, #tpu.memory_space<hbm>> -> memref<64xi32, #tpu.memory_space<hbm>>
          tpu.wait_dma2 semaphore(%run_scoped3A : memref<!tpu.dma_semaphore, #tpu.memory_space<semaphore_mem>>) src(%dma_wait3A_80 : memref<64xi32, #tpu.memory_space<hbm>>) dst(%arg12 : memref<64xi32, #tpu.memory_space<vmem>>)
          tpu.yield
        }) : () -> ()
        %dma_start3A_65 = arith.constant 0 : i32
        %dma_start3A_66 = arith.constant 0 : i32
        %dma_start3A_67 = tpu.memref_slice %arg15[%dma_start3A_65, %dma_start3A_66] : memref<10240x128xf32, #tpu.memory_space<vmem_shared>> -> memref<10240x128xf32, #tpu.memory_space<vmem_shared>>
        tpu.enqueue_indirect_dma source(%arg13 : memref<64x128xf32, #tpu.memory_space<vmem>>) target(%dma_start3A_67 : memref<10240x128xf32, #tpu.memory_space<vmem_shared>>) offsets(%arg12 : memref<64xi32, #tpu.memory_space<vmem>>) semaphore(%arg17 : memref<!tpu.dma_semaphore, #tpu.memory_space<semaphore_mem>>) {add = true}
        %dma_wait3A = arith.constant 0 : i32
        %dma_wait3A_68 = arith.constant 0 : i32
        %dma_wait3A_69 = tpu.memref_slice %arg15[%dma_wait3A, %dma_wait3A_68] : memref<10240x128xf32, #tpu.memory_space<vmem_shared>> -> memref<10240x128xf32, #tpu.memory_space<vmem_shared>>
        tpu.wait_indirect_dma semaphore(%arg16 : memref<!tpu.dma_semaphore, #tpu.memory_space<semaphore_mem>>) src(%arg13 : memref<64x128xf32, #tpu.memory_space<vmem>>) dst(%dma_wait3A_69 : memref<10240x128xf32, #tpu.memory_space<vmem_shared>>)
        %lt3A = arith.constant 156 : i32
        %lt3A_70 = arith.cmpi slt, %scan3A_54, %lt3A : i32
        %convert_element_type3A_71 = arith.extui %lt3A_70 : i1 to i32
        %cond3A_72 = arith.constant 0 : i32
        %cond3A_73 = arith.cmpi ne, %convert_element_type3A_71, %cond3A_72 : i32
        scf.if %cond3A_73 {
          %mul3A_77 = arith.constant 2 : i32
          %mul3A_78 = arith.muli %mul3A_77, %scan3A_54 : i32
          %add3A_79 = arith.constant 2 : i32
          %add3A_80 = arith.addi %mul3A_78, %add3A_79 : i32
          %mul3A_81 = arith.constant 64 : i32
          %mul3A_82 = arith.muli %add3A_80, %mul3A_81 : i32
          %add3A_83 = arith.addi %add3A_47, %mul3A_82 : i32
          %multiple_of3A_84 = tpu.assume_multiple %add3A_83, 64 : i32
          "tpu.region"() ({
            %run_scoped3A = tpu.sem_alloc : memref<!tpu.dma_semaphore, #tpu.memory_space<semaphore_mem>>
            %dma_start3A_85 = tpu.memref_slice %arg3[%multiple_of3A_84] : memref<643072xi32, #tpu.memory_space<hbm>> -> memref<64xi32, #tpu.memory_space<hbm>>
            %dma_start3A_86 = tpu.memref_slice %arg3[%multiple_of3A_84] : memref<643072xi32, #tpu.memory_space<hbm>> -> memref<64xi32, #tpu.memory_space<hbm>>
            tpu.enqueue_dma source(%dma_start3A_86 : memref<64xi32, #tpu.memory_space<hbm>>) target(%arg11 : memref<64xi32, #tpu.memory_space<vmem>>) target_semaphore(%run_scoped3A : memref<!tpu.dma_semaphore, #tpu.memory_space<semaphore_mem>>)
            %dma_wait3A_87 = tpu.memref_slice %arg3[%multiple_of3A_84] : memref<643072xi32, #tpu.memory_space<hbm>> -> memref<64xi32, #tpu.memory_space<hbm>>
            %dma_wait3A_88 = tpu.memref_slice %arg3[%multiple_of3A_84] : memref<643072xi32, #tpu.memory_space<hbm>> -> memref<64xi32, #tpu.memory_space<hbm>>
            tpu.wait_dma2 semaphore(%run_scoped3A : memref<!tpu.dma_semaphore, #tpu.memory_space<semaphore_mem>>) src(%dma_wait3A_88 : memref<64xi32, #tpu.memory_space<hbm>>) dst(%arg11 : memref<64xi32, #tpu.memory_space<vmem>>)
            tpu.yield
          }) : () -> ()
        } else {
        }
        %dma_wait3A_74 = arith.constant 0 : i32
        %dma_wait3A_75 = arith.constant 0 : i32
        %dma_wait3A_76 = tpu.memref_slice %arg15[%dma_wait3A_74, %dma_wait3A_75] : memref<10240x128xf32, #tpu.memory_space<vmem_shared>> -> memref<10240x128xf32, #tpu.memory_space<vmem_shared>>
        tpu.wait_indirect_dma semaphore(%arg17 : memref<!tpu.dma_semaphore, #tpu.memory_space<semaphore_mem>>) src(%arg13 : memref<64x128xf32, #tpu.memory_space<vmem>>) dst(%dma_wait3A_76 : memref<10240x128xf32, #tpu.memory_space<vmem_shared>>)
      }
      %scan3A_53 = arith.constant 157 : i32
    } else {
    }
    %barrier3A_29 = arith.constant 0 : index
    tpu.barrier barrier_id(%barrier3A_29)
    %convert_element_type3A_30 = arith.extui %eq3A_0 : i1 to i32
    %cond3A_31 = arith.constant 0 : i32
    %cond3A_32 = arith.cmpi ne, %convert_element_type3A_30, %cond3A_31 : i32
    scf.if %cond3A_32 {
      %mul3A = arith.constant 640 : i32
      %mul3A_46 = arith.muli %arg1, %mul3A : i32
      %run_scoped3A = arith.constant 0 : i32
      "tpu.region"() ({
        %run_scoped3A_47 = tpu.sem_alloc : memref<!tpu.dma_semaphore, #tpu.memory_space<semaphore_mem>>
        %dma_start3A = arith.constant 0 : i32
        %dma_start3A_48 = tpu.memref_slice %arg8[%run_scoped3A, %mul3A_46, %dma_start3A] : memref<2x10240x128xf32, #tpu.memory_space<hbm>> -> memref<1x640x128xf32, #tpu.memory_space<hbm>>
        %dma_start3A_49 = tpu.memref_squeeze %dma_start3A_48 : memref<1x640x128xf32, #tpu.memory_space<hbm>> -> memref<640x128xf32, #tpu.memory_space<hbm>>
        %dma_start3A_50 = arith.constant 0 : i32
        %dma_start3A_51 = tpu.memref_slice %arg15[%mul3A_46, %dma_start3A_50] : memref<10240x128xf32, #tpu.memory_space<vmem_shared>> -> memref<640x128xf32, #tpu.memory_space<vmem_shared>>
        tpu.enqueue_dma source(%dma_start3A_51 : memref<640x128xf32, #tpu.memory_space<vmem_shared>>) target(%dma_start3A_49 : memref<640x128xf32, #tpu.memory_space<hbm>>) target_semaphore(%run_scoped3A_47 : memref<!tpu.dma_semaphore, #tpu.memory_space<semaphore_mem>>)
        %dma_wait3A = arith.constant 0 : i32
        %dma_wait3A_52 = tpu.memref_slice %arg8[%run_scoped3A, %mul3A_46, %dma_wait3A] : memref<2x10240x128xf32, #tpu.memory_space<hbm>> -> memref<1x640x128xf32, #tpu.memory_space<hbm>>
        %dma_wait3A_53 = tpu.memref_squeeze %dma_wait3A_52 : memref<1x640x128xf32, #tpu.memory_space<hbm>> -> memref<640x128xf32, #tpu.memory_space<hbm>>
        %dma_wait3A_54 = arith.constant 0 : i32
        %dma_wait3A_55 = tpu.memref_slice %arg15[%mul3A_46, %dma_wait3A_54] : memref<10240x128xf32, #tpu.memory_space<vmem_shared>> -> memref<640x128xf32, #tpu.memory_space<vmem_shared>>
        tpu.wait_dma2 semaphore(%run_scoped3A_47 : memref<!tpu.dma_semaphore, #tpu.memory_space<semaphore_mem>>) src(%dma_wait3A_55 : memref<640x128xf32, #tpu.memory_space<vmem_shared>>) dst(%dma_wait3A_53 : memref<640x128xf32, #tpu.memory_space<hbm>>)
        tpu.yield
      }) : () -> ()
    } else {
    }
    %barrier3A_33 = arith.constant 0 : index
    tpu.barrier barrier_id(%barrier3A_33)
    %convert_element_type3A_34 = arith.extui %eq3A_0 : i1 to i32
    %cond3A_35 = arith.constant 0 : i32
    %cond3A_36 = arith.cmpi ne, %convert_element_type3A_34, %cond3A_35 : i32
    scf.if %cond3A_36 {
      "tpu.region"() ({
        %run_scoped3A = tpu.sem_alloc : memref<!tpu.dma_semaphore, #tpu.memory_space<semaphore_mem>>
        tpu.enqueue_dma source(%arg5 : memref<64x128xf32, #tpu.memory_space<hbm>>) target(%arg13 : memref<64x128xf32, #tpu.memory_space<vmem>>) target_semaphore(%run_scoped3A : memref<!tpu.dma_semaphore, #tpu.memory_space<semaphore_mem>>)
        tpu.wait_dma2 semaphore(%run_scoped3A : memref<!tpu.dma_semaphore, #tpu.memory_space<semaphore_mem>>) src(%arg5 : memref<64x128xf32, #tpu.memory_space<hbm>>) dst(%arg13 : memref<64x128xf32, #tpu.memory_space<vmem>>)
        tpu.yield
      }) : () -> ()
      %add3A = arith.constant 0 : i32
      %add3A_46 = arith.addi %add3A, %arg1 : i32
      %mul3A = arith.constant 64 : i32
      %mul3A_47 = arith.muli %add3A_46, %mul3A : i32
      "tpu.region"() ({
        %run_scoped3A = tpu.sem_alloc : memref<!tpu.dma_semaphore, #tpu.memory_space<semaphore_mem>>
        %dma_start3A = arith.constant 0 : i32
        %dma_start3A_84 = tpu.memref_slice %arg15[%mul3A_47, %dma_start3A] : memref<10240x128xf32, #tpu.memory_space<vmem_shared>> -> memref<64x128xf32, #tpu.memory_space<vmem_shared>>
        %dma_start3A_85 = arith.constant 0 : i32
        %dma_start3A_86 = tpu.memref_slice %arg15[%mul3A_47, %dma_start3A_85] : memref<10240x128xf32, #tpu.memory_space<vmem_shared>> -> memref<64x128xf32, #tpu.memory_space<vmem_shared>>
        tpu.enqueue_dma source(%arg13 : memref<64x128xf32, #tpu.memory_space<vmem>>) target(%dma_start3A_86 : memref<64x128xf32, #tpu.memory_space<vmem_shared>>) target_semaphore(%run_scoped3A : memref<!tpu.dma_semaphore, #tpu.memory_space<semaphore_mem>>)
        %dma_wait3A = arith.constant 0 : i32
        %dma_wait3A_87 = tpu.memref_slice %arg15[%mul3A_47, %dma_wait3A] : memref<10240x128xf32, #tpu.memory_space<vmem_shared>> -> memref<64x128xf32, #tpu.memory_space<vmem_shared>>
        %dma_wait3A_88 = arith.constant 0 : i32
        %dma_wait3A_89 = tpu.memref_slice %arg15[%mul3A_47, %dma_wait3A_88] : memref<10240x128xf32, #tpu.memory_space<vmem_shared>> -> memref<64x128xf32, #tpu.memory_space<vmem_shared>>
        tpu.wait_dma2 semaphore(%run_scoped3A : memref<!tpu.dma_semaphore, #tpu.memory_space<semaphore_mem>>) src(%arg13 : memref<64x128xf32, #tpu.memory_space<vmem>>) dst(%dma_wait3A_89 : memref<64x128xf32, #tpu.memory_space<vmem_shared>>)
        tpu.yield
      }) : () -> ()
      %add3A_48 = arith.constant 16 : i32
      %add3A_49 = arith.addi %add3A_48, %arg1 : i32
      %mul3A_50 = arith.constant 64 : i32
      %mul3A_51 = arith.muli %add3A_49, %mul3A_50 : i32
      "tpu.region"() ({
        %run_scoped3A = tpu.sem_alloc : memref<!tpu.dma_semaphore, #tpu.memory_space<semaphore_mem>>
        %dma_start3A = arith.constant 0 : i32
        %dma_start3A_84 = tpu.memref_slice %arg15[%mul3A_51, %dma_start3A] : memref<10240x128xf32, #tpu.memory_space<vmem_shared>> -> memref<64x128xf32, #tpu.memory_space<vmem_shared>>
        %dma_start3A_85 = arith.constant 0 : i32
        %dma_start3A_86 = tpu.memref_slice %arg15[%mul3A_51, %dma_start3A_85] : memref<10240x128xf32, #tpu.memory_space<vmem_shared>> -> memref<64x128xf32, #tpu.memory_space<vmem_shared>>
        tpu.enqueue_dma source(%arg13 : memref<64x128xf32, #tpu.memory_space<vmem>>) target(%dma_start3A_86 : memref<64x128xf32, #tpu.memory_space<vmem_shared>>) target_semaphore(%run_scoped3A : memref<!tpu.dma_semaphore, #tpu.memory_space<semaphore_mem>>)
        %dma_wait3A = arith.constant 0 : i32
        %dma_wait3A_87 = tpu.memref_slice %arg15[%mul3A_51, %dma_wait3A] : memref<10240x128xf32, #tpu.memory_space<vmem_shared>> -> memref<64x128xf32, #tpu.memory_space<vmem_shared>>
        %dma_wait3A_88 = arith.constant 0 : i32
        %dma_wait3A_89 = tpu.memref_slice %arg15[%mul3A_51, %dma_wait3A_88] : memref<10240x128xf32, #tpu.memory_space<vmem_shared>> -> memref<64x128xf32, #tpu.memory_space<vmem_shared>>
        tpu.wait_dma2 semaphore(%run_scoped3A : memref<!tpu.dma_semaphore, #tpu.memory_space<semaphore_mem>>) src(%arg13 : memref<64x128xf32, #tpu.memory_space<vmem>>) dst(%dma_wait3A_89 : memref<64x128xf32, #tpu.memory_space<vmem_shared>>)
        tpu.yield
      }) : () -> ()
      %add3A_52 = arith.constant 32 : i32
      %add3A_53 = arith.addi %add3A_52, %arg1 : i32
      %mul3A_54 = arith.constant 64 : i32
      %mul3A_55 = arith.muli %add3A_53, %mul3A_54 : i32
      "tpu.region"() ({
        %run_scoped3A = tpu.sem_alloc : memref<!tpu.dma_semaphore, #tpu.memory_space<semaphore_mem>>
        %dma_start3A = arith.constant 0 : i32
        %dma_start3A_84 = tpu.memref_slice %arg15[%mul3A_55, %dma_start3A] : memref<10240x128xf32, #tpu.memory_space<vmem_shared>> -> memref<64x128xf32, #tpu.memory_space<vmem_shared>>
        %dma_start3A_85 = arith.constant 0 : i32
        %dma_start3A_86 = tpu.memref_slice %arg15[%mul3A_55, %dma_start3A_85] : memref<10240x128xf32, #tpu.memory_space<vmem_shared>> -> memref<64x128xf32, #tpu.memory_space<vmem_shared>>
        tpu.enqueue_dma source(%arg13 : memref<64x128xf32, #tpu.memory_space<vmem>>) target(%dma_start3A_86 : memref<64x128xf32, #tpu.memory_space<vmem_shared>>) target_semaphore(%run_scoped3A : memref<!tpu.dma_semaphore, #tpu.memory_space<semaphore_mem>>)
        %dma_wait3A = arith.constant 0 : i32
        %dma_wait3A_87 = tpu.memref_slice %arg15[%mul3A_55, %dma_wait3A] : memref<10240x128xf32, #tpu.memory_space<vmem_shared>> -> memref<64x128xf32, #tpu.memory_space<vmem_shared>>
        %dma_wait3A_88 = arith.constant 0 : i32
        %dma_wait3A_89 = tpu.memref_slice %arg15[%mul3A_55, %dma_wait3A_88] : memref<10240x128xf32, #tpu.memory_space<vmem_shared>> -> memref<64x128xf32, #tpu.memory_space<vmem_shared>>
        tpu.wait_dma2 semaphore(%run_scoped3A : memref<!tpu.dma_semaphore, #tpu.memory_space<semaphore_mem>>) src(%arg13 : memref<64x128xf32, #tpu.memory_space<vmem>>) dst(%dma_wait3A_89 : memref<64x128xf32, #tpu.memory_space<vmem_shared>>)
        tpu.yield
      }) : () -> ()
      %add3A_56 = arith.constant 48 : i32
      %add3A_57 = arith.addi %add3A_56, %arg1 : i32
      %mul3A_58 = arith.constant 64 : i32
      %mul3A_59 = arith.muli %add3A_57, %mul3A_58 : i32
      "tpu.region"() ({
        %run_scoped3A = tpu.sem_alloc : memref<!tpu.dma_semaphore, #tpu.memory_space<semaphore_mem>>
        %dma_start3A = arith.constant 0 : i32
        %dma_start3A_84 = tpu.memref_slice %arg15[%mul3A_59, %dma_start3A] : memref<10240x128xf32, #tpu.memory_space<vmem_shared>> -> memref<64x128xf32, #tpu.memory_space<vmem_shared>>
        %dma_start3A_85 = arith.constant 0 : i32
        %dma_start3A_86 = tpu.memref_slice %arg15[%mul3A_59, %dma_start3A_85] : memref<10240x128xf32, #tpu.memory_space<vmem_shared>> -> memref<64x128xf32, #tpu.memory_space<vmem_shared>>
        tpu.enqueue_dma source(%arg13 : memref<64x128xf32, #tpu.memory_space<vmem>>) target(%dma_start3A_86 : memref<64x128xf32, #tpu.memory_space<vmem_shared>>) target_semaphore(%run_scoped3A : memref<!tpu.dma_semaphore, #tpu.memory_space<semaphore_mem>>)
        %dma_wait3A = arith.constant 0 : i32
        %dma_wait3A_87 = tpu.memref_slice %arg15[%mul3A_59, %dma_wait3A] : memref<10240x128xf32, #tpu.memory_space<vmem_shared>> -> memref<64x128xf32, #tpu.memory_space<vmem_shared>>
        %dma_wait3A_88 = arith.constant 0 : i32
        %dma_wait3A_89 = tpu.memref_slice %arg15[%mul3A_59, %dma_wait3A_88] : memref<10240x128xf32, #tpu.memory_space<vmem_shared>> -> memref<64x128xf32, #tpu.memory_space<vmem_shared>>
        tpu.wait_dma2 semaphore(%run_scoped3A : memref<!tpu.dma_semaphore, #tpu.memory_space<semaphore_mem>>) src(%arg13 : memref<64x128xf32, #tpu.memory_space<vmem>>) dst(%dma_wait3A_89 : memref<64x128xf32, #tpu.memory_space<vmem_shared>>)
        tpu.yield
      }) : () -> ()
      %add3A_60 = arith.constant 64 : i32
      %add3A_61 = arith.addi %add3A_60, %arg1 : i32
      %mul3A_62 = arith.constant 64 : i32
      %mul3A_63 = arith.muli %add3A_61, %mul3A_62 : i32
      "tpu.region"() ({
        %run_scoped3A = tpu.sem_alloc : memref<!tpu.dma_semaphore, #tpu.memory_space<semaphore_mem>>
        %dma_start3A = arith.constant 0 : i32
        %dma_start3A_84 = tpu.memref_slice %arg15[%mul3A_63, %dma_start3A] : memref<10240x128xf32, #tpu.memory_space<vmem_shared>> -> memref<64x128xf32, #tpu.memory_space<vmem_shared>>
        %dma_start3A_85 = arith.constant 0 : i32
        %dma_start3A_86 = tpu.memref_slice %arg15[%mul3A_63, %dma_start3A_85] : memref<10240x128xf32, #tpu.memory_space<vmem_shared>> -> memref<64x128xf32, #tpu.memory_space<vmem_shared>>
        tpu.enqueue_dma source(%arg13 : memref<64x128xf32, #tpu.memory_space<vmem>>) target(%dma_start3A_86 : memref<64x128xf32, #tpu.memory_space<vmem_shared>>) target_semaphore(%run_scoped3A : memref<!tpu.dma_semaphore, #tpu.memory_space<semaphore_mem>>)
        %dma_wait3A = arith.constant 0 : i32
        %dma_wait3A_87 = tpu.memref_slice %arg15[%mul3A_63, %dma_wait3A] : memref<10240x128xf32, #tpu.memory_space<vmem_shared>> -> memref<64x128xf32, #tpu.memory_space<vmem_shared>>
        %dma_wait3A_88 = arith.constant 0 : i32
        %dma_wait3A_89 = tpu.memref_slice %arg15[%mul3A_63, %dma_wait3A_88] : memref<10240x128xf32, #tpu.memory_space<vmem_shared>> -> memref<64x128xf32, #tpu.memory_space<vmem_shared>>
        tpu.wait_dma2 semaphore(%run_scoped3A : memref<!tpu.dma_semaphore, #tpu.memory_space<semaphore_mem>>) src(%arg13 : memref<64x128xf32, #tpu.memory_space<vmem>>) dst(%dma_wait3A_89 : memref<64x128xf32, #tpu.memory_space<vmem_shared>>)
        tpu.yield
      }) : () -> ()
      %add3A_64 = arith.constant 80 : i32
      %add3A_65 = arith.addi %add3A_64, %arg1 : i32
      %mul3A_66 = arith.constant 64 : i32
      %mul3A_67 = arith.muli %add3A_65, %mul3A_66 : i32
      "tpu.region"() ({
        %run_scoped3A = tpu.sem_alloc : memref<!tpu.dma_semaphore, #tpu.memory_space<semaphore_mem>>
        %dma_start3A = arith.constant 0 : i32
        %dma_start3A_84 = tpu.memref_slice %arg15[%mul3A_67, %dma_start3A] : memref<10240x128xf32, #tpu.memory_space<vmem_shared>> -> memref<64x128xf32, #tpu.memory_space<vmem_shared>>
        %dma_start3A_85 = arith.constant 0 : i32
        %dma_start3A_86 = tpu.memref_slice %arg15[%mul3A_67, %dma_start3A_85] : memref<10240x128xf32, #tpu.memory_space<vmem_shared>> -> memref<64x128xf32, #tpu.memory_space<vmem_shared>>
        tpu.enqueue_dma source(%arg13 : memref<64x128xf32, #tpu.memory_space<vmem>>) target(%dma_start3A_86 : memref<64x128xf32, #tpu.memory_space<vmem_shared>>) target_semaphore(%run_scoped3A : memref<!tpu.dma_semaphore, #tpu.memory_space<semaphore_mem>>)
        %dma_wait3A = arith.constant 0 : i32
        %dma_wait3A_87 = tpu.memref_slice %arg15[%mul3A_67, %dma_wait3A] : memref<10240x128xf32, #tpu.memory_space<vmem_shared>> -> memref<64x128xf32, #tpu.memory_space<vmem_shared>>
        %dma_wait3A_88 = arith.constant 0 : i32
        %dma_wait3A_89 = tpu.memref_slice %arg15[%mul3A_67, %dma_wait3A_88] : memref<10240x128xf32, #tpu.memory_space<vmem_shared>> -> memref<64x128xf32, #tpu.memory_space<vmem_shared>>
        tpu.wait_dma2 semaphore(%run_scoped3A : memref<!tpu.dma_semaphore, #tpu.memory_space<semaphore_mem>>) src(%arg13 : memref<64x128xf32, #tpu.memory_space<vmem>>) dst(%dma_wait3A_89 : memref<64x128xf32, #tpu.memory_space<vmem_shared>>)
        tpu.yield
      }) : () -> ()
      %add3A_68 = arith.constant 96 : i32
      %add3A_69 = arith.addi %add3A_68, %arg1 : i32
      %mul3A_70 = arith.constant 64 : i32
      %mul3A_71 = arith.muli %add3A_69, %mul3A_70 : i32
      "tpu.region"() ({
        %run_scoped3A = tpu.sem_alloc : memref<!tpu.dma_semaphore, #tpu.memory_space<semaphore_mem>>
        %dma_start3A = arith.constant 0 : i32
        %dma_start3A_84 = tpu.memref_slice %arg15[%mul3A_71, %dma_start3A] : memref<10240x128xf32, #tpu.memory_space<vmem_shared>> -> memref<64x128xf32, #tpu.memory_space<vmem_shared>>
        %dma_start3A_85 = arith.constant 0 : i32
        %dma_start3A_86 = tpu.memref_slice %arg15[%mul3A_71, %dma_start3A_85] : memref<10240x128xf32, #tpu.memory_space<vmem_shared>> -> memref<64x128xf32, #tpu.memory_space<vmem_shared>>
        tpu.enqueue_dma source(%arg13 : memref<64x128xf32, #tpu.memory_space<vmem>>) target(%dma_start3A_86 : memref<64x128xf32, #tpu.memory_space<vmem_shared>>) target_semaphore(%run_scoped3A : memref<!tpu.dma_semaphore, #tpu.memory_space<semaphore_mem>>)
        %dma_wait3A = arith.constant 0 : i32
        %dma_wait3A_87 = tpu.memref_slice %arg15[%mul3A_71, %dma_wait3A] : memref<10240x128xf32, #tpu.memory_space<vmem_shared>> -> memref<64x128xf32, #tpu.memory_space<vmem_shared>>
        %dma_wait3A_88 = arith.constant 0 : i32
        %dma_wait3A_89 = tpu.memref_slice %arg15[%mul3A_71, %dma_wait3A_88] : memref<10240x128xf32, #tpu.memory_space<vmem_shared>> -> memref<64x128xf32, #tpu.memory_space<vmem_shared>>
        tpu.wait_dma2 semaphore(%run_scoped3A : memref<!tpu.dma_semaphore, #tpu.memory_space<semaphore_mem>>) src(%arg13 : memref<64x128xf32, #tpu.memory_space<vmem>>) dst(%dma_wait3A_89 : memref<64x128xf32, #tpu.memory_space<vmem_shared>>)
        tpu.yield
      }) : () -> ()
      %add3A_72 = arith.constant 112 : i32
      %add3A_73 = arith.addi %add3A_72, %arg1 : i32
      %mul3A_74 = arith.constant 64 : i32
      %mul3A_75 = arith.muli %add3A_73, %mul3A_74 : i32
      "tpu.region"() ({
        %run_scoped3A = tpu.sem_alloc : memref<!tpu.dma_semaphore, #tpu.memory_space<semaphore_mem>>
        %dma_start3A = arith.constant 0 : i32
        %dma_start3A_84 = tpu.memref_slice %arg15[%mul3A_75, %dma_start3A] : memref<10240x128xf32, #tpu.memory_space<vmem_shared>> -> memref<64x128xf32, #tpu.memory_space<vmem_shared>>
        %dma_start3A_85 = arith.constant 0 : i32
        %dma_start3A_86 = tpu.memref_slice %arg15[%mul3A_75, %dma_start3A_85] : memref<10240x128xf32, #tpu.memory_space<vmem_shared>> -> memref<64x128xf32, #tpu.memory_space<vmem_shared>>
        tpu.enqueue_dma source(%arg13 : memref<64x128xf32, #tpu.memory_space<vmem>>) target(%dma_start3A_86 : memref<64x128xf32, #tpu.memory_space<vmem_shared>>) target_semaphore(%run_scoped3A : memref<!tpu.dma_semaphore, #tpu.memory_space<semaphore_mem>>)
        %dma_wait3A = arith.constant 0 : i32
        %dma_wait3A_87 = tpu.memref_slice %arg15[%mul3A_75, %dma_wait3A] : memref<10240x128xf32, #tpu.memory_space<vmem_shared>> -> memref<64x128xf32, #tpu.memory_space<vmem_shared>>
        %dma_wait3A_88 = arith.constant 0 : i32
        %dma_wait3A_89 = tpu.memref_slice %arg15[%mul3A_75, %dma_wait3A_88] : memref<10240x128xf32, #tpu.memory_space<vmem_shared>> -> memref<64x128xf32, #tpu.memory_space<vmem_shared>>
        tpu.wait_dma2 semaphore(%run_scoped3A : memref<!tpu.dma_semaphore, #tpu.memory_space<semaphore_mem>>) src(%arg13 : memref<64x128xf32, #tpu.memory_space<vmem>>) dst(%dma_wait3A_89 : memref<64x128xf32, #tpu.memory_space<vmem_shared>>)
        tpu.yield
      }) : () -> ()
      %add3A_76 = arith.constant 128 : i32
      %add3A_77 = arith.addi %add3A_76, %arg1 : i32
      %mul3A_78 = arith.constant 64 : i32
      %mul3A_79 = arith.muli %add3A_77, %mul3A_78 : i32
      "tpu.region"() ({
        %run_scoped3A = tpu.sem_alloc : memref<!tpu.dma_semaphore, #tpu.memory_space<semaphore_mem>>
        %dma_start3A = arith.constant 0 : i32
        %dma_start3A_84 = tpu.memref_slice %arg15[%mul3A_79, %dma_start3A] : memref<10240x128xf32, #tpu.memory_space<vmem_shared>> -> memref<64x128xf32, #tpu.memory_space<vmem_shared>>
        %dma_start3A_85 = arith.constant 0 : i32
        %dma_start3A_86 = tpu.memref_slice %arg15[%mul3A_79, %dma_start3A_85] : memref<10240x128xf32, #tpu.memory_space<vmem_shared>> -> memref<64x128xf32, #tpu.memory_space<vmem_shared>>
        tpu.enqueue_dma source(%arg13 : memref<64x128xf32, #tpu.memory_space<vmem>>) target(%dma_start3A_86 : memref<64x128xf32, #tpu.memory_space<vmem_shared>>) target_semaphore(%run_scoped3A : memref<!tpu.dma_semaphore, #tpu.memory_space<semaphore_mem>>)
        %dma_wait3A = arith.constant 0 : i32
        %dma_wait3A_87 = tpu.memref_slice %arg15[%mul3A_79, %dma_wait3A] : memref<10240x128xf32, #tpu.memory_space<vmem_shared>> -> memref<64x128xf32, #tpu.memory_space<vmem_shared>>
        %dma_wait3A_88 = arith.constant 0 : i32
        %dma_wait3A_89 = tpu.memref_slice %arg15[%mul3A_79, %dma_wait3A_88] : memref<10240x128xf32, #tpu.memory_space<vmem_shared>> -> memref<64x128xf32, #tpu.memory_space<vmem_shared>>
        tpu.wait_dma2 semaphore(%run_scoped3A : memref<!tpu.dma_semaphore, #tpu.memory_space<semaphore_mem>>) src(%arg13 : memref<64x128xf32, #tpu.memory_space<vmem>>) dst(%dma_wait3A_89 : memref<64x128xf32, #tpu.memory_space<vmem_shared>>)
        tpu.yield
      }) : () -> ()
      %add3A_80 = arith.constant 144 : i32
      %add3A_81 = arith.addi %add3A_80, %arg1 : i32
      %mul3A_82 = arith.constant 64 : i32
      %mul3A_83 = arith.muli %add3A_81, %mul3A_82 : i32
      "tpu.region"() ({
        %run_scoped3A = tpu.sem_alloc : memref<!tpu.dma_semaphore, #tpu.memory_space<semaphore_mem>>
        %dma_start3A = arith.constant 0 : i32
        %dma_start3A_84 = tpu.memref_slice %arg15[%mul3A_83, %dma_start3A] : memref<10240x128xf32, #tpu.memory_space<vmem_shared>> -> memref<64x128xf32, #tpu.memory_space<vmem_shared>>
        %dma_start3A_85 = arith.constant 0 : i32
        %dma_start3A_86 = tpu.memref_slice %arg15[%mul3A_83, %dma_start3A_85] : memref<10240x128xf32, #tpu.memory_space<vmem_shared>> -> memref<64x128xf32, #tpu.memory_space<vmem_shared>>
        tpu.enqueue_dma source(%arg13 : memref<64x128xf32, #tpu.memory_space<vmem>>) target(%dma_start3A_86 : memref<64x128xf32, #tpu.memory_space<vmem_shared>>) target_semaphore(%run_scoped3A : memref<!tpu.dma_semaphore, #tpu.memory_space<semaphore_mem>>)
        %dma_wait3A = arith.constant 0 : i32
        %dma_wait3A_87 = tpu.memref_slice %arg15[%mul3A_83, %dma_wait3A] : memref<10240x128xf32, #tpu.memory_space<vmem_shared>> -> memref<64x128xf32, #tpu.memory_space<vmem_shared>>
        %dma_wait3A_88 = arith.constant 0 : i32
        %dma_wait3A_89 = tpu.memref_slice %arg15[%mul3A_83, %dma_wait3A_88] : memref<10240x128xf32, #tpu.memory_space<vmem_shared>> -> memref<64x128xf32, #tpu.memory_space<vmem_shared>>
        tpu.wait_dma2 semaphore(%run_scoped3A : memref<!tpu.dma_semaphore, #tpu.memory_space<semaphore_mem>>) src(%arg13 : memref<64x128xf32, #tpu.memory_space<vmem>>) dst(%dma_wait3A_89 : memref<64x128xf32, #tpu.memory_space<vmem_shared>>)
        tpu.yield
      }) : () -> ()
    } else {
    }
    %barrier3A_37 = arith.constant 0 : index
    tpu.barrier barrier_id(%barrier3A_37)
    %convert_element_type3A_38 = arith.extui %eq3A_0 : i1 to i32
    %cond3A_39 = arith.constant 0 : i32
    %cond3A_40 = arith.cmpi ne, %convert_element_type3A_38, %cond3A_39 : i32
    scf.if %cond3A_40 {
      %mul3A = arith.constant 20096 : i32
      %mul3A_46 = arith.muli %arg1, %mul3A : i32
      %add3A = arith.constant 321536 : i32
      %add3A_47 = arith.addi %add3A, %mul3A_46 : i32
      "tpu.region"() ({
        %run_scoped3A = tpu.sem_alloc : memref<!tpu.dma_semaphore, #tpu.memory_space<semaphore_mem>>
        tpu.enqueue_dma source(%arg6 : memref<64x128xf32, #tpu.memory_space<hbm>>) target(%arg13 : memref<64x128xf32, #tpu.memory_space<vmem>>) target_semaphore(%run_scoped3A : memref<!tpu.dma_semaphore, #tpu.memory_space<semaphore_mem>>)
        tpu.wait_dma2 semaphore(%run_scoped3A : memref<!tpu.dma_semaphore, #tpu.memory_space<semaphore_mem>>) src(%arg6 : memref<64x128xf32, #tpu.memory_space<hbm>>) dst(%arg13 : memref<64x128xf32, #tpu.memory_space<vmem>>)
        tpu.yield
      }) : () -> ()
      %add3A_48 = arith.constant 0 : i32
      %add3A_49 = arith.addi %add3A_47, %add3A_48 : i32
      %multiple_of3A = tpu.assume_multiple %add3A_49, 64 : i32
      "tpu.region"() ({
        %run_scoped3A = tpu.sem_alloc : memref<!tpu.dma_semaphore, #tpu.memory_space<semaphore_mem>>
        %dma_start3A = tpu.memref_slice %arg3[%multiple_of3A] : memref<643072xi32, #tpu.memory_space<hbm>> -> memref<64xi32, #tpu.memory_space<hbm>>
        %dma_start3A_54 = tpu.memref_slice %arg3[%multiple_of3A] : memref<643072xi32, #tpu.memory_space<hbm>> -> memref<64xi32, #tpu.memory_space<hbm>>
        tpu.enqueue_dma source(%dma_start3A_54 : memref<64xi32, #tpu.memory_space<hbm>>) target(%arg11 : memref<64xi32, #tpu.memory_space<vmem>>) target_semaphore(%run_scoped3A : memref<!tpu.dma_semaphore, #tpu.memory_space<semaphore_mem>>)
        %dma_wait3A = tpu.memref_slice %arg3[%multiple_of3A] : memref<643072xi32, #tpu.memory_space<hbm>> -> memref<64xi32, #tpu.memory_space<hbm>>
        %dma_wait3A_55 = tpu.memref_slice %arg3[%multiple_of3A] : memref<643072xi32, #tpu.memory_space<hbm>> -> memref<64xi32, #tpu.memory_space<hbm>>
        tpu.wait_dma2 semaphore(%run_scoped3A : memref<!tpu.dma_semaphore, #tpu.memory_space<semaphore_mem>>) src(%dma_wait3A_55 : memref<64xi32, #tpu.memory_space<hbm>>) dst(%arg11 : memref<64xi32, #tpu.memory_space<vmem>>)
        tpu.yield
      }) : () -> ()
      %scan3A = arith.constant 0 : i32
      %scan3A_50 = arith.constant 157 : i32
      %scan3A_51 = arith.addi %scan3A, %scan3A_50 : i32
      %scan3A_52 = arith.constant 1 : i32
      scf.for %scan3A_54 = %scan3A to %scan3A_51 step %scan3A_52  : i32 {
        %dma_start3A = arith.constant 0 : i32
        %dma_start3A_55 = arith.constant 0 : i32
        %dma_start3A_56 = tpu.memref_slice %arg15[%dma_start3A, %dma_start3A_55] : memref<10240x128xf32, #tpu.memory_space<vmem_shared>> -> memref<10240x128xf32, #tpu.memory_space<vmem_shared>>
        tpu.enqueue_indirect_dma source(%arg13 : memref<64x128xf32, #tpu.memory_space<vmem>>) target(%dma_start3A_56 : memref<10240x128xf32, #tpu.memory_space<vmem_shared>>) offsets(%arg11 : memref<64xi32, #tpu.memory_space<vmem>>) semaphore(%arg16 : memref<!tpu.dma_semaphore, #tpu.memory_space<semaphore_mem>>) {add = true}
        %mul3A_57 = arith.constant 2 : i32
        %mul3A_58 = arith.muli %mul3A_57, %scan3A_54 : i32
        %add3A_59 = arith.constant 1 : i32
        %add3A_60 = arith.addi %mul3A_58, %add3A_59 : i32
        %mul3A_61 = arith.constant 64 : i32
        %mul3A_62 = arith.muli %add3A_60, %mul3A_61 : i32
        %add3A_63 = arith.addi %add3A_47, %mul3A_62 : i32
        %multiple_of3A_64 = tpu.assume_multiple %add3A_63, 64 : i32
        "tpu.region"() ({
          %run_scoped3A = tpu.sem_alloc : memref<!tpu.dma_semaphore, #tpu.memory_space<semaphore_mem>>
          %dma_start3A_77 = tpu.memref_slice %arg3[%multiple_of3A_64] : memref<643072xi32, #tpu.memory_space<hbm>> -> memref<64xi32, #tpu.memory_space<hbm>>
          %dma_start3A_78 = tpu.memref_slice %arg3[%multiple_of3A_64] : memref<643072xi32, #tpu.memory_space<hbm>> -> memref<64xi32, #tpu.memory_space<hbm>>
          tpu.enqueue_dma source(%dma_start3A_78 : memref<64xi32, #tpu.memory_space<hbm>>) target(%arg12 : memref<64xi32, #tpu.memory_space<vmem>>) target_semaphore(%run_scoped3A : memref<!tpu.dma_semaphore, #tpu.memory_space<semaphore_mem>>)
          %dma_wait3A_79 = tpu.memref_slice %arg3[%multiple_of3A_64] : memref<643072xi32, #tpu.memory_space<hbm>> -> memref<64xi32, #tpu.memory_space<hbm>>
          %dma_wait3A_80 = tpu.memref_slice %arg3[%multiple_of3A_64] : memref<643072xi32, #tpu.memory_space<hbm>> -> memref<64xi32, #tpu.memory_space<hbm>>
          tpu.wait_dma2 semaphore(%run_scoped3A : memref<!tpu.dma_semaphore, #tpu.memory_space<semaphore_mem>>) src(%dma_wait3A_80 : memref<64xi32, #tpu.memory_space<hbm>>) dst(%arg12 : memref<64xi32, #tpu.memory_space<vmem>>)
          tpu.yield
        }) : () -> ()
        %dma_start3A_65 = arith.constant 0 : i32
        %dma_start3A_66 = arith.constant 0 : i32
        %dma_start3A_67 = tpu.memref_slice %arg15[%dma_start3A_65, %dma_start3A_66] : memref<10240x128xf32, #tpu.memory_space<vmem_shared>> -> memref<10240x128xf32, #tpu.memory_space<vmem_shared>>
        tpu.enqueue_indirect_dma source(%arg13 : memref<64x128xf32, #tpu.memory_space<vmem>>) target(%dma_start3A_67 : memref<10240x128xf32, #tpu.memory_space<vmem_shared>>) offsets(%arg12 : memref<64xi32, #tpu.memory_space<vmem>>) semaphore(%arg17 : memref<!tpu.dma_semaphore, #tpu.memory_space<semaphore_mem>>) {add = true}
        %dma_wait3A = arith.constant 0 : i32
        %dma_wait3A_68 = arith.constant 0 : i32
        %dma_wait3A_69 = tpu.memref_slice %arg15[%dma_wait3A, %dma_wait3A_68] : memref<10240x128xf32, #tpu.memory_space<vmem_shared>> -> memref<10240x128xf32, #tpu.memory_space<vmem_shared>>
        tpu.wait_indirect_dma semaphore(%arg16 : memref<!tpu.dma_semaphore, #tpu.memory_space<semaphore_mem>>) src(%arg13 : memref<64x128xf32, #tpu.memory_space<vmem>>) dst(%dma_wait3A_69 : memref<10240x128xf32, #tpu.memory_space<vmem_shared>>)
        %lt3A = arith.constant 156 : i32
        %lt3A_70 = arith.cmpi slt, %scan3A_54, %lt3A : i32
        %convert_element_type3A_71 = arith.extui %lt3A_70 : i1 to i32
        %cond3A_72 = arith.constant 0 : i32
        %cond3A_73 = arith.cmpi ne, %convert_element_type3A_71, %cond3A_72 : i32
        scf.if %cond3A_73 {
          %mul3A_77 = arith.constant 2 : i32
          %mul3A_78 = arith.muli %mul3A_77, %scan3A_54 : i32
          %add3A_79 = arith.constant 2 : i32
          %add3A_80 = arith.addi %mul3A_78, %add3A_79 : i32
          %mul3A_81 = arith.constant 64 : i32
          %mul3A_82 = arith.muli %add3A_80, %mul3A_81 : i32
          %add3A_83 = arith.addi %add3A_47, %mul3A_82 : i32
          %multiple_of3A_84 = tpu.assume_multiple %add3A_83, 64 : i32
          "tpu.region"() ({
            %run_scoped3A = tpu.sem_alloc : memref<!tpu.dma_semaphore, #tpu.memory_space<semaphore_mem>>
            %dma_start3A_85 = tpu.memref_slice %arg3[%multiple_of3A_84] : memref<643072xi32, #tpu.memory_space<hbm>> -> memref<64xi32, #tpu.memory_space<hbm>>
            %dma_start3A_86 = tpu.memref_slice %arg3[%multiple_of3A_84] : memref<643072xi32, #tpu.memory_space<hbm>> -> memref<64xi32, #tpu.memory_space<hbm>>
            tpu.enqueue_dma source(%dma_start3A_86 : memref<64xi32, #tpu.memory_space<hbm>>) target(%arg11 : memref<64xi32, #tpu.memory_space<vmem>>) target_semaphore(%run_scoped3A : memref<!tpu.dma_semaphore, #tpu.memory_space<semaphore_mem>>)
            %dma_wait3A_87 = tpu.memref_slice %arg3[%multiple_of3A_84] : memref<643072xi32, #tpu.memory_space<hbm>> -> memref<64xi32, #tpu.memory_space<hbm>>
            %dma_wait3A_88 = tpu.memref_slice %arg3[%multiple_of3A_84] : memref<643072xi32, #tpu.memory_space<hbm>> -> memref<64xi32, #tpu.memory_space<hbm>>
            tpu.wait_dma2 semaphore(%run_scoped3A : memref<!tpu.dma_semaphore, #tpu.memory_space<semaphore_mem>>) src(%dma_wait3A_88 : memref<64xi32, #tpu.memory_space<hbm>>) dst(%arg11 : memref<64xi32, #tpu.memory_space<vmem>>)
            tpu.yield
          }) : () -> ()
        } else {
        }
        %dma_wait3A_74 = arith.constant 0 : i32
        %dma_wait3A_75 = arith.constant 0 : i32
        %dma_wait3A_76 = tpu.memref_slice %arg15[%dma_wait3A_74, %dma_wait3A_75] : memref<10240x128xf32, #tpu.memory_space<vmem_shared>> -> memref<10240x128xf32, #tpu.memory_space<vmem_shared>>
        tpu.wait_indirect_dma semaphore(%arg17 : memref<!tpu.dma_semaphore, #tpu.memory_space<semaphore_mem>>) src(%arg13 : memref<64x128xf32, #tpu.memory_space<vmem>>) dst(%dma_wait3A_76 : memref<10240x128xf32, #tpu.memory_space<vmem_shared>>)
      }
      %scan3A_53 = arith.constant 157 : i32
    } else {
    }
    %barrier3A_41 = arith.constant 0 : index
    tpu.barrier barrier_id(%barrier3A_41)
    %convert_element_type3A_42 = arith.extui %eq3A_0 : i1 to i32
    %cond3A_43 = arith.constant 0 : i32
    %cond3A_44 = arith.cmpi ne, %convert_element_type3A_42, %cond3A_43 : i32
    scf.if %cond3A_44 {
      %mul3A = arith.constant 640 : i32
      %mul3A_46 = arith.muli %arg1, %mul3A : i32
      %run_scoped3A = arith.constant 1 : i32
      "tpu.region"() ({
        %run_scoped3A_47 = tpu.sem_alloc : memref<!tpu.dma_semaphore, #tpu.memory_space<semaphore_mem>>
        %dma_start3A = arith.constant 0 : i32
        %dma_start3A_48 = tpu.memref_slice %arg8[%run_scoped3A, %mul3A_46, %dma_start3A] : memref<2x10240x128xf32, #tpu.memory_space<hbm>> -> memref<1x640x128xf32, #tpu.memory_space<hbm>>
        %dma_start3A_49 = tpu.memref_squeeze %dma_start3A_48 : memref<1x640x128xf32, #tpu.memory_space<hbm>> -> memref<640x128xf32, #tpu.memory_space<hbm>>
        %dma_start3A_50 = arith.constant 0 : i32
        %dma_start3A_51 = tpu.memref_slice %arg15[%mul3A_46, %dma_start3A_50] : memref<10240x128xf32, #tpu.memory_space<vmem_shared>> -> memref<640x128xf32, #tpu.memory_space<vmem_shared>>
        tpu.enqueue_dma source(%dma_start3A_51 : memref<640x128xf32, #tpu.memory_space<vmem_shared>>) target(%dma_start3A_49 : memref<640x128xf32, #tpu.memory_space<hbm>>) target_semaphore(%run_scoped3A_47 : memref<!tpu.dma_semaphore, #tpu.memory_space<semaphore_mem>>)
        %dma_wait3A = arith.constant 0 : i32
        %dma_wait3A_52 = tpu.memref_slice %arg8[%run_scoped3A, %mul3A_46, %dma_wait3A] : memref<2x10240x128xf32, #tpu.memory_space<hbm>> -> memref<1x640x128xf32, #tpu.memory_space<hbm>>
        %dma_wait3A_53 = tpu.memref_squeeze %dma_wait3A_52 : memref<1x640x128xf32, #tpu.memory_space<hbm>> -> memref<640x128xf32, #tpu.memory_space<hbm>>
        %dma_wait3A_54 = arith.constant 0 : i32
        %dma_wait3A_55 = tpu.memref_slice %arg15[%mul3A_46, %dma_wait3A_54] : memref<10240x128xf32, #tpu.memory_space<vmem_shared>> -> memref<640x128xf32, #tpu.memory_space<vmem_shared>>
        tpu.wait_dma2 semaphore(%run_scoped3A_47 : memref<!tpu.dma_semaphore, #tpu.memory_space<semaphore_mem>>) src(%dma_wait3A_55 : memref<640x128xf32, #tpu.memory_space<vmem_shared>>) dst(%dma_wait3A_53 : memref<640x128xf32, #tpu.memory_space<hbm>>)
        tpu.yield
      }) : () -> ()
    } else {
    }
    %barrier3A_45 = arith.constant 0 : index
    tpu.barrier barrier_id(%barrier3A_45)
    return
  }
}

#map = affine_map<(d0, d1) -> (0)>
#map1 = affine_map<(d0, d1) -> (0, 0)>
#map2 = affine_map<(d0, d1) -> (0, 0, 0)>
module attributes {stable_mosaic.version = 14 : i64} {
  func.func @body(%arg0: i32, %arg1: i32, %arg2: memref<643072xi32, #tpu.memory_space<hbm>>, %arg3: memref<643072xi32, #tpu.memory_space<hbm>>, %arg4: memref<20000x128xf32, #tpu.memory_space<hbm>>, %arg5: memref<64x128xf32, #tpu.memory_space<hbm>>, %arg6: memref<64x128xf32, #tpu.memory_space<hbm>>, %arg7: memref<2x10240x128xf32, #tpu.memory_space<hbm>>, %arg8: memref<64xi32, #tpu.memory_space<vmem>>, %arg9: memref<64xi32, #tpu.memory_space<vmem>>, %arg10: memref<64xi32, #tpu.memory_space<vmem>>, %arg11: memref<64xi32, #tpu.memory_space<vmem>>, %arg12: memref<64x128xf32, #tpu.memory_space<vmem>>, %arg13: memref<64x128xf32, #tpu.memory_space<vmem>>, %arg14: memref<10240x128xf32, #tpu.memory_space<vmem_shared>>, %arg15: memref<!tpu.dma_semaphore, #tpu.memory_space<semaphore_mem>>, %arg16: memref<!tpu.dma_semaphore, #tpu.memory_space<semaphore_mem>>, %arg17: memref<!tpu.dma_semaphore, #tpu.memory_space<semaphore_mem>>, %arg18: memref<!tpu.dma_semaphore, #tpu.memory_space<semaphore_mem>>) attributes {dimension_semantics = [#tpu.dimension_semantics<core_parallel>, #tpu.dimension_semantics<subcore_parallel>], iteration_bounds = array<i64: 2, 16>, scalar_prefetch = 0 : i64, scratch_operands = 11 : i64, tpu.core_type = #tpu.core_type<sc_vector_subcore>, window_params = [{transform_indices = #map}, {transform_indices = #map}, {transform_indices = #map1}, {transform_indices = #map1}, {transform_indices = #map1}, {transform_indices = #map2}]} {
    %eq3A = arith.constant 0 : i32
    %eq3A_0 = arith.cmpi eq, %arg0, %eq3A : i32
    %convert_element_type3A = arith.extui %eq3A_0 : i1 to i32
    %cond3A = arith.constant 0 : i32
    %cond3A_1 = arith.cmpi ne, %convert_element_type3A, %cond3A : i32
    scf.if %cond3A_1 {
      "tpu.region"() ({
        %run_scoped3A = tpu.sem_alloc : memref<!tpu.dma_semaphore, #tpu.memory_space<semaphore_mem>>
        tpu.enqueue_dma source(%arg5 : memref<64x128xf32, #tpu.memory_space<hbm>>) target(%arg12 : memref<64x128xf32, #tpu.memory_space<vmem>>) target_semaphore(%run_scoped3A : memref<!tpu.dma_semaphore, #tpu.memory_space<semaphore_mem>>)
        tpu.wait_dma2 semaphore(%run_scoped3A : memref<!tpu.dma_semaphore, #tpu.memory_space<semaphore_mem>>) src(%arg5 : memref<64x128xf32, #tpu.memory_space<hbm>>) dst(%arg12 : memref<64x128xf32, #tpu.memory_space<vmem>>)
        tpu.yield
      }) : () -> ()
      %add3A = arith.constant 0 : i32
      %add3A_22 = arith.addi %add3A, %arg1 : i32
      %mul3A = arith.constant 64 : i32
      %mul3A_23 = arith.muli %add3A_22, %mul3A : i32
      "tpu.region"() ({
        %run_scoped3A = tpu.sem_alloc : memref<!tpu.dma_semaphore, #tpu.memory_space<semaphore_mem>>
        %dma_start3A = arith.constant 0 : i32
        %dma_start3A_60 = tpu.memref_slice %arg14[%mul3A_23, %dma_start3A] : memref<10240x128xf32, #tpu.memory_space<vmem_shared>> -> memref<64x128xf32, #tpu.memory_space<vmem_shared>>
        %dma_start3A_61 = arith.constant 0 : i32
        %dma_start3A_62 = tpu.memref_slice %arg14[%mul3A_23, %dma_start3A_61] : memref<10240x128xf32, #tpu.memory_space<vmem_shared>> -> memref<64x128xf32, #tpu.memory_space<vmem_shared>>
        tpu.enqueue_dma source(%arg12 : memref<64x128xf32, #tpu.memory_space<vmem>>) target(%dma_start3A_62 : memref<64x128xf32, #tpu.memory_space<vmem_shared>>) target_semaphore(%run_scoped3A : memref<!tpu.dma_semaphore, #tpu.memory_space<semaphore_mem>>)
        %dma_wait3A = arith.constant 0 : i32
        %dma_wait3A_63 = tpu.memref_slice %arg14[%mul3A_23, %dma_wait3A] : memref<10240x128xf32, #tpu.memory_space<vmem_shared>> -> memref<64x128xf32, #tpu.memory_space<vmem_shared>>
        %dma_wait3A_64 = arith.constant 0 : i32
        %dma_wait3A_65 = tpu.memref_slice %arg14[%mul3A_23, %dma_wait3A_64] : memref<10240x128xf32, #tpu.memory_space<vmem_shared>> -> memref<64x128xf32, #tpu.memory_space<vmem_shared>>
        tpu.wait_dma2 semaphore(%run_scoped3A : memref<!tpu.dma_semaphore, #tpu.memory_space<semaphore_mem>>) src(%arg12 : memref<64x128xf32, #tpu.memory_space<vmem>>) dst(%dma_wait3A_65 : memref<64x128xf32, #tpu.memory_space<vmem_shared>>)
        tpu.yield
      }) : () -> ()
      %add3A_24 = arith.constant 16 : i32
      %add3A_25 = arith.addi %add3A_24, %arg1 : i32
      %mul3A_26 = arith.constant 64 : i32
      %mul3A_27 = arith.muli %add3A_25, %mul3A_26 : i32
      "tpu.region"() ({
        %run_scoped3A = tpu.sem_alloc : memref<!tpu.dma_semaphore, #tpu.memory_space<semaphore_mem>>
        %dma_start3A = arith.constant 0 : i32
        %dma_start3A_60 = tpu.memref_slice %arg14[%mul3A_27, %dma_start3A] : memref<10240x128xf32, #tpu.memory_space<vmem_shared>> -> memref<64x128xf32, #tpu.memory_space<vmem_shared>>
        %dma_start3A_61 = arith.constant 0 : i32
        %dma_start3A_62 = tpu.memref_slice %arg14[%mul3A_27, %dma_start3A_61] : memref<10240x128xf32, #tpu.memory_space<vmem_shared>> -> memref<64x128xf32, #tpu.memory_space<vmem_shared>>
        tpu.enqueue_dma source(%arg12 : memref<64x128xf32, #tpu.memory_space<vmem>>) target(%dma_start3A_62 : memref<64x128xf32, #tpu.memory_space<vmem_shared>>) target_semaphore(%run_scoped3A : memref<!tpu.dma_semaphore, #tpu.memory_space<semaphore_mem>>)
        %dma_wait3A = arith.constant 0 : i32
        %dma_wait3A_63 = tpu.memref_slice %arg14[%mul3A_27, %dma_wait3A] : memref<10240x128xf32, #tpu.memory_space<vmem_shared>> -> memref<64x128xf32, #tpu.memory_space<vmem_shared>>
        %dma_wait3A_64 = arith.constant 0 : i32
        %dma_wait3A_65 = tpu.memref_slice %arg14[%mul3A_27, %dma_wait3A_64] : memref<10240x128xf32, #tpu.memory_space<vmem_shared>> -> memref<64x128xf32, #tpu.memory_space<vmem_shared>>
        tpu.wait_dma2 semaphore(%run_scoped3A : memref<!tpu.dma_semaphore, #tpu.memory_space<semaphore_mem>>) src(%arg12 : memref<64x128xf32, #tpu.memory_space<vmem>>) dst(%dma_wait3A_65 : memref<64x128xf32, #tpu.memory_space<vmem_shared>>)
        tpu.yield
      }) : () -> ()
      %add3A_28 = arith.constant 32 : i32
      %add3A_29 = arith.addi %add3A_28, %arg1 : i32
      %mul3A_30 = arith.constant 64 : i32
      %mul3A_31 = arith.muli %add3A_29, %mul3A_30 : i32
      "tpu.region"() ({
        %run_scoped3A = tpu.sem_alloc : memref<!tpu.dma_semaphore, #tpu.memory_space<semaphore_mem>>
        %dma_start3A = arith.constant 0 : i32
        %dma_start3A_60 = tpu.memref_slice %arg14[%mul3A_31, %dma_start3A] : memref<10240x128xf32, #tpu.memory_space<vmem_shared>> -> memref<64x128xf32, #tpu.memory_space<vmem_shared>>
        %dma_start3A_61 = arith.constant 0 : i32
        %dma_start3A_62 = tpu.memref_slice %arg14[%mul3A_31, %dma_start3A_61] : memref<10240x128xf32, #tpu.memory_space<vmem_shared>> -> memref<64x128xf32, #tpu.memory_space<vmem_shared>>
        tpu.enqueue_dma source(%arg12 : memref<64x128xf32, #tpu.memory_space<vmem>>) target(%dma_start3A_62 : memref<64x128xf32, #tpu.memory_space<vmem_shared>>) target_semaphore(%run_scoped3A : memref<!tpu.dma_semaphore, #tpu.memory_space<semaphore_mem>>)
        %dma_wait3A = arith.constant 0 : i32
        %dma_wait3A_63 = tpu.memref_slice %arg14[%mul3A_31, %dma_wait3A] : memref<10240x128xf32, #tpu.memory_space<vmem_shared>> -> memref<64x128xf32, #tpu.memory_space<vmem_shared>>
        %dma_wait3A_64 = arith.constant 0 : i32
        %dma_wait3A_65 = tpu.memref_slice %arg14[%mul3A_31, %dma_wait3A_64] : memref<10240x128xf32, #tpu.memory_space<vmem_shared>> -> memref<64x128xf32, #tpu.memory_space<vmem_shared>>
        tpu.wait_dma2 semaphore(%run_scoped3A : memref<!tpu.dma_semaphore, #tpu.memory_space<semaphore_mem>>) src(%arg12 : memref<64x128xf32, #tpu.memory_space<vmem>>) dst(%dma_wait3A_65 : memref<64x128xf32, #tpu.memory_space<vmem_shared>>)
        tpu.yield
      }) : () -> ()
      %add3A_32 = arith.constant 48 : i32
      %add3A_33 = arith.addi %add3A_32, %arg1 : i32
      %mul3A_34 = arith.constant 64 : i32
      %mul3A_35 = arith.muli %add3A_33, %mul3A_34 : i32
      "tpu.region"() ({
        %run_scoped3A = tpu.sem_alloc : memref<!tpu.dma_semaphore, #tpu.memory_space<semaphore_mem>>
        %dma_start3A = arith.constant 0 : i32
        %dma_start3A_60 = tpu.memref_slice %arg14[%mul3A_35, %dma_start3A] : memref<10240x128xf32, #tpu.memory_space<vmem_shared>> -> memref<64x128xf32, #tpu.memory_space<vmem_shared>>
        %dma_start3A_61 = arith.constant 0 : i32
        %dma_start3A_62 = tpu.memref_slice %arg14[%mul3A_35, %dma_start3A_61] : memref<10240x128xf32, #tpu.memory_space<vmem_shared>> -> memref<64x128xf32, #tpu.memory_space<vmem_shared>>
        tpu.enqueue_dma source(%arg12 : memref<64x128xf32, #tpu.memory_space<vmem>>) target(%dma_start3A_62 : memref<64x128xf32, #tpu.memory_space<vmem_shared>>) target_semaphore(%run_scoped3A : memref<!tpu.dma_semaphore, #tpu.memory_space<semaphore_mem>>)
        %dma_wait3A = arith.constant 0 : i32
        %dma_wait3A_63 = tpu.memref_slice %arg14[%mul3A_35, %dma_wait3A] : memref<10240x128xf32, #tpu.memory_space<vmem_shared>> -> memref<64x128xf32, #tpu.memory_space<vmem_shared>>
        %dma_wait3A_64 = arith.constant 0 : i32
        %dma_wait3A_65 = tpu.memref_slice %arg14[%mul3A_35, %dma_wait3A_64] : memref<10240x128xf32, #tpu.memory_space<vmem_shared>> -> memref<64x128xf32, #tpu.memory_space<vmem_shared>>
        tpu.wait_dma2 semaphore(%run_scoped3A : memref<!tpu.dma_semaphore, #tpu.memory_space<semaphore_mem>>) src(%arg12 : memref<64x128xf32, #tpu.memory_space<vmem>>) dst(%dma_wait3A_65 : memref<64x128xf32, #tpu.memory_space<vmem_shared>>)
        tpu.yield
      }) : () -> ()
      %add3A_36 = arith.constant 64 : i32
      %add3A_37 = arith.addi %add3A_36, %arg1 : i32
      %mul3A_38 = arith.constant 64 : i32
      %mul3A_39 = arith.muli %add3A_37, %mul3A_38 : i32
      "tpu.region"() ({
        %run_scoped3A = tpu.sem_alloc : memref<!tpu.dma_semaphore, #tpu.memory_space<semaphore_mem>>
        %dma_start3A = arith.constant 0 : i32
        %dma_start3A_60 = tpu.memref_slice %arg14[%mul3A_39, %dma_start3A] : memref<10240x128xf32, #tpu.memory_space<vmem_shared>> -> memref<64x128xf32, #tpu.memory_space<vmem_shared>>
        %dma_start3A_61 = arith.constant 0 : i32
        %dma_start3A_62 = tpu.memref_slice %arg14[%mul3A_39, %dma_start3A_61] : memref<10240x128xf32, #tpu.memory_space<vmem_shared>> -> memref<64x128xf32, #tpu.memory_space<vmem_shared>>
        tpu.enqueue_dma source(%arg12 : memref<64x128xf32, #tpu.memory_space<vmem>>) target(%dma_start3A_62 : memref<64x128xf32, #tpu.memory_space<vmem_shared>>) target_semaphore(%run_scoped3A : memref<!tpu.dma_semaphore, #tpu.memory_space<semaphore_mem>>)
        %dma_wait3A = arith.constant 0 : i32
        %dma_wait3A_63 = tpu.memref_slice %arg14[%mul3A_39, %dma_wait3A] : memref<10240x128xf32, #tpu.memory_space<vmem_shared>> -> memref<64x128xf32, #tpu.memory_space<vmem_shared>>
        %dma_wait3A_64 = arith.constant 0 : i32
        %dma_wait3A_65 = tpu.memref_slice %arg14[%mul3A_39, %dma_wait3A_64] : memref<10240x128xf32, #tpu.memory_space<vmem_shared>> -> memref<64x128xf32, #tpu.memory_space<vmem_shared>>
        tpu.wait_dma2 semaphore(%run_scoped3A : memref<!tpu.dma_semaphore, #tpu.memory_space<semaphore_mem>>) src(%arg12 : memref<64x128xf32, #tpu.memory_space<vmem>>) dst(%dma_wait3A_65 : memref<64x128xf32, #tpu.memory_space<vmem_shared>>)
        tpu.yield
      }) : () -> ()
      %add3A_40 = arith.constant 80 : i32
      %add3A_41 = arith.addi %add3A_40, %arg1 : i32
      %mul3A_42 = arith.constant 64 : i32
      %mul3A_43 = arith.muli %add3A_41, %mul3A_42 : i32
      "tpu.region"() ({
        %run_scoped3A = tpu.sem_alloc : memref<!tpu.dma_semaphore, #tpu.memory_space<semaphore_mem>>
        %dma_start3A = arith.constant 0 : i32
        %dma_start3A_60 = tpu.memref_slice %arg14[%mul3A_43, %dma_start3A] : memref<10240x128xf32, #tpu.memory_space<vmem_shared>> -> memref<64x128xf32, #tpu.memory_space<vmem_shared>>
        %dma_start3A_61 = arith.constant 0 : i32
        %dma_start3A_62 = tpu.memref_slice %arg14[%mul3A_43, %dma_start3A_61] : memref<10240x128xf32, #tpu.memory_space<vmem_shared>> -> memref<64x128xf32, #tpu.memory_space<vmem_shared>>
        tpu.enqueue_dma source(%arg12 : memref<64x128xf32, #tpu.memory_space<vmem>>) target(%dma_start3A_62 : memref<64x128xf32, #tpu.memory_space<vmem_shared>>) target_semaphore(%run_scoped3A : memref<!tpu.dma_semaphore, #tpu.memory_space<semaphore_mem>>)
        %dma_wait3A = arith.constant 0 : i32
        %dma_wait3A_63 = tpu.memref_slice %arg14[%mul3A_43, %dma_wait3A] : memref<10240x128xf32, #tpu.memory_space<vmem_shared>> -> memref<64x128xf32, #tpu.memory_space<vmem_shared>>
        %dma_wait3A_64 = arith.constant 0 : i32
        %dma_wait3A_65 = tpu.memref_slice %arg14[%mul3A_43, %dma_wait3A_64] : memref<10240x128xf32, #tpu.memory_space<vmem_shared>> -> memref<64x128xf32, #tpu.memory_space<vmem_shared>>
        tpu.wait_dma2 semaphore(%run_scoped3A : memref<!tpu.dma_semaphore, #tpu.memory_space<semaphore_mem>>) src(%arg12 : memref<64x128xf32, #tpu.memory_space<vmem>>) dst(%dma_wait3A_65 : memref<64x128xf32, #tpu.memory_space<vmem_shared>>)
        tpu.yield
      }) : () -> ()
      %add3A_44 = arith.constant 96 : i32
      %add3A_45 = arith.addi %add3A_44, %arg1 : i32
      %mul3A_46 = arith.constant 64 : i32
      %mul3A_47 = arith.muli %add3A_45, %mul3A_46 : i32
      "tpu.region"() ({
        %run_scoped3A = tpu.sem_alloc : memref<!tpu.dma_semaphore, #tpu.memory_space<semaphore_mem>>
        %dma_start3A = arith.constant 0 : i32
        %dma_start3A_60 = tpu.memref_slice %arg14[%mul3A_47, %dma_start3A] : memref<10240x128xf32, #tpu.memory_space<vmem_shared>> -> memref<64x128xf32, #tpu.memory_space<vmem_shared>>
        %dma_start3A_61 = arith.constant 0 : i32
        %dma_start3A_62 = tpu.memref_slice %arg14[%mul3A_47, %dma_start3A_61] : memref<10240x128xf32, #tpu.memory_space<vmem_shared>> -> memref<64x128xf32, #tpu.memory_space<vmem_shared>>
        tpu.enqueue_dma source(%arg12 : memref<64x128xf32, #tpu.memory_space<vmem>>) target(%dma_start3A_62 : memref<64x128xf32, #tpu.memory_space<vmem_shared>>) target_semaphore(%run_scoped3A : memref<!tpu.dma_semaphore, #tpu.memory_space<semaphore_mem>>)
        %dma_wait3A = arith.constant 0 : i32
        %dma_wait3A_63 = tpu.memref_slice %arg14[%mul3A_47, %dma_wait3A] : memref<10240x128xf32, #tpu.memory_space<vmem_shared>> -> memref<64x128xf32, #tpu.memory_space<vmem_shared>>
        %dma_wait3A_64 = arith.constant 0 : i32
        %dma_wait3A_65 = tpu.memref_slice %arg14[%mul3A_47, %dma_wait3A_64] : memref<10240x128xf32, #tpu.memory_space<vmem_shared>> -> memref<64x128xf32, #tpu.memory_space<vmem_shared>>
        tpu.wait_dma2 semaphore(%run_scoped3A : memref<!tpu.dma_semaphore, #tpu.memory_space<semaphore_mem>>) src(%arg12 : memref<64x128xf32, #tpu.memory_space<vmem>>) dst(%dma_wait3A_65 : memref<64x128xf32, #tpu.memory_space<vmem_shared>>)
        tpu.yield
      }) : () -> ()
      %add3A_48 = arith.constant 112 : i32
      %add3A_49 = arith.addi %add3A_48, %arg1 : i32
      %mul3A_50 = arith.constant 64 : i32
      %mul3A_51 = arith.muli %add3A_49, %mul3A_50 : i32
      "tpu.region"() ({
        %run_scoped3A = tpu.sem_alloc : memref<!tpu.dma_semaphore, #tpu.memory_space<semaphore_mem>>
        %dma_start3A = arith.constant 0 : i32
        %dma_start3A_60 = tpu.memref_slice %arg14[%mul3A_51, %dma_start3A] : memref<10240x128xf32, #tpu.memory_space<vmem_shared>> -> memref<64x128xf32, #tpu.memory_space<vmem_shared>>
        %dma_start3A_61 = arith.constant 0 : i32
        %dma_start3A_62 = tpu.memref_slice %arg14[%mul3A_51, %dma_start3A_61] : memref<10240x128xf32, #tpu.memory_space<vmem_shared>> -> memref<64x128xf32, #tpu.memory_space<vmem_shared>>
        tpu.enqueue_dma source(%arg12 : memref<64x128xf32, #tpu.memory_space<vmem>>) target(%dma_start3A_62 : memref<64x128xf32, #tpu.memory_space<vmem_shared>>) target_semaphore(%run_scoped3A : memref<!tpu.dma_semaphore, #tpu.memory_space<semaphore_mem>>)
        %dma_wait3A = arith.constant 0 : i32
        %dma_wait3A_63 = tpu.memref_slice %arg14[%mul3A_51, %dma_wait3A] : memref<10240x128xf32, #tpu.memory_space<vmem_shared>> -> memref<64x128xf32, #tpu.memory_space<vmem_shared>>
        %dma_wait3A_64 = arith.constant 0 : i32
        %dma_wait3A_65 = tpu.memref_slice %arg14[%mul3A_51, %dma_wait3A_64] : memref<10240x128xf32, #tpu.memory_space<vmem_shared>> -> memref<64x128xf32, #tpu.memory_space<vmem_shared>>
        tpu.wait_dma2 semaphore(%run_scoped3A : memref<!tpu.dma_semaphore, #tpu.memory_space<semaphore_mem>>) src(%arg12 : memref<64x128xf32, #tpu.memory_space<vmem>>) dst(%dma_wait3A_65 : memref<64x128xf32, #tpu.memory_space<vmem_shared>>)
        tpu.yield
      }) : () -> ()
      %add3A_52 = arith.constant 128 : i32
      %add3A_53 = arith.addi %add3A_52, %arg1 : i32
      %mul3A_54 = arith.constant 64 : i32
      %mul3A_55 = arith.muli %add3A_53, %mul3A_54 : i32
      "tpu.region"() ({
        %run_scoped3A = tpu.sem_alloc : memref<!tpu.dma_semaphore, #tpu.memory_space<semaphore_mem>>
        %dma_start3A = arith.constant 0 : i32
        %dma_start3A_60 = tpu.memref_slice %arg14[%mul3A_55, %dma_start3A] : memref<10240x128xf32, #tpu.memory_space<vmem_shared>> -> memref<64x128xf32, #tpu.memory_space<vmem_shared>>
        %dma_start3A_61 = arith.constant 0 : i32
        %dma_start3A_62 = tpu.memref_slice %arg14[%mul3A_55, %dma_start3A_61] : memref<10240x128xf32, #tpu.memory_space<vmem_shared>> -> memref<64x128xf32, #tpu.memory_space<vmem_shared>>
        tpu.enqueue_dma source(%arg12 : memref<64x128xf32, #tpu.memory_space<vmem>>) target(%dma_start3A_62 : memref<64x128xf32, #tpu.memory_space<vmem_shared>>) target_semaphore(%run_scoped3A : memref<!tpu.dma_semaphore, #tpu.memory_space<semaphore_mem>>)
        %dma_wait3A = arith.constant 0 : i32
        %dma_wait3A_63 = tpu.memref_slice %arg14[%mul3A_55, %dma_wait3A] : memref<10240x128xf32, #tpu.memory_space<vmem_shared>> -> memref<64x128xf32, #tpu.memory_space<vmem_shared>>
        %dma_wait3A_64 = arith.constant 0 : i32
        %dma_wait3A_65 = tpu.memref_slice %arg14[%mul3A_55, %dma_wait3A_64] : memref<10240x128xf32, #tpu.memory_space<vmem_shared>> -> memref<64x128xf32, #tpu.memory_space<vmem_shared>>
        tpu.wait_dma2 semaphore(%run_scoped3A : memref<!tpu.dma_semaphore, #tpu.memory_space<semaphore_mem>>) src(%arg12 : memref<64x128xf32, #tpu.memory_space<vmem>>) dst(%dma_wait3A_65 : memref<64x128xf32, #tpu.memory_space<vmem_shared>>)
        tpu.yield
      }) : () -> ()
      %add3A_56 = arith.constant 144 : i32
      %add3A_57 = arith.addi %add3A_56, %arg1 : i32
      %mul3A_58 = arith.constant 64 : i32
      %mul3A_59 = arith.muli %add3A_57, %mul3A_58 : i32
      "tpu.region"() ({
        %run_scoped3A = tpu.sem_alloc : memref<!tpu.dma_semaphore, #tpu.memory_space<semaphore_mem>>
        %dma_start3A = arith.constant 0 : i32
        %dma_start3A_60 = tpu.memref_slice %arg14[%mul3A_59, %dma_start3A] : memref<10240x128xf32, #tpu.memory_space<vmem_shared>> -> memref<64x128xf32, #tpu.memory_space<vmem_shared>>
        %dma_start3A_61 = arith.constant 0 : i32
        %dma_start3A_62 = tpu.memref_slice %arg14[%mul3A_59, %dma_start3A_61] : memref<10240x128xf32, #tpu.memory_space<vmem_shared>> -> memref<64x128xf32, #tpu.memory_space<vmem_shared>>
        tpu.enqueue_dma source(%arg12 : memref<64x128xf32, #tpu.memory_space<vmem>>) target(%dma_start3A_62 : memref<64x128xf32, #tpu.memory_space<vmem_shared>>) target_semaphore(%run_scoped3A : memref<!tpu.dma_semaphore, #tpu.memory_space<semaphore_mem>>)
        %dma_wait3A = arith.constant 0 : i32
        %dma_wait3A_63 = tpu.memref_slice %arg14[%mul3A_59, %dma_wait3A] : memref<10240x128xf32, #tpu.memory_space<vmem_shared>> -> memref<64x128xf32, #tpu.memory_space<vmem_shared>>
        %dma_wait3A_64 = arith.constant 0 : i32
        %dma_wait3A_65 = tpu.memref_slice %arg14[%mul3A_59, %dma_wait3A_64] : memref<10240x128xf32, #tpu.memory_space<vmem_shared>> -> memref<64x128xf32, #tpu.memory_space<vmem_shared>>
        tpu.wait_dma2 semaphore(%run_scoped3A : memref<!tpu.dma_semaphore, #tpu.memory_space<semaphore_mem>>) src(%arg12 : memref<64x128xf32, #tpu.memory_space<vmem>>) dst(%dma_wait3A_65 : memref<64x128xf32, #tpu.memory_space<vmem_shared>>)
        tpu.yield
      }) : () -> ()
    } else {
    }
    %barrier3A = arith.constant 0 : index
    tpu.barrier barrier_id(%barrier3A)
    %convert_element_type3A_2 = arith.extui %eq3A_0 : i1 to i32
    %cond3A_3 = arith.constant 0 : i32
    %cond3A_4 = arith.cmpi ne, %convert_element_type3A_2, %cond3A_3 : i32
    scf.if %cond3A_4 {
      %mul3A = arith.constant 20096 : i32
      %mul3A_22 = arith.muli %arg1, %mul3A : i32
      %add3A = arith.constant 0 : i32
      %add3A_23 = arith.addi %add3A, %mul3A_22 : i32
      %add3A_24 = arith.constant 0 : i32
      %add3A_25 = arith.addi %add3A_23, %add3A_24 : i32
      %multiple_of3A = tpu.assume_multiple %add3A_25, 64 : i32
      "tpu.region"() ({
        %run_scoped3A = tpu.sem_alloc : memref<!tpu.dma_semaphore, #tpu.memory_space<semaphore_mem>>
        %dma_start3A_35 = tpu.memref_slice %arg2[%multiple_of3A] : memref<643072xi32, #tpu.memory_space<hbm>> -> memref<64xi32, #tpu.memory_space<hbm>>
        %dma_start3A_36 = tpu.memref_slice %arg2[%multiple_of3A] : memref<643072xi32, #tpu.memory_space<hbm>> -> memref<64xi32, #tpu.memory_space<hbm>>
        tpu.enqueue_dma source(%dma_start3A_36 : memref<64xi32, #tpu.memory_space<hbm>>) target(%arg8 : memref<64xi32, #tpu.memory_space<vmem>>) target_semaphore(%run_scoped3A : memref<!tpu.dma_semaphore, #tpu.memory_space<semaphore_mem>>)
        %dma_wait3A = tpu.memref_slice %arg2[%multiple_of3A] : memref<643072xi32, #tpu.memory_space<hbm>> -> memref<64xi32, #tpu.memory_space<hbm>>
        %dma_wait3A_37 = tpu.memref_slice %arg2[%multiple_of3A] : memref<643072xi32, #tpu.memory_space<hbm>> -> memref<64xi32, #tpu.memory_space<hbm>>
        tpu.wait_dma2 semaphore(%run_scoped3A : memref<!tpu.dma_semaphore, #tpu.memory_space<semaphore_mem>>) src(%dma_wait3A_37 : memref<64xi32, #tpu.memory_space<hbm>>) dst(%arg8 : memref<64xi32, #tpu.memory_space<vmem>>)
        tpu.yield
      }) : () -> ()
      %add3A_26 = arith.constant 0 : i32
      %add3A_27 = arith.addi %add3A_23, %add3A_26 : i32
      %multiple_of3A_28 = tpu.assume_multiple %add3A_27, 64 : i32
      "tpu.region"() ({
        %run_scoped3A = tpu.sem_alloc : memref<!tpu.dma_semaphore, #tpu.memory_space<semaphore_mem>>
        %dma_start3A_35 = tpu.memref_slice %arg3[%multiple_of3A_28] : memref<643072xi32, #tpu.memory_space<hbm>> -> memref<64xi32, #tpu.memory_space<hbm>>
        %dma_start3A_36 = tpu.memref_slice %arg3[%multiple_of3A_28] : memref<643072xi32, #tpu.memory_space<hbm>> -> memref<64xi32, #tpu.memory_space<hbm>>
        tpu.enqueue_dma source(%dma_start3A_36 : memref<64xi32, #tpu.memory_space<hbm>>) target(%arg10 : memref<64xi32, #tpu.memory_space<vmem>>) target_semaphore(%run_scoped3A : memref<!tpu.dma_semaphore, #tpu.memory_space<semaphore_mem>>)
        %dma_wait3A = tpu.memref_slice %arg3[%multiple_of3A_28] : memref<643072xi32, #tpu.memory_space<hbm>> -> memref<64xi32, #tpu.memory_space<hbm>>
        %dma_wait3A_37 = tpu.memref_slice %arg3[%multiple_of3A_28] : memref<643072xi32, #tpu.memory_space<hbm>> -> memref<64xi32, #tpu.memory_space<hbm>>
        tpu.wait_dma2 semaphore(%run_scoped3A : memref<!tpu.dma_semaphore, #tpu.memory_space<semaphore_mem>>) src(%dma_wait3A_37 : memref<64xi32, #tpu.memory_space<hbm>>) dst(%arg10 : memref<64xi32, #tpu.memory_space<vmem>>)
        tpu.yield
      }) : () -> ()
      %dma_start3A = arith.constant 0 : i32
      %dma_start3A_29 = arith.constant 0 : i32
      %dma_start3A_30 = tpu.memref_slice %arg4[%dma_start3A, %dma_start3A_29] : memref<20000x128xf32, #tpu.memory_space<hbm>> -> memref<20000x128xf32, #tpu.memory_space<hbm>>
      tpu.enqueue_indirect_dma source(%dma_start3A_30 : memref<20000x128xf32, #tpu.memory_space<hbm>>) target(%arg12 : memref<64x128xf32, #tpu.memory_space<vmem>>) offsets(%arg8 : memref<64xi32, #tpu.memory_space<vmem>>) semaphore(%arg15 : memref<!tpu.dma_semaphore, #tpu.memory_space<semaphore_mem>>)
      %scan3A = arith.constant 0 : i32
      %scan3A_31 = arith.constant 157 : i32
      %scan3A_32 = arith.addi %scan3A, %scan3A_31 : i32
      %scan3A_33 = arith.constant 1 : i32
      scf.for %scan3A_35 = %scan3A to %scan3A_32 step %scan3A_33  : i32 {
        %mul3A_36 = arith.constant 2 : i32
        %mul3A_37 = arith.muli %mul3A_36, %scan3A_35 : i32
        %add3A_38 = arith.constant 1 : i32
        %add3A_39 = arith.addi %mul3A_37, %add3A_38 : i32
        %mul3A_40 = arith.constant 64 : i32
        %mul3A_41 = arith.muli %add3A_39, %mul3A_40 : i32
        %add3A_42 = arith.addi %add3A_23, %mul3A_41 : i32
        %multiple_of3A_43 = tpu.assume_multiple %add3A_42, 64 : i32
        "tpu.region"() ({
          %run_scoped3A = tpu.sem_alloc : memref<!tpu.dma_semaphore, #tpu.memory_space<semaphore_mem>>
          %dma_start3A_76 = tpu.memref_slice %arg2[%multiple_of3A_43] : memref<643072xi32, #tpu.memory_space<hbm>> -> memref<64xi32, #tpu.memory_space<hbm>>
          %dma_start3A_77 = tpu.memref_slice %arg2[%multiple_of3A_43] : memref<643072xi32, #tpu.memory_space<hbm>> -> memref<64xi32, #tpu.memory_space<hbm>>
          tpu.enqueue_dma source(%dma_start3A_77 : memref<64xi32, #tpu.memory_space<hbm>>) target(%arg9 : memref<64xi32, #tpu.memory_space<vmem>>) target_semaphore(%run_scoped3A : memref<!tpu.dma_semaphore, #tpu.memory_space<semaphore_mem>>)
          %dma_wait3A_78 = tpu.memref_slice %arg2[%multiple_of3A_43] : memref<643072xi32, #tpu.memory_space<hbm>> -> memref<64xi32, #tpu.memory_space<hbm>>
          %dma_wait3A_79 = tpu.memref_slice %arg2[%multiple_of3A_43] : memref<643072xi32, #tpu.memory_space<hbm>> -> memref<64xi32, #tpu.memory_space<hbm>>
          tpu.wait_dma2 semaphore(%run_scoped3A : memref<!tpu.dma_semaphore, #tpu.memory_space<semaphore_mem>>) src(%dma_wait3A_79 : memref<64xi32, #tpu.memory_space<hbm>>) dst(%arg9 : memref<64xi32, #tpu.memory_space<vmem>>)
          tpu.yield
        }) : () -> ()
        %mul3A_44 = arith.constant 2 : i32
        %mul3A_45 = arith.muli %mul3A_44, %scan3A_35 : i32
        %add3A_46 = arith.constant 1 : i32
        %add3A_47 = arith.addi %mul3A_45, %add3A_46 : i32
        %mul3A_48 = arith.constant 64 : i32
        %mul3A_49 = arith.muli %add3A_47, %mul3A_48 : i32
        %add3A_50 = arith.addi %add3A_23, %mul3A_49 : i32
        %multiple_of3A_51 = tpu.assume_multiple %add3A_50, 64 : i32
        "tpu.region"() ({
          %run_scoped3A = tpu.sem_alloc : memref<!tpu.dma_semaphore, #tpu.memory_space<semaphore_mem>>
          %dma_start3A_76 = tpu.memref_slice %arg3[%multiple_of3A_51] : memref<643072xi32, #tpu.memory_space<hbm>> -> memref<64xi32, #tpu.memory_space<hbm>>
          %dma_start3A_77 = tpu.memref_slice %arg3[%multiple_of3A_51] : memref<643072xi32, #tpu.memory_space<hbm>> -> memref<64xi32, #tpu.memory_space<hbm>>
          tpu.enqueue_dma source(%dma_start3A_77 : memref<64xi32, #tpu.memory_space<hbm>>) target(%arg11 : memref<64xi32, #tpu.memory_space<vmem>>) target_semaphore(%run_scoped3A : memref<!tpu.dma_semaphore, #tpu.memory_space<semaphore_mem>>)
          %dma_wait3A_78 = tpu.memref_slice %arg3[%multiple_of3A_51] : memref<643072xi32, #tpu.memory_space<hbm>> -> memref<64xi32, #tpu.memory_space<hbm>>
          %dma_wait3A_79 = tpu.memref_slice %arg3[%multiple_of3A_51] : memref<643072xi32, #tpu.memory_space<hbm>> -> memref<64xi32, #tpu.memory_space<hbm>>
          tpu.wait_dma2 semaphore(%run_scoped3A : memref<!tpu.dma_semaphore, #tpu.memory_space<semaphore_mem>>) src(%dma_wait3A_79 : memref<64xi32, #tpu.memory_space<hbm>>) dst(%arg11 : memref<64xi32, #tpu.memory_space<vmem>>)
          tpu.yield
        }) : () -> ()
        %dma_start3A_52 = arith.constant 0 : i32
        %dma_start3A_53 = arith.constant 0 : i32
        %dma_start3A_54 = tpu.memref_slice %arg4[%dma_start3A_52, %dma_start3A_53] : memref<20000x128xf32, #tpu.memory_space<hbm>> -> memref<20000x128xf32, #tpu.memory_space<hbm>>
        tpu.enqueue_indirect_dma source(%dma_start3A_54 : memref<20000x128xf32, #tpu.memory_space<hbm>>) target(%arg13 : memref<64x128xf32, #tpu.memory_space<vmem>>) offsets(%arg9 : memref<64xi32, #tpu.memory_space<vmem>>) semaphore(%arg16 : memref<!tpu.dma_semaphore, #tpu.memory_space<semaphore_mem>>)
        %dma_wait3A = arith.constant 0 : i32
        %dma_wait3A_55 = arith.constant 0 : i32
        %dma_wait3A_56 = tpu.memref_slice %arg4[%dma_wait3A, %dma_wait3A_55] : memref<20000x128xf32, #tpu.memory_space<hbm>> -> memref<20000x128xf32, #tpu.memory_space<hbm>>
        tpu.wait_indirect_dma semaphore(%arg15 : memref<!tpu.dma_semaphore, #tpu.memory_space<semaphore_mem>>) src(%dma_wait3A_56 : memref<20000x128xf32, #tpu.memory_space<hbm>>) dst(%arg12 : memref<64x128xf32, #tpu.memory_space<vmem>>)
        %dma_start3A_57 = arith.constant 0 : i32
        %dma_start3A_58 = arith.constant 0 : i32
        %dma_start3A_59 = tpu.memref_slice %arg14[%dma_start3A_57, %dma_start3A_58] : memref<10240x128xf32, #tpu.memory_space<vmem_shared>> -> memref<10240x128xf32, #tpu.memory_space<vmem_shared>>
        tpu.enqueue_indirect_dma source(%arg12 : memref<64x128xf32, #tpu.memory_space<vmem>>) target(%dma_start3A_59 : memref<10240x128xf32, #tpu.memory_space<vmem_shared>>) offsets(%arg10 : memref<64xi32, #tpu.memory_space<vmem>>) semaphore(%arg17 : memref<!tpu.dma_semaphore, #tpu.memory_space<semaphore_mem>>) {add = true}
        %dma_wait3A_60 = arith.constant 0 : i32
        %dma_wait3A_61 = arith.constant 0 : i32
        %dma_wait3A_62 = tpu.memref_slice %arg4[%dma_wait3A_60, %dma_wait3A_61] : memref<20000x128xf32, #tpu.memory_space<hbm>> -> memref<20000x128xf32, #tpu.memory_space<hbm>>
        tpu.wait_indirect_dma semaphore(%arg16 : memref<!tpu.dma_semaphore, #tpu.memory_space<semaphore_mem>>) src(%dma_wait3A_62 : memref<20000x128xf32, #tpu.memory_space<hbm>>) dst(%arg13 : memref<64x128xf32, #tpu.memory_space<vmem>>)
        %dma_start3A_63 = arith.constant 0 : i32
        %dma_start3A_64 = arith.constant 0 : i32
        %dma_start3A_65 = tpu.memref_slice %arg14[%dma_start3A_63, %dma_start3A_64] : memref<10240x128xf32, #tpu.memory_space<vmem_shared>> -> memref<10240x128xf32, #tpu.memory_space<vmem_shared>>
        tpu.enqueue_indirect_dma source(%arg13 : memref<64x128xf32, #tpu.memory_space<vmem>>) target(%dma_start3A_65 : memref<10240x128xf32, #tpu.memory_space<vmem_shared>>) offsets(%arg11 : memref<64xi32, #tpu.memory_space<vmem>>) semaphore(%arg18 : memref<!tpu.dma_semaphore, #tpu.memory_space<semaphore_mem>>) {add = true}
        %dma_wait3A_66 = arith.constant 0 : i32
        %dma_wait3A_67 = arith.constant 0 : i32
        %dma_wait3A_68 = tpu.memref_slice %arg14[%dma_wait3A_66, %dma_wait3A_67] : memref<10240x128xf32, #tpu.memory_space<vmem_shared>> -> memref<10240x128xf32, #tpu.memory_space<vmem_shared>>
        tpu.wait_indirect_dma semaphore(%arg17 : memref<!tpu.dma_semaphore, #tpu.memory_space<semaphore_mem>>) src(%arg12 : memref<64x128xf32, #tpu.memory_space<vmem>>) dst(%dma_wait3A_68 : memref<10240x128xf32, #tpu.memory_space<vmem_shared>>)
        %lt3A = arith.constant 156 : i32
        %lt3A_69 = arith.cmpi slt, %scan3A_35, %lt3A : i32
        %convert_element_type3A_70 = arith.extui %lt3A_69 : i1 to i32
        %cond3A_71 = arith.constant 0 : i32
        %cond3A_72 = arith.cmpi ne, %convert_element_type3A_70, %cond3A_71 : i32
        scf.if %cond3A_72 {
          %mul3A_76 = arith.constant 2 : i32
          %mul3A_77 = arith.muli %mul3A_76, %scan3A_35 : i32
          %add3A_78 = arith.constant 2 : i32
          %add3A_79 = arith.addi %mul3A_77, %add3A_78 : i32
          %mul3A_80 = arith.constant 64 : i32
          %mul3A_81 = arith.muli %add3A_79, %mul3A_80 : i32
          %add3A_82 = arith.addi %add3A_23, %mul3A_81 : i32
          %multiple_of3A_83 = tpu.assume_multiple %add3A_82, 64 : i32
          "tpu.region"() ({
            %run_scoped3A = tpu.sem_alloc : memref<!tpu.dma_semaphore, #tpu.memory_space<semaphore_mem>>
            %dma_start3A_95 = tpu.memref_slice %arg2[%multiple_of3A_83] : memref<643072xi32, #tpu.memory_space<hbm>> -> memref<64xi32, #tpu.memory_space<hbm>>
            %dma_start3A_96 = tpu.memref_slice %arg2[%multiple_of3A_83] : memref<643072xi32, #tpu.memory_space<hbm>> -> memref<64xi32, #tpu.memory_space<hbm>>
            tpu.enqueue_dma source(%dma_start3A_96 : memref<64xi32, #tpu.memory_space<hbm>>) target(%arg8 : memref<64xi32, #tpu.memory_space<vmem>>) target_semaphore(%run_scoped3A : memref<!tpu.dma_semaphore, #tpu.memory_space<semaphore_mem>>)
            %dma_wait3A_97 = tpu.memref_slice %arg2[%multiple_of3A_83] : memref<643072xi32, #tpu.memory_space<hbm>> -> memref<64xi32, #tpu.memory_space<hbm>>
            %dma_wait3A_98 = tpu.memref_slice %arg2[%multiple_of3A_83] : memref<643072xi32, #tpu.memory_space<hbm>> -> memref<64xi32, #tpu.memory_space<hbm>>
            tpu.wait_dma2 semaphore(%run_scoped3A : memref<!tpu.dma_semaphore, #tpu.memory_space<semaphore_mem>>) src(%dma_wait3A_98 : memref<64xi32, #tpu.memory_space<hbm>>) dst(%arg8 : memref<64xi32, #tpu.memory_space<vmem>>)
            tpu.yield
          }) : () -> ()
          %mul3A_84 = arith.constant 2 : i32
          %mul3A_85 = arith.muli %mul3A_84, %scan3A_35 : i32
          %add3A_86 = arith.constant 2 : i32
          %add3A_87 = arith.addi %mul3A_85, %add3A_86 : i32
          %mul3A_88 = arith.constant 64 : i32
          %mul3A_89 = arith.muli %add3A_87, %mul3A_88 : i32
          %add3A_90 = arith.addi %add3A_23, %mul3A_89 : i32
          %multiple_of3A_91 = tpu.assume_multiple %add3A_90, 64 : i32
          "tpu.region"() ({
            %run_scoped3A = tpu.sem_alloc : memref<!tpu.dma_semaphore, #tpu.memory_space<semaphore_mem>>
            %dma_start3A_95 = tpu.memref_slice %arg3[%multiple_of3A_91] : memref<643072xi32, #tpu.memory_space<hbm>> -> memref<64xi32, #tpu.memory_space<hbm>>
            %dma_start3A_96 = tpu.memref_slice %arg3[%multiple_of3A_91] : memref<643072xi32, #tpu.memory_space<hbm>> -> memref<64xi32, #tpu.memory_space<hbm>>
            tpu.enqueue_dma source(%dma_start3A_96 : memref<64xi32, #tpu.memory_space<hbm>>) target(%arg10 : memref<64xi32, #tpu.memory_space<vmem>>) target_semaphore(%run_scoped3A : memref<!tpu.dma_semaphore, #tpu.memory_space<semaphore_mem>>)
            %dma_wait3A_97 = tpu.memref_slice %arg3[%multiple_of3A_91] : memref<643072xi32, #tpu.memory_space<hbm>> -> memref<64xi32, #tpu.memory_space<hbm>>
            %dma_wait3A_98 = tpu.memref_slice %arg3[%multiple_of3A_91] : memref<643072xi32, #tpu.memory_space<hbm>> -> memref<64xi32, #tpu.memory_space<hbm>>
            tpu.wait_dma2 semaphore(%run_scoped3A : memref<!tpu.dma_semaphore, #tpu.memory_space<semaphore_mem>>) src(%dma_wait3A_98 : memref<64xi32, #tpu.memory_space<hbm>>) dst(%arg10 : memref<64xi32, #tpu.memory_space<vmem>>)
            tpu.yield
          }) : () -> ()
          %dma_start3A_92 = arith.constant 0 : i32
          %dma_start3A_93 = arith.constant 0 : i32
          %dma_start3A_94 = tpu.memref_slice %arg4[%dma_start3A_92, %dma_start3A_93] : memref<20000x128xf32, #tpu.memory_space<hbm>> -> memref<20000x128xf32, #tpu.memory_space<hbm>>
          tpu.enqueue_indirect_dma source(%dma_start3A_94 : memref<20000x128xf32, #tpu.memory_space<hbm>>) target(%arg12 : memref<64x128xf32, #tpu.memory_space<vmem>>) offsets(%arg8 : memref<64xi32, #tpu.memory_space<vmem>>) semaphore(%arg15 : memref<!tpu.dma_semaphore, #tpu.memory_space<semaphore_mem>>)
        } else {
        }
        %dma_wait3A_73 = arith.constant 0 : i32
        %dma_wait3A_74 = arith.constant 0 : i32
        %dma_wait3A_75 = tpu.memref_slice %arg14[%dma_wait3A_73, %dma_wait3A_74] : memref<10240x128xf32, #tpu.memory_space<vmem_shared>> -> memref<10240x128xf32, #tpu.memory_space<vmem_shared>>
        tpu.wait_indirect_dma semaphore(%arg18 : memref<!tpu.dma_semaphore, #tpu.memory_space<semaphore_mem>>) src(%arg13 : memref<64x128xf32, #tpu.memory_space<vmem>>) dst(%dma_wait3A_75 : memref<10240x128xf32, #tpu.memory_space<vmem_shared>>)
      }
      %scan3A_34 = arith.constant 157 : i32
    } else {
    }
    %barrier3A_5 = arith.constant 0 : index
    tpu.barrier barrier_id(%barrier3A_5)
    %convert_element_type3A_6 = arith.extui %eq3A_0 : i1 to i32
    %cond3A_7 = arith.constant 0 : i32
    %cond3A_8 = arith.cmpi ne, %convert_element_type3A_6, %cond3A_7 : i32
    scf.if %cond3A_8 {
      %mul3A = arith.constant 640 : i32
      %mul3A_22 = arith.muli %arg1, %mul3A : i32
      %run_scoped3A = arith.constant 0 : i32
      "tpu.region"() ({
        %run_scoped3A_23 = tpu.sem_alloc : memref<!tpu.dma_semaphore, #tpu.memory_space<semaphore_mem>>
        %dma_start3A = arith.constant 0 : i32
        %dma_start3A_24 = tpu.memref_slice %arg7[%run_scoped3A, %mul3A_22, %dma_start3A] : memref<2x10240x128xf32, #tpu.memory_space<hbm>> -> memref<1x640x128xf32, #tpu.memory_space<hbm>>
        %dma_start3A_25 = tpu.memref_squeeze %dma_start3A_24 : memref<1x640x128xf32, #tpu.memory_space<hbm>> -> memref<640x128xf32, #tpu.memory_space<hbm>>
        %dma_start3A_26 = arith.constant 0 : i32
        %dma_start3A_27 = tpu.memref_slice %arg14[%mul3A_22, %dma_start3A_26] : memref<10240x128xf32, #tpu.memory_space<vmem_shared>> -> memref<640x128xf32, #tpu.memory_space<vmem_shared>>
        tpu.enqueue_dma source(%dma_start3A_27 : memref<640x128xf32, #tpu.memory_space<vmem_shared>>) target(%dma_start3A_25 : memref<640x128xf32, #tpu.memory_space<hbm>>) target_semaphore(%run_scoped3A_23 : memref<!tpu.dma_semaphore, #tpu.memory_space<semaphore_mem>>)
        %dma_wait3A = arith.constant 0 : i32
        %dma_wait3A_28 = tpu.memref_slice %arg7[%run_scoped3A, %mul3A_22, %dma_wait3A] : memref<2x10240x128xf32, #tpu.memory_space<hbm>> -> memref<1x640x128xf32, #tpu.memory_space<hbm>>
        %dma_wait3A_29 = tpu.memref_squeeze %dma_wait3A_28 : memref<1x640x128xf32, #tpu.memory_space<hbm>> -> memref<640x128xf32, #tpu.memory_space<hbm>>
        %dma_wait3A_30 = arith.constant 0 : i32
        %dma_wait3A_31 = tpu.memref_slice %arg14[%mul3A_22, %dma_wait3A_30] : memref<10240x128xf32, #tpu.memory_space<vmem_shared>> -> memref<640x128xf32, #tpu.memory_space<vmem_shared>>
        tpu.wait_dma2 semaphore(%run_scoped3A_23 : memref<!tpu.dma_semaphore, #tpu.memory_space<semaphore_mem>>) src(%dma_wait3A_31 : memref<640x128xf32, #tpu.memory_space<vmem_shared>>) dst(%dma_wait3A_29 : memref<640x128xf32, #tpu.memory_space<hbm>>)
        tpu.yield
      }) : () -> ()
    } else {
    }
    %barrier3A_9 = arith.constant 0 : index
    tpu.barrier barrier_id(%barrier3A_9)
    %convert_element_type3A_10 = arith.extui %eq3A_0 : i1 to i32
    %cond3A_11 = arith.constant 0 : i32
    %cond3A_12 = arith.cmpi ne, %convert_element_type3A_10, %cond3A_11 : i32
    scf.if %cond3A_12 {
      "tpu.region"() ({
        %run_scoped3A = tpu.sem_alloc : memref<!tpu.dma_semaphore, #tpu.memory_space<semaphore_mem>>
        tpu.enqueue_dma source(%arg5 : memref<64x128xf32, #tpu.memory_space<hbm>>) target(%arg12 : memref<64x128xf32, #tpu.memory_space<vmem>>) target_semaphore(%run_scoped3A : memref<!tpu.dma_semaphore, #tpu.memory_space<semaphore_mem>>)
        tpu.wait_dma2 semaphore(%run_scoped3A : memref<!tpu.dma_semaphore, #tpu.memory_space<semaphore_mem>>) src(%arg5 : memref<64x128xf32, #tpu.memory_space<hbm>>) dst(%arg12 : memref<64x128xf32, #tpu.memory_space<vmem>>)
        tpu.yield
      }) : () -> ()
      %add3A = arith.constant 0 : i32
      %add3A_22 = arith.addi %add3A, %arg1 : i32
      %mul3A = arith.constant 64 : i32
      %mul3A_23 = arith.muli %add3A_22, %mul3A : i32
      "tpu.region"() ({
        %run_scoped3A = tpu.sem_alloc : memref<!tpu.dma_semaphore, #tpu.memory_space<semaphore_mem>>
        %dma_start3A = arith.constant 0 : i32
        %dma_start3A_60 = tpu.memref_slice %arg14[%mul3A_23, %dma_start3A] : memref<10240x128xf32, #tpu.memory_space<vmem_shared>> -> memref<64x128xf32, #tpu.memory_space<vmem_shared>>
        %dma_start3A_61 = arith.constant 0 : i32
        %dma_start3A_62 = tpu.memref_slice %arg14[%mul3A_23, %dma_start3A_61] : memref<10240x128xf32, #tpu.memory_space<vmem_shared>> -> memref<64x128xf32, #tpu.memory_space<vmem_shared>>
        tpu.enqueue_dma source(%arg12 : memref<64x128xf32, #tpu.memory_space<vmem>>) target(%dma_start3A_62 : memref<64x128xf32, #tpu.memory_space<vmem_shared>>) target_semaphore(%run_scoped3A : memref<!tpu.dma_semaphore, #tpu.memory_space<semaphore_mem>>)
        %dma_wait3A = arith.constant 0 : i32
        %dma_wait3A_63 = tpu.memref_slice %arg14[%mul3A_23, %dma_wait3A] : memref<10240x128xf32, #tpu.memory_space<vmem_shared>> -> memref<64x128xf32, #tpu.memory_space<vmem_shared>>
        %dma_wait3A_64 = arith.constant 0 : i32
        %dma_wait3A_65 = tpu.memref_slice %arg14[%mul3A_23, %dma_wait3A_64] : memref<10240x128xf32, #tpu.memory_space<vmem_shared>> -> memref<64x128xf32, #tpu.memory_space<vmem_shared>>
        tpu.wait_dma2 semaphore(%run_scoped3A : memref<!tpu.dma_semaphore, #tpu.memory_space<semaphore_mem>>) src(%arg12 : memref<64x128xf32, #tpu.memory_space<vmem>>) dst(%dma_wait3A_65 : memref<64x128xf32, #tpu.memory_space<vmem_shared>>)
        tpu.yield
      }) : () -> ()
      %add3A_24 = arith.constant 16 : i32
      %add3A_25 = arith.addi %add3A_24, %arg1 : i32
      %mul3A_26 = arith.constant 64 : i32
      %mul3A_27 = arith.muli %add3A_25, %mul3A_26 : i32
      "tpu.region"() ({
        %run_scoped3A = tpu.sem_alloc : memref<!tpu.dma_semaphore, #tpu.memory_space<semaphore_mem>>
        %dma_start3A = arith.constant 0 : i32
        %dma_start3A_60 = tpu.memref_slice %arg14[%mul3A_27, %dma_start3A] : memref<10240x128xf32, #tpu.memory_space<vmem_shared>> -> memref<64x128xf32, #tpu.memory_space<vmem_shared>>
        %dma_start3A_61 = arith.constant 0 : i32
        %dma_start3A_62 = tpu.memref_slice %arg14[%mul3A_27, %dma_start3A_61] : memref<10240x128xf32, #tpu.memory_space<vmem_shared>> -> memref<64x128xf32, #tpu.memory_space<vmem_shared>>
        tpu.enqueue_dma source(%arg12 : memref<64x128xf32, #tpu.memory_space<vmem>>) target(%dma_start3A_62 : memref<64x128xf32, #tpu.memory_space<vmem_shared>>) target_semaphore(%run_scoped3A : memref<!tpu.dma_semaphore, #tpu.memory_space<semaphore_mem>>)
        %dma_wait3A = arith.constant 0 : i32
        %dma_wait3A_63 = tpu.memref_slice %arg14[%mul3A_27, %dma_wait3A] : memref<10240x128xf32, #tpu.memory_space<vmem_shared>> -> memref<64x128xf32, #tpu.memory_space<vmem_shared>>
        %dma_wait3A_64 = arith.constant 0 : i32
        %dma_wait3A_65 = tpu.memref_slice %arg14[%mul3A_27, %dma_wait3A_64] : memref<10240x128xf32, #tpu.memory_space<vmem_shared>> -> memref<64x128xf32, #tpu.memory_space<vmem_shared>>
        tpu.wait_dma2 semaphore(%run_scoped3A : memref<!tpu.dma_semaphore, #tpu.memory_space<semaphore_mem>>) src(%arg12 : memref<64x128xf32, #tpu.memory_space<vmem>>) dst(%dma_wait3A_65 : memref<64x128xf32, #tpu.memory_space<vmem_shared>>)
        tpu.yield
      }) : () -> ()
      %add3A_28 = arith.constant 32 : i32
      %add3A_29 = arith.addi %add3A_28, %arg1 : i32
      %mul3A_30 = arith.constant 64 : i32
      %mul3A_31 = arith.muli %add3A_29, %mul3A_30 : i32
      "tpu.region"() ({
        %run_scoped3A = tpu.sem_alloc : memref<!tpu.dma_semaphore, #tpu.memory_space<semaphore_mem>>
        %dma_start3A = arith.constant 0 : i32
        %dma_start3A_60 = tpu.memref_slice %arg14[%mul3A_31, %dma_start3A] : memref<10240x128xf32, #tpu.memory_space<vmem_shared>> -> memref<64x128xf32, #tpu.memory_space<vmem_shared>>
        %dma_start3A_61 = arith.constant 0 : i32
        %dma_start3A_62 = tpu.memref_slice %arg14[%mul3A_31, %dma_start3A_61] : memref<10240x128xf32, #tpu.memory_space<vmem_shared>> -> memref<64x128xf32, #tpu.memory_space<vmem_shared>>
        tpu.enqueue_dma source(%arg12 : memref<64x128xf32, #tpu.memory_space<vmem>>) target(%dma_start3A_62 : memref<64x128xf32, #tpu.memory_space<vmem_shared>>) target_semaphore(%run_scoped3A : memref<!tpu.dma_semaphore, #tpu.memory_space<semaphore_mem>>)
        %dma_wait3A = arith.constant 0 : i32
        %dma_wait3A_63 = tpu.memref_slice %arg14[%mul3A_31, %dma_wait3A] : memref<10240x128xf32, #tpu.memory_space<vmem_shared>> -> memref<64x128xf32, #tpu.memory_space<vmem_shared>>
        %dma_wait3A_64 = arith.constant 0 : i32
        %dma_wait3A_65 = tpu.memref_slice %arg14[%mul3A_31, %dma_wait3A_64] : memref<10240x128xf32, #tpu.memory_space<vmem_shared>> -> memref<64x128xf32, #tpu.memory_space<vmem_shared>>
        tpu.wait_dma2 semaphore(%run_scoped3A : memref<!tpu.dma_semaphore, #tpu.memory_space<semaphore_mem>>) src(%arg12 : memref<64x128xf32, #tpu.memory_space<vmem>>) dst(%dma_wait3A_65 : memref<64x128xf32, #tpu.memory_space<vmem_shared>>)
        tpu.yield
      }) : () -> ()
      %add3A_32 = arith.constant 48 : i32
      %add3A_33 = arith.addi %add3A_32, %arg1 : i32
      %mul3A_34 = arith.constant 64 : i32
      %mul3A_35 = arith.muli %add3A_33, %mul3A_34 : i32
      "tpu.region"() ({
        %run_scoped3A = tpu.sem_alloc : memref<!tpu.dma_semaphore, #tpu.memory_space<semaphore_mem>>
        %dma_start3A = arith.constant 0 : i32
        %dma_start3A_60 = tpu.memref_slice %arg14[%mul3A_35, %dma_start3A] : memref<10240x128xf32, #tpu.memory_space<vmem_shared>> -> memref<64x128xf32, #tpu.memory_space<vmem_shared>>
        %dma_start3A_61 = arith.constant 0 : i32
        %dma_start3A_62 = tpu.memref_slice %arg14[%mul3A_35, %dma_start3A_61] : memref<10240x128xf32, #tpu.memory_space<vmem_shared>> -> memref<64x128xf32, #tpu.memory_space<vmem_shared>>
        tpu.enqueue_dma source(%arg12 : memref<64x128xf32, #tpu.memory_space<vmem>>) target(%dma_start3A_62 : memref<64x128xf32, #tpu.memory_space<vmem_shared>>) target_semaphore(%run_scoped3A : memref<!tpu.dma_semaphore, #tpu.memory_space<semaphore_mem>>)
        %dma_wait3A = arith.constant 0 : i32
        %dma_wait3A_63 = tpu.memref_slice %arg14[%mul3A_35, %dma_wait3A] : memref<10240x128xf32, #tpu.memory_space<vmem_shared>> -> memref<64x128xf32, #tpu.memory_space<vmem_shared>>
        %dma_wait3A_64 = arith.constant 0 : i32
        %dma_wait3A_65 = tpu.memref_slice %arg14[%mul3A_35, %dma_wait3A_64] : memref<10240x128xf32, #tpu.memory_space<vmem_shared>> -> memref<64x128xf32, #tpu.memory_space<vmem_shared>>
        tpu.wait_dma2 semaphore(%run_scoped3A : memref<!tpu.dma_semaphore, #tpu.memory_space<semaphore_mem>>) src(%arg12 : memref<64x128xf32, #tpu.memory_space<vmem>>) dst(%dma_wait3A_65 : memref<64x128xf32, #tpu.memory_space<vmem_shared>>)
        tpu.yield
      }) : () -> ()
      %add3A_36 = arith.constant 64 : i32
      %add3A_37 = arith.addi %add3A_36, %arg1 : i32
      %mul3A_38 = arith.constant 64 : i32
      %mul3A_39 = arith.muli %add3A_37, %mul3A_38 : i32
      "tpu.region"() ({
        %run_scoped3A = tpu.sem_alloc : memref<!tpu.dma_semaphore, #tpu.memory_space<semaphore_mem>>
        %dma_start3A = arith.constant 0 : i32
        %dma_start3A_60 = tpu.memref_slice %arg14[%mul3A_39, %dma_start3A] : memref<10240x128xf32, #tpu.memory_space<vmem_shared>> -> memref<64x128xf32, #tpu.memory_space<vmem_shared>>
        %dma_start3A_61 = arith.constant 0 : i32
        %dma_start3A_62 = tpu.memref_slice %arg14[%mul3A_39, %dma_start3A_61] : memref<10240x128xf32, #tpu.memory_space<vmem_shared>> -> memref<64x128xf32, #tpu.memory_space<vmem_shared>>
        tpu.enqueue_dma source(%arg12 : memref<64x128xf32, #tpu.memory_space<vmem>>) target(%dma_start3A_62 : memref<64x128xf32, #tpu.memory_space<vmem_shared>>) target_semaphore(%run_scoped3A : memref<!tpu.dma_semaphore, #tpu.memory_space<semaphore_mem>>)
        %dma_wait3A = arith.constant 0 : i32
        %dma_wait3A_63 = tpu.memref_slice %arg14[%mul3A_39, %dma_wait3A] : memref<10240x128xf32, #tpu.memory_space<vmem_shared>> -> memref<64x128xf32, #tpu.memory_space<vmem_shared>>
        %dma_wait3A_64 = arith.constant 0 : i32
        %dma_wait3A_65 = tpu.memref_slice %arg14[%mul3A_39, %dma_wait3A_64] : memref<10240x128xf32, #tpu.memory_space<vmem_shared>> -> memref<64x128xf32, #tpu.memory_space<vmem_shared>>
        tpu.wait_dma2 semaphore(%run_scoped3A : memref<!tpu.dma_semaphore, #tpu.memory_space<semaphore_mem>>) src(%arg12 : memref<64x128xf32, #tpu.memory_space<vmem>>) dst(%dma_wait3A_65 : memref<64x128xf32, #tpu.memory_space<vmem_shared>>)
        tpu.yield
      }) : () -> ()
      %add3A_40 = arith.constant 80 : i32
      %add3A_41 = arith.addi %add3A_40, %arg1 : i32
      %mul3A_42 = arith.constant 64 : i32
      %mul3A_43 = arith.muli %add3A_41, %mul3A_42 : i32
      "tpu.region"() ({
        %run_scoped3A = tpu.sem_alloc : memref<!tpu.dma_semaphore, #tpu.memory_space<semaphore_mem>>
        %dma_start3A = arith.constant 0 : i32
        %dma_start3A_60 = tpu.memref_slice %arg14[%mul3A_43, %dma_start3A] : memref<10240x128xf32, #tpu.memory_space<vmem_shared>> -> memref<64x128xf32, #tpu.memory_space<vmem_shared>>
        %dma_start3A_61 = arith.constant 0 : i32
        %dma_start3A_62 = tpu.memref_slice %arg14[%mul3A_43, %dma_start3A_61] : memref<10240x128xf32, #tpu.memory_space<vmem_shared>> -> memref<64x128xf32, #tpu.memory_space<vmem_shared>>
        tpu.enqueue_dma source(%arg12 : memref<64x128xf32, #tpu.memory_space<vmem>>) target(%dma_start3A_62 : memref<64x128xf32, #tpu.memory_space<vmem_shared>>) target_semaphore(%run_scoped3A : memref<!tpu.dma_semaphore, #tpu.memory_space<semaphore_mem>>)
        %dma_wait3A = arith.constant 0 : i32
        %dma_wait3A_63 = tpu.memref_slice %arg14[%mul3A_43, %dma_wait3A] : memref<10240x128xf32, #tpu.memory_space<vmem_shared>> -> memref<64x128xf32, #tpu.memory_space<vmem_shared>>
        %dma_wait3A_64 = arith.constant 0 : i32
        %dma_wait3A_65 = tpu.memref_slice %arg14[%mul3A_43, %dma_wait3A_64] : memref<10240x128xf32, #tpu.memory_space<vmem_shared>> -> memref<64x128xf32, #tpu.memory_space<vmem_shared>>
        tpu.wait_dma2 semaphore(%run_scoped3A : memref<!tpu.dma_semaphore, #tpu.memory_space<semaphore_mem>>) src(%arg12 : memref<64x128xf32, #tpu.memory_space<vmem>>) dst(%dma_wait3A_65 : memref<64x128xf32, #tpu.memory_space<vmem_shared>>)
        tpu.yield
      }) : () -> ()
      %add3A_44 = arith.constant 96 : i32
      %add3A_45 = arith.addi %add3A_44, %arg1 : i32
      %mul3A_46 = arith.constant 64 : i32
      %mul3A_47 = arith.muli %add3A_45, %mul3A_46 : i32
      "tpu.region"() ({
        %run_scoped3A = tpu.sem_alloc : memref<!tpu.dma_semaphore, #tpu.memory_space<semaphore_mem>>
        %dma_start3A = arith.constant 0 : i32
        %dma_start3A_60 = tpu.memref_slice %arg14[%mul3A_47, %dma_start3A] : memref<10240x128xf32, #tpu.memory_space<vmem_shared>> -> memref<64x128xf32, #tpu.memory_space<vmem_shared>>
        %dma_start3A_61 = arith.constant 0 : i32
        %dma_start3A_62 = tpu.memref_slice %arg14[%mul3A_47, %dma_start3A_61] : memref<10240x128xf32, #tpu.memory_space<vmem_shared>> -> memref<64x128xf32, #tpu.memory_space<vmem_shared>>
        tpu.enqueue_dma source(%arg12 : memref<64x128xf32, #tpu.memory_space<vmem>>) target(%dma_start3A_62 : memref<64x128xf32, #tpu.memory_space<vmem_shared>>) target_semaphore(%run_scoped3A : memref<!tpu.dma_semaphore, #tpu.memory_space<semaphore_mem>>)
        %dma_wait3A = arith.constant 0 : i32
        %dma_wait3A_63 = tpu.memref_slice %arg14[%mul3A_47, %dma_wait3A] : memref<10240x128xf32, #tpu.memory_space<vmem_shared>> -> memref<64x128xf32, #tpu.memory_space<vmem_shared>>
        %dma_wait3A_64 = arith.constant 0 : i32
        %dma_wait3A_65 = tpu.memref_slice %arg14[%mul3A_47, %dma_wait3A_64] : memref<10240x128xf32, #tpu.memory_space<vmem_shared>> -> memref<64x128xf32, #tpu.memory_space<vmem_shared>>
        tpu.wait_dma2 semaphore(%run_scoped3A : memref<!tpu.dma_semaphore, #tpu.memory_space<semaphore_mem>>) src(%arg12 : memref<64x128xf32, #tpu.memory_space<vmem>>) dst(%dma_wait3A_65 : memref<64x128xf32, #tpu.memory_space<vmem_shared>>)
        tpu.yield
      }) : () -> ()
      %add3A_48 = arith.constant 112 : i32
      %add3A_49 = arith.addi %add3A_48, %arg1 : i32
      %mul3A_50 = arith.constant 64 : i32
      %mul3A_51 = arith.muli %add3A_49, %mul3A_50 : i32
      "tpu.region"() ({
        %run_scoped3A = tpu.sem_alloc : memref<!tpu.dma_semaphore, #tpu.memory_space<semaphore_mem>>
        %dma_start3A = arith.constant 0 : i32
        %dma_start3A_60 = tpu.memref_slice %arg14[%mul3A_51, %dma_start3A] : memref<10240x128xf32, #tpu.memory_space<vmem_shared>> -> memref<64x128xf32, #tpu.memory_space<vmem_shared>>
        %dma_start3A_61 = arith.constant 0 : i32
        %dma_start3A_62 = tpu.memref_slice %arg14[%mul3A_51, %dma_start3A_61] : memref<10240x128xf32, #tpu.memory_space<vmem_shared>> -> memref<64x128xf32, #tpu.memory_space<vmem_shared>>
        tpu.enqueue_dma source(%arg12 : memref<64x128xf32, #tpu.memory_space<vmem>>) target(%dma_start3A_62 : memref<64x128xf32, #tpu.memory_space<vmem_shared>>) target_semaphore(%run_scoped3A : memref<!tpu.dma_semaphore, #tpu.memory_space<semaphore_mem>>)
        %dma_wait3A = arith.constant 0 : i32
        %dma_wait3A_63 = tpu.memref_slice %arg14[%mul3A_51, %dma_wait3A] : memref<10240x128xf32, #tpu.memory_space<vmem_shared>> -> memref<64x128xf32, #tpu.memory_space<vmem_shared>>
        %dma_wait3A_64 = arith.constant 0 : i32
        %dma_wait3A_65 = tpu.memref_slice %arg14[%mul3A_51, %dma_wait3A_64] : memref<10240x128xf32, #tpu.memory_space<vmem_shared>> -> memref<64x128xf32, #tpu.memory_space<vmem_shared>>
        tpu.wait_dma2 semaphore(%run_scoped3A : memref<!tpu.dma_semaphore, #tpu.memory_space<semaphore_mem>>) src(%arg12 : memref<64x128xf32, #tpu.memory_space<vmem>>) dst(%dma_wait3A_65 : memref<64x128xf32, #tpu.memory_space<vmem_shared>>)
        tpu.yield
      }) : () -> ()
      %add3A_52 = arith.constant 128 : i32
      %add3A_53 = arith.addi %add3A_52, %arg1 : i32
      %mul3A_54 = arith.constant 64 : i32
      %mul3A_55 = arith.muli %add3A_53, %mul3A_54 : i32
      "tpu.region"() ({
        %run_scoped3A = tpu.sem_alloc : memref<!tpu.dma_semaphore, #tpu.memory_space<semaphore_mem>>
        %dma_start3A = arith.constant 0 : i32
        %dma_start3A_60 = tpu.memref_slice %arg14[%mul3A_55, %dma_start3A] : memref<10240x128xf32, #tpu.memory_space<vmem_shared>> -> memref<64x128xf32, #tpu.memory_space<vmem_shared>>
        %dma_start3A_61 = arith.constant 0 : i32
        %dma_start3A_62 = tpu.memref_slice %arg14[%mul3A_55, %dma_start3A_61] : memref<10240x128xf32, #tpu.memory_space<vmem_shared>> -> memref<64x128xf32, #tpu.memory_space<vmem_shared>>
        tpu.enqueue_dma source(%arg12 : memref<64x128xf32, #tpu.memory_space<vmem>>) target(%dma_start3A_62 : memref<64x128xf32, #tpu.memory_space<vmem_shared>>) target_semaphore(%run_scoped3A : memref<!tpu.dma_semaphore, #tpu.memory_space<semaphore_mem>>)
        %dma_wait3A = arith.constant 0 : i32
        %dma_wait3A_63 = tpu.memref_slice %arg14[%mul3A_55, %dma_wait3A] : memref<10240x128xf32, #tpu.memory_space<vmem_shared>> -> memref<64x128xf32, #tpu.memory_space<vmem_shared>>
        %dma_wait3A_64 = arith.constant 0 : i32
        %dma_wait3A_65 = tpu.memref_slice %arg14[%mul3A_55, %dma_wait3A_64] : memref<10240x128xf32, #tpu.memory_space<vmem_shared>> -> memref<64x128xf32, #tpu.memory_space<vmem_shared>>
        tpu.wait_dma2 semaphore(%run_scoped3A : memref<!tpu.dma_semaphore, #tpu.memory_space<semaphore_mem>>) src(%arg12 : memref<64x128xf32, #tpu.memory_space<vmem>>) dst(%dma_wait3A_65 : memref<64x128xf32, #tpu.memory_space<vmem_shared>>)
        tpu.yield
      }) : () -> ()
      %add3A_56 = arith.constant 144 : i32
      %add3A_57 = arith.addi %add3A_56, %arg1 : i32
      %mul3A_58 = arith.constant 64 : i32
      %mul3A_59 = arith.muli %add3A_57, %mul3A_58 : i32
      "tpu.region"() ({
        %run_scoped3A = tpu.sem_alloc : memref<!tpu.dma_semaphore, #tpu.memory_space<semaphore_mem>>
        %dma_start3A = arith.constant 0 : i32
        %dma_start3A_60 = tpu.memref_slice %arg14[%mul3A_59, %dma_start3A] : memref<10240x128xf32, #tpu.memory_space<vmem_shared>> -> memref<64x128xf32, #tpu.memory_space<vmem_shared>>
        %dma_start3A_61 = arith.constant 0 : i32
        %dma_start3A_62 = tpu.memref_slice %arg14[%mul3A_59, %dma_start3A_61] : memref<10240x128xf32, #tpu.memory_space<vmem_shared>> -> memref<64x128xf32, #tpu.memory_space<vmem_shared>>
        tpu.enqueue_dma source(%arg12 : memref<64x128xf32, #tpu.memory_space<vmem>>) target(%dma_start3A_62 : memref<64x128xf32, #tpu.memory_space<vmem_shared>>) target_semaphore(%run_scoped3A : memref<!tpu.dma_semaphore, #tpu.memory_space<semaphore_mem>>)
        %dma_wait3A = arith.constant 0 : i32
        %dma_wait3A_63 = tpu.memref_slice %arg14[%mul3A_59, %dma_wait3A] : memref<10240x128xf32, #tpu.memory_space<vmem_shared>> -> memref<64x128xf32, #tpu.memory_space<vmem_shared>>
        %dma_wait3A_64 = arith.constant 0 : i32
        %dma_wait3A_65 = tpu.memref_slice %arg14[%mul3A_59, %dma_wait3A_64] : memref<10240x128xf32, #tpu.memory_space<vmem_shared>> -> memref<64x128xf32, #tpu.memory_space<vmem_shared>>
        tpu.wait_dma2 semaphore(%run_scoped3A : memref<!tpu.dma_semaphore, #tpu.memory_space<semaphore_mem>>) src(%arg12 : memref<64x128xf32, #tpu.memory_space<vmem>>) dst(%dma_wait3A_65 : memref<64x128xf32, #tpu.memory_space<vmem_shared>>)
        tpu.yield
      }) : () -> ()
    } else {
    }
    %barrier3A_13 = arith.constant 0 : index
    tpu.barrier barrier_id(%barrier3A_13)
    %convert_element_type3A_14 = arith.extui %eq3A_0 : i1 to i32
    %cond3A_15 = arith.constant 0 : i32
    %cond3A_16 = arith.cmpi ne, %convert_element_type3A_14, %cond3A_15 : i32
    scf.if %cond3A_16 {
      %mul3A = arith.constant 20096 : i32
      %mul3A_22 = arith.muli %arg1, %mul3A : i32
      %add3A = arith.constant 321536 : i32
      %add3A_23 = arith.addi %add3A, %mul3A_22 : i32
      %add3A_24 = arith.constant 0 : i32
      %add3A_25 = arith.addi %add3A_23, %add3A_24 : i32
      %multiple_of3A = tpu.assume_multiple %add3A_25, 64 : i32
      "tpu.region"() ({
        %run_scoped3A = tpu.sem_alloc : memref<!tpu.dma_semaphore, #tpu.memory_space<semaphore_mem>>
        %dma_start3A_35 = tpu.memref_slice %arg2[%multiple_of3A] : memref<643072xi32, #tpu.memory_space<hbm>> -> memref<64xi32, #tpu.memory_space<hbm>>
        %dma_start3A_36 = tpu.memref_slice %arg2[%multiple_of3A] : memref<643072xi32, #tpu.memory_space<hbm>> -> memref<64xi32, #tpu.memory_space<hbm>>
        tpu.enqueue_dma source(%dma_start3A_36 : memref<64xi32, #tpu.memory_space<hbm>>) target(%arg8 : memref<64xi32, #tpu.memory_space<vmem>>) target_semaphore(%run_scoped3A : memref<!tpu.dma_semaphore, #tpu.memory_space<semaphore_mem>>)
        %dma_wait3A = tpu.memref_slice %arg2[%multiple_of3A] : memref<643072xi32, #tpu.memory_space<hbm>> -> memref<64xi32, #tpu.memory_space<hbm>>
        %dma_wait3A_37 = tpu.memref_slice %arg2[%multiple_of3A] : memref<643072xi32, #tpu.memory_space<hbm>> -> memref<64xi32, #tpu.memory_space<hbm>>
        tpu.wait_dma2 semaphore(%run_scoped3A : memref<!tpu.dma_semaphore, #tpu.memory_space<semaphore_mem>>) src(%dma_wait3A_37 : memref<64xi32, #tpu.memory_space<hbm>>) dst(%arg8 : memref<64xi32, #tpu.memory_space<vmem>>)
        tpu.yield
      }) : () -> ()
      %add3A_26 = arith.constant 0 : i32
      %add3A_27 = arith.addi %add3A_23, %add3A_26 : i32
      %multiple_of3A_28 = tpu.assume_multiple %add3A_27, 64 : i32
      "tpu.region"() ({
        %run_scoped3A = tpu.sem_alloc : memref<!tpu.dma_semaphore, #tpu.memory_space<semaphore_mem>>
        %dma_start3A_35 = tpu.memref_slice %arg3[%multiple_of3A_28] : memref<643072xi32, #tpu.memory_space<hbm>> -> memref<64xi32, #tpu.memory_space<hbm>>
        %dma_start3A_36 = tpu.memref_slice %arg3[%multiple_of3A_28] : memref<643072xi32, #tpu.memory_space<hbm>> -> memref<64xi32, #tpu.memory_space<hbm>>
        tpu.enqueue_dma source(%dma_start3A_36 : memref<64xi32, #tpu.memory_space<hbm>>) target(%arg10 : memref<64xi32, #tpu.memory_space<vmem>>) target_semaphore(%run_scoped3A : memref<!tpu.dma_semaphore, #tpu.memory_space<semaphore_mem>>)
        %dma_wait3A = tpu.memref_slice %arg3[%multiple_of3A_28] : memref<643072xi32, #tpu.memory_space<hbm>> -> memref<64xi32, #tpu.memory_space<hbm>>
        %dma_wait3A_37 = tpu.memref_slice %arg3[%multiple_of3A_28] : memref<643072xi32, #tpu.memory_space<hbm>> -> memref<64xi32, #tpu.memory_space<hbm>>
        tpu.wait_dma2 semaphore(%run_scoped3A : memref<!tpu.dma_semaphore, #tpu.memory_space<semaphore_mem>>) src(%dma_wait3A_37 : memref<64xi32, #tpu.memory_space<hbm>>) dst(%arg10 : memref<64xi32, #tpu.memory_space<vmem>>)
        tpu.yield
      }) : () -> ()
      %dma_start3A = arith.constant 0 : i32
      %dma_start3A_29 = arith.constant 0 : i32
      %dma_start3A_30 = tpu.memref_slice %arg4[%dma_start3A, %dma_start3A_29] : memref<20000x128xf32, #tpu.memory_space<hbm>> -> memref<20000x128xf32, #tpu.memory_space<hbm>>
      tpu.enqueue_indirect_dma source(%dma_start3A_30 : memref<20000x128xf32, #tpu.memory_space<hbm>>) target(%arg12 : memref<64x128xf32, #tpu.memory_space<vmem>>) offsets(%arg8 : memref<64xi32, #tpu.memory_space<vmem>>) semaphore(%arg15 : memref<!tpu.dma_semaphore, #tpu.memory_space<semaphore_mem>>)
      %scan3A = arith.constant 0 : i32
      %scan3A_31 = arith.constant 157 : i32
      %scan3A_32 = arith.addi %scan3A, %scan3A_31 : i32
      %scan3A_33 = arith.constant 1 : i32
      scf.for %scan3A_35 = %scan3A to %scan3A_32 step %scan3A_33  : i32 {
        %mul3A_36 = arith.constant 2 : i32
        %mul3A_37 = arith.muli %mul3A_36, %scan3A_35 : i32
        %add3A_38 = arith.constant 1 : i32
        %add3A_39 = arith.addi %mul3A_37, %add3A_38 : i32
        %mul3A_40 = arith.constant 64 : i32
        %mul3A_41 = arith.muli %add3A_39, %mul3A_40 : i32
        %add3A_42 = arith.addi %add3A_23, %mul3A_41 : i32
        %multiple_of3A_43 = tpu.assume_multiple %add3A_42, 64 : i32
        "tpu.region"() ({
          %run_scoped3A = tpu.sem_alloc : memref<!tpu.dma_semaphore, #tpu.memory_space<semaphore_mem>>
          %dma_start3A_76 = tpu.memref_slice %arg2[%multiple_of3A_43] : memref<643072xi32, #tpu.memory_space<hbm>> -> memref<64xi32, #tpu.memory_space<hbm>>
          %dma_start3A_77 = tpu.memref_slice %arg2[%multiple_of3A_43] : memref<643072xi32, #tpu.memory_space<hbm>> -> memref<64xi32, #tpu.memory_space<hbm>>
          tpu.enqueue_dma source(%dma_start3A_77 : memref<64xi32, #tpu.memory_space<hbm>>) target(%arg9 : memref<64xi32, #tpu.memory_space<vmem>>) target_semaphore(%run_scoped3A : memref<!tpu.dma_semaphore, #tpu.memory_space<semaphore_mem>>)
          %dma_wait3A_78 = tpu.memref_slice %arg2[%multiple_of3A_43] : memref<643072xi32, #tpu.memory_space<hbm>> -> memref<64xi32, #tpu.memory_space<hbm>>
          %dma_wait3A_79 = tpu.memref_slice %arg2[%multiple_of3A_43] : memref<643072xi32, #tpu.memory_space<hbm>> -> memref<64xi32, #tpu.memory_space<hbm>>
          tpu.wait_dma2 semaphore(%run_scoped3A : memref<!tpu.dma_semaphore, #tpu.memory_space<semaphore_mem>>) src(%dma_wait3A_79 : memref<64xi32, #tpu.memory_space<hbm>>) dst(%arg9 : memref<64xi32, #tpu.memory_space<vmem>>)
          tpu.yield
        }) : () -> ()
        %mul3A_44 = arith.constant 2 : i32
        %mul3A_45 = arith.muli %mul3A_44, %scan3A_35 : i32
        %add3A_46 = arith.constant 1 : i32
        %add3A_47 = arith.addi %mul3A_45, %add3A_46 : i32
        %mul3A_48 = arith.constant 64 : i32
        %mul3A_49 = arith.muli %add3A_47, %mul3A_48 : i32
        %add3A_50 = arith.addi %add3A_23, %mul3A_49 : i32
        %multiple_of3A_51 = tpu.assume_multiple %add3A_50, 64 : i32
        "tpu.region"() ({
          %run_scoped3A = tpu.sem_alloc : memref<!tpu.dma_semaphore, #tpu.memory_space<semaphore_mem>>
          %dma_start3A_76 = tpu.memref_slice %arg3[%multiple_of3A_51] : memref<643072xi32, #tpu.memory_space<hbm>> -> memref<64xi32, #tpu.memory_space<hbm>>
          %dma_start3A_77 = tpu.memref_slice %arg3[%multiple_of3A_51] : memref<643072xi32, #tpu.memory_space<hbm>> -> memref<64xi32, #tpu.memory_space<hbm>>
          tpu.enqueue_dma source(%dma_start3A_77 : memref<64xi32, #tpu.memory_space<hbm>>) target(%arg11 : memref<64xi32, #tpu.memory_space<vmem>>) target_semaphore(%run_scoped3A : memref<!tpu.dma_semaphore, #tpu.memory_space<semaphore_mem>>)
          %dma_wait3A_78 = tpu.memref_slice %arg3[%multiple_of3A_51] : memref<643072xi32, #tpu.memory_space<hbm>> -> memref<64xi32, #tpu.memory_space<hbm>>
          %dma_wait3A_79 = tpu.memref_slice %arg3[%multiple_of3A_51] : memref<643072xi32, #tpu.memory_space<hbm>> -> memref<64xi32, #tpu.memory_space<hbm>>
          tpu.wait_dma2 semaphore(%run_scoped3A : memref<!tpu.dma_semaphore, #tpu.memory_space<semaphore_mem>>) src(%dma_wait3A_79 : memref<64xi32, #tpu.memory_space<hbm>>) dst(%arg11 : memref<64xi32, #tpu.memory_space<vmem>>)
          tpu.yield
        }) : () -> ()
        %dma_start3A_52 = arith.constant 0 : i32
        %dma_start3A_53 = arith.constant 0 : i32
        %dma_start3A_54 = tpu.memref_slice %arg4[%dma_start3A_52, %dma_start3A_53] : memref<20000x128xf32, #tpu.memory_space<hbm>> -> memref<20000x128xf32, #tpu.memory_space<hbm>>
        tpu.enqueue_indirect_dma source(%dma_start3A_54 : memref<20000x128xf32, #tpu.memory_space<hbm>>) target(%arg13 : memref<64x128xf32, #tpu.memory_space<vmem>>) offsets(%arg9 : memref<64xi32, #tpu.memory_space<vmem>>) semaphore(%arg16 : memref<!tpu.dma_semaphore, #tpu.memory_space<semaphore_mem>>)
        %dma_wait3A = arith.constant 0 : i32
        %dma_wait3A_55 = arith.constant 0 : i32
        %dma_wait3A_56 = tpu.memref_slice %arg4[%dma_wait3A, %dma_wait3A_55] : memref<20000x128xf32, #tpu.memory_space<hbm>> -> memref<20000x128xf32, #tpu.memory_space<hbm>>
        tpu.wait_indirect_dma semaphore(%arg15 : memref<!tpu.dma_semaphore, #tpu.memory_space<semaphore_mem>>) src(%dma_wait3A_56 : memref<20000x128xf32, #tpu.memory_space<hbm>>) dst(%arg12 : memref<64x128xf32, #tpu.memory_space<vmem>>)
        %dma_start3A_57 = arith.constant 0 : i32
        %dma_start3A_58 = arith.constant 0 : i32
        %dma_start3A_59 = tpu.memref_slice %arg14[%dma_start3A_57, %dma_start3A_58] : memref<10240x128xf32, #tpu.memory_space<vmem_shared>> -> memref<10240x128xf32, #tpu.memory_space<vmem_shared>>
        tpu.enqueue_indirect_dma source(%arg12 : memref<64x128xf32, #tpu.memory_space<vmem>>) target(%dma_start3A_59 : memref<10240x128xf32, #tpu.memory_space<vmem_shared>>) offsets(%arg10 : memref<64xi32, #tpu.memory_space<vmem>>) semaphore(%arg17 : memref<!tpu.dma_semaphore, #tpu.memory_space<semaphore_mem>>) {add = true}
        %dma_wait3A_60 = arith.constant 0 : i32
        %dma_wait3A_61 = arith.constant 0 : i32
        %dma_wait3A_62 = tpu.memref_slice %arg4[%dma_wait3A_60, %dma_wait3A_61] : memref<20000x128xf32, #tpu.memory_space<hbm>> -> memref<20000x128xf32, #tpu.memory_space<hbm>>
        tpu.wait_indirect_dma semaphore(%arg16 : memref<!tpu.dma_semaphore, #tpu.memory_space<semaphore_mem>>) src(%dma_wait3A_62 : memref<20000x128xf32, #tpu.memory_space<hbm>>) dst(%arg13 : memref<64x128xf32, #tpu.memory_space<vmem>>)
        %dma_start3A_63 = arith.constant 0 : i32
        %dma_start3A_64 = arith.constant 0 : i32
        %dma_start3A_65 = tpu.memref_slice %arg14[%dma_start3A_63, %dma_start3A_64] : memref<10240x128xf32, #tpu.memory_space<vmem_shared>> -> memref<10240x128xf32, #tpu.memory_space<vmem_shared>>
        tpu.enqueue_indirect_dma source(%arg13 : memref<64x128xf32, #tpu.memory_space<vmem>>) target(%dma_start3A_65 : memref<10240x128xf32, #tpu.memory_space<vmem_shared>>) offsets(%arg11 : memref<64xi32, #tpu.memory_space<vmem>>) semaphore(%arg18 : memref<!tpu.dma_semaphore, #tpu.memory_space<semaphore_mem>>) {add = true}
        %dma_wait3A_66 = arith.constant 0 : i32
        %dma_wait3A_67 = arith.constant 0 : i32
        %dma_wait3A_68 = tpu.memref_slice %arg14[%dma_wait3A_66, %dma_wait3A_67] : memref<10240x128xf32, #tpu.memory_space<vmem_shared>> -> memref<10240x128xf32, #tpu.memory_space<vmem_shared>>
        tpu.wait_indirect_dma semaphore(%arg17 : memref<!tpu.dma_semaphore, #tpu.memory_space<semaphore_mem>>) src(%arg12 : memref<64x128xf32, #tpu.memory_space<vmem>>) dst(%dma_wait3A_68 : memref<10240x128xf32, #tpu.memory_space<vmem_shared>>)
        %lt3A = arith.constant 156 : i32
        %lt3A_69 = arith.cmpi slt, %scan3A_35, %lt3A : i32
        %convert_element_type3A_70 = arith.extui %lt3A_69 : i1 to i32
        %cond3A_71 = arith.constant 0 : i32
        %cond3A_72 = arith.cmpi ne, %convert_element_type3A_70, %cond3A_71 : i32
        scf.if %cond3A_72 {
          %mul3A_76 = arith.constant 2 : i32
          %mul3A_77 = arith.muli %mul3A_76, %scan3A_35 : i32
          %add3A_78 = arith.constant 2 : i32
          %add3A_79 = arith.addi %mul3A_77, %add3A_78 : i32
          %mul3A_80 = arith.constant 64 : i32
          %mul3A_81 = arith.muli %add3A_79, %mul3A_80 : i32
          %add3A_82 = arith.addi %add3A_23, %mul3A_81 : i32
          %multiple_of3A_83 = tpu.assume_multiple %add3A_82, 64 : i32
          "tpu.region"() ({
            %run_scoped3A = tpu.sem_alloc : memref<!tpu.dma_semaphore, #tpu.memory_space<semaphore_mem>>
            %dma_start3A_95 = tpu.memref_slice %arg2[%multiple_of3A_83] : memref<643072xi32, #tpu.memory_space<hbm>> -> memref<64xi32, #tpu.memory_space<hbm>>
            %dma_start3A_96 = tpu.memref_slice %arg2[%multiple_of3A_83] : memref<643072xi32, #tpu.memory_space<hbm>> -> memref<64xi32, #tpu.memory_space<hbm>>
            tpu.enqueue_dma source(%dma_start3A_96 : memref<64xi32, #tpu.memory_space<hbm>>) target(%arg8 : memref<64xi32, #tpu.memory_space<vmem>>) target_semaphore(%run_scoped3A : memref<!tpu.dma_semaphore, #tpu.memory_space<semaphore_mem>>)
            %dma_wait3A_97 = tpu.memref_slice %arg2[%multiple_of3A_83] : memref<643072xi32, #tpu.memory_space<hbm>> -> memref<64xi32, #tpu.memory_space<hbm>>
            %dma_wait3A_98 = tpu.memref_slice %arg2[%multiple_of3A_83] : memref<643072xi32, #tpu.memory_space<hbm>> -> memref<64xi32, #tpu.memory_space<hbm>>
            tpu.wait_dma2 semaphore(%run_scoped3A : memref<!tpu.dma_semaphore, #tpu.memory_space<semaphore_mem>>) src(%dma_wait3A_98 : memref<64xi32, #tpu.memory_space<hbm>>) dst(%arg8 : memref<64xi32, #tpu.memory_space<vmem>>)
            tpu.yield
          }) : () -> ()
          %mul3A_84 = arith.constant 2 : i32
          %mul3A_85 = arith.muli %mul3A_84, %scan3A_35 : i32
          %add3A_86 = arith.constant 2 : i32
          %add3A_87 = arith.addi %mul3A_85, %add3A_86 : i32
          %mul3A_88 = arith.constant 64 : i32
          %mul3A_89 = arith.muli %add3A_87, %mul3A_88 : i32
          %add3A_90 = arith.addi %add3A_23, %mul3A_89 : i32
          %multiple_of3A_91 = tpu.assume_multiple %add3A_90, 64 : i32
          "tpu.region"() ({
            %run_scoped3A = tpu.sem_alloc : memref<!tpu.dma_semaphore, #tpu.memory_space<semaphore_mem>>
            %dma_start3A_95 = tpu.memref_slice %arg3[%multiple_of3A_91] : memref<643072xi32, #tpu.memory_space<hbm>> -> memref<64xi32, #tpu.memory_space<hbm>>
            %dma_start3A_96 = tpu.memref_slice %arg3[%multiple_of3A_91] : memref<643072xi32, #tpu.memory_space<hbm>> -> memref<64xi32, #tpu.memory_space<hbm>>
            tpu.enqueue_dma source(%dma_start3A_96 : memref<64xi32, #tpu.memory_space<hbm>>) target(%arg10 : memref<64xi32, #tpu.memory_space<vmem>>) target_semaphore(%run_scoped3A : memref<!tpu.dma_semaphore, #tpu.memory_space<semaphore_mem>>)
            %dma_wait3A_97 = tpu.memref_slice %arg3[%multiple_of3A_91] : memref<643072xi32, #tpu.memory_space<hbm>> -> memref<64xi32, #tpu.memory_space<hbm>>
            %dma_wait3A_98 = tpu.memref_slice %arg3[%multiple_of3A_91] : memref<643072xi32, #tpu.memory_space<hbm>> -> memref<64xi32, #tpu.memory_space<hbm>>
            tpu.wait_dma2 semaphore(%run_scoped3A : memref<!tpu.dma_semaphore, #tpu.memory_space<semaphore_mem>>) src(%dma_wait3A_98 : memref<64xi32, #tpu.memory_space<hbm>>) dst(%arg10 : memref<64xi32, #tpu.memory_space<vmem>>)
            tpu.yield
          }) : () -> ()
          %dma_start3A_92 = arith.constant 0 : i32
          %dma_start3A_93 = arith.constant 0 : i32
          %dma_start3A_94 = tpu.memref_slice %arg4[%dma_start3A_92, %dma_start3A_93] : memref<20000x128xf32, #tpu.memory_space<hbm>> -> memref<20000x128xf32, #tpu.memory_space<hbm>>
          tpu.enqueue_indirect_dma source(%dma_start3A_94 : memref<20000x128xf32, #tpu.memory_space<hbm>>) target(%arg12 : memref<64x128xf32, #tpu.memory_space<vmem>>) offsets(%arg8 : memref<64xi32, #tpu.memory_space<vmem>>) semaphore(%arg15 : memref<!tpu.dma_semaphore, #tpu.memory_space<semaphore_mem>>)
        } else {
        }
        %dma_wait3A_73 = arith.constant 0 : i32
        %dma_wait3A_74 = arith.constant 0 : i32
        %dma_wait3A_75 = tpu.memref_slice %arg14[%dma_wait3A_73, %dma_wait3A_74] : memref<10240x128xf32, #tpu.memory_space<vmem_shared>> -> memref<10240x128xf32, #tpu.memory_space<vmem_shared>>
        tpu.wait_indirect_dma semaphore(%arg18 : memref<!tpu.dma_semaphore, #tpu.memory_space<semaphore_mem>>) src(%arg13 : memref<64x128xf32, #tpu.memory_space<vmem>>) dst(%dma_wait3A_75 : memref<10240x128xf32, #tpu.memory_space<vmem_shared>>)
      }
      %scan3A_34 = arith.constant 157 : i32
    } else {
    }
    %barrier3A_17 = arith.constant 0 : index
    tpu.barrier barrier_id(%barrier3A_17)
    %convert_element_type3A_18 = arith.extui %eq3A_0 : i1 to i32
    %cond3A_19 = arith.constant 0 : i32
    %cond3A_20 = arith.cmpi ne, %convert_element_type3A_18, %cond3A_19 : i32
    scf.if %cond3A_20 {
      %mul3A = arith.constant 640 : i32
      %mul3A_22 = arith.muli %arg1, %mul3A : i32
      %run_scoped3A = arith.constant 1 : i32
      "tpu.region"() ({
        %run_scoped3A_23 = tpu.sem_alloc : memref<!tpu.dma_semaphore, #tpu.memory_space<semaphore_mem>>
        %dma_start3A = arith.constant 0 : i32
        %dma_start3A_24 = tpu.memref_slice %arg7[%run_scoped3A, %mul3A_22, %dma_start3A] : memref<2x10240x128xf32, #tpu.memory_space<hbm>> -> memref<1x640x128xf32, #tpu.memory_space<hbm>>
        %dma_start3A_25 = tpu.memref_squeeze %dma_start3A_24 : memref<1x640x128xf32, #tpu.memory_space<hbm>> -> memref<640x128xf32, #tpu.memory_space<hbm>>
        %dma_start3A_26 = arith.constant 0 : i32
        %dma_start3A_27 = tpu.memref_slice %arg14[%mul3A_22, %dma_start3A_26] : memref<10240x128xf32, #tpu.memory_space<vmem_shared>> -> memref<640x128xf32, #tpu.memory_space<vmem_shared>>
        tpu.enqueue_dma source(%dma_start3A_27 : memref<640x128xf32, #tpu.memory_space<vmem_shared>>) target(%dma_start3A_25 : memref<640x128xf32, #tpu.memory_space<hbm>>) target_semaphore(%run_scoped3A_23 : memref<!tpu.dma_semaphore, #tpu.memory_space<semaphore_mem>>)
        %dma_wait3A = arith.constant 0 : i32
        %dma_wait3A_28 = tpu.memref_slice %arg7[%run_scoped3A, %mul3A_22, %dma_wait3A] : memref<2x10240x128xf32, #tpu.memory_space<hbm>> -> memref<1x640x128xf32, #tpu.memory_space<hbm>>
        %dma_wait3A_29 = tpu.memref_squeeze %dma_wait3A_28 : memref<1x640x128xf32, #tpu.memory_space<hbm>> -> memref<640x128xf32, #tpu.memory_space<hbm>>
        %dma_wait3A_30 = arith.constant 0 : i32
        %dma_wait3A_31 = tpu.memref_slice %arg14[%mul3A_22, %dma_wait3A_30] : memref<10240x128xf32, #tpu.memory_space<vmem_shared>> -> memref<640x128xf32, #tpu.memory_space<vmem_shared>>
        tpu.wait_dma2 semaphore(%run_scoped3A_23 : memref<!tpu.dma_semaphore, #tpu.memory_space<semaphore_mem>>) src(%dma_wait3A_31 : memref<640x128xf32, #tpu.memory_space<vmem_shared>>) dst(%dma_wait3A_29 : memref<640x128xf32, #tpu.memory_space<hbm>>)
        tpu.yield
      }) : () -> ()
    } else {
    }
    %barrier3A_21 = arith.constant 0 : index
    tpu.barrier barrier_id(%barrier3A_21)
    return
  }
}

module attributes {stable_mosaic.version = 14 : i64} {
  func.func @_mm_body(%arg0: i32, %arg1: i32, %arg2: memref<1000x128xf32, #tpu.memory_space<vmem>>, %arg3: memref<1x128x128xf32, #tpu.memory_space<vmem>>, %arg4: memref<1x128x128xf32, #tpu.memory_space<vmem>>, %arg5: memref<1000x128xf32, #tpu.memory_space<vmem>>, %arg6: memref<1000x128xf32, #tpu.memory_space<vmem>>) attributes {dimension_semantics = [#tpu.dimension_semantics<arbitrary>, #tpu.dimension_semantics<arbitrary>], iteration_bounds = array<i64: 2, 10>, scalar_prefetch = 0 : i64, scratch_operands = 0 : i64, tpu.core_type = #tpu.core_type<tc>, window_params = [{transform_indices = @transform_0, window_bounds = array<i64: 1000, 128>}, {transform_indices = @transform_1, window_bounds = array<i64: 1, 128, 128>}, {transform_indices = @transform_2, window_bounds = array<i64: 1, 128, 128>}, {transform_indices = @transform_3, window_bounds = array<i64: 1000, 128>}, {transform_indices = @transform_4, window_bounds = array<i64: 1000, 128>}]} {
    %get3A = arith.constant 0 : index
    %get3A_0 = arith.constant 0 : index
    %get3A_1 = vector.load %arg2[%get3A, %get3A_0] : memref<1000x128xf32, #tpu.memory_space<vmem>>, vector<1000x128xf32>
    %get3A_2 = arith.constant 0 : index
    %get3A_3 = arith.constant 0 : index
    %get3A_4 = arith.constant 0 : index
    %get3A_5 = vector.load %arg3[%get3A_2, %get3A_3, %get3A_4] : memref<1x128x128xf32, #tpu.memory_space<vmem>>, vector<1x128x128xf32>
    %get3A_6 = vector.shape_cast %get3A_5 : vector<1x128x128xf32> to vector<128x128xf32>
    %dot_general3A = arith.constant dense<0.000000e+00> : vector<1000x128xf32>
    %dot_general3A_7 = tpu.matmul %get3A_1, %get3A_6, %dot_general3A {dimension_numbers = #tpu.dot_dimension_numbers<[1], [0], [0], [1], [0, 0, 1, 1], [], []>, transpose_lhs_hint = false} : vector<1000x128xf32>, vector<128x128xf32>, vector<1000x128xf32> -> vector<1000x128xf32>
    %swap3A = arith.constant 0 : index
    %swap3A_8 = arith.constant 0 : index
    %swap3A_9 = vector.load %arg5[%swap3A, %swap3A_8] : memref<1000x128xf32, #tpu.memory_space<vmem>>, vector<1000x128xf32>
    tpu.vector_store %arg5[%swap3A, %swap3A_8], %dot_general3A_7 {strides = array<i32>} : memref<1000x128xf32, #tpu.memory_space<vmem>>, vector<1000x128xf32>,
    %get3A_10 = arith.constant 0 : index
    %get3A_11 = arith.constant 0 : index
    %get3A_12 = arith.constant 0 : index
    %get3A_13 = vector.load %arg4[%get3A_10, %get3A_11, %get3A_12] : memref<1x128x128xf32, #tpu.memory_space<vmem>>, vector<1x128x128xf32>
    %get3A_14 = vector.shape_cast %get3A_13 : vector<1x128x128xf32> to vector<128x128xf32>
    %dot_general3A_15 = arith.constant dense<0.000000e+00> : vector<1000x128xf32>
    %dot_general3A_16 = tpu.matmul %get3A_1, %get3A_14, %dot_general3A_15 {dimension_numbers = #tpu.dot_dimension_numbers<[1], [0], [0], [1], [0, 0, 1, 1], [], []>, transpose_lhs_hint = false} : vector<1000x128xf32>, vector<128x128xf32>, vector<1000x128xf32> -> vector<1000x128xf32>
    %swap3A_17 = arith.constant 0 : index
    %swap3A_18 = arith.constant 0 : index
    %swap3A_19 = vector.load %arg6[%swap3A_17, %swap3A_18] : memref<1000x128xf32, #tpu.memory_space<vmem>>, vector<1000x128xf32>
    tpu.vector_store %arg6[%swap3A_17, %swap3A_18], %dot_general3A_16 {strides = array<i32>} : memref<1000x128xf32, #tpu.memory_space<vmem>>, vector<1000x128xf32>,
    return
  }
  func.func @transform_0(%arg0: i32, %arg1: i32) -> (i32, i32) {
    %mul3A = arith.constant 10 : i32
    %mul3A_0 = arith.muli %arg0, %mul3A : i32
    %add3A = arith.addi %mul3A_0, %arg1 : i32
    %c0_i32 = arith.constant 0 : i32
    %c0_i32_1 = arith.constant 0 : i32
    return %add3A, %c0_i32 : i32, i32
  }
  func.func @transform_1(%arg0: i32, %arg1: i32) -> (i32, i32, i32) {
    %c0_i32 = arith.constant 0 : i32
    %c0_i32_0 = arith.constant 0 : i32
    %c0_i32_1 = arith.constant 0 : i32
    return %arg0, %c0_i32, %c0_i32_0 : i32, i32, i32
  }
  func.func @transform_2(%arg0: i32, %arg1: i32) -> (i32, i32, i32) {
    %c0_i32 = arith.constant 0 : i32
    %c0_i32_0 = arith.constant 0 : i32
    %c0_i32_1 = arith.constant 0 : i32
    return %arg0, %c0_i32, %c0_i32_0 : i32, i32, i32
  }
  func.func @transform_3(%arg0: i32, %arg1: i32) -> (i32, i32) {
    %mul3A = arith.constant 10 : i32
    %mul3A_0 = arith.muli %arg0, %mul3A : i32
    %add3A = arith.addi %mul3A_0, %arg1 : i32
    %c0_i32 = arith.constant 0 : i32
    %c0_i32_1 = arith.constant 0 : i32
    return %add3A, %c0_i32 : i32, i32
  }
  func.func @transform_4(%arg0: i32, %arg1: i32) -> (i32, i32) {
    %mul3A = arith.constant 10 : i32
    %mul3A_0 = arith.muli %arg0, %mul3A : i32
    %add3A = arith.addi %mul3A_0, %arg1 : i32
    %c0_i32 = arith.constant 0 : i32
    %c0_i32_1 = arith.constant 0 : i32
    return %add3A, %c0_i32 : i32, i32
  }
}

module attributes {stable_mosaic.version = 14 : i64} {
  func.func @_combine_body(%arg0: i32, %arg1: i32, %arg2: memref<1x1000x128xf32, #tpu.memory_space<vmem>>, %arg3: memref<1x1000x128xf32, #tpu.memory_space<vmem>>, %arg4: memref<1000x128xf32, #tpu.memory_space<vmem>>, %arg5: memref<1000x128xf32, #tpu.memory_space<vmem>>) attributes {dimension_semantics = [#tpu.dimension_semantics<arbitrary>, #tpu.dimension_semantics<arbitrary>], iteration_bounds = array<i64: 2, 10>, scalar_prefetch = 0 : i64, scratch_operands = 0 : i64, tpu.core_type = #tpu.core_type<tc>, window_params = [{transform_indices = @transform_0, window_bounds = array<i64: 1, 1000, 128>}, {transform_indices = @transform_1, window_bounds = array<i64: 1, 1000, 128>}, {transform_indices = @transform_2, window_bounds = array<i64: 1000, 128>}, {transform_indices = @transform_3, window_bounds = array<i64: 1000, 128>}]} {
    %get3A = arith.constant 0 : index
    %get3A_0 = arith.constant 0 : index
    %get3A_1 = arith.constant 0 : index
    %get3A_2 = vector.load %arg3[%get3A, %get3A_0, %get3A_1] : memref<1x1000x128xf32, #tpu.memory_space<vmem>>, vector<1x1000x1xf32>
    %get3A_3 = vector.shape_cast %get3A_2 : vector<1x1000x1xf32> to vector<1000x1xf32>
    %get3A_4 = arith.constant 0 : index
    %get3A_5 = arith.constant 0 : index
    %get3A_6 = arith.constant 0 : index
    %get3A_7 = vector.load %arg2[%get3A_4, %get3A_5, %get3A_6] : memref<1x1000x128xf32, #tpu.memory_space<vmem>>, vector<1x1000x128xf32>
    %get3A_8 = vector.shape_cast %get3A_7 : vector<1x1000x128xf32> to vector<1000x128xf32>
    %max3A = arith.constant 1.000000e+00 : f32
    %max3A_9 = vector.broadcast %max3A : f32 to vector<1000x1xf32>
    %max3A_10 = arith.maximumf %get3A_3, %max3A_9 : vector<1000x1xf32>
    %div3A = vector.broadcast %max3A_10 : vector<1000x1xf32> to vector<1000x128xf32>
    %div3A_11 = arith.divf %get3A_8, %div3A : vector<1000x128xf32>
    %get3A_12 = arith.constant 0 : index
    %get3A_13 = arith.constant 0 : index
    %get3A_14 = vector.load %arg4[%get3A_12, %get3A_13] : memref<1000x128xf32, #tpu.memory_space<vmem>>, vector<1000x128xf32>
    %add3A = arith.addf %div3A_11, %get3A_14 : vector<1000x128xf32>
    %max3A_15 = arith.constant 0.000000e+00 : f32
    %max3A_16 = vector.broadcast %max3A_15 : f32 to vector<1000x128xf32>
    %max3A_17 = arith.maximumf %add3A, %max3A_16 : vector<1000x128xf32>
    %swap3A = arith.constant 0 : index
    %swap3A_18 = arith.constant 0 : index
    %swap3A_19 = vector.load %arg5[%swap3A, %swap3A_18] : memref<1000x128xf32, #tpu.memory_space<vmem>>, vector<1000x128xf32>
    tpu.vector_store %arg5[%swap3A, %swap3A_18], %max3A_17 {strides = array<i32>} : memref<1000x128xf32, #tpu.memory_space<vmem>>, vector<1000x128xf32>,
    return
  }
  func.func @transform_0(%arg0: i32, %arg1: i32) -> (i32, i32, i32) {
    %sub3A = arith.constant 1 : i32
    %sub3A_0 = arith.subi %sub3A, %arg0 : i32
    %c0_i32 = arith.constant 0 : i32
    %c0_i32_1 = arith.constant 0 : i32
    return %sub3A_0, %arg1, %c0_i32 : i32, i32, i32
  }
  func.func @transform_1(%arg0: i32, %arg1: i32) -> (i32, i32, i32) {
    %sub3A = arith.constant 1 : i32
    %sub3A_0 = arith.subi %sub3A, %arg0 : i32
    %c0_i32 = arith.constant 0 : i32
    %c0_i32_1 = arith.constant 0 : i32
    return %sub3A_0, %arg1, %c0_i32 : i32, i32, i32
  }
  func.func @transform_2(%arg0: i32, %arg1: i32) -> (i32, i32) {
    %mul3A = arith.constant 10 : i32
    %mul3A_0 = arith.muli %arg0, %mul3A : i32
    %add3A = arith.addi %mul3A_0, %arg1 : i32
    %c0_i32 = arith.constant 0 : i32
    %c0_i32_1 = arith.constant 0 : i32
    return %add3A, %c0_i32 : i32, i32
  }
  func.func @transform_3(%arg0: i32, %arg1: i32) -> (i32, i32) {
    %mul3A = arith.constant 10 : i32
    %mul3A_0 = arith.muli %arg0, %mul3A : i32
    %add3A = arith.addi %mul3A_0, %arg1 : i32
    %c0_i32 = arith.constant 0 : i32
    %c0_i32_1 = arith.constant 0 : i32
    return %add3A, %c0_i32 : i32, i32
  }
}

module attributes {stable_mosaic.version = 14 : i64} {
  func.func @_combine_body(%arg0: i32, %arg1: i32, %arg2: memref<1x1000x128xf32, #tpu.memory_space<vmem>>, %arg3: memref<1x1000x128xf32, #tpu.memory_space<vmem>>, %arg4: memref<1000x128xf32, #tpu.memory_space<vmem>>, %arg5: memref<1000x128xf32, #tpu.memory_space<vmem>>) attributes {dimension_semantics = [#tpu.dimension_semantics<arbitrary>, #tpu.dimension_semantics<arbitrary>], iteration_bounds = array<i64: 2, 10>, scalar_prefetch = 0 : i64, scratch_operands = 0 : i64, tpu.core_type = #tpu.core_type<tc>, window_params = [{transform_indices = @transform_0, window_bounds = array<i64: 1, 1000, 128>}, {transform_indices = @transform_1, window_bounds = array<i64: 1, 1000, 128>}, {transform_indices = @transform_2, window_bounds = array<i64: 1000, 128>}, {transform_indices = @transform_3, window_bounds = array<i64: 1000, 128>}]} {
    %get3A = arith.constant 0 : index
    %get3A_0 = arith.constant 0 : index
    %get3A_1 = arith.constant 0 : index
    %get3A_2 = vector.load %arg3[%get3A, %get3A_0, %get3A_1] : memref<1x1000x128xf32, #tpu.memory_space<vmem>>, vector<1x1000x1xf32>
    %get3A_3 = vector.shape_cast %get3A_2 : vector<1x1000x1xf32> to vector<1000x1xf32>
    %get3A_4 = arith.constant 0 : index
    %get3A_5 = arith.constant 0 : index
    %get3A_6 = arith.constant 0 : index
    %get3A_7 = vector.load %arg2[%get3A_4, %get3A_5, %get3A_6] : memref<1x1000x128xf32, #tpu.memory_space<vmem>>, vector<1x1000x128xf32>
    %get3A_8 = vector.shape_cast %get3A_7 : vector<1x1000x128xf32> to vector<1000x128xf32>
    %max3A = arith.constant 1.000000e+00 : f32
    %max3A_9 = vector.broadcast %max3A : f32 to vector<1000x1xf32>
    %max3A_10 = arith.maximumf %get3A_3, %max3A_9 : vector<1000x1xf32>
    %div3A = vector.broadcast %max3A_10 : vector<1000x1xf32> to vector<1000x128xf32>
    %div3A_11 = arith.divf %get3A_8, %div3A : vector<1000x128xf32>
    %get3A_12 = arith.constant 0 : index
    %get3A_13 = arith.constant 0 : index
    %get3A_14 = vector.load %arg4[%get3A_12, %get3A_13] : memref<1000x128xf32, #tpu.memory_space<vmem>>, vector<1000x128xf32>
    %add3A = arith.addf %div3A_11, %get3A_14 : vector<1000x128xf32>
    %swap3A = arith.constant 0 : index
    %swap3A_15 = arith.constant 0 : index
    %swap3A_16 = vector.load %arg5[%swap3A, %swap3A_15] : memref<1000x128xf32, #tpu.memory_space<vmem>>, vector<1000x128xf32>
    tpu.vector_store %arg5[%swap3A, %swap3A_15], %add3A {strides = array<i32>} : memref<1000x128xf32, #tpu.memory_space<vmem>>, vector<1000x128xf32>,
    return
  }
  func.func @transform_0(%arg0: i32, %arg1: i32) -> (i32, i32, i32) {
    %sub3A = arith.constant 1 : i32
    %sub3A_0 = arith.subi %sub3A, %arg0 : i32
    %c0_i32 = arith.constant 0 : i32
    %c0_i32_1 = arith.constant 0 : i32
    return %sub3A_0, %arg1, %c0_i32 : i32, i32, i32
  }
  func.func @transform_1(%arg0: i32, %arg1: i32) -> (i32, i32, i32) {
    %sub3A = arith.constant 1 : i32
    %sub3A_0 = arith.subi %sub3A, %arg0 : i32
    %c0_i32 = arith.constant 0 : i32
    %c0_i32_1 = arith.constant 0 : i32
    return %sub3A_0, %arg1, %c0_i32 : i32, i32, i32
  }
  func.func @transform_2(%arg0: i32, %arg1: i32) -> (i32, i32) {
    %mul3A = arith.constant 10 : i32
    %mul3A_0 = arith.muli %arg0, %mul3A : i32
    %add3A = arith.addi %mul3A_0, %arg1 : i32
    %c0_i32 = arith.constant 0 : i32
    %c0_i32_1 = arith.constant 0 : i32
    return %add3A, %c0_i32 : i32, i32
  }
  func.func @transform_3(%arg0: i32, %arg1: i32) -> (i32, i32) {
    %mul3A = arith.constant 10 : i32
    %mul3A_0 = arith.muli %arg0, %mul3A : i32
    %add3A = arith.addi %mul3A_0, %arg1 : i32
    %c0_i32 = arith.constant 0 : i32
    %c0_i32_1 = arith.constant 0 : i32
    return %add3A, %c0_i32 : i32, i32
  }
}

</mosaic_0001>

<sc_bundles>
// kernel: kernel.11.cloned.1.call-start
scs
__scs_entry_jumppad:
0x0: {  	(pc) =	sbr.rel $0x88, $3  }
0x1: {  	(tag) =	ssettag $0x0;
	lr =	simm.s32 $0x1  }
0x2: {  	[smem:$0x3F95] =	sst lr;
	_ =	strace $0xD0000000  }
0x3: {  	_ = 	snop  }
0x4: {  	_ = 	snop  }
0x5: {  	_ = 	snop  }
0x6: {  	_ = 	snop  }
0x7: {  	_ = 	snop  }
__scs_overlays_trampoline_lowered:
0x8: {  	[smem:$0x3FA4] =	sst s0  }
0x9: {  	[smem:$0x3FA5] =	sst s1  }
0xa: {  	[smem:$0x3FA6] =	sst s2  }
0xb: {  	[smem:$0x3FA7] =	sst s3  }
0xc: {  	[smem:$0x3FA8] =	sst s4  }
0xd: {  	[smem:$0x3FA9] =	sst s5  }
0xe: {  	[smem:$0x3FAA] =	sst s6  }
0xf: {  	[smem:$0x3FAB] =	sst s7  }
0x10: {  	[smem:$0x3FAC] =	sst s8  }
0x11: {  	[smem:$0x3FAD] =	sst s9;
	s0 =	simm.s32 @!p0 $0x0  }
0x12: {  	s1 =	sld [smem:$0x3F93];
	s0 =	simm.s32 @p0 $0x1  }
0x13: {  	[smem:$0x3FAE] =	sst s0;
	s0 =	simm.s32 @!p1 $0x0  }
0x14: {  	s2 =	sld [smem:$0x3F92];
	s0 =	simm.s32 @p1 $0x1  }
0x15: {  	[smem:$0x3FAF] =	sst s0;
	s0 =	simm.s32 @!p2 $0x0  }
0x16: {  	s3 =	sld [smem:$0x3FDB];
	s0 =	simm.s32 @p2 $0x1  }
0x17: {  	s4 =	simm.s32 $0x1BF5;
	[smem:$0x3FB1] =	sst s0  }
0x18: {  	s0 =	sld [smem:$0x3F94];
	_ =	swait.ge [sflag:s4], $0x0  }
0x19: {  	s7 =	sld [smem:$0x3F95]  }
0x1a: {  	s8 =	sadd.s32 $0xFFFFE003, lr  }
0x1b: {  	s9 =	sadd.s32 $0xFFFFFEF7, lr;
	s5 =	simm.s32 $0xFFFFFFFF;
	p2 =	slt.u32 s8, $0xFFFFF086  }
0x1c: {  	p1 =	slt.u32 s9, $0xF7A;
	s5 =	simm.s32 @!p2 $0x0  }
0x1d: {  	s5 =	simm.s32 @p1 $0x1;
	p0 =	seq.s32 s7, s2  }
0x1e: {  	s7 =	smul.u32 @!p0 $0xF7A, s2;
	p2 =	seq.s32 @!p0 s5, $0x0  }
0x1f: {  	s9 =	smul.u32 $0xF7A, s1;
	s8 =	simm.s32 @!p0 $0x1BF5;
	p2 =	por !p2, p0  }
0x20: {  	[sflag:s8] =	ssyncset.s32 @!p0 $0xFFFFF086;
	s6 =	sadd.s32 @!p0 s3, s7;
	s7 =	simm.s32 @!p0 $0x108  }
0x21: {  	s3 =	sadd.s32 s3, s9;
	s6 =	sadd.s32 @!p0 $0x88, s6;
	s7 =	simm.s32 @p2 $0x1082  }
0x22: {  	[simem:s7], [sflag:s8] =	dma.local @!p0 [hbm:s6], $0xF7A  }
0x23: {  	s9 =	sor.u32 $0xD0000000, s2;
	s6 =	simm.s32 $0x108;
	_ =	swait.ge @!p0 [sflag:s8], $0x0  }
0x24: {  	s3 =	sadd.s32 $0x88, s3;
	s6 =	simm.s32 @!p1 $0x1082;
	[sflag:s4] =	ssyncset.s32 $0xFFFFF086  }
0x25: {  	[simem:s6], [sflag:s4] =	dma.local [hbm:s3], $0xF7A  }
0x26: {  	[smem:$0x3F95] =	sst s1;
	(tag) =	ssettag s2;
	_ =	strace s9  }
0x27: {  	s1 =	sld [smem:$0x3FA5]  }
0x28: {  	s2 =	sld [smem:$0x3FA6]  }
0x29: {  	s4 =	sld [smem:$0x3FA8]  }
0x2a: {  	p0 =	seq.s32 s5, $0x0;
	s5 =	sld [smem:$0x3FA9]  }
0x2b: {  	s6 =	sld [smem:$0x3FAA]  }
0x2c: {  	s7 =	sld [smem:$0x3FAB]  }
0x2d: {  	s3 =	simm.s32 $0x108;
	s8 =	sld [smem:$0x3FAC]  }
0x2e: {  	s3 =	simm.s32 @!p0 $0x1082;
	s9 =	sld [smem:$0x3FAD]  }
0x2f: {  	lr =	sadd.s32 s0, s3;
	s0 =	sld [smem:$0x3FA4]  }
0x30: {  	s3 =	sld [smem:$0x3FA7]  }
0x31: {  	[smem:$0x3FB0] =	sst s10  }
0x32: {  	s10 =	sld [smem:$0x3FAE];
	_ =	sdelay $0x3  }
0x33: {  	p0 =	seq.s32 s10, $0x1;
	s10 =	sld [smem:$0x3FB0];
	_ =	sdelay $0x3  }
0x34: {  	[smem:$0x3FB0] =	sst s10  }
0x35: {  	s10 =	sld [smem:$0x3FAF];
	_ =	sdelay $0x3  }
0x36: {  	p1 =	seq.s32 s10, $0x1;
	s10 =	sld [smem:$0x3FB0];
	_ =	sdelay $0x3  }
0x37: {  	[smem:$0x3FB0] =	sst s10  }
0x38: {  	s10 =	sld [smem:$0x3FB1]  }
0x39: {  	_ = 	snop;
	(pc) =	sbr.ind lr, $3  }
0x3a: {  	_ = 	snop  }
0x3b: {  	_ = 	snop  }
0x3c: {  	p2 =	seq.s32 s10, $0x1;
	s10 =	sld [smem:$0x3FB0]  }
0x3d: {  	_ =	shalt  }
0x3e: {  	_ =	shalt  }
0x3f: {  	_ =	shalt  }
0x40: {  	_ =	shalt  }
0x41: {  	_ =	shalt  }
0x42: {  	_ =	shalt  }
0x43: {  	_ =	shalt  }
0x44: {  	_ =	shalt  }
0x45: {  	_ =	shalt  }
0x46: {  	_ =	shalt  }
0x47: {  	_ =	shalt  }
0x48: {  	_ =	shalt  }
0x49: {  	_ =	shalt  }
0x4a: {  	_ =	shalt  }
0x4b: {  	_ =	shalt  }
0x4c: {  	_ =	shalt  }
0x4d: {  	_ =	shalt  }
0x4e: {  	_ =	shalt  }
0x4f: {  	_ =	shalt  }
0x50: {  	_ =	shalt  }
0x51: {  	_ =	shalt  }
0x52: {  	_ =	shalt  }
0x53: {  	_ =	shalt  }
0x54: {  	_ =	shalt  }
0x55: {  	_ =	shalt  }
0x56: {  	_ =	shalt  }
0x57: {  	_ =	shalt  }
0x58: {  	_ =	shalt  }
0x59: {  	_ =	shalt  }
0x5a: {  	_ =	shalt  }
0x5b: {  	_ =	shalt  }
0x5c: {  	_ =	shalt  }
0x5d: {  	_ =	shalt  }
0x5e: {  	_ =	shalt  }
0x5f: {  	_ =	shalt  }
0x60: {  	_ =	shalt  }
0x61: {  	_ =	shalt  }
0x62: {  	_ =	shalt  }
0x63: {  	_ =	shalt  }
0x64: {  	_ =	shalt  }
0x65: {  	_ =	shalt  }
0x66: {  	_ =	shalt  }
0x67: {  	_ =	shalt  }
0x68: {  	_ =	shalt  }
0x69: {  	_ =	shalt  }
0x6a: {  	_ =	shalt  }
0x6b: {  	_ =	shalt  }
0x6c: {  	_ =	shalt  }
0x6d: {  	_ =	shalt  }
0x6e: {  	_ =	shalt  }
0x6f: {  	_ =	shalt  }
0x70: {  	_ =	shalt  }
0x71: {  	_ =	shalt  }
0x72: {  	_ =	shalt  }
0x73: {  	_ =	shalt  }
0x74: {  	_ =	shalt  }
0x75: {  	_ =	shalt  }
0x76: {  	_ =	shalt  }
0x77: {  	_ =	shalt  }
0x78: {  	_ =	shalt  }
0x79: {  	_ =	shalt  }
0x7a: {  	_ =	shalt  }
0x7b: {  	_ =	shalt  }
0x7c: {  	_ =	shalt  }
0x7d: {  	_ =	shalt  }
0x7e: {  	_ =	shalt  }
0x7f: {  	_ =	shalt  }
0x80: {  	_ =	shalt  }
0x81: {  	_ =	shalt  }
0x82: {  	_ =	shalt  }
0x83: {  	_ =	shalt  }
0x84: {  	_ =	shalt  }
0x85: {  	_ =	shalt  }
0x86: {  	_ =	shalt  }
0x87: {  	_ =	shalt  }
.Lfunc_end0:
.L_simem_size_0:
called_computation.1_lowered:
.L_overlay_start_0:
0x88: {  	s2 =	sld [smem:$0x3FD9]  }
0x89: {  	s3 =	sld [smem:$0x3FFE];
	_ =	sdelay $0x1  }
0x8a: {  	s1 =	srdreg.scid  }
0x8b: {  	s0 =	sand.u32 $0x1, s1  }
0x8c: {  	s17 =	sshll.u32 s0, $0xA;
	s2 =	sadd.s32 s3, s2  }
0x8d: {  	s2 =	sadd.s32 s2, s17  }
0x8e: {  	[smem:$0x3FBC] =	sst s2  }
0x8f: {  	_ = 	snop  }
0x90: {  	s2 =	sld [smem:$0x3FD0];
	(tm) =	ssettm $0x1  }
0x91: {  	s18 =	sld [smem:$0x3FFB];
	_ =	sdelay $0x3  }
0x92: {  	_ =	strace s18  }
0x93: {  	s3 =	sld [smem:$0x3FFC];
	_ =	sdelay $0x3  }
0x94: {  	_ =	strace s3  }
0x95: {  	s3 =	sld [smem:$0x3FFD];
	_ =	sdelay $0x3  }
0x96: {  	_ =	strace s3  }
0x97: {  	_ =	strace $0x8FFFFFFF  }
0x98: {  	s19 =	sld [smem:$0x3FDB];
	_ =	sdelay $0x1  }
0x99: {  	s4 =	simm.s32 $_scs_section_size  }
0x9a: {  	s5 =	simm.s32 $_size__tile_overlayer_lowered;
	s6 =	simm.s32 $_tile_overlayer_lowered  }
0x9b: {  	s22 =	simm.s32 $0x1BFF;
	s21 =	sshll.u32 s6, $0x1;
	s3 =	sadd.s32 s4, s19  }
0x9c: {  	s7 =	simm.s32 $0x0;
	s20 =	sshll.u32 s5, $0x1;
	s5 =	sadd.s32 s21, s3  }
0x9d: {  	[timem:s7], [sflag:s22] =	dma.local [hbm:s5], s20  }
0x9e: {  	_ =	swait.ge [sflag:s22], s20  }
0x9f: {  	s4 =	ssub.s32 $0x0, s20;
	[sflag:s22] =	ssyncset.done $0x0  }
0xa0: {  	[sflag:s22] =	ssyncadd.s32 s4;
	_ =	sdelay $0x1  }
0xa1: {  	s23 =	simm.s32 $0x1B8B  }
0xa2: {  	_ =	swait.ge [sflag:s23], $0x1  }
0xa3: {  	[sflag:s23] =	ssyncset.done $0x0  }
0xa4: {  	s25 =	simm.s32 $0x1B8E;
	s24 =	sld [smem:$0x3FFE];
	[sflag:s23] =	ssyncadd.s32 $0xFFFFFFFF  }
0xa5: {  	s26 =	simm.s32 $execute0_lowered;
	[smem:$0x3FD2] =	sst s25  }
0xa6: {  	s5 =	sshll.u32 s26, $0x1;
	_ =	strace $0x80000049;
	[dreg:$0x1] =	wrdreg $0xFFFFFFFF  }
0xa7: {  	s28 =	simm.s32 $_size_execute0_lowered;
	s3 =	sadd.s32 s3, s5;
	[dreg:$0x0] =	wrdreg $0x0  }
0xa8: {  	s5 =	sshll.u32 s28, $0x1;
	[dreg:$0x2] =	wrdreg s3  }
0xa9: {  	[dreg:$0x3] =	wrdreg s5  }
0xaa: {  	[dreg:$0x4] =	wrdreg $0xC0  }
0xab: {  	_ =	task [dreg:s7], $0x5FFFF  }
0xac: {  	[dreg:$0x1] =	wrdreg $0xFFFFFFFF  }
0xad: {  	[dreg:$0x0] =	wrdreg $0x60  }
0xae: {  	[dreg:$0x2] =	wrdreg s24  }
0xaf: {  	[dreg:$0x3] =	wrdreg s2  }
0xb0: {  	[dreg:$0x4] =	wrdreg $0x42000  }
0xb1: {  	[dreg:$0x5] =	wrdreg $0x9  }
0xb2: {  	_ =	task.clear_ibuf [dreg:s7], $0x6FFFF;
	_ =	strace $0x90000049  }
0xb3: {  	s29 =	simm.s32 $0x9;
	_ =	strace $0x8000004B  }
0xb4: {  	_ =	swait.ge [sflag:s29], $0x1  }
0xb5: {  	[sflag:s29] =	ssyncadd.s32 $0xFFFFFFFF  }
0xb6: {  	_ =	strace $0x9000004B  }
0xb7: {  	_ =	sfence  }
0xb8: {  	s30 =	sld [smem:$0x0];
	_ =	sdelay $0x2  }
0xb9: {  	s31 =	sshll.u32 s1, $0xD;
	s1 =	sshrl.u32 s1, $0x2  }
0xba: {  	s3 =	sand.u32 $0x4000, s31;
	s1 =	sadd.s32 s1, s30  }
0xbb: {  	s0 =	sor.u32 s3, s0;
	s1 =	sshll.u32 s1, $0x11  }
0xbc: {  	s0 =	sor.u32 s1, s0  }
0xbd: {  	s0 =	sadd.s32 $0x8F2B, s0  }
0xbe: {  	[sflag:s0] =	ssyncadd.remote.s32 $0x1  }
0xbf: {  	_ =	sfence.sel $0xFFFF  }
0xc0: {  	[dreg:$0x0] =	wrdreg $0xFFFFFFFF;
	(pc) =	sbr.abs _section_cstart, $3  }
0xc1: {  	[dreg:$0x1] =	wrdreg $0xFFFFFFFF  }
0xc2: {  	_ =	task.clear_ibuf [dreg:s7], $0x2FFFF;
	_ =	strace $0x9FFFFFFF  }
0xc3: {  	(tm) =	ssettm $0x7FFFFFFF  }
tec
execute0_lowered:
.L_overlay_start_1:
0x0: {  	(tag) =	ssettag $0x1  }
0x1: {  	s0 =	rddreg [dreg:$0x0]  }
0x2: {  	s1 =	rddreg [dreg:$0x1]  }
0x3: {  	s2 =	rddreg [dreg:$0x2]  }
0x4: {  	s3 =	simm.s32 $0x0;
	s6 =	srdreg.scid;
	s13 =	stileid.u32  }
0x5: {  	s31 =	simm.s32 $0x200;
	[smem:$0x7FF] =	sst s3;
	s10 =	smul.u32 $0x4E80, s13  }
0x6: {  	s4 =	sadd.s32 $0x15E00, s0;
	s5 =	sadd.s32 $0x2400, s0;
	s23 =	smul.u32 $0x2800, s13  }
0x7: {  	s21 =	sadd.s32 $0x29C00, s0;
	s7 =	sand.u32 $0x1, s6;
	s25 =	smul.u32 $0x14000, s13  }
0x8: {  	s0 =	sadd.s32 $0x2A000, s0;
	s17 =	sshll.u32 s13, $0xD;
	s26 =	smul.u32 $0x50000, s13  }
0x9: {  	s15 =	smul.u32 $0x9D0, s13;
	s13 =	simm.s32 $0x2200;
	_ =	strace $0x8000004A  }
0xa: {  	s8 =	ssub.s32 $0x2, s7;
	s6 =	sadd.s32 s17, s2;
	p0 =	sne.s32 s7, $0x0  }
0xb: {  	s9 =	sshrl.u32 s8, $0x1;
	s22 =	sadd.s32 $0x20000, s6;
	s18 =	sadd.s32 $0x40000, s6  }
0xc: {  	s19 =	sadd.s32 $0x60000, s6;
	s20 =	sshrl.u32 s10, $0x3;
	s10 =	sadd.s32 s0, s23  }
0xd: {  	s23 =	sshrl.u32 s26, $0x2;
	s26 =	sadd.s32 $0xE0000, s6;
	[dreg:$0x4] =	wrdreg s18  }
0xe: {  	s29 =	sadd.s32 $0x100000, s6;
	s30 =	sadd.s32 $0x120000, s6;
	[dreg:$0x5] =	wrdreg s19  }
0xf: {  	s8 =	ssub.s32 s8, s9;
	s11 =	sadd.s32 s4, s20;
	[dreg:$0x8] =	wrdreg s10  }
0x10: {  	s24 =	sadd.s32 s5, s20;
	s12 =	sadd.s32 $0x9D00, s20;
	[dreg:$0x14] =	wrdreg s26  }
0x11: {  	s9 =	sadd.s32 $0xA6C8, s20;
	s19 =	sadd.s32 s15, s5;
	[dreg:$0x6] =	wrdreg s11  }
0x12: {  	s18 =	sadd.s32 $0x80000, s6;
	s10 =	simm.s32 $0x40;
	[dreg:$0x7] =	wrdreg s24  }
0x13: {  	s14 =	sadd.s32 s4, s12;
	s12 =	sadd.s32 s5, s12;
	[dreg:$0xf] =	wrdreg s18  }
0x14: {  	s11 =	sshrl.u32 s25, $0x3;
	s17 =	sadd.s32 s4, s9;
	[dreg:$0x9] =	wrdreg s14  }
0x15: {  	s9 =	sadd.s32 s5, s9;
	s24 =	sadd.s32 $0xA0000, s6;
	[dreg:$0xa] =	wrdreg s12  }
0x16: {  	s28 =	smax.u32 s8, $0x1;
	s25 =	sadd.s32 $0xC0000, s6;
	[dreg:$0xd] =	wrdreg s17  }
0x17: {  	s18 =	simm.s32 $0x0;
	s0 =	sadd.s32 s0, s11;
	[dreg:$0xe] =	wrdreg s9  }
0x18: {  	s14 =	sadd.s32 $0x9C8, s20;
	s20 =	sadd.s32 s15, s4;
	[dreg:$0x10] =	wrdreg s24  }
0x19: {  	[dreg:$0x13] =	wrdreg s25;
	s12 =	simm.s32 $0x180;
	s16 =	sadd.s32 s4, s14  }
.Ltmp0:
0x1a: {  	s11 =	sadd.s32 s5, s14;
	[dreg:$0xb] =	wrdreg s16;
	(pc) =	sbr.rel .LBB2_1-.Ltmp0, $4  }
0x1b: {  	s15 =	simm.s32 $0x2;
	s4 =	sadd.s32 s23, s2;
	[dreg:$0xc] =	wrdreg s11  }
0x1c: {  	s17 =	simm.s32 $0x4;
	s0 =	sadd.s32 $0x28000, s0;
	[dreg:$0x11] =	wrdreg s4  }
0x1d: {  	s14 =	simm.s32 $0x1;
	[dreg:$0x12] =	wrdreg s0;
	s0 =	simm.s32 $0x5  }
0x1e: {  	s4 =	simm.s32 $0x100;
	s11 =	simm.s32 $0x80;
	s16 =	simm.s32 $0x3  }
.LBB2_9:
0x1f: {  	[bflag:$0x0] =	sbarrier.arrive $0xFFFF  }
0x20: {  	[bflag:$0x0] =	sbarrier.arrive $0xFFFF  }
0x21: {  	[bflag:$0x0] =	sbarrier.arrive $0xFFFF  }
0x22: {  	[bflag:$0x0] =	sbarrier.arrive $0xFFFF  }
0x23: {  	[bflag:$0x0] =	sbarrier.arrive $0xFFFF  }
.LBB2_7:
0x24: {  	s18 =	sadd.s32 $0x1, s18  }
0x25: {  	p1 =	sne.s32 s18, s28  }
.Ltmp1:
0x26: {  	_ = 	snop;
	(pc) =	sbr.rel @!p1 .LBB2_8-.Ltmp1, $2  }
0x27: {  	_ =	sdelay $0x1  }
0x28: {  	[bflag:$0x0] =	sbarrier.arrive $0xFFFF;
	_ =	sdelay $0x1  }
.LBB2_1:
.Ltmp2:
0x29: {  	(pc) =	sbr.rel @p0 .LBB2_9-.Ltmp2, $1  }
0x2a: {  	_ =	sdelay $0x3  }
0x2b: {  	[tilespmem:s31], [sflag:$0x5] =	stream.linear.gather [hbm4b:s21+s3], $0x2000, $0x38;
	[tilespmem:$0x18200] =	vst v63  }
0x2c: {  	_ =	swait.ge [sflag:s0], $0x2000  }
0x2d: {  	[sflag:s0] =	ssyncset.done $0x0  }
0x2e: {  	[sflag:s0] =	ssyncadd.s32 $0xFFFFE000  }
0x2f: {  	[spmem:s6] =	stream.linear.scatter [tilespmem:s31], [sflag:$0x5], $0x2000, $0x38;
	[tilespmem:$0x18200] =	vst v63  }
0x30: {  	_ =	swait.ge [sflag:s0], $0x2000  }
0x31: {  	[sflag:s0] =	ssyncset.done $0x0  }
0x32: {  	[sflag:s0] =	ssyncadd.s32 $0xFFFFE000  }
0x33: {  	[spmem:s22] =	stream.linear.scatter [tilespmem:s31], [sflag:$0x5], $0x2000, $0x38;
	[tilespmem:$0x18200] =	vst v63  }
0x34: {  	_ =	swait.ge [sflag:s0], $0x2000  }
0x35: {  	[sflag:s0] =	ssyncset.done $0x0  }
0x36: {  	s5 =	rddreg [dreg:$0x4];
	[sflag:s0] =	ssyncadd.s32 $0xFFFFE000  }
0x37: {  	[spmem:s5] =	stream.linear.scatter [tilespmem:s31], [sflag:$0x5], $0x2000, $0x38;
	[tilespmem:$0x18200] =	vst v63  }
0x38: {  	_ =	swait.ge [sflag:s0], $0x2000  }
0x39: {  	[sflag:s0] =	ssyncset.done $0x0  }
0x3a: {  	s24 =	rddreg [dreg:$0x5];
	[sflag:s0] =	ssyncadd.s32 $0xFFFFE000  }
0x3b: {  	[spmem:s24] =	stream.linear.scatter [tilespmem:s31], [sflag:$0x5], $0x2000, $0x38;
	[tilespmem:$0x18200] =	vst v63  }
0x3c: {  	_ =	swait.ge [sflag:s0], $0x2000  }
0x3d: {  	[sflag:s0] =	ssyncset.done $0x0  }
0x3e: {  	s25 =	rddreg [dreg:$0xf];
	[sflag:s0] =	ssyncadd.s32 $0xFFFFE000  }
0x3f: {  	[spmem:s25] =	stream.linear.scatter [tilespmem:s31], [sflag:$0x5], $0x2000, $0x38;
	[tilespmem:$0x18200] =	vst v63  }
0x40: {  	_ =	swait.ge [sflag:s0], $0x2000  }
0x41: {  	[sflag:s0] =	ssyncset.done $0x0  }
0x42: {  	s26 =	rddreg [dreg:$0x10];
	[sflag:s0] =	ssyncadd.s32 $0xFFFFE000  }
0x43: {  	[spmem:s26] =	stream.linear.scatter [tilespmem:s31], [sflag:$0x5], $0x2000, $0x38;
	[tilespmem:$0x18200] =	vst v63  }
0x44: {  	_ =	swait.ge [sflag:s0], $0x2000  }
0x45: {  	[sflag:s0] =	ssyncset.done $0x0  }
0x46: {  	s7 =	rddreg [dreg:$0x13];
	[sflag:s0] =	ssyncadd.s32 $0xFFFFE000  }
0x47: {  	[spmem:s7] =	stream.linear.scatter [tilespmem:s31], [sflag:$0x5], $0x2000, $0x38;
	[tilespmem:$0x18200] =	vst v63  }
0x48: {  	_ =	swait.ge [sflag:s0], $0x2000  }
0x49: {  	[sflag:s0] =	ssyncset.done $0x0  }
0x4a: {  	s8 =	rddreg [dreg:$0x14];
	[sflag:s0] =	ssyncadd.s32 $0xFFFFE000  }
0x4b: {  	[spmem:s8] =	stream.linear.scatter [tilespmem:s31], [sflag:$0x5], $0x2000, $0x38;
	[tilespmem:$0x18200] =	vst v63  }
0x4c: {  	_ =	swait.ge [sflag:s0], $0x2000  }
0x4d: {  	[sflag:s0] =	ssyncset.done $0x0  }
0x4e: {  	[sflag:s0] =	ssyncadd.s32 $0xFFFFE000  }
0x4f: {  	[spmem:s29] =	stream.linear.scatter [tilespmem:s31], [sflag:$0x5], $0x2000, $0x38;
	[tilespmem:$0x18200] =	vst v63  }
0x50: {  	_ =	swait.ge [sflag:s0], $0x2000  }
0x51: {  	[sflag:s0] =	ssyncset.done $0x0  }
0x52: {  	[sflag:s0] =	ssyncadd.s32 $0xFFFFE000  }
0x53: {  	[spmem:s30] =	stream.linear.scatter [tilespmem:s31], [sflag:$0x5], $0x2000, $0x38;
	[tilespmem:$0x18200] =	vst v63  }
0x54: {  	_ =	swait.ge [sflag:s0], $0x2000  }
0x55: {  	[sflag:s0] =	ssyncset.done $0x0  }
0x56: {  	[sflag:s0] =	ssyncadd.s32 $0xFFFFE000  }
0x57: {  	[bflag:$0x0] =	sbarrier.arrive $0xFFFF  }
0x58: {  	s9 =	rddreg [dreg:$0x6]  }
0x59: {  	[tilespmem:s3], [sflag:$0x5] =	stream.linear.gather [hbm4b:s9+s3], $0x40, $0x38;
	[tilespmem:$0x18200] =	vst v63  }
0x5a: {  	_ =	swait.ge [sflag:s0], $0x40  }
0x5b: {  	[sflag:s0] =	ssyncset.done $0x0  }
0x5c: {  	s23 =	rddreg [dreg:$0x7];
	[sflag:s0] =	ssyncadd.s32 $0xFFFFFFC0  }
0x5d: {  	[tilespmem:s4], [sflag:$0x5] =	stream.linear.gather [hbm4b:s23+s3], $0x40, $0x38;
	[tilespmem:$0x18200] =	vst v63  }
0x5e: {  	_ =	swait.ge [sflag:s0], $0x40  }
0x5f: {  	[sflag:s0] =	ssyncset.done $0x0  }
0x60: {  	s24 =	sadd.s32 $0xFFFFF640, s20;
	[sflag:s0] =	ssyncadd.s32 $0xFFFFFFC0  }
0x61: {  	[tilespmem:s31], [sflag:$0x1] =	stream.indirect.gather [hbm4b:s1+s10], $0x80, s3, s10, $0xb8;
	[tilespmem:$0x18200] =	vst v63  }
0x62: {  	s7 =	sadd.s32 $0x9C8, s24  }
0x63: {  	[tilespmem:s11], [sflag:$0x5] =	stream.linear.gather [hbm4b:s7+s3], $0x40, $0x38;
	[tilespmem:$0x18200] =	vst v63  }
0x64: {  	_ =	swait.ge [sflag:s0], $0x40  }
0x65: {  	s25 =	sadd.s32 $0xFFFFF640, s19;
	[sflag:s0] =	ssyncset.done $0x0  }
0x66: {  	s8 =	sadd.s32 $0x9C8, s25;
	[sflag:s0] =	ssyncadd.s32 $0xFFFFFFC0  }
0x67: {  	[tilespmem:s12], [sflag:$0x5] =	stream.linear.gather [hbm4b:s8+s3], $0x40, $0x38;
	[tilespmem:$0x18200] =	vst v63  }
0x68: {  	_ =	swait.ge [sflag:s0], $0x40  }
0x69: {  	[sflag:s0] =	ssyncset.done $0x0  }
0x6a: {  	[sflag:s0] =	ssyncadd.s32 $0xFFFFFFC0  }
0x6b: {  	[tilespmem:s13], [sflag:$0x2] =	stream.indirect.gather [hbm4b:s1+s10], $0x80, s11, s10, $0xb8;
	[tilespmem:$0x18200] =	vst v63  }
0x6c: {  	_ =	swait.ge [sflag:s14], $0x2000  }
0x6d: {  	[sflag:s14] =	ssyncset.done $0x0  }
0x6e: {  	[sflag:s14] =	ssyncadd.s32 $0xFFFFE000  }
0x6f: {  	[spmem:s2] =	stream.indirect.scatter.add.f32 [tilespmem:s31], [sflag:$0x3], $0x80, s4, s10, $0xb8;
	[tilespmem:$0x18200] =	vst v63  }
0x70: {  	_ =	swait.ge [sflag:s15], $0x2000  }
0x71: {  	[sflag:s15] =	ssyncset.done $0x0  }
0x72: {  	[sflag:s15] =	ssyncadd.s32 $0xFFFFE000  }
0x73: {  	[spmem:s2] =	stream.indirect.scatter.add.f32 [tilespmem:s13], [sflag:$0x4], $0x80, s12, s10, $0xb8;
	[tilespmem:$0x18200] =	vst v63  }
0x74: {  	_ =	swait.ge [sflag:s16], $0x2000  }
0x75: {  	[sflag:s16] =	ssyncset.done $0x0  }
0x76: {  	s5 =	sadd.s32 $0x9D0, s24;
	[sflag:s16] =	ssyncadd.s32 $0xFFFFE000  }
0x77: {  	[tilespmem:s3], [sflag:$0x5] =	stream.linear.gather [hbm4b:s5+s3], $0x40, $0x38;
	[tilespmem:$0x18200] =	vst v63  }
0x78: {  	_ =	swait.ge [sflag:s0], $0x40  }
0x79: {  	[sflag:s0] =	ssyncset.done $0x0  }
0x7a: {  	s26 =	sadd.s32 $0x9D0, s25;
	[sflag:s0] =	ssyncadd.s32 $0xFFFFFFC0  }
0x7b: {  	[tilespmem:s4], [sflag:$0x5] =	stream.linear.gather [hbm4b:s26+s3], $0x40, $0x38;
	[tilespmem:$0x18200] =	vst v63  }
0x7c: {  	_ =	swait.ge [sflag:s0], $0x40  }
0x7d: {  	[sflag:s0] =	ssyncset.done $0x0  }
0x7e: {  	[sflag:s0] =	ssyncadd.s32 $0xFFFFFFC0  }
0x7f: {  	[tilespmem:s31], [sflag:$0x1] =	stream.indirect.gather [hbm4b:s1+s10], $0x80, s3, s10, $0xb8;
	[tilespmem:$0x18200] =	vst v63  }
0x80: {  	s23 =	simm.s32 $0xFFFFF650;
	_ =	swait.ge [sflag:s17], $0x2000  }
0x81: {  	s8 =	simm.s32 $0xFFFFF660;
	s5 =	sadd.s32 $0xFFFFF650, s20;
	[sflag:s17] =	ssyncset.done $0x0  }
.LBB2_3:
0x82: {  	s9 =	sadd.s32 $0x9C8, s5  }
0x83: {  	[sflag:s17] =	ssyncadd.s32 $0xFFFFE000;
	s24 =	smov.u32 s8;
	s7 =	sadd.s32 $0x10, s8  }
0x84: {  	[tilespmem:s11], [sflag:$0x5] =	stream.linear.gather [hbm4b:s9+s3], $0x40, $0x38;
	[tilespmem:$0x18200] =	vst v63  }
0x85: {  	p1 =	seq.s32 s8, $0xFFFFFFF0;
	_ =	swait.ge [sflag:s0], $0x40  }
0x86: {  	s8 =	sadd.s32 s23, s19;
	s23 =	smov.u32 s24;
	[sflag:s0] =	ssyncset.done $0x0  }
0x87: {  	s9 =	sadd.s32 $0x9C8, s8;
	[sflag:s0] =	ssyncadd.s32 $0xFFFFFFC0  }
0x88: {  	[tilespmem:s12], [sflag:$0x5] =	stream.linear.gather [hbm4b:s9+s3], $0x40, $0x38;
	[tilespmem:$0x18200] =	vst v63  }
0x89: {  	_ =	swait.ge [sflag:s0], $0x40  }
0x8a: {  	[sflag:s0] =	ssyncset.done $0x0  }
0x8b: {  	[sflag:s0] =	ssyncadd.s32 $0xFFFFFFC0  }
0x8c: {  	[tilespmem:s13], [sflag:$0x2] =	stream.indirect.gather [hbm4b:s1+s10], $0x80, s11, s10, $0xb8;
	[tilespmem:$0x18200] =	vst v63  }
0x8d: {  	_ =	swait.ge [sflag:s14], $0x2000  }
0x8e: {  	[sflag:s14] =	ssyncset.done $0x0  }
0x8f: {  	[sflag:s14] =	ssyncadd.s32 $0xFFFFE000  }
0x90: {  	[spmem:s2] =	stream.indirect.scatter.add.f32 [tilespmem:s31], [sflag:$0x3], $0x80, s4, s10, $0xb8;
	[tilespmem:$0x18200] =	vst v63  }
0x91: {  	_ =	swait.ge [sflag:s15], $0x2000  }
0x92: {  	[sflag:s15] =	ssyncset.done $0x0  }
0x93: {  	[sflag:s15] =	ssyncadd.s32 $0xFFFFE000  }
0x94: {  	[spmem:s2] =	stream.indirect.scatter.add.f32 [tilespmem:s13], [sflag:$0x4], $0x80, s12, s10, $0xb8;
	[tilespmem:$0x18200] =	vst v63  }
0x95: {  	_ =	swait.ge [sflag:s16], $0x2000  }
0x96: {  	[sflag:s16] =	ssyncset.done $0x0  }
0x97: {  	s5 =	sadd.s32 $0x9D0, s5;
	[sflag:s16] =	ssyncadd.s32 $0xFFFFE000  }
0x98: {  	[tilespmem:s3], [sflag:$0x5] =	stream.linear.gather [hbm4b:s5+s3], $0x40, $0x38;
	[tilespmem:$0x18200] =	vst v63  }
0x99: {  	_ =	swait.ge [sflag:s0], $0x40  }
0x9a: {  	[sflag:s0] =	ssyncset.done $0x0  }
0x9b: {  	s5 =	sadd.s32 $0x9D0, s8;
	[sflag:s0] =	ssyncadd.s32 $0xFFFFFFC0  }
0x9c: {  	[tilespmem:s4], [sflag:$0x5] =	stream.linear.gather [hbm4b:s5+s3], $0x40, $0x38;
	[tilespmem:$0x18200] =	vst v63  }
0x9d: {  	_ =	swait.ge [sflag:s0], $0x40  }
.Ltmp3:
0x9e: {  	[sflag:s0] =	ssyncset.done $0x0;
	(pc) =	sbr.rel @!p1 .LBB2_3-.Ltmp3, $4  }
0x9f: {  	[sflag:s0] =	ssyncadd.s32 $0xFFFFFFC0  }
0xa0: {  	[tilespmem:s31], [sflag:$0x1] =	stream.indirect.gather [hbm4b:s1+s10], $0x80, s3, s10, $0xb8;
	[tilespmem:$0x18200] =	vst v63  }
0xa1: {  	_ =	swait.ge [sflag:s17], $0x2000  }
0xa2: {  	s8 =	smov.u32 s7;
	s5 =	sadd.s32 s23, s20;
	[sflag:s17] =	ssyncset.done $0x0  }
0xa3: {  	s7 =	sadd.s32 $0x9C8, s5;
	[sflag:s17] =	ssyncadd.s32 $0xFFFFE000  }
0xa4: {  	[tilespmem:s11], [sflag:$0x5] =	stream.linear.gather [hbm4b:s7+s3], $0x40, $0x38;
	[tilespmem:$0x18200] =	vst v63  }
0xa5: {  	_ =	swait.ge [sflag:s0], $0x40  }
0xa6: {  	s26 =	sadd.s32 s23, s19;
	[sflag:s0] =	ssyncset.done $0x0  }
0xa7: {  	s8 =	sadd.s32 $0x9C8, s26;
	[sflag:s0] =	ssyncadd.s32 $0xFFFFFFC0  }
0xa8: {  	[tilespmem:s12], [sflag:$0x5] =	stream.linear.gather [hbm4b:s8+s3], $0x40, $0x38;
	[tilespmem:$0x18200] =	vst v63  }
0xa9: {  	_ =	swait.ge [sflag:s0], $0x40  }
0xaa: {  	[sflag:s0] =	ssyncset.done $0x0  }
0xab: {  	[sflag:s0] =	ssyncadd.s32 $0xFFFFFFC0  }
0xac: {  	[tilespmem:s13], [sflag:$0x2] =	stream.indirect.gather [hbm4b:s1+s10], $0x80, s11, s10, $0xb8;
	[tilespmem:$0x18200] =	vst v63  }
0xad: {  	_ =	swait.ge [sflag:s14], $0x2000  }
0xae: {  	[sflag:s14] =	ssyncset.done $0x0  }
0xaf: {  	[sflag:s14] =	ssyncadd.s32 $0xFFFFE000  }
0xb0: {  	[spmem:s2] =	stream.indirect.scatter.add.f32 [tilespmem:s31], [sflag:$0x3], $0x80, s4, s10, $0xb8;
	[tilespmem:$0x18200] =	vst v63  }
0xb1: {  	_ =	swait.ge [sflag:s15], $0x2000  }
0xb2: {  	[sflag:s15] =	ssyncset.done $0x0  }
0xb3: {  	[sflag:s15] =	ssyncadd.s32 $0xFFFFE000  }
0xb4: {  	[spmem:s2] =	stream.indirect.scatter.add.f32 [tilespmem:s13], [sflag:$0x4], $0x80, s12, s10, $0xb8;
	[tilespmem:$0x18200] =	vst v63  }
0xb5: {  	_ =	swait.ge [sflag:s16], $0x2000  }
0xb6: {  	[sflag:s16] =	ssyncset.done $0x0  }
0xb7: {  	s8 =	sadd.s32 $0x9D0, s5;
	[sflag:s16] =	ssyncadd.s32 $0xFFFFE000  }
0xb8: {  	[tilespmem:s3], [sflag:$0x5] =	stream.linear.gather [hbm4b:s8+s3], $0x40, $0x38;
	[tilespmem:$0x18200] =	vst v63  }
0xb9: {  	_ =	swait.ge [sflag:s0], $0x40  }
0xba: {  	[sflag:s0] =	ssyncset.done $0x0  }
0xbb: {  	s9 =	sadd.s32 $0x9D0, s26;
	[sflag:s0] =	ssyncadd.s32 $0xFFFFFFC0  }
0xbc: {  	[tilespmem:s4], [sflag:$0x5] =	stream.linear.gather [hbm4b:s9+s3], $0x40, $0x38;
	[tilespmem:$0x18200] =	vst v63  }
0xbd: {  	_ =	swait.ge [sflag:s0], $0x40  }
0xbe: {  	[sflag:s0] =	ssyncset.done $0x0  }
0xbf: {  	[sflag:s0] =	ssyncadd.s32 $0xFFFFFFC0  }
0xc0: {  	[tilespmem:s31], [sflag:$0x1] =	stream.indirect.gather [hbm4b:s1+s10], $0x80, s3, s10, $0xb8;
	[tilespmem:$0x18200] =	vst v63  }
0xc1: {  	_ =	swait.ge [sflag:s17], $0x2000  }
0xc2: {  	[sflag:s17] =	ssyncset.done $0x0  }
0xc3: {  	s23 =	rddreg [dreg:$0xb];
	[sflag:s17] =	ssyncadd.s32 $0xFFFFE000  }
0xc4: {  	[tilespmem:s11], [sflag:$0x5] =	stream.linear.gather [hbm4b:s23+s3], $0x40, $0x38;
	[tilespmem:$0x18200] =	vst v63  }
0xc5: {  	_ =	swait.ge [sflag:s0], $0x40  }
0xc6: {  	[sflag:s0] =	ssyncset.done $0x0  }
0xc7: {  	s24 =	rddreg [dreg:$0xc];
	[sflag:s0] =	ssyncadd.s32 $0xFFFFFFC0  }
0xc8: {  	[tilespmem:s12], [sflag:$0x5] =	stream.linear.gather [hbm4b:s24+s3], $0x40, $0x38;
	[tilespmem:$0x18200] =	vst v63  }
0xc9: {  	_ =	swait.ge [sflag:s0], $0x40  }
0xca: {  	[sflag:s0] =	ssyncset.done $0x0  }
0xcb: {  	[sflag:s0] =	ssyncadd.s32 $0xFFFFFFC0  }
0xcc: {  	[tilespmem:s13], [sflag:$0x2] =	stream.indirect.gather [hbm4b:s1+s10], $0x80, s11, s10, $0xb8;
	[tilespmem:$0x18200] =	vst v63  }
0xcd: {  	_ =	swait.ge [sflag:s14], $0x2000  }
0xce: {  	[sflag:s14] =	ssyncset.done $0x0  }
0xcf: {  	[sflag:s14] =	ssyncadd.s32 $0xFFFFE000  }
0xd0: {  	[spmem:s2] =	stream.indirect.scatter.add.f32 [tilespmem:s31], [sflag:$0x3], $0x80, s4, s10, $0xb8;
	[tilespmem:$0x18200] =	vst v63  }
0xd1: {  	_ =	swait.ge [sflag:s15], $0x2000  }
0xd2: {  	[sflag:s15] =	ssyncset.done $0x0  }
0xd3: {  	[sflag:s15] =	ssyncadd.s32 $0xFFFFE000  }
0xd4: {  	[spmem:s2] =	stream.indirect.scatter.add.f32 [tilespmem:s13], [sflag:$0x4], $0x80, s12, s10, $0xb8;
	[tilespmem:$0x18200] =	vst v63  }
0xd5: {  	_ =	swait.ge [sflag:s16], $0x2000  }
0xd6: {  	[sflag:s16] =	ssyncset.done $0x0  }
0xd7: {  	[sflag:s16] =	ssyncadd.s32 $0xFFFFE000  }
0xd8: {  	_ =	swait.ge [sflag:s17], $0x2000  }
0xd9: {  	[sflag:s17] =	ssyncset.done $0x0  }
0xda: {  	[sflag:s17] =	ssyncadd.s32 $0xFFFFE000  }
0xdb: {  	s25 =	stileid.u32;
	[bflag:$0x0] =	sbarrier.arrive $0xFFFF  }
0xdc: {  	s5 =	sshll.u32 s25, $0x6;
	s26 =	rddreg [dreg:$0x11]  }
0xdd: {  	s23 =	sor.u32 $0x1C05, s5;
	s7 =	rddreg [dreg:$0x8];
	s24 =	sshrl.u32 s26, $0x3  }
0xde: {  	[hbm:s7], [sflag:s23] =	dma.local [spmem:s24], $0x2800  }
0xdf: {  	_ =	swait.ge [sflag:s0], $0x2800  }
0xe0: {  	[sflag:s0] =	ssyncset.done $0x0  }
0xe1: {  	[sflag:s0] =	ssyncadd.s32 $0xFFFFD800  }
0xe2: {  	[bflag:$0x0] =	sbarrier.arrive $0xFFFF  }
0xe3: {  	[tilespmem:s31], [sflag:$0x5] =	stream.linear.gather [hbm4b:s21+s3], $0x2000, $0x38;
	[tilespmem:$0x18200] =	vst v63  }
0xe4: {  	_ =	swait.ge [sflag:s0], $0x2000  }
0xe5: {  	[sflag:s0] =	ssyncset.done $0x0  }
0xe6: {  	[sflag:s0] =	ssyncadd.s32 $0xFFFFE000  }
0xe7: {  	[spmem:s6] =	stream.linear.scatter [tilespmem:s31], [sflag:$0x5], $0x2000, $0x38;
	[tilespmem:$0x18200] =	vst v63  }
0xe8: {  	_ =	swait.ge [sflag:s0], $0x2000  }
0xe9: {  	[sflag:s0] =	ssyncset.done $0x0  }
0xea: {  	[sflag:s0] =	ssyncadd.s32 $0xFFFFE000  }
0xeb: {  	[spmem:s22] =	stream.linear.scatter [tilespmem:s31], [sflag:$0x5], $0x2000, $0x38;
	[tilespmem:$0x18200] =	vst v63  }
0xec: {  	_ =	swait.ge [sflag:s0], $0x2000  }
0xed: {  	[sflag:s0] =	ssyncset.done $0x0  }
0xee: {  	s8 =	rddreg [dreg:$0x4];
	[sflag:s0] =	ssyncadd.s32 $0xFFFFE000  }
0xef: {  	[spmem:s8] =	stream.linear.scatter [tilespmem:s31], [sflag:$0x5], $0x2000, $0x38;
	[tilespmem:$0x18200] =	vst v63  }
0xf0: {  	_ =	swait.ge [sflag:s0], $0x2000  }
0xf1: {  	[sflag:s0] =	ssyncset.done $0x0  }
0xf2: {  	s9 =	rddreg [dreg:$0x5];
	[sflag:s0] =	ssyncadd.s32 $0xFFFFE000  }
0xf3: {  	[spmem:s9] =	stream.linear.scatter [tilespmem:s31], [sflag:$0x5], $0x2000, $0x38;
	[tilespmem:$0x18200] =	vst v63  }
0xf4: {  	_ =	swait.ge [sflag:s0], $0x2000  }
0xf5: {  	[sflag:s0] =	ssyncset.done $0x0  }
0xf6: {  	s25 =	smov.u32 s21;
	s21 =	rddreg [dreg:$0xf];
	[sflag:s0] =	ssyncadd.s32 $0xFFFFE000  }
0xf7: {  	[spmem:s21] =	stream.linear.scatter [tilespmem:s31], [sflag:$0x5], $0x2000, $0x38;
	[tilespmem:$0x18200] =	vst v63  }
0xf8: {  	_ =	swait.ge [sflag:s0], $0x2000  }
0xf9: {  	[sflag:s0] =	ssyncset.done $0x0  }
0xfa: {  	s26 =	smov.u32 s22;
	s22 =	rddreg [dreg:$0x10];
	[sflag:s0] =	ssyncadd.s32 $0xFFFFE000  }
0xfb: {  	[spmem:s22] =	stream.linear.scatter [tilespmem:s31], [sflag:$0x5], $0x2000, $0x38;
	[tilespmem:$0x18200] =	vst v63  }
0xfc: {  	_ =	swait.ge [sflag:s0], $0x2000  }
0xfd: {  	[sflag:s0] =	ssyncset.done $0x0  }
0xfe: {  	s7 =	rddreg [dreg:$0x13];
	[sflag:s0] =	ssyncadd.s32 $0xFFFFE000  }
0xff: {  	[spmem:s7] =	stream.linear.scatter [tilespmem:s31], [sflag:$0x5], $0x2000, $0x38;
	[tilespmem:$0x18200] =	vst v63  }
0x100: {  	_ =	swait.ge [sflag:s0], $0x2000  }
0x101: {  	[sflag:s0] =	ssyncset.done $0x0  }
0x102: {  	s8 =	rddreg [dreg:$0x14];
	[sflag:s0] =	ssyncadd.s32 $0xFFFFE000  }
0x103: {  	[spmem:s8] =	stream.linear.scatter [tilespmem:s31], [sflag:$0x5], $0x2000, $0x38;
	[tilespmem:$0x18200] =	vst v63  }
0x104: {  	_ =	swait.ge [sflag:s0], $0x2000  }
0x105: {  	[sflag:s0] =	ssyncset.done $0x0  }
0x106: {  	[sflag:s0] =	ssyncadd.s32 $0xFFFFE000  }
0x107: {  	[spmem:s29] =	stream.linear.scatter [tilespmem:s31], [sflag:$0x5], $0x2000, $0x38;
	[tilespmem:$0x18200] =	vst v63  }
0x108: {  	_ =	swait.ge [sflag:s0], $0x2000  }
0x109: {  	[sflag:s0] =	ssyncset.done $0x0  }
0x10a: {  	[sflag:s0] =	ssyncadd.s32 $0xFFFFE000  }
0x10b: {  	[spmem:s30] =	stream.linear.scatter [tilespmem:s31], [sflag:$0x5], $0x2000, $0x38;
	[tilespmem:$0x18200] =	vst v63  }
0x10c: {  	_ =	swait.ge [sflag:s0], $0x2000  }
0x10d: {  	[sflag:s0] =	ssyncset.done $0x0  }
0x10e: {  	[sflag:s0] =	ssyncadd.s32 $0xFFFFE000  }
0x10f: {  	[bflag:$0x0] =	sbarrier.arrive $0xFFFF  }
0x110: {  	s9 =	rddreg [dreg:$0x9]  }
0x111: {  	[tilespmem:s3], [sflag:$0x5] =	stream.linear.gather [hbm4b:s9+s3], $0x40, $0x38;
	[tilespmem:$0x18200] =	vst v63  }
0x112: {  	_ =	swait.ge [sflag:s0], $0x40  }
0x113: {  	[sflag:s0] =	ssyncset.done $0x0  }
0x114: {  	s21 =	rddreg [dreg:$0xa];
	[sflag:s0] =	ssyncadd.s32 $0xFFFFFFC0  }
0x115: {  	[tilespmem:s4], [sflag:$0x5] =	stream.linear.gather [hbm4b:s21+s3], $0x40, $0x38;
	[tilespmem:$0x18200] =	vst v63  }
0x116: {  	_ =	swait.ge [sflag:s0], $0x40  }
0x117: {  	[sflag:s0] =	ssyncset.done $0x0  }
0x118: {  	s22 =	sadd.s32 $0xFFFFF640, s20;
	[sflag:s0] =	ssyncadd.s32 $0xFFFFFFC0  }
0x119: {  	[tilespmem:s31], [sflag:$0x1] =	stream.indirect.gather [hbm4b:s1+s10], $0x80, s3, s10, $0xb8;
	[tilespmem:$0x18200] =	vst v63  }
0x11a: {  	s8 =	sadd.s32 $0xA6C8, s22  }
0x11b: {  	[tilespmem:s11], [sflag:$0x5] =	stream.linear.gather [hbm4b:s8+s3], $0x40, $0x38;
	[tilespmem:$0x18200] =	vst v63  }
0x11c: {  	_ =	swait.ge [sflag:s0], $0x40  }
0x11d: {  	s9 =	sadd.s32 $0xFFFFF640, s19;
	[sflag:s0] =	ssyncset.done $0x0  }
0x11e: {  	s21 =	sadd.s32 $0xA6C8, s9;
	[sflag:s0] =	ssyncadd.s32 $0xFFFFFFC0  }
0x11f: {  	[tilespmem:s12], [sflag:$0x5] =	stream.linear.gather [hbm4b:s21+s3], $0x40, $0x38;
	[tilespmem:$0x18200] =	vst v63  }
0x120: {  	_ =	swait.ge [sflag:s0], $0x40  }
0x121: {  	[sflag:s0] =	ssyncset.done $0x0  }
0x122: {  	[sflag:s0] =	ssyncadd.s32 $0xFFFFFFC0  }
0x123: {  	[tilespmem:s13], [sflag:$0x2] =	stream.indirect.gather [hbm4b:s1+s10], $0x80, s11, s10, $0xb8;
	[tilespmem:$0x18200] =	vst v63  }
0x124: {  	_ =	swait.ge [sflag:s14], $0x2000  }
0x125: {  	[sflag:s14] =	ssyncset.done $0x0  }
0x126: {  	[sflag:s14] =	ssyncadd.s32 $0xFFFFE000  }
0x127: {  	[spmem:s2] =	stream.indirect.scatter.add.f32 [tilespmem:s31], [sflag:$0x3], $0x80, s4, s10, $0xb8;
	[tilespmem:$0x18200] =	vst v63  }
0x128: {  	_ =	swait.ge [sflag:s15], $0x2000  }
0x129: {  	[sflag:s15] =	ssyncset.done $0x0  }
0x12a: {  	[sflag:s15] =	ssyncadd.s32 $0xFFFFE000  }
0x12b: {  	[spmem:s2] =	stream.indirect.scatter.add.f32 [tilespmem:s13], [sflag:$0x4], $0x80, s12, s10, $0xb8;
	[tilespmem:$0x18200] =	vst v63  }
0x12c: {  	_ =	swait.ge [sflag:s16], $0x2000  }
0x12d: {  	[sflag:s16] =	ssyncset.done $0x0  }
0x12e: {  	s5 =	sadd.s32 $0xA6D0, s22;
	[sflag:s16] =	ssyncadd.s32 $0xFFFFE000  }
0x12f: {  	[tilespmem:s3], [sflag:$0x5] =	stream.linear.gather [hbm4b:s5+s3], $0x40, $0x38;
	[tilespmem:$0x18200] =	vst v63  }
0x130: {  	_ =	swait.ge [sflag:s0], $0x40  }
0x131: {  	[sflag:s0] =	ssyncset.done $0x0  }
0x132: {  	s22 =	sadd.s32 $0xA6D0, s9;
	[sflag:s0] =	ssyncadd.s32 $0xFFFFFFC0  }
0x133: {  	[tilespmem:s4], [sflag:$0x5] =	stream.linear.gather [hbm4b:s22+s3], $0x40, $0x38;
	[tilespmem:$0x18200] =	vst v63  }
0x134: {  	_ =	swait.ge [sflag:s0], $0x40  }
0x135: {  	[sflag:s0] =	ssyncset.done $0x0  }
0x136: {  	[sflag:s0] =	ssyncadd.s32 $0xFFFFFFC0  }
0x137: {  	[tilespmem:s31], [sflag:$0x1] =	stream.indirect.gather [hbm4b:s1+s10], $0x80, s3, s10, $0xb8;
	[tilespmem:$0x18200] =	vst v63  }
0x138: {  	s7 =	sadd.s32 $0xFFFFF650, s20;
	_ =	swait.ge [sflag:s17], $0x2000  }
0x139: {  	s8 =	simm.s32 $0xFFFFF660;
	s5 =	simm.s32 $0xFFFFF650;
	[sflag:s17] =	ssyncset.done $0x0  }
.LBB2_5:
0x13a: {  	s21 =	sadd.s32 $0xA6C8, s7  }
0x13b: {  	[sflag:s17] =	ssyncadd.s32 $0xFFFFE000;
	s22 =	smov.u32 s8;
	s9 =	sadd.s32 $0x10, s8  }
0x13c: {  	[tilespmem:s11], [sflag:$0x5] =	stream.linear.gather [hbm4b:s21+s3], $0x40, $0x38;
	[tilespmem:$0x18200] =	vst v63  }
0x13d: {  	p1 =	sne.s32 s8, $0xFFFFFFF0;
	_ =	swait.ge [sflag:s0], $0x40  }
0x13e: {  	s8 =	sadd.s32 s5, s19;
	s5 =	smov.u32 s22;
	[sflag:s0] =	ssyncset.done $0x0  }
0x13f: {  	s21 =	sadd.s32 $0xA6C8, s8;
	[sflag:s0] =	ssyncadd.s32 $0xFFFFFFC0  }
0x140: {  	[tilespmem:s12], [sflag:$0x5] =	stream.linear.gather [hbm4b:s21+s3], $0x40, $0x38;
	[tilespmem:$0x18200] =	vst v63  }
0x141: {  	_ =	swait.ge [sflag:s0], $0x40  }
0x142: {  	[sflag:s0] =	ssyncset.done $0x0  }
0x143: {  	[sflag:s0] =	ssyncadd.s32 $0xFFFFFFC0  }
0x144: {  	[tilespmem:s13], [sflag:$0x2] =	stream.indirect.gather [hbm4b:s1+s10], $0x80, s11, s10, $0xb8;
	[tilespmem:$0x18200] =	vst v63  }
0x145: {  	_ =	swait.ge [sflag:s14], $0x2000  }
0x146: {  	[sflag:s14] =	ssyncset.done $0x0  }
0x147: {  	[sflag:s14] =	ssyncadd.s32 $0xFFFFE000  }
0x148: {  	[spmem:s2] =	stream.indirect.scatter.add.f32 [tilespmem:s31], [sflag:$0x3], $0x80, s4, s10, $0xb8;
	[tilespmem:$0x18200] =	vst v63  }
0x149: {  	_ =	swait.ge [sflag:s15], $0x2000  }
0x14a: {  	[sflag:s15] =	ssyncset.done $0x0  }
0x14b: {  	[sflag:s15] =	ssyncadd.s32 $0xFFFFE000  }
0x14c: {  	[spmem:s2] =	stream.indirect.scatter.add.f32 [tilespmem:s13], [sflag:$0x4], $0x80, s12, s10, $0xb8;
	[tilespmem:$0x18200] =	vst v63  }
0x14d: {  	_ =	swait.ge [sflag:s16], $0x2000  }
0x14e: {  	[sflag:s16] =	ssyncset.done $0x0  }
0x14f: {  	s7 =	sadd.s32 $0xA6D0, s7;
	[sflag:s16] =	ssyncadd.s32 $0xFFFFE000  }
0x150: {  	[tilespmem:s3], [sflag:$0x5] =	stream.linear.gather [hbm4b:s7+s3], $0x40, $0x38;
	[tilespmem:$0x18200] =	vst v63  }
0x151: {  	_ =	swait.ge [sflag:s0], $0x40  }
0x152: {  	[sflag:s0] =	ssyncset.done $0x0  }
0x153: {  	s7 =	sadd.s32 $0xA6D0, s8;
	[sflag:s0] =	ssyncadd.s32 $0xFFFFFFC0  }
0x154: {  	[tilespmem:s4], [sflag:$0x5] =	stream.linear.gather [hbm4b:s7+s3], $0x40, $0x38;
	[tilespmem:$0x18200] =	vst v63  }
0x155: {  	_ =	swait.ge [sflag:s0], $0x40  }
.Ltmp4:
0x156: {  	[sflag:s0] =	ssyncset.done $0x0;
	(pc) =	sbr.rel @p1 .LBB2_5-.Ltmp4, $4  }
0x157: {  	[sflag:s0] =	ssyncadd.s32 $0xFFFFFFC0  }
0x158: {  	[tilespmem:s31], [sflag:$0x1] =	stream.indirect.gather [hbm4b:s1+s10], $0x80, s3, s10, $0xb8;
	[tilespmem:$0x18200] =	vst v63  }
0x159: {  	_ =	swait.ge [sflag:s17], $0x2000  }
0x15a: {  	s8 =	smov.u32 s9;
	s7 =	sadd.s32 s5, s20;
	[sflag:s17] =	ssyncset.done $0x0  }
0x15b: {  	s8 =	sadd.s32 $0xA6C8, s7;
	[sflag:s17] =	ssyncadd.s32 $0xFFFFE000  }
0x15c: {  	[tilespmem:s11], [sflag:$0x5] =	stream.linear.gather [hbm4b:s8+s3], $0x40, $0x38;
	[tilespmem:$0x18200] =	vst v63  }
0x15d: {  	_ =	swait.ge [sflag:s0], $0x40  }
0x15e: {  	s5 =	sadd.s32 s5, s19;
	[sflag:s0] =	ssyncset.done $0x0  }
0x15f: {  	s22 =	sadd.s32 $0xA6C8, s5;
	[sflag:s0] =	ssyncadd.s32 $0xFFFFFFC0  }
0x160: {  	[tilespmem:s12], [sflag:$0x5] =	stream.linear.gather [hbm4b:s22+s3], $0x40, $0x38;
	[tilespmem:$0x18200] =	vst v63  }
0x161: {  	_ =	swait.ge [sflag:s0], $0x40  }
0x162: {  	[sflag:s0] =	ssyncset.done $0x0  }
0x163: {  	[sflag:s0] =	ssyncadd.s32 $0xFFFFFFC0  }
0x164: {  	[tilespmem:s13], [sflag:$0x2] =	stream.indirect.gather [hbm4b:s1+s10], $0x80, s11, s10, $0xb8;
	[tilespmem:$0x18200] =	vst v63  }
0x165: {  	_ =	swait.ge [sflag:s14], $0x2000  }
0x166: {  	[sflag:s14] =	ssyncset.done $0x0  }
0x167: {  	[sflag:s14] =	ssyncadd.s32 $0xFFFFE000  }
0x168: {  	[spmem:s2] =	stream.indirect.scatter.add.f32 [tilespmem:s31], [sflag:$0x3], $0x80, s4, s10, $0xb8;
	[tilespmem:$0x18200] =	vst v63  }
0x169: {  	_ =	swait.ge [sflag:s15], $0x2000  }
0x16a: {  	[sflag:s15] =	ssyncset.done $0x0  }
0x16b: {  	[sflag:s15] =	ssyncadd.s32 $0xFFFFE000  }
0x16c: {  	[spmem:s2] =	stream.indirect.scatter.add.f32 [tilespmem:s13], [sflag:$0x4], $0x80, s12, s10, $0xb8;
	[tilespmem:$0x18200] =	vst v63  }
0x16d: {  	_ =	swait.ge [sflag:s16], $0x2000  }
0x16e: {  	[sflag:s16] =	ssyncset.done $0x0  }
0x16f: {  	s8 =	sadd.s32 $0xA6D0, s7;
	[sflag:s16] =	ssyncadd.s32 $0xFFFFE000  }
0x170: {  	[tilespmem:s3], [sflag:$0x5] =	stream.linear.gather [hbm4b:s8+s3], $0x40, $0x38;
	[tilespmem:$0x18200] =	vst v63  }
0x171: {  	_ =	swait.ge [sflag:s0], $0x40  }
0x172: {  	[sflag:s0] =	ssyncset.done $0x0  }
0x173: {  	s5 =	sadd.s32 $0xA6D0, s5;
	[sflag:s0] =	ssyncadd.s32 $0xFFFFFFC0  }
0x174: {  	[tilespmem:s4], [sflag:$0x5] =	stream.linear.gather [hbm4b:s5+s3], $0x40, $0x38;
	[tilespmem:$0x18200] =	vst v63  }
0x175: {  	_ =	swait.ge [sflag:s0], $0x40  }
0x176: {  	[sflag:s0] =	ssyncset.done $0x0  }
0x177: {  	[sflag:s0] =	ssyncadd.s32 $0xFFFFFFC0  }
0x178: {  	[tilespmem:s31], [sflag:$0x1] =	stream.indirect.gather [hbm4b:s1+s10], $0x80, s3, s10, $0xb8;
	[tilespmem:$0x18200] =	vst v63  }
0x179: {  	_ =	swait.ge [sflag:s17], $0x2000  }
0x17a: {  	[sflag:s17] =	ssyncset.done $0x0  }
0x17b: {  	s9 =	rddreg [dreg:$0xd];
	[sflag:s17] =	ssyncadd.s32 $0xFFFFE000  }
0x17c: {  	[tilespmem:s11], [sflag:$0x5] =	stream.linear.gather [hbm4b:s9+s3], $0x40, $0x38;
	[tilespmem:$0x18200] =	vst v63  }
0x17d: {  	_ =	swait.ge [sflag:s0], $0x40  }
0x17e: {  	[sflag:s0] =	ssyncset.done $0x0  }
0x17f: {  	s21 =	rddreg [dreg:$0xe];
	[sflag:s0] =	ssyncadd.s32 $0xFFFFFFC0  }
0x180: {  	[tilespmem:s12], [sflag:$0x5] =	stream.linear.gather [hbm4b:s21+s3], $0x40, $0x38;
	[tilespmem:$0x18200] =	vst v63  }
0x181: {  	_ =	swait.ge [sflag:s0], $0x40  }
0x182: {  	[sflag:s0] =	ssyncset.done $0x0  }
0x183: {  	[sflag:s0] =	ssyncadd.s32 $0xFFFFFFC0  }
0x184: {  	[tilespmem:s13], [sflag:$0x2] =	stream.indirect.gather [hbm4b:s1+s10], $0x80, s11, s10, $0xb8;
	[tilespmem:$0x18200] =	vst v63  }
0x185: {  	_ =	swait.ge [sflag:s14], $0x2000  }
0x186: {  	[sflag:s14] =	ssyncset.done $0x0  }
0x187: {  	[sflag:s14] =	ssyncadd.s32 $0xFFFFE000  }
0x188: {  	[spmem:s2] =	stream.indirect.scatter.add.f32 [tilespmem:s31], [sflag:$0x3], $0x80, s4, s10, $0xb8;
	[tilespmem:$0x18200] =	vst v63  }
0x189: {  	_ =	swait.ge [sflag:s15], $0x2000  }
0x18a: {  	[sflag:s15] =	ssyncset.done $0x0  }
0x18b: {  	[sflag:s15] =	ssyncadd.s32 $0xFFFFE000  }
0x18c: {  	[spmem:s2] =	stream.indirect.scatter.add.f32 [tilespmem:s13], [sflag:$0x4], $0x80, s12, s10, $0xb8;
	[tilespmem:$0x18200] =	vst v63  }
0x18d: {  	_ =	swait.ge [sflag:s16], $0x2000  }
0x18e: {  	[sflag:s16] =	ssyncset.done $0x0  }
0x18f: {  	[sflag:s16] =	ssyncadd.s32 $0xFFFFE000  }
0x190: {  	_ =	swait.ge [sflag:s17], $0x2000  }
0x191: {  	[sflag:s17] =	ssyncset.done $0x0  }
0x192: {  	[sflag:s17] =	ssyncadd.s32 $0xFFFFE000  }
0x193: {  	[bflag:$0x0] =	sbarrier.arrive $0xFFFF  }
.Ltmp5:
0x194: {  	s22 =	rddreg [dreg:$0x12];
	(pc) =	sbr.rel .LBB2_7-.Ltmp5, $4  }
0x195: {  	[hbm:s22], [sflag:s23] =	dma.local [spmem:s24], $0x2800  }
0x196: {  	_ =	swait.ge [sflag:s0], $0x2800  }
0x197: {  	[sflag:s0] =	ssyncset.done $0x0  }
0x198: {  	s21 =	smov.u32 s25;
	s22 =	smov.u32 s26;
	[sflag:s0] =	ssyncadd.s32 $0xFFFFD800  }
.LBB2_8:
0x199: {  	_ =	sfence.sel $0x180000  }
0x19a: {  	[bflag:$0x0] =	sbarrier.arrive $0xFFFF  }
0x19b: {  	_ =	strace $0x9000004A  }
0x19c: {  	s0 =	stileid.u32;
	[bflag:$0x2] =	sbarrier.arrive $0xFFFF  }
0x19d: {  	p0 =	sne.s32 s0, $0x0;
	s0 =	rddreg [dreg:$0x3]  }
0x19e: {  	s0 =	sadd.s32 @!p0 $0x100000, s0  }
0x19f: {  	[sflag:s0] =	ssyncadd.tile.s32 @!p0 $0x1;
	_ =	shalt  }
.Lfunc_end2:
_tile_overlayer_lowered:
.L_overlay_start_2:
0x1a0: {  	(tag) =	ssettag $0x2  }
0x1a1: {  	s0 =	rddreg [dreg:$0x0];
	s2 =	stileid.u32  }
0x1a2: {  	s1 =	rddreg [dreg:$0x1];
	p0 =	sne.s32 s2, $0x0  }
0x1a3: {  	s3 =	rddreg [dreg:$0x2];
	[bflag:$0x3] =	sbarrier.arrive $0xFFFF;
	s2 =	simm.s32 @!p0 $0x1C05  }
0x1a4: {  	[timem:s3], [sflag:s2] =	dma.local @!p0 [hbm:s0], s1  }
0x1a5: {  	s0 =	simm.s32 @!p0 $0x5  }
0x1a6: {  	_ =	swait.ge @!p0 [sflag:s0], s1  }
0x1a7: {  	s1 =	ssub.s32 @!p0 $0x0, s1;
	[sflag:s0] =	ssyncset.done @!p0 $0x0  }
0x1a8: {  	[sflag:s0] =	ssyncadd.s32 @!p0 s1  }
0x1a9: {  	[bflag:$0x3] =	sbarrier.arrive $0xFFFF  }
0x1aa: {  	_ =	shalt  }

// kernel: kernel.8.cloned.1.call-start
scs
__scs_entry_jumppad:
0x0: {  	(pc) =	sbr.rel $0x88, $3  }
0x1: {  	(tag) =	ssettag $0x0;
	lr =	simm.s32 $0x1  }
0x2: {  	[smem:$0x3F95] =	sst lr;
	_ =	strace $0xD0000000  }
0x3: {  	_ = 	snop  }
0x4: {  	_ = 	snop  }
0x5: {  	_ = 	snop  }
0x6: {  	_ = 	snop  }
0x7: {  	_ = 	snop  }
__scs_overlays_trampoline_lowered:
0x8: {  	[smem:$0x3FA4] =	sst s0  }
0x9: {  	[smem:$0x3FA5] =	sst s1  }
0xa: {  	[smem:$0x3FA6] =	sst s2  }
0xb: {  	[smem:$0x3FA7] =	sst s3  }
0xc: {  	[smem:$0x3FA8] =	sst s4  }
0xd: {  	[smem:$0x3FA9] =	sst s5  }
0xe: {  	[smem:$0x3FAA] =	sst s6  }
0xf: {  	[smem:$0x3FAB] =	sst s7  }
0x10: {  	[smem:$0x3FAC] =	sst s8  }
0x11: {  	[smem:$0x3FAD] =	sst s9;
	s0 =	simm.s32 @!p0 $0x0  }
0x12: {  	s1 =	sld [smem:$0x3F93];
	s0 =	simm.s32 @p0 $0x1  }
0x13: {  	[smem:$0x3FAE] =	sst s0;
	s0 =	simm.s32 @!p1 $0x0  }
0x14: {  	s2 =	sld [smem:$0x3F92];
	s0 =	simm.s32 @p1 $0x1  }
0x15: {  	[smem:$0x3FAF] =	sst s0;
	s0 =	simm.s32 @!p2 $0x0  }
0x16: {  	s3 =	sld [smem:$0x3FDB];
	s0 =	simm.s32 @p2 $0x1  }
0x17: {  	s4 =	simm.s32 $0x1BF5;
	[smem:$0x3FB1] =	sst s0  }
0x18: {  	s0 =	sld [smem:$0x3F94];
	_ =	swait.ge [sflag:s4], $0x0  }
0x19: {  	s7 =	sld [smem:$0x3F95]  }
0x1a: {  	s8 =	sadd.s32 $0xFFFFE003, lr  }
0x1b: {  	s9 =	sadd.s32 $0xFFFFFEF7, lr;
	s5 =	simm.s32 $0xFFFFFFFF;
	p2 =	slt.u32 s8, $0xFFFFF086  }
0x1c: {  	p1 =	slt.u32 s9, $0xF7A;
	s5 =	simm.s32 @!p2 $0x0  }
0x1d: {  	s5 =	simm.s32 @p1 $0x1;
	p0 =	seq.s32 s7, s2  }
0x1e: {  	s7 =	smul.u32 @!p0 $0xF7A, s2;
	p2 =	seq.s32 @!p0 s5, $0x0  }
0x1f: {  	s9 =	smul.u32 $0xF7A, s1;
	s8 =	simm.s32 @!p0 $0x1BF5;
	p2 =	por !p2, p0  }
0x20: {  	[sflag:s8] =	ssyncset.s32 @!p0 $0xFFFFF086;
	s6 =	sadd.s32 @!p0 s3, s7;
	s7 =	simm.s32 @!p0 $0x108  }
0x21: {  	s3 =	sadd.s32 s3, s9;
	s6 =	sadd.s32 @!p0 $0x88, s6;
	s7 =	simm.s32 @p2 $0x1082  }
0x22: {  	[simem:s7], [sflag:s8] =	dma.local @!p0 [hbm:s6], $0xF7A  }
0x23: {  	s9 =	sor.u32 $0xD0000000, s2;
	s6 =	simm.s32 $0x108;
	_ =	swait.ge @!p0 [sflag:s8], $0x0  }
0x24: {  	s3 =	sadd.s32 $0x88, s3;
	s6 =	simm.s32 @!p1 $0x1082;
	[sflag:s4] =	ssyncset.s32 $0xFFFFF086  }
0x25: {  	[simem:s6], [sflag:s4] =	dma.local [hbm:s3], $0xF7A  }
0x26: {  	[smem:$0x3F95] =	sst s1;
	(tag) =	ssettag s2;
	_ =	strace s9  }
0x27: {  	s1 =	sld [smem:$0x3FA5]  }
0x28: {  	s2 =	sld [smem:$0x3FA6]  }
0x29: {  	s4 =	sld [smem:$0x3FA8]  }
0x2a: {  	p0 =	seq.s32 s5, $0x0;
	s5 =	sld [smem:$0x3FA9]  }
0x2b: {  	s6 =	sld [smem:$0x3FAA]  }
0x2c: {  	s7 =	sld [smem:$0x3FAB]  }
0x2d: {  	s3 =	simm.s32 $0x108;
	s8 =	sld [smem:$0x3FAC]  }
0x2e: {  	s3 =	simm.s32 @!p0 $0x1082;
	s9 =	sld [smem:$0x3FAD]  }
0x2f: {  	lr =	sadd.s32 s0, s3;
	s0 =	sld [smem:$0x3FA4]  }
0x30: {  	s3 =	sld [smem:$0x3FA7]  }
0x31: {  	[smem:$0x3FB0] =	sst s10  }
0x32: {  	s10 =	sld [smem:$0x3FAE];
	_ =	sdelay $0x3  }
0x33: {  	p0 =	seq.s32 s10, $0x1;
	s10 =	sld [smem:$0x3FB0];
	_ =	sdelay $0x3  }
0x34: {  	[smem:$0x3FB0] =	sst s10  }
0x35: {  	s10 =	sld [smem:$0x3FAF];
	_ =	sdelay $0x3  }
0x36: {  	p1 =	seq.s32 s10, $0x1;
	s10 =	sld [smem:$0x3FB0];
	_ =	sdelay $0x3  }
0x37: {  	[smem:$0x3FB0] =	sst s10  }
0x38: {  	s10 =	sld [smem:$0x3FB1]  }
0x39: {  	_ = 	snop;
	(pc) =	sbr.ind lr, $3  }
0x3a: {  	_ = 	snop  }
0x3b: {  	_ = 	snop  }
0x3c: {  	p2 =	seq.s32 s10, $0x1;
	s10 =	sld [smem:$0x3FB0]  }
0x3d: {  	_ =	shalt  }
0x3e: {  	_ =	shalt  }
0x3f: {  	_ =	shalt  }
0x40: {  	_ =	shalt  }
0x41: {  	_ =	shalt  }
0x42: {  	_ =	shalt  }
0x43: {  	_ =	shalt  }
0x44: {  	_ =	shalt  }
0x45: {  	_ =	shalt  }
0x46: {  	_ =	shalt  }
0x47: {  	_ =	shalt  }
0x48: {  	_ =	shalt  }
0x49: {  	_ =	shalt  }
0x4a: {  	_ =	shalt  }
0x4b: {  	_ =	shalt  }
0x4c: {  	_ =	shalt  }
0x4d: {  	_ =	shalt  }
0x4e: {  	_ =	shalt  }
0x4f: {  	_ =	shalt  }
0x50: {  	_ =	shalt  }
0x51: {  	_ =	shalt  }
0x52: {  	_ =	shalt  }
0x53: {  	_ =	shalt  }
0x54: {  	_ =	shalt  }
0x55: {  	_ =	shalt  }
0x56: {  	_ =	shalt  }
0x57: {  	_ =	shalt  }
0x58: {  	_ =	shalt  }
0x59: {  	_ =	shalt  }
0x5a: {  	_ =	shalt  }
0x5b: {  	_ =	shalt  }
0x5c: {  	_ =	shalt  }
0x5d: {  	_ =	shalt  }
0x5e: {  	_ =	shalt  }
0x5f: {  	_ =	shalt  }
0x60: {  	_ =	shalt  }
0x61: {  	_ =	shalt  }
0x62: {  	_ =	shalt  }
0x63: {  	_ =	shalt  }
0x64: {  	_ =	shalt  }
0x65: {  	_ =	shalt  }
0x66: {  	_ =	shalt  }
0x67: {  	_ =	shalt  }
0x68: {  	_ =	shalt  }
0x69: {  	_ =	shalt  }
0x6a: {  	_ =	shalt  }
0x6b: {  	_ =	shalt  }
0x6c: {  	_ =	shalt  }
0x6d: {  	_ =	shalt  }
0x6e: {  	_ =	shalt  }
0x6f: {  	_ =	shalt  }
0x70: {  	_ =	shalt  }
0x71: {  	_ =	shalt  }
0x72: {  	_ =	shalt  }
0x73: {  	_ =	shalt  }
0x74: {  	_ =	shalt  }
0x75: {  	_ =	shalt  }
0x76: {  	_ =	shalt  }
0x77: {  	_ =	shalt  }
0x78: {  	_ =	shalt  }
0x79: {  	_ =	shalt  }
0x7a: {  	_ =	shalt  }
0x7b: {  	_ =	shalt  }
0x7c: {  	_ =	shalt  }
0x7d: {  	_ =	shalt  }
0x7e: {  	_ =	shalt  }
0x7f: {  	_ =	shalt  }
0x80: {  	_ =	shalt  }
0x81: {  	_ =	shalt  }
0x82: {  	_ =	shalt  }
0x83: {  	_ =	shalt  }
0x84: {  	_ =	shalt  }
0x85: {  	_ =	shalt  }
0x86: {  	_ =	shalt  }
0x87: {  	_ =	shalt  }
.Lfunc_end0:
.L_simem_size_0:
called_computation_lowered:
.L_overlay_start_0:
0x88: {  	s2 =	sld [smem:$0x3FD9]  }
0x89: {  	s3 =	sld [smem:$0x3FFE];
	_ =	sdelay $0x1  }
0x8a: {  	s1 =	srdreg.scid  }
0x8b: {  	s0 =	sand.u32 $0x1, s1  }
0x8c: {  	s17 =	sshll.u32 s0, $0xA;
	s2 =	sadd.s32 s3, s2  }
0x8d: {  	s2 =	sadd.s32 s2, s17  }
0x8e: {  	[smem:$0x3FBC] =	sst s2  }
0x8f: {  	_ = 	snop  }
0x90: {  	s2 =	sld [smem:$0x3FD0];
	(tm) =	ssettm $0x1  }
0x91: {  	s18 =	sld [smem:$0x3FFB];
	_ =	sdelay $0x3  }
0x92: {  	_ =	strace s18  }
0x93: {  	s3 =	sld [smem:$0x3FFC];
	_ =	sdelay $0x3  }
0x94: {  	_ =	strace s3  }
0x95: {  	s3 =	sld [smem:$0x3FFD];
	_ =	sdelay $0x3  }
0x96: {  	_ =	strace s3  }
0x97: {  	_ =	strace $0x8FFFFFFF  }
0x98: {  	s19 =	sld [smem:$0x3FDB];
	_ =	sdelay $0x1  }
0x99: {  	s4 =	simm.s32 $_scs_section_size  }
0x9a: {  	s5 =	simm.s32 $_size__tile_overlayer_lowered;
	s6 =	simm.s32 $_tile_overlayer_lowered  }
0x9b: {  	s22 =	simm.s32 $0x1BFF;
	s21 =	sshll.u32 s6, $0x1;
	s3 =	sadd.s32 s4, s19  }
0x9c: {  	s7 =	simm.s32 $0x0;
	s20 =	sshll.u32 s5, $0x1;
	s5 =	sadd.s32 s21, s3  }
0x9d: {  	[timem:s7], [sflag:s22] =	dma.local [hbm:s5], s20  }
0x9e: {  	_ =	swait.ge [sflag:s22], s20  }
0x9f: {  	s4 =	ssub.s32 $0x0, s20;
	[sflag:s22] =	ssyncset.done $0x0  }
0xa0: {  	[sflag:s22] =	ssyncadd.s32 s4;
	_ =	sdelay $0x1  }
0xa1: {  	s23 =	simm.s32 $0x1B8B  }
0xa2: {  	_ =	swait.ge [sflag:s23], $0x1  }
0xa3: {  	[sflag:s23] =	ssyncset.done $0x0  }
0xa4: {  	s25 =	simm.s32 $0x1B8E;
	s24 =	sld [smem:$0x3FFE];
	[sflag:s23] =	ssyncadd.s32 $0xFFFFFFFF  }
0xa5: {  	s26 =	simm.s32 $execute0_lowered;
	[smem:$0x3FD2] =	sst s25  }
0xa6: {  	s5 =	sshll.u32 s26, $0x1;
	_ =	strace $0x80000046;
	[dreg:$0x1] =	wrdreg $0xFFFFFFFF  }
0xa7: {  	s28 =	simm.s32 $_size_execute0_lowered;
	s3 =	sadd.s32 s3, s5;
	[dreg:$0x0] =	wrdreg $0x0  }
0xa8: {  	s5 =	sshll.u32 s28, $0x1;
	[dreg:$0x2] =	wrdreg s3  }
0xa9: {  	[dreg:$0x3] =	wrdreg s5  }
0xaa: {  	[dreg:$0x4] =	wrdreg $0xC0  }
0xab: {  	_ =	task [dreg:s7], $0x5FFFF  }
0xac: {  	[dreg:$0x1] =	wrdreg $0xFFFFFFFF  }
0xad: {  	[dreg:$0x0] =	wrdreg $0x60  }
0xae: {  	[dreg:$0x2] =	wrdreg s24  }
0xaf: {  	[dreg:$0x3] =	wrdreg s2  }
0xb0: {  	[dreg:$0x4] =	wrdreg $0x42000  }
0xb1: {  	[dreg:$0x5] =	wrdreg $0x9  }
0xb2: {  	_ =	task.clear_ibuf [dreg:s7], $0x6FFFF;
	_ =	strace $0x90000046  }
0xb3: {  	s29 =	simm.s32 $0x9;
	_ =	strace $0x80000048  }
0xb4: {  	_ =	swait.ge [sflag:s29], $0x1  }
0xb5: {  	[sflag:s29] =	ssyncadd.s32 $0xFFFFFFFF  }
0xb6: {  	_ =	strace $0x90000048  }
0xb7: {  	_ =	sfence  }
0xb8: {  	s30 =	sld [smem:$0x0];
	_ =	sdelay $0x2  }
0xb9: {  	s31 =	sshll.u32 s1, $0xD;
	s1 =	sshrl.u32 s1, $0x2  }
0xba: {  	s3 =	sand.u32 $0x4000, s31;
	s1 =	sadd.s32 s1, s30  }
0xbb: {  	s0 =	sor.u32 s3, s0;
	s1 =	sshll.u32 s1, $0x11  }
0xbc: {  	s0 =	sor.u32 s1, s0  }
0xbd: {  	s0 =	sadd.s32 $0x8F2B, s0  }
0xbe: {  	[sflag:s0] =	ssyncadd.remote.s32 $0x1  }
0xbf: {  	_ =	sfence.sel $0xFFFF  }
0xc0: {  	[dreg:$0x0] =	wrdreg $0xFFFFFFFF;
	(pc) =	sbr.abs _section_cstart, $3  }
0xc1: {  	[dreg:$0x1] =	wrdreg $0xFFFFFFFF  }
0xc2: {  	_ =	task.clear_ibuf [dreg:s7], $0x2FFFF;
	_ =	strace $0x9FFFFFFF  }
0xc3: {  	(tm) =	ssettm $0x7FFFFFFF  }
tec
execute0_lowered:
.L_overlay_start_1:
0x0: {  	(tag) =	ssettag $0x1  }
0x1: {  	s0 =	rddreg [dreg:$0x0]  }
0x2: {  	s1 =	rddreg [dreg:$0x1]  }
0x3: {  	s2 =	rddreg [dreg:$0x2];
	s3 =	simm.s32 $0x0;
	s6 =	srdreg.scid  }
0x4: {  	s15 =	stileid.u32;
	[smem:$0x7FF] =	sst s3  }
0x5: {  	s4 =	sadd.s32 $0x15E00, s0;
	s5 =	sadd.s32 $0x2400, s0;
	s9 =	smul.u32 $0x4E80, s15  }
0x6: {  	s26 =	sadd.s32 $0x29C00, s0;
	s28 =	sadd.s32 $0x29800, s0;
	s11 =	smul.u32 $0x2800, s15  }
0x7: {  	s6 =	sand.u32 $0x1, s6;
	s8 =	sadd.s32 $0x2A000, s0;
	s13 =	smul.u32 $0x14000, s15  }
0x8: {  	s0 =	sadd.s32 $0x7A000, s0;
	s12 =	sshll.u32 s15, $0xD;
	s25 =	smul.u32 $0x50000, s15  }
0x9: {  	s15 =	smul.u32 $0x9D0, s15;
	_ =	strace $0x80000047;
	s7 =	ssub.s32 $0x2, s6  }
0xa: {  	p0 =	sne.s32 s6, $0x0;
	[dreg:$0x4] =	wrdreg s28;
	s10 =	sshrl.u32 s7, $0x1  }
0xb: {  	s9 =	sshrl.u32 s9, $0x3;
	s23 =	sadd.s32 s8, s11;
	s24 =	sshrl.u32 s13, $0x3  }
0xc: {  	s29 =	sadd.s32 s0, s11;
	s10 =	ssub.s32 s7, s10;
	[dreg:$0x6] =	wrdreg s23  }
0xd: {  	s22 =	sadd.s32 s4, s9;
	s14 =	sadd.s32 $0x9D00, s9;
	[dreg:$0xa] =	wrdreg s29  }
0xe: {  	s7 =	sadd.s32 s12, s2;
	[dreg:$0x5] =	wrdreg s22;
	s16 =	sadd.s32 s4, s14  }
0xf: {  	s12 =	sadd.s32 $0x28000, s24;
	s14 =	sadd.s32 s5, s14;
	[dreg:$0x7] =	wrdreg s16  }
0x10: {  	s6 =	simm.s32 $0x3;
	s8 =	sadd.s32 s8, s12;
	[dreg:$0x8] =	wrdreg s14  }
0x11: {  	s11 =	sadd.s32 $0x9C8, s9;
	s0 =	sadd.s32 s0, s12;
	[dreg:$0x9] =	wrdreg s8  }
0x12: {  	s20 =	sadd.s32 s15, s5;
	s12 =	sadd.s32 s4, s11;
	[dreg:$0xb] =	wrdreg s0  }
0x13: {  	s21 =	sadd.s32 s15, s4;
	s18 =	sadd.s32 $0x20000, s7;
	[dreg:$0xc] =	wrdreg s12  }
0x14: {  	s13 =	simm.s32 $0x40;
	s19 =	sadd.s32 $0x40000, s7;
	[dreg:$0x10] =	wrdreg s18  }
0x15: {  	s15 =	simm.s32 $0x180;
	s23 =	sadd.s32 $0x60000, s7;
	[dreg:$0x11] =	wrdreg s19  }
0x16: {  	s30 =	sadd.s32 s5, s9;
	s24 =	sadd.s32 $0x80000, s7;
	[dreg:$0x14] =	wrdreg s23  }
0x17: {  	s22 =	sshrl.u32 s25, $0x2;
	s25 =	sadd.s32 $0xA0000, s7;
	[dreg:$0x15] =	wrdreg s24  }
0x18: {  	s29 =	sadd.s32 $0xC0000, s7;
	s31 =	sadd.s32 $0xE0000, s7;
	[dreg:$0x16] =	wrdreg s25  }
0x19: {  	s14 =	sadd.s32 $0xA6C8, s9;
	s0 =	sadd.s32 s5, s11;
	[dreg:$0x17] =	wrdreg s29  }
0x1a: {  	s8 =	simm.s32 $0x200;
	s11 =	simm.s32 $0x100;
	s18 =	simm.s32 $0x1  }
0x1b: {  	s24 =	simm.s32 $0x2;
	s9 =	simm.s32 $0x4;
	s12 =	simm.s32 $0x0  }
.Ltmp0:
0x1c: {  	[dreg:$0xd] =	wrdreg s0;
	s16 =	sadd.s32 s4, s14;
	(pc) =	sbr.rel .LBB2_1-.Ltmp0, $4  }
0x1d: {  	s17 =	sadd.s32 s5, s14;
	s0 =	sadd.s32 s22, s2;
	[dreg:$0xe] =	wrdreg s16  }
0x1e: {  	s5 =	smax.u32 s10, $0x1;
	s4 =	sadd.s32 $0x120000, s7;
	[dreg:$0xf] =	wrdreg s17  }
0x1f: {  	s10 =	simm.s32 $0x5;
	s14 =	simm.s32 $0x80;
	[dreg:$0x12] =	wrdreg s0  }
0x20: {  	s0 =	sadd.s32 $0x100000, s7;
	s16 =	simm.s32 $0x2200;
	[dreg:$0x13] =	wrdreg s5  }
.LBB2_13:
0x21: {  	[bflag:$0x0] =	sbarrier.arrive $0xFFFF  }
0x22: {  	[bflag:$0x0] =	sbarrier.arrive $0xFFFF  }
0x23: {  	[bflag:$0x0] =	sbarrier.arrive $0xFFFF  }
0x24: {  	[bflag:$0x0] =	sbarrier.arrive $0xFFFF  }
0x25: {  	[bflag:$0x0] =	sbarrier.arrive $0xFFFF  }
0x26: {  	[bflag:$0x0] =	sbarrier.arrive $0xFFFF  }
0x27: {  	[bflag:$0x0] =	sbarrier.arrive $0xFFFF  }
0x28: {  	[bflag:$0x0] =	sbarrier.arrive $0xFFFF  }
0x29: {  	[bflag:$0x0] =	sbarrier.arrive $0xFFFF  }
0x2a: {  	[bflag:$0x0] =	sbarrier.arrive $0xFFFF  }
0x2b: {  	[bflag:$0x0] =	sbarrier.arrive $0xFFFF  }
.LBB2_11:
0x2c: {  	s12 =	sadd.s32 $0x1, s12  }
0x2d: {  	p1 =	sne.s32 s12, s5  }
.Ltmp1:
0x2e: {  	_ = 	snop;
	(pc) =	sbr.rel @!p1 .LBB2_12-.Ltmp1, $2  }
0x2f: {  	_ =	sdelay $0x1  }
0x30: {  	[bflag:$0x0] =	sbarrier.arrive $0xFFFF;
	_ =	sdelay $0x1  }
.LBB2_1:
.Ltmp2:
0x31: {  	(pc) =	sbr.rel @p0 .LBB2_13-.Ltmp2, $1  }
0x32: {  	_ =	sdelay $0x3  }
0x33: {  	[tilespmem:s8], [sflag:$0x5] =	stream.linear.gather [hbm4b:s26+s3], $0x2000, $0x38;
	[tilespmem:$0x18200] =	vst v63  }
0x34: {  	_ =	swait.ge [sflag:s10], $0x2000  }
0x35: {  	[sflag:s10] =	ssyncset.done $0x0  }
0x36: {  	[sflag:s10] =	ssyncadd.s32 $0xFFFFE000  }
0x37: {  	[spmem:s7] =	stream.linear.scatter [tilespmem:s8], [sflag:$0x5], $0x2000, $0x38;
	[tilespmem:$0x18200] =	vst v63  }
0x38: {  	_ =	swait.ge [sflag:s10], $0x2000  }
0x39: {  	[sflag:s10] =	ssyncset.done $0x0  }
0x3a: {  	s5 =	rddreg [dreg:$0x10];
	[sflag:s10] =	ssyncadd.s32 $0xFFFFE000  }
0x3b: {  	[spmem:s5] =	stream.linear.scatter [tilespmem:s8], [sflag:$0x5], $0x2000, $0x38;
	[tilespmem:$0x18200] =	vst v63  }
0x3c: {  	_ =	swait.ge [sflag:s10], $0x2000  }
0x3d: {  	[sflag:s10] =	ssyncset.done $0x0  }
0x3e: {  	s28 =	rddreg [dreg:$0x11];
	[sflag:s10] =	ssyncadd.s32 $0xFFFFE000  }
0x3f: {  	[spmem:s28] =	stream.linear.scatter [tilespmem:s8], [sflag:$0x5], $0x2000, $0x38;
	[tilespmem:$0x18200] =	vst v63  }
0x40: {  	_ =	swait.ge [sflag:s10], $0x2000  }
0x41: {  	[sflag:s10] =	ssyncset.done $0x0  }
0x42: {  	s29 =	rddreg [dreg:$0x14];
	[sflag:s10] =	ssyncadd.s32 $0xFFFFE000  }
0x43: {  	[spmem:s29] =	stream.linear.scatter [tilespmem:s8], [sflag:$0x5], $0x2000, $0x38;
	[tilespmem:$0x18200] =	vst v63  }
0x44: {  	_ =	swait.ge [sflag:s10], $0x2000  }
0x45: {  	[sflag:s10] =	ssyncset.done $0x0  }
0x46: {  	s17 =	rddreg [dreg:$0x15];
	[sflag:s10] =	ssyncadd.s32 $0xFFFFE000  }
0x47: {  	[spmem:s17] =	stream.linear.scatter [tilespmem:s8], [sflag:$0x5], $0x2000, $0x38;
	[tilespmem:$0x18200] =	vst v63  }
0x48: {  	_ =	swait.ge [sflag:s10], $0x2000  }
0x49: {  	[sflag:s10] =	ssyncset.done $0x0  }
0x4a: {  	s19 =	rddreg [dreg:$0x16];
	[sflag:s10] =	ssyncadd.s32 $0xFFFFE000  }
0x4b: {  	[spmem:s19] =	stream.linear.scatter [tilespmem:s8], [sflag:$0x5], $0x2000, $0x38;
	[tilespmem:$0x18200] =	vst v63  }
0x4c: {  	_ =	swait.ge [sflag:s10], $0x2000  }
0x4d: {  	[sflag:s10] =	ssyncset.done $0x0  }
0x4e: {  	s22 =	rddreg [dreg:$0x17];
	[sflag:s10] =	ssyncadd.s32 $0xFFFFE000  }
0x4f: {  	[spmem:s22] =	stream.linear.scatter [tilespmem:s8], [sflag:$0x5], $0x2000, $0x38;
	[tilespmem:$0x18200] =	vst v63  }
0x50: {  	_ =	swait.ge [sflag:s10], $0x2000  }
0x51: {  	[sflag:s10] =	ssyncset.done $0x0  }
0x52: {  	[sflag:s10] =	ssyncadd.s32 $0xFFFFE000  }
0x53: {  	[spmem:s31] =	stream.linear.scatter [tilespmem:s8], [sflag:$0x5], $0x2000, $0x38;
	[tilespmem:$0x18200] =	vst v63  }
0x54: {  	_ =	swait.ge [sflag:s10], $0x2000  }
0x55: {  	[sflag:s10] =	ssyncset.done $0x0  }
0x56: {  	[sflag:s10] =	ssyncadd.s32 $0xFFFFE000  }
0x57: {  	[spmem:s0] =	stream.linear.scatter [tilespmem:s8], [sflag:$0x5], $0x2000, $0x38;
	[tilespmem:$0x18200] =	vst v63  }
0x58: {  	_ =	swait.ge [sflag:s10], $0x2000  }
0x59: {  	[sflag:s10] =	ssyncset.done $0x0  }
0x5a: {  	[sflag:s10] =	ssyncadd.s32 $0xFFFFE000  }
0x5b: {  	[spmem:s4] =	stream.linear.scatter [tilespmem:s8], [sflag:$0x5], $0x2000, $0x38;
	[tilespmem:$0x18200] =	vst v63  }
0x5c: {  	_ =	swait.ge [sflag:s10], $0x2000  }
0x5d: {  	[sflag:s10] =	ssyncset.done $0x0  }
0x5e: {  	[sflag:s10] =	ssyncadd.s32 $0xFFFFE000  }
0x5f: {  	[bflag:$0x0] =	sbarrier.arrive $0xFFFF  }
0x60: {  	s23 =	rddreg [dreg:$0x5]  }
0x61: {  	[tilespmem:s3], [sflag:$0x5] =	stream.linear.gather [hbm4b:s23+s3], $0x40, $0x38;
	[tilespmem:$0x18200] =	vst v63  }
0x62: {  	_ =	swait.ge [sflag:s10], $0x40  }
0x63: {  	[sflag:s10] =	ssyncset.done $0x0  }
0x64: {  	[sflag:s10] =	ssyncadd.s32 $0xFFFFFFC0  }
0x65: {  	[tilespmem:s11], [sflag:$0x5] =	stream.linear.gather [hbm4b:s30+s3], $0x40, $0x38;
	[tilespmem:$0x18200] =	vst v63  }
0x66: {  	_ =	swait.ge [sflag:s10], $0x40  }
0x67: {  	[sflag:s10] =	ssyncset.done $0x0  }
0x68: {  	s25 =	sadd.s32 $0xFFFFF640, s21;
	[sflag:s10] =	ssyncadd.s32 $0xFFFFFFC0  }
0x69: {  	[tilespmem:s8], [sflag:$0x1] =	stream.indirect.gather [hbm4b:s1+s13], $0x80, s3, s13, $0xb8;
	[tilespmem:$0x18200] =	vst v63  }
0x6a: {  	s17 =	sadd.s32 $0x9C8, s25  }
0x6b: {  	[tilespmem:s14], [sflag:$0x5] =	stream.linear.gather [hbm4b:s17+s3], $0x40, $0x38;
	[tilespmem:$0x18200] =	vst v63  }
0x6c: {  	_ =	swait.ge [sflag:s10], $0x40  }
0x6d: {  	s28 =	sadd.s32 $0xFFFFF640, s20;
	[sflag:s10] =	ssyncset.done $0x0  }
0x6e: {  	s19 =	sadd.s32 $0x9C8, s28;
	[sflag:s10] =	ssyncadd.s32 $0xFFFFFFC0  }
0x6f: {  	[tilespmem:s15], [sflag:$0x5] =	stream.linear.gather [hbm4b:s19+s3], $0x40, $0x38;
	[tilespmem:$0x18200] =	vst v63  }
0x70: {  	_ =	swait.ge [sflag:s10], $0x40  }
0x71: {  	[sflag:s10] =	ssyncset.done $0x0  }
0x72: {  	[sflag:s10] =	ssyncadd.s32 $0xFFFFFFC0  }
0x73: {  	[tilespmem:s16], [sflag:$0x2] =	stream.indirect.gather [hbm4b:s1+s13], $0x80, s14, s13, $0xb8;
	[tilespmem:$0x18200] =	vst v63  }
0x74: {  	_ =	swait.ge [sflag:s18], $0x2000  }
0x75: {  	[sflag:s18] =	ssyncset.done $0x0  }
0x76: {  	[sflag:s18] =	ssyncadd.s32 $0xFFFFE000  }
0x77: {  	[spmem:s2] =	stream.indirect.scatter.add.f32 [tilespmem:s8], [sflag:$0x3], $0x80, s11, s13, $0xb8;
	[tilespmem:$0x18200] =	vst v63  }
0x78: {  	_ =	swait.ge [sflag:s24], $0x2000  }
0x79: {  	[sflag:s24] =	ssyncset.done $0x0  }
0x7a: {  	[sflag:s24] =	ssyncadd.s32 $0xFFFFE000  }
0x7b: {  	[spmem:s2] =	stream.indirect.scatter.add.f32 [tilespmem:s16], [sflag:$0x4], $0x80, s15, s13, $0xb8;
	[tilespmem:$0x18200] =	vst v63  }
0x7c: {  	_ =	swait.ge [sflag:s6], $0x2000  }
0x7d: {  	[sflag:s6] =	ssyncset.done $0x0  }
0x7e: {  	s5 =	sadd.s32 $0x9D0, s25;
	[sflag:s6] =	ssyncadd.s32 $0xFFFFE000  }
0x7f: {  	[tilespmem:s3], [sflag:$0x5] =	stream.linear.gather [hbm4b:s5+s3], $0x40, $0x38;
	[tilespmem:$0x18200] =	vst v63  }
0x80: {  	_ =	swait.ge [sflag:s10], $0x40  }
0x81: {  	[sflag:s10] =	ssyncset.done $0x0  }
0x82: {  	s29 =	sadd.s32 $0x9D0, s28;
	[sflag:s10] =	ssyncadd.s32 $0xFFFFFFC0  }
0x83: {  	[tilespmem:s11], [sflag:$0x5] =	stream.linear.gather [hbm4b:s29+s3], $0x40, $0x38;
	[tilespmem:$0x18200] =	vst v63  }
0x84: {  	_ =	swait.ge [sflag:s10], $0x40  }
0x85: {  	[sflag:s10] =	ssyncset.done $0x0  }
0x86: {  	[sflag:s10] =	ssyncadd.s32 $0xFFFFFFC0  }
0x87: {  	[tilespmem:s8], [sflag:$0x1] =	stream.indirect.gather [hbm4b:s1+s13], $0x80, s3, s13, $0xb8;
	[tilespmem:$0x18200] =	vst v63  }
0x88: {  	s22 =	simm.s32 $0xFFFFF660;
	_ =	swait.ge [sflag:s9], $0x2000  }
0x89: {  	s17 =	simm.s32 $0xFFFFF650;
	s19 =	sadd.s32 $0xFFFFF650, s21;
	[sflag:s9] =	ssyncset.done $0x0  }
.LBB2_3:
0x8a: {  	s23 =	sadd.s32 $0x9C8, s19  }
0x8b: {  	[sflag:s9] =	ssyncadd.s32 $0xFFFFE000;
	s25 =	smov.u32 s22;
	s5 =	sadd.s32 $0x10, s22  }
0x8c: {  	[tilespmem:s14], [sflag:$0x5] =	stream.linear.gather [hbm4b:s23+s3], $0x40, $0x38;
	[tilespmem:$0x18200] =	vst v63  }
0x8d: {  	p1 =	seq.s32 s22, $0xFFFFFFF0;
	_ =	swait.ge [sflag:s10], $0x40  }
0x8e: {  	s22 =	sadd.s32 s17, s20;
	s17 =	smov.u32 s25;
	[sflag:s10] =	ssyncset.done $0x0  }
0x8f: {  	s23 =	sadd.s32 $0x9C8, s22;
	[sflag:s10] =	ssyncadd.s32 $0xFFFFFFC0  }
0x90: {  	[tilespmem:s15], [sflag:$0x5] =	stream.linear.gather [hbm4b:s23+s3], $0x40, $0x38;
	[tilespmem:$0x18200] =	vst v63  }
0x91: {  	_ =	swait.ge [sflag:s10], $0x40  }
0x92: {  	[sflag:s10] =	ssyncset.done $0x0  }
0x93: {  	[sflag:s10] =	ssyncadd.s32 $0xFFFFFFC0  }
0x94: {  	[tilespmem:s16], [sflag:$0x2] =	stream.indirect.gather [hbm4b:s1+s13], $0x80, s14, s13, $0xb8;
	[tilespmem:$0x18200] =	vst v63  }
0x95: {  	_ =	swait.ge [sflag:s18], $0x2000  }
0x96: {  	[sflag:s18] =	ssyncset.done $0x0  }
0x97: {  	[sflag:s18] =	ssyncadd.s32 $0xFFFFE000  }
0x98: {  	[spmem:s2] =	stream.indirect.scatter.add.f32 [tilespmem:s8], [sflag:$0x3], $0x80, s11, s13, $0xb8;
	[tilespmem:$0x18200] =	vst v63  }
0x99: {  	_ =	swait.ge [sflag:s24], $0x2000  }
0x9a: {  	[sflag:s24] =	ssyncset.done $0x0  }
0x9b: {  	[sflag:s24] =	ssyncadd.s32 $0xFFFFE000  }
0x9c: {  	[spmem:s2] =	stream.indirect.scatter.add.f32 [tilespmem:s16], [sflag:$0x4], $0x80, s15, s13, $0xb8;
	[tilespmem:$0x18200] =	vst v63  }
0x9d: {  	_ =	swait.ge [sflag:s6], $0x2000  }
0x9e: {  	[sflag:s6] =	ssyncset.done $0x0  }
0x9f: {  	s19 =	sadd.s32 $0x9D0, s19;
	[sflag:s6] =	ssyncadd.s32 $0xFFFFE000  }
0xa0: {  	[tilespmem:s3], [sflag:$0x5] =	stream.linear.gather [hbm4b:s19+s3], $0x40, $0x38;
	[tilespmem:$0x18200] =	vst v63  }
0xa1: {  	_ =	swait.ge [sflag:s10], $0x40  }
0xa2: {  	[sflag:s10] =	ssyncset.done $0x0  }
0xa3: {  	s19 =	sadd.s32 $0x9D0, s22;
	[sflag:s10] =	ssyncadd.s32 $0xFFFFFFC0  }
0xa4: {  	[tilespmem:s11], [sflag:$0x5] =	stream.linear.gather [hbm4b:s19+s3], $0x40, $0x38;
	[tilespmem:$0x18200] =	vst v63  }
0xa5: {  	_ =	swait.ge [sflag:s10], $0x40  }
.Ltmp3:
0xa6: {  	[sflag:s10] =	ssyncset.done $0x0;
	(pc) =	sbr.rel @!p1 .LBB2_3-.Ltmp3, $4  }
0xa7: {  	[sflag:s10] =	ssyncadd.s32 $0xFFFFFFC0  }
0xa8: {  	[tilespmem:s8], [sflag:$0x1] =	stream.indirect.gather [hbm4b:s1+s13], $0x80, s3, s13, $0xb8;
	[tilespmem:$0x18200] =	vst v63  }
0xa9: {  	_ =	swait.ge [sflag:s9], $0x2000  }
0xaa: {  	s22 =	smov.u32 s5;
	s19 =	sadd.s32 s17, s21;
	[sflag:s9] =	ssyncset.done $0x0  }
0xab: {  	s5 =	sadd.s32 $0x9C8, s19;
	[sflag:s9] =	ssyncadd.s32 $0xFFFFE000  }
0xac: {  	[tilespmem:s14], [sflag:$0x5] =	stream.linear.gather [hbm4b:s5+s3], $0x40, $0x38;
	[tilespmem:$0x18200] =	vst v63  }
0xad: {  	_ =	swait.ge [sflag:s10], $0x40  }
0xae: {  	s25 =	sadd.s32 s17, s20;
	[sflag:s10] =	ssyncset.done $0x0  }
0xaf: {  	s17 =	sadd.s32 $0x9C8, s25;
	[sflag:s10] =	ssyncadd.s32 $0xFFFFFFC0  }
0xb0: {  	[tilespmem:s15], [sflag:$0x5] =	stream.linear.gather [hbm4b:s17+s3], $0x40, $0x38;
	[tilespmem:$0x18200] =	vst v63  }
0xb1: {  	_ =	swait.ge [sflag:s10], $0x40  }
0xb2: {  	[sflag:s10] =	ssyncset.done $0x0  }
0xb3: {  	[sflag:s10] =	ssyncadd.s32 $0xFFFFFFC0  }
0xb4: {  	[tilespmem:s16], [sflag:$0x2] =	stream.indirect.gather [hbm4b:s1+s13], $0x80, s14, s13, $0xb8;
	[tilespmem:$0x18200] =	vst v63  }
0xb5: {  	_ =	swait.ge [sflag:s18], $0x2000  }
0xb6: {  	[sflag:s18] =	ssyncset.done $0x0  }
0xb7: {  	[sflag:s18] =	ssyncadd.s32 $0xFFFFE000  }
0xb8: {  	[spmem:s2] =	stream.indirect.scatter.add.f32 [tilespmem:s8], [sflag:$0x3], $0x80, s11, s13, $0xb8;
	[tilespmem:$0x18200] =	vst v63  }
0xb9: {  	_ =	swait.ge [sflag:s24], $0x2000  }
0xba: {  	[sflag:s24] =	ssyncset.done $0x0  }
0xbb: {  	[sflag:s24] =	ssyncadd.s32 $0xFFFFE000  }
0xbc: {  	[spmem:s2] =	stream.indirect.scatter.add.f32 [tilespmem:s16], [sflag:$0x4], $0x80, s15, s13, $0xb8;
	[tilespmem:$0x18200] =	vst v63  }
0xbd: {  	_ =	swait.ge [sflag:s6], $0x2000  }
0xbe: {  	[sflag:s6] =	ssyncset.done $0x0  }
0xbf: {  	s28 =	sadd.s32 $0x9D0, s19;
	[sflag:s6] =	ssyncadd.s32 $0xFFFFE000  }
0xc0: {  	[tilespmem:s3], [sflag:$0x5] =	stream.linear.gather [hbm4b:s28+s3], $0x40, $0x38;
	[tilespmem:$0x18200] =	vst v63  }
0xc1: {  	_ =	swait.ge [sflag:s10], $0x40  }
0xc2: {  	[sflag:s10] =	ssyncset.done $0x0  }
0xc3: {  	s5 =	sadd.s32 $0x9D0, s25;
	[sflag:s10] =	ssyncadd.s32 $0xFFFFFFC0  }
0xc4: {  	[tilespmem:s11], [sflag:$0x5] =	stream.linear.gather [hbm4b:s5+s3], $0x40, $0x38;
	[tilespmem:$0x18200] =	vst v63  }
0xc5: {  	_ =	swait.ge [sflag:s10], $0x40  }
0xc6: {  	[sflag:s10] =	ssyncset.done $0x0  }
0xc7: {  	[sflag:s10] =	ssyncadd.s32 $0xFFFFFFC0  }
0xc8: {  	[tilespmem:s8], [sflag:$0x1] =	stream.indirect.gather [hbm4b:s1+s13], $0x80, s3, s13, $0xb8;
	[tilespmem:$0x18200] =	vst v63  }
0xc9: {  	_ =	swait.ge [sflag:s9], $0x2000  }
0xca: {  	[sflag:s9] =	ssyncset.done $0x0  }
0xcb: {  	s17 =	rddreg [dreg:$0xc];
	[sflag:s9] =	ssyncadd.s32 $0xFFFFE000  }
0xcc: {  	[tilespmem:s14], [sflag:$0x5] =	stream.linear.gather [hbm4b:s17+s3], $0x40, $0x38;
	[tilespmem:$0x18200] =	vst v63  }
0xcd: {  	_ =	swait.ge [sflag:s10], $0x40  }
0xce: {  	[sflag:s10] =	ssyncset.done $0x0  }
0xcf: {  	s19 =	rddreg [dreg:$0xd];
	[sflag:s10] =	ssyncadd.s32 $0xFFFFFFC0  }
0xd0: {  	[tilespmem:s15], [sflag:$0x5] =	stream.linear.gather [hbm4b:s19+s3], $0x40, $0x38;
	[tilespmem:$0x18200] =	vst v63  }
0xd1: {  	_ =	swait.ge [sflag:s10], $0x40  }
0xd2: {  	[sflag:s10] =	ssyncset.done $0x0  }
0xd3: {  	[sflag:s10] =	ssyncadd.s32 $0xFFFFFFC0  }
0xd4: {  	[tilespmem:s16], [sflag:$0x2] =	stream.indirect.gather [hbm4b:s1+s13], $0x80, s14, s13, $0xb8;
	[tilespmem:$0x18200] =	vst v63  }
0xd5: {  	_ =	swait.ge [sflag:s18], $0x2000  }
0xd6: {  	[sflag:s18] =	ssyncset.done $0x0  }
0xd7: {  	[sflag:s18] =	ssyncadd.s32 $0xFFFFE000  }
0xd8: {  	[spmem:s2] =	stream.indirect.scatter.add.f32 [tilespmem:s8], [sflag:$0x3], $0x80, s11, s13, $0xb8;
	[tilespmem:$0x18200] =	vst v63  }
0xd9: {  	_ =	swait.ge [sflag:s24], $0x2000  }
0xda: {  	[sflag:s24] =	ssyncset.done $0x0  }
0xdb: {  	[sflag:s24] =	ssyncadd.s32 $0xFFFFE000  }
0xdc: {  	[spmem:s2] =	stream.indirect.scatter.add.f32 [tilespmem:s16], [sflag:$0x4], $0x80, s15, s13, $0xb8;
	[tilespmem:$0x18200] =	vst v63  }
0xdd: {  	_ =	swait.ge [sflag:s6], $0x2000  }
0xde: {  	[sflag:s6] =	ssyncset.done $0x0  }
0xdf: {  	[sflag:s6] =	ssyncadd.s32 $0xFFFFE000  }
0xe0: {  	_ =	swait.ge [sflag:s9], $0x2000  }
0xe1: {  	[sflag:s9] =	ssyncset.done $0x0  }
0xe2: {  	[sflag:s9] =	ssyncadd.s32 $0xFFFFE000  }
0xe3: {  	s22 =	stileid.u32;
	[bflag:$0x0] =	sbarrier.arrive $0xFFFF  }
0xe4: {  	s5 =	sshll.u32 s22, $0x6;
	s23 =	rddreg [dreg:$0x12]  }
0xe5: {  	s17 =	sor.u32 $0x1C05, s5;
	s25 =	rddreg [dreg:$0x6];
	s19 =	sshrl.u32 s23, $0x3  }
0xe6: {  	[hbm:s25], [sflag:s17] =	dma.local [spmem:s19], $0x2800  }
0xe7: {  	_ =	swait.ge [sflag:s10], $0x2800  }
0xe8: {  	[sflag:s10] =	ssyncset.done $0x0  }
0xe9: {  	[sflag:s10] =	ssyncadd.s32 $0xFFFFD800  }
0xea: {  	[bflag:$0x0] =	sbarrier.arrive $0xFFFF  }
0xeb: {  	[tilespmem:s8], [sflag:$0x5] =	stream.linear.gather [hbm4b:s26+s3], $0x2000, $0x38;
	[tilespmem:$0x18200] =	vst v63  }
0xec: {  	_ =	swait.ge [sflag:s10], $0x2000  }
0xed: {  	[sflag:s10] =	ssyncset.done $0x0  }
0xee: {  	[sflag:s10] =	ssyncadd.s32 $0xFFFFE000  }
0xef: {  	[spmem:s7] =	stream.linear.scatter [tilespmem:s8], [sflag:$0x5], $0x2000, $0x38;
	[tilespmem:$0x18200] =	vst v63  }
0xf0: {  	_ =	swait.ge [sflag:s10], $0x2000  }
0xf1: {  	[sflag:s10] =	ssyncset.done $0x0  }
0xf2: {  	s28 =	rddreg [dreg:$0x10];
	[sflag:s10] =	ssyncadd.s32 $0xFFFFE000  }
0xf3: {  	[spmem:s28] =	stream.linear.scatter [tilespmem:s8], [sflag:$0x5], $0x2000, $0x38;
	[tilespmem:$0x18200] =	vst v63  }
0xf4: {  	_ =	swait.ge [sflag:s10], $0x2000  }
0xf5: {  	[sflag:s10] =	ssyncset.done $0x0  }
0xf6: {  	s22 =	rddreg [dreg:$0x11];
	[sflag:s10] =	ssyncadd.s32 $0xFFFFE000  }
0xf7: {  	[spmem:s22] =	stream.linear.scatter [tilespmem:s8], [sflag:$0x5], $0x2000, $0x38;
	[tilespmem:$0x18200] =	vst v63  }
0xf8: {  	_ =	swait.ge [sflag:s10], $0x2000  }
0xf9: {  	[sflag:s10] =	ssyncset.done $0x0  }
0xfa: {  	s23 =	rddreg [dreg:$0x14];
	[sflag:s10] =	ssyncadd.s32 $0xFFFFE000  }
0xfb: {  	[spmem:s23] =	stream.linear.scatter [tilespmem:s8], [sflag:$0x5], $0x2000, $0x38;
	[tilespmem:$0x18200] =	vst v63  }
0xfc: {  	_ =	swait.ge [sflag:s10], $0x2000  }
0xfd: {  	[sflag:s10] =	ssyncset.done $0x0  }
0xfe: {  	s25 =	rddreg [dreg:$0x15];
	[sflag:s10] =	ssyncadd.s32 $0xFFFFE000  }
0xff: {  	[spmem:s25] =	stream.linear.scatter [tilespmem:s8], [sflag:$0x5], $0x2000, $0x38;
	[tilespmem:$0x18200] =	vst v63  }
0x100: {  	_ =	swait.ge [sflag:s10], $0x2000  }
0x101: {  	[sflag:s10] =	ssyncset.done $0x0  }
0x102: {  	s29 =	smov.u32 s26;
	s26 =	rddreg [dreg:$0x16];
	[sflag:s10] =	ssyncadd.s32 $0xFFFFE000  }
0x103: {  	[spmem:s26] =	stream.linear.scatter [tilespmem:s8], [sflag:$0x5], $0x2000, $0x38;
	[tilespmem:$0x18200] =	vst v63  }
0x104: {  	_ =	swait.ge [sflag:s10], $0x2000  }
0x105: {  	[sflag:s10] =	ssyncset.done $0x0  }
0x106: {  	s28 =	rddreg [dreg:$0x17];
	[sflag:s10] =	ssyncadd.s32 $0xFFFFE000  }
0x107: {  	[spmem:s28] =	stream.linear.scatter [tilespmem:s8], [sflag:$0x5], $0x2000, $0x38;
	[tilespmem:$0x18200] =	vst v63  }
0x108: {  	_ =	swait.ge [sflag:s10], $0x2000  }
0x109: {  	[sflag:s10] =	ssyncset.done $0x0  }
0x10a: {  	[sflag:s10] =	ssyncadd.s32 $0xFFFFE000  }
0x10b: {  	[spmem:s31] =	stream.linear.scatter [tilespmem:s8], [sflag:$0x5], $0x2000, $0x38;
	[tilespmem:$0x18200] =	vst v63  }
0x10c: {  	_ =	swait.ge [sflag:s10], $0x2000  }
0x10d: {  	[sflag:s10] =	ssyncset.done $0x0  }
0x10e: {  	[sflag:s10] =	ssyncadd.s32 $0xFFFFE000  }
0x10f: {  	[spmem:s0] =	stream.linear.scatter [tilespmem:s8], [sflag:$0x5], $0x2000, $0x38;
	[tilespmem:$0x18200] =	vst v63  }
0x110: {  	_ =	swait.ge [sflag:s10], $0x2000  }
0x111: {  	[sflag:s10] =	ssyncset.done $0x0  }
0x112: {  	[sflag:s10] =	ssyncadd.s32 $0xFFFFE000  }
0x113: {  	[spmem:s4] =	stream.linear.scatter [tilespmem:s8], [sflag:$0x5], $0x2000, $0x38;
	[tilespmem:$0x18200] =	vst v63  }
0x114: {  	_ =	swait.ge [sflag:s10], $0x2000  }
0x115: {  	[sflag:s10] =	ssyncset.done $0x0  }
0x116: {  	[sflag:s10] =	ssyncadd.s32 $0xFFFFE000  }
0x117: {  	[bflag:$0x0] =	sbarrier.arrive $0xFFFF  }
0x118: {  	s22 =	rddreg [dreg:$0x7]  }
0x119: {  	[tilespmem:s3], [sflag:$0x5] =	stream.linear.gather [hbm4b:s22+s3], $0x40, $0x38;
	[tilespmem:$0x18200] =	vst v63  }
0x11a: {  	_ =	swait.ge [sflag:s10], $0x40  }
0x11b: {  	[sflag:s10] =	ssyncset.done $0x0  }
0x11c: {  	s23 =	rddreg [dreg:$0x8];
	[sflag:s10] =	ssyncadd.s32 $0xFFFFFFC0  }
0x11d: {  	[tilespmem:s11], [sflag:$0x5] =	stream.linear.gather [hbm4b:s23+s3], $0x40, $0x38;
	[tilespmem:$0x18200] =	vst v63  }
0x11e: {  	_ =	swait.ge [sflag:s10], $0x40  }
0x11f: {  	[sflag:s10] =	ssyncset.done $0x0  }
0x120: {  	s25 =	sadd.s32 $0xFFFFF640, s21;
	[sflag:s10] =	ssyncadd.s32 $0xFFFFFFC0  }
0x121: {  	[tilespmem:s8], [sflag:$0x1] =	stream.indirect.gather [hbm4b:s1+s13], $0x80, s3, s13, $0xb8;
	[tilespmem:$0x18200] =	vst v63  }
0x122: {  	s22 =	sadd.s32 $0xA6C8, s25  }
0x123: {  	[tilespmem:s14], [sflag:$0x5] =	stream.linear.gather [hbm4b:s22+s3], $0x40, $0x38;
	[tilespmem:$0x18200] =	vst v63  }
0x124: {  	_ =	swait.ge [sflag:s10], $0x40  }
0x125: {  	s26 =	sadd.s32 $0xFFFFF640, s20;
	[sflag:s10] =	ssyncset.done $0x0  }
0x126: {  	s23 =	sadd.s32 $0xA6C8, s26;
	[sflag:s10] =	ssyncadd.s32 $0xFFFFFFC0  }
0x127: {  	[tilespmem:s15], [sflag:$0x5] =	stream.linear.gather [hbm4b:s23+s3], $0x40, $0x38;
	[tilespmem:$0x18200] =	vst v63  }
0x128: {  	_ =	swait.ge [sflag:s10], $0x40  }
0x129: {  	[sflag:s10] =	ssyncset.done $0x0  }
0x12a: {  	[sflag:s10] =	ssyncadd.s32 $0xFFFFFFC0  }
0x12b: {  	[tilespmem:s16], [sflag:$0x2] =	stream.indirect.gather [hbm4b:s1+s13], $0x80, s14, s13, $0xb8;
	[tilespmem:$0x18200] =	vst v63  }
0x12c: {  	_ =	swait.ge [sflag:s18], $0x2000  }
0x12d: {  	[sflag:s18] =	ssyncset.done $0x0  }
0x12e: {  	[sflag:s18] =	ssyncadd.s32 $0xFFFFE000  }
0x12f: {  	[spmem:s2] =	stream.indirect.scatter.add.f32 [tilespmem:s8], [sflag:$0x3], $0x80, s11, s13, $0xb8;
	[tilespmem:$0x18200] =	vst v63  }
0x130: {  	_ =	swait.ge [sflag:s24], $0x2000  }
0x131: {  	[sflag:s24] =	ssyncset.done $0x0  }
0x132: {  	[sflag:s24] =	ssyncadd.s32 $0xFFFFE000  }
0x133: {  	[spmem:s2] =	stream.indirect.scatter.add.f32 [tilespmem:s16], [sflag:$0x4], $0x80, s15, s13, $0xb8;
	[tilespmem:$0x18200] =	vst v63  }
0x134: {  	_ =	swait.ge [sflag:s6], $0x2000  }
0x135: {  	[sflag:s6] =	ssyncset.done $0x0  }
0x136: {  	s5 =	sadd.s32 $0xA6D0, s25;
	[sflag:s6] =	ssyncadd.s32 $0xFFFFE000  }
0x137: {  	[tilespmem:s3], [sflag:$0x5] =	stream.linear.gather [hbm4b:s5+s3], $0x40, $0x38;
	[tilespmem:$0x18200] =	vst v63  }
0x138: {  	_ =	swait.ge [sflag:s10], $0x40  }
0x139: {  	[sflag:s10] =	ssyncset.done $0x0  }
0x13a: {  	s28 =	sadd.s32 $0xA6D0, s26;
	[sflag:s10] =	ssyncadd.s32 $0xFFFFFFC0  }
0x13b: {  	[tilespmem:s11], [sflag:$0x5] =	stream.linear.gather [hbm4b:s28+s3], $0x40, $0x38;
	[tilespmem:$0x18200] =	vst v63  }
0x13c: {  	_ =	swait.ge [sflag:s10], $0x40  }
0x13d: {  	[sflag:s10] =	ssyncset.done $0x0  }
0x13e: {  	[sflag:s10] =	ssyncadd.s32 $0xFFFFFFC0  }
0x13f: {  	[tilespmem:s8], [sflag:$0x1] =	stream.indirect.gather [hbm4b:s1+s13], $0x80, s3, s13, $0xb8;
	[tilespmem:$0x18200] =	vst v63  }
0x140: {  	s25 =	simm.s32 $0xFFFFF650;
	_ =	swait.ge [sflag:s9], $0x2000  }
0x141: {  	s22 =	simm.s32 $0xFFFFF660;
	s5 =	sadd.s32 $0xFFFFF650, s21;
	[sflag:s9] =	ssyncset.done $0x0  }
.LBB2_5:
0x142: {  	s26 =	sadd.s32 $0xA6C8, s5  }
0x143: {  	[sflag:s9] =	ssyncadd.s32 $0xFFFFE000;
	s28 =	smov.u32 s22;
	s23 =	sadd.s32 $0x10, s22  }
0x144: {  	[tilespmem:s14], [sflag:$0x5] =	stream.linear.gather [hbm4b:s26+s3], $0x40, $0x38;
	[tilespmem:$0x18200] =	vst v63  }
0x145: {  	p1 =	sne.s32 s22, $0xFFFFFFF0;
	_ =	swait.ge [sflag:s10], $0x40  }
0x146: {  	s22 =	sadd.s32 s25, s20;
	s25 =	smov.u32 s28;
	[sflag:s10] =	ssyncset.done $0x0  }
0x147: {  	s26 =	sadd.s32 $0xA6C8, s22;
	[sflag:s10] =	ssyncadd.s32 $0xFFFFFFC0  }
0x148: {  	[tilespmem:s15], [sflag:$0x5] =	stream.linear.gather [hbm4b:s26+s3], $0x40, $0x38;
	[tilespmem:$0x18200] =	vst v63  }
0x149: {  	_ =	swait.ge [sflag:s10], $0x40  }
0x14a: {  	[sflag:s10] =	ssyncset.done $0x0  }
0x14b: {  	[sflag:s10] =	ssyncadd.s32 $0xFFFFFFC0  }
0x14c: {  	[tilespmem:s16], [sflag:$0x2] =	stream.indirect.gather [hbm4b:s1+s13], $0x80, s14, s13, $0xb8;
	[tilespmem:$0x18200] =	vst v63  }
0x14d: {  	_ =	swait.ge [sflag:s18], $0x2000  }
0x14e: {  	[sflag:s18] =	ssyncset.done $0x0  }
0x14f: {  	[sflag:s18] =	ssyncadd.s32 $0xFFFFE000  }
0x150: {  	[spmem:s2] =	stream.indirect.scatter.add.f32 [tilespmem:s8], [sflag:$0x3], $0x80, s11, s13, $0xb8;
	[tilespmem:$0x18200] =	vst v63  }
0x151: {  	_ =	swait.ge [sflag:s24], $0x2000  }
0x152: {  	[sflag:s24] =	ssyncset.done $0x0  }
0x153: {  	[sflag:s24] =	ssyncadd.s32 $0xFFFFE000  }
0x154: {  	[spmem:s2] =	stream.indirect.scatter.add.f32 [tilespmem:s16], [sflag:$0x4], $0x80, s15, s13, $0xb8;
	[tilespmem:$0x18200] =	vst v63  }
0x155: {  	_ =	swait.ge [sflag:s6], $0x2000  }
0x156: {  	[sflag:s6] =	ssyncset.done $0x0  }
0x157: {  	s5 =	sadd.s32 $0xA6D0, s5;
	[sflag:s6] =	ssyncadd.s32 $0xFFFFE000  }
0x158: {  	[tilespmem:s3], [sflag:$0x5] =	stream.linear.gather [hbm4b:s5+s3], $0x40, $0x38;
	[tilespmem:$0x18200] =	vst v63  }
0x159: {  	_ =	swait.ge [sflag:s10], $0x40  }
0x15a: {  	[sflag:s10] =	ssyncset.done $0x0  }
0x15b: {  	s5 =	sadd.s32 $0xA6D0, s22;
	[sflag:s10] =	ssyncadd.s32 $0xFFFFFFC0  }
0x15c: {  	[tilespmem:s11], [sflag:$0x5] =	stream.linear.gather [hbm4b:s5+s3], $0x40, $0x38;
	[tilespmem:$0x18200] =	vst v63  }
0x15d: {  	_ =	swait.ge [sflag:s10], $0x40  }
.Ltmp4:
0x15e: {  	[sflag:s10] =	ssyncset.done $0x0;
	(pc) =	sbr.rel @p1 .LBB2_5-.Ltmp4, $4  }
0x15f: {  	[sflag:s10] =	ssyncadd.s32 $0xFFFFFFC0  }
0x160: {  	[tilespmem:s8], [sflag:$0x1] =	stream.indirect.gather [hbm4b:s1+s13], $0x80, s3, s13, $0xb8;
	[tilespmem:$0x18200] =	vst v63  }
0x161: {  	_ =	swait.ge [sflag:s9], $0x2000  }
0x162: {  	s22 =	smov.u32 s23;
	s5 =	sadd.s32 s25, s21;
	[sflag:s9] =	ssyncset.done $0x0  }
0x163: {  	s22 =	sadd.s32 $0xA6C8, s5;
	[sflag:s9] =	ssyncadd.s32 $0xFFFFE000  }
0x164: {  	[tilespmem:s14], [sflag:$0x5] =	stream.linear.gather [hbm4b:s22+s3], $0x40, $0x38;
	[tilespmem:$0x18200] =	vst v63  }
0x165: {  	_ =	swait.ge [sflag:s10], $0x40  }
0x166: {  	s25 =	sadd.s32 s25, s20;
	[sflag:s10] =	ssyncset.done $0x0  }
0x167: {  	s23 =	sadd.s32 $0xA6C8, s25;
	[sflag:s10] =	ssyncadd.s32 $0xFFFFFFC0  }
0x168: {  	[tilespmem:s15], [sflag:$0x5] =	stream.linear.gather [hbm4b:s23+s3], $0x40, $0x38;
	[tilespmem:$0x18200] =	vst v63  }
0x169: {  	_ =	swait.ge [sflag:s10], $0x40  }
0x16a: {  	[sflag:s10] =	ssyncset.done $0x0  }
0x16b: {  	[sflag:s10] =	ssyncadd.s32 $0xFFFFFFC0  }
0x16c: {  	[tilespmem:s16], [sflag:$0x2] =	stream.indirect.gather [hbm4b:s1+s13], $0x80, s14, s13, $0xb8;
	[tilespmem:$0x18200] =	vst v63  }
0x16d: {  	_ =	swait.ge [sflag:s18], $0x2000  }
0x16e: {  	[sflag:s18] =	ssyncset.done $0x0  }
0x16f: {  	[sflag:s18] =	ssyncadd.s32 $0xFFFFE000  }
0x170: {  	[spmem:s2] =	stream.indirect.scatter.add.f32 [tilespmem:s8], [sflag:$0x3], $0x80, s11, s13, $0xb8;
	[tilespmem:$0x18200] =	vst v63  }
0x171: {  	_ =	swait.ge [sflag:s24], $0x2000  }
0x172: {  	[sflag:s24] =	ssyncset.done $0x0  }
0x173: {  	[sflag:s24] =	ssyncadd.s32 $0xFFFFE000  }
0x174: {  	[spmem:s2] =	stream.indirect.scatter.add.f32 [tilespmem:s16], [sflag:$0x4], $0x80, s15, s13, $0xb8;
	[tilespmem:$0x18200] =	vst v63  }
0x175: {  	_ =	swait.ge [sflag:s6], $0x2000  }
0x176: {  	[sflag:s6] =	ssyncset.done $0x0  }
0x177: {  	s26 =	sadd.s32 $0xA6D0, s5;
	[sflag:s6] =	ssyncadd.s32 $0xFFFFE000  }
0x178: {  	[tilespmem:s3], [sflag:$0x5] =	stream.linear.gather [hbm4b:s26+s3], $0x40, $0x38;
	[tilespmem:$0x18200] =	vst v63  }
0x179: {  	_ =	swait.ge [sflag:s10], $0x40  }
0x17a: {  	[sflag:s10] =	ssyncset.done $0x0  }
0x17b: {  	s22 =	sadd.s32 $0xA6D0, s25;
	[sflag:s10] =	ssyncadd.s32 $0xFFFFFFC0  }
0x17c: {  	[tilespmem:s11], [sflag:$0x5] =	stream.linear.gather [hbm4b:s22+s3], $0x40, $0x38;
	[tilespmem:$0x18200] =	vst v63  }
0x17d: {  	_ =	swait.ge [sflag:s10], $0x40  }
0x17e: {  	[sflag:s10] =	ssyncset.done $0x0  }
0x17f: {  	[sflag:s10] =	ssyncadd.s32 $0xFFFFFFC0  }
0x180: {  	[tilespmem:s8], [sflag:$0x1] =	stream.indirect.gather [hbm4b:s1+s13], $0x80, s3, s13, $0xb8;
	[tilespmem:$0x18200] =	vst v63  }
0x181: {  	_ =	swait.ge [sflag:s9], $0x2000  }
0x182: {  	[sflag:s9] =	ssyncset.done $0x0  }
0x183: {  	s23 =	rddreg [dreg:$0xe];
	[sflag:s9] =	ssyncadd.s32 $0xFFFFE000  }
0x184: {  	[tilespmem:s14], [sflag:$0x5] =	stream.linear.gather [hbm4b:s23+s3], $0x40, $0x38;
	[tilespmem:$0x18200] =	vst v63  }
0x185: {  	_ =	swait.ge [sflag:s10], $0x40  }
0x186: {  	[sflag:s10] =	ssyncset.done $0x0  }
0x187: {  	s25 =	rddreg [dreg:$0xf];
	[sflag:s10] =	ssyncadd.s32 $0xFFFFFFC0  }
0x188: {  	[tilespmem:s15], [sflag:$0x5] =	stream.linear.gather [hbm4b:s25+s3], $0x40, $0x38;
	[tilespmem:$0x18200] =	vst v63  }
0x189: {  	_ =	swait.ge [sflag:s10], $0x40  }
0x18a: {  	[sflag:s10] =	ssyncset.done $0x0  }
0x18b: {  	[sflag:s10] =	ssyncadd.s32 $0xFFFFFFC0  }
0x18c: {  	[tilespmem:s16], [sflag:$0x2] =	stream.indirect.gather [hbm4b:s1+s13], $0x80, s14, s13, $0xb8;
	[tilespmem:$0x18200] =	vst v63  }
0x18d: {  	_ =	swait.ge [sflag:s18], $0x2000  }
0x18e: {  	[sflag:s18] =	ssyncset.done $0x0  }
0x18f: {  	[sflag:s18] =	ssyncadd.s32 $0xFFFFE000  }
0x190: {  	[spmem:s2] =	stream.indirect.scatter.add.f32 [tilespmem:s8], [sflag:$0x3], $0x80, s11, s13, $0xb8;
	[tilespmem:$0x18200] =	vst v63  }
0x191: {  	_ =	swait.ge [sflag:s24], $0x2000  }
0x192: {  	[sflag:s24] =	ssyncset.done $0x0  }
0x193: {  	[sflag:s24] =	ssyncadd.s32 $0xFFFFE000  }
0x194: {  	[spmem:s2] =	stream.indirect.scatter.add.f32 [tilespmem:s16], [sflag:$0x4], $0x80, s15, s13, $0xb8;
	[tilespmem:$0x18200] =	vst v63  }
0x195: {  	_ =	swait.ge [sflag:s6], $0x2000  }
0x196: {  	[sflag:s6] =	ssyncset.done $0x0  }
0x197: {  	[sflag:s6] =	ssyncadd.s32 $0xFFFFE000  }
0x198: {  	_ =	swait.ge [sflag:s9], $0x2000  }
0x199: {  	[sflag:s9] =	ssyncset.done $0x0  }
0x19a: {  	[sflag:s9] =	ssyncadd.s32 $0xFFFFE000  }
0x19b: {  	[bflag:$0x0] =	sbarrier.arrive $0xFFFF  }
0x19c: {  	s26 =	rddreg [dreg:$0x9]  }
0x19d: {  	[hbm:s26], [sflag:s17] =	dma.local [spmem:s19], $0x2800  }
0x19e: {  	_ =	swait.ge [sflag:s10], $0x2800  }
0x19f: {  	[sflag:s10] =	ssyncset.done $0x0  }
0x1a0: {  	[sflag:s10] =	ssyncadd.s32 $0xFFFFD800  }
0x1a1: {  	[bflag:$0x0] =	sbarrier.arrive $0xFFFF  }
0x1a2: {  	[tilespmem:s8], [sflag:$0x5] =	stream.linear.gather [hbm4b:s29+s3], $0x2000, $0x38;
	[tilespmem:$0x18200] =	vst v63  }
0x1a3: {  	_ =	swait.ge [sflag:s10], $0x2000  }
0x1a4: {  	[sflag:s10] =	ssyncset.done $0x0  }
0x1a5: {  	[sflag:s10] =	ssyncadd.s32 $0xFFFFE000  }
0x1a6: {  	[spmem:s7] =	stream.linear.scatter [tilespmem:s8], [sflag:$0x5], $0x2000, $0x38;
	[tilespmem:$0x18200] =	vst v63  }
0x1a7: {  	_ =	swait.ge [sflag:s10], $0x2000  }
0x1a8: {  	[sflag:s10] =	ssyncset.done $0x0  }
0x1a9: {  	s22 =	rddreg [dreg:$0x10];
	[sflag:s10] =	ssyncadd.s32 $0xFFFFE000  }
0x1aa: {  	[spmem:s22] =	stream.linear.scatter [tilespmem:s8], [sflag:$0x5], $0x2000, $0x38;
	[tilespmem:$0x18200] =	vst v63  }
0x1ab: {  	_ =	swait.ge [sflag:s10], $0x2000  }
0x1ac: {  	[sflag:s10] =	ssyncset.done $0x0  }
0x1ad: {  	s23 =	rddreg [dreg:$0x11];
	[sflag:s10] =	ssyncadd.s32 $0xFFFFE000  }
0x1ae: {  	[spmem:s23] =	stream.linear.scatter [tilespmem:s8], [sflag:$0x5], $0x2000, $0x38;
	[tilespmem:$0x18200] =	vst v63  }
0x1af: {  	_ =	swait.ge [sflag:s10], $0x2000  }
0x1b0: {  	[sflag:s10] =	ssyncset.done $0x0  }
0x1b1: {  	s25 =	rddreg [dreg:$0x14];
	[sflag:s10] =	ssyncadd.s32 $0xFFFFE000  }
0x1b2: {  	[spmem:s25] =	stream.linear.scatter [tilespmem:s8], [sflag:$0x5], $0x2000, $0x38;
	[tilespmem:$0x18200] =	vst v63  }
0x1b3: {  	_ =	swait.ge [sflag:s10], $0x2000  }
0x1b4: {  	[sflag:s10] =	ssyncset.done $0x0  }
0x1b5: {  	s26 =	smov.u32 s29;
	s29 =	rddreg [dreg:$0x15];
	[sflag:s10] =	ssyncadd.s32 $0xFFFFE000  }
0x1b6: {  	[spmem:s29] =	stream.linear.scatter [tilespmem:s8], [sflag:$0x5], $0x2000, $0x38;
	[tilespmem:$0x18200] =	vst v63  }
0x1b7: {  	_ =	swait.ge [sflag:s10], $0x2000  }
0x1b8: {  	[sflag:s10] =	ssyncset.done $0x0  }
0x1b9: {  	s22 =	rddreg [dreg:$0x16];
	[sflag:s10] =	ssyncadd.s32 $0xFFFFE000  }
0x1ba: {  	[spmem:s22] =	stream.linear.scatter [tilespmem:s8], [sflag:$0x5], $0x2000, $0x38;
	[tilespmem:$0x18200] =	vst v63  }
0x1bb: {  	_ =	swait.ge [sflag:s10], $0x2000  }
0x1bc: {  	[sflag:s10] =	ssyncset.done $0x0  }
0x1bd: {  	s23 =	rddreg [dreg:$0x17];
	[sflag:s10] =	ssyncadd.s32 $0xFFFFE000  }
0x1be: {  	[spmem:s23] =	stream.linear.scatter [tilespmem:s8], [sflag:$0x5], $0x2000, $0x38;
	[tilespmem:$0x18200] =	vst v63  }
0x1bf: {  	_ =	swait.ge [sflag:s10], $0x2000  }
0x1c0: {  	[sflag:s10] =	ssyncset.done $0x0  }
0x1c1: {  	[sflag:s10] =	ssyncadd.s32 $0xFFFFE000  }
0x1c2: {  	[spmem:s31] =	stream.linear.scatter [tilespmem:s8], [sflag:$0x5], $0x2000, $0x38;
	[tilespmem:$0x18200] =	vst v63  }
0x1c3: {  	_ =	swait.ge [sflag:s10], $0x2000  }
0x1c4: {  	[sflag:s10] =	ssyncset.done $0x0  }
0x1c5: {  	[sflag:s10] =	ssyncadd.s32 $0xFFFFE000  }
0x1c6: {  	[spmem:s0] =	stream.linear.scatter [tilespmem:s8], [sflag:$0x5], $0x2000, $0x38;
	[tilespmem:$0x18200] =	vst v63  }
0x1c7: {  	_ =	swait.ge [sflag:s10], $0x2000  }
0x1c8: {  	[sflag:s10] =	ssyncset.done $0x0  }
0x1c9: {  	[sflag:s10] =	ssyncadd.s32 $0xFFFFE000  }
0x1ca: {  	[spmem:s4] =	stream.linear.scatter [tilespmem:s8], [sflag:$0x5], $0x2000, $0x38;
	[tilespmem:$0x18200] =	vst v63  }
0x1cb: {  	_ =	swait.ge [sflag:s10], $0x2000  }
0x1cc: {  	[sflag:s10] =	ssyncset.done $0x0  }
0x1cd: {  	[sflag:s10] =	ssyncadd.s32 $0xFFFFE000  }
0x1ce: {  	[bflag:$0x0] =	sbarrier.arrive $0xFFFF  }
0x1cf: {  	s28 =	rddreg [dreg:$0x4]  }
0x1d0: {  	[tilespmem:s8], [sflag:$0x5] =	stream.linear.gather [hbm4b:s28+s3], $0x2000, $0x38;
	[tilespmem:$0x18200] =	vst v63  }
0x1d1: {  	_ =	swait.ge [sflag:s10], $0x2000  }
0x1d2: {  	[sflag:s10] =	ssyncset.done $0x0  }
0x1d3: {  	[sflag:s10] =	ssyncadd.s32 $0xFFFFE000  }
0x1d4: {  	[tilespmem:s11], [sflag:$0x5] =	stream.linear.gather [hbm4b:s30+s3], $0x40, $0x38;
	[tilespmem:$0x18200] =	vst v63  }
0x1d5: {  	_ =	swait.ge [sflag:s10], $0x40  }
0x1d6: {  	[sflag:s10] =	ssyncset.done $0x0  }
0x1d7: {  	s25 =	sadd.s32 $0xFFFFF640, s20;
	[sflag:s10] =	ssyncadd.s32 $0xFFFFFFC0  }
0x1d8: {  	[spmem:s2] =	stream.indirect.scatter.add.f32 [tilespmem:s8], [sflag:$0x1], $0x80, s11, s13, $0xb8;
	[tilespmem:$0x18200] =	vst v63  }
0x1d9: {  	s29 =	sadd.s32 $0x9C8, s25  }
0x1da: {  	[tilespmem:s15], [sflag:$0x5] =	stream.linear.gather [hbm4b:s29+s3], $0x40, $0x38;
	[tilespmem:$0x18200] =	vst v63  }
0x1db: {  	_ =	swait.ge [sflag:s10], $0x40  }
0x1dc: {  	[sflag:s10] =	ssyncset.done $0x0  }
0x1dd: {  	[sflag:s10] =	ssyncadd.s32 $0xFFFFFFC0  }
0x1de: {  	[spmem:s2] =	stream.indirect.scatter.add.f32 [tilespmem:s8], [sflag:$0x2], $0x80, s15, s13, $0xb8;
	[tilespmem:$0x18200] =	vst v63  }
0x1df: {  	_ =	swait.ge [sflag:s18], $0x2000  }
0x1e0: {  	[sflag:s18] =	ssyncset.done $0x0  }
0x1e1: {  	s5 =	sadd.s32 $0x9D0, s25;
	[sflag:s18] =	ssyncadd.s32 $0xFFFFE000  }
0x1e2: {  	[tilespmem:s11], [sflag:$0x5] =	stream.linear.gather [hbm4b:s5+s3], $0x40, $0x38;
	[tilespmem:$0x18200] =	vst v63  }
0x1e3: {  	_ =	swait.ge [sflag:s10], $0x40  }
0x1e4: {  	[sflag:s10] =	ssyncset.done $0x0  }
0x1e5: {  	[sflag:s10] =	ssyncadd.s32 $0xFFFFFFC0  }
0x1e6: {  	_ =	swait.ge [sflag:s24], $0x2000  }
0x1e7: {  	s5 =	simm.s32 $0xFFFFF650;
	[sflag:s24] =	ssyncset.done $0x0  }
.LBB2_7:
0x1e8: {  	s23 =	smov.u32 s5  }
0x1e9: {  	s22 =	sadd.s32 s5, s20;
	[sflag:s24] =	ssyncadd.s32 $0xFFFFE000;
	s23 =	sadd.s32 $0x10, s5  }
0x1ea: {  	[spmem:s2] =	stream.indirect.scatter.add.f32 [tilespmem:s8], [sflag:$0x1], $0x80, s11, s13, $0xb8;
	[tilespmem:$0x18200] =	vst v63  }
0x1eb: {  	p1 =	sne.s32 s5, $0xFFFFFFF0;
	s25 =	sadd.s32 $0x9C8, s22  }
0x1ec: {  	[tilespmem:s15], [sflag:$0x5] =	stream.linear.gather [hbm4b:s25+s3], $0x40, $0x38;
	[tilespmem:$0x18200] =	vst v63  }
0x1ed: {  	_ =	swait.ge [sflag:s10], $0x40  }
0x1ee: {  	[sflag:s10] =	ssyncset.done $0x0  }
0x1ef: {  	[sflag:s10] =	ssyncadd.s32 $0xFFFFFFC0  }
0x1f0: {  	[spmem:s2] =	stream.indirect.scatter.add.f32 [tilespmem:s8], [sflag:$0x2], $0x80, s15, s13, $0xb8;
	[tilespmem:$0x18200] =	vst v63  }
0x1f1: {  	_ =	swait.ge [sflag:s18], $0x2000  }
0x1f2: {  	[sflag:s18] =	ssyncset.done $0x0  }
0x1f3: {  	s5 =	sadd.s32 $0x9D0, s22;
	[sflag:s18] =	ssyncadd.s32 $0xFFFFE000  }
0x1f4: {  	[tilespmem:s11], [sflag:$0x5] =	stream.linear.gather [hbm4b:s5+s3], $0x40, $0x38;
	[tilespmem:$0x18200] =	vst v63  }
.Ltmp5:
0x1f5: {  	_ =	swait.ge [sflag:s10], $0x40;
	(pc) =	sbr.rel @p1 .LBB2_7-.Ltmp5, $4  }
0x1f6: {  	[sflag:s10] =	ssyncset.done $0x0  }
0x1f7: {  	[sflag:s10] =	ssyncadd.s32 $0xFFFFFFC0  }
0x1f8: {  	_ =	swait.ge [sflag:s24], $0x2000  }
0x1f9: {  	s5 =	smov.u32 s23;
	[sflag:s24] =	ssyncset.done $0x0  }
0x1fa: {  	[sflag:s24] =	ssyncadd.s32 $0xFFFFE000  }
0x1fb: {  	[spmem:s2] =	stream.indirect.scatter.add.f32 [tilespmem:s8], [sflag:$0x1], $0x80, s11, s13, $0xb8;
	[tilespmem:$0x18200] =	vst v63  }
0x1fc: {  	s5 =	rddreg [dreg:$0xd]  }
0x1fd: {  	[tilespmem:s15], [sflag:$0x5] =	stream.linear.gather [hbm4b:s5+s3], $0x40, $0x38;
	[tilespmem:$0x18200] =	vst v63  }
0x1fe: {  	_ =	swait.ge [sflag:s10], $0x40  }
0x1ff: {  	[sflag:s10] =	ssyncset.done $0x0  }
0x200: {  	[sflag:s10] =	ssyncadd.s32 $0xFFFFFFC0  }
0x201: {  	[spmem:s2] =	stream.indirect.scatter.add.f32 [tilespmem:s8], [sflag:$0x2], $0x80, s15, s13, $0xb8;
	[tilespmem:$0x18200] =	vst v63  }
0x202: {  	_ =	swait.ge [sflag:s18], $0x2000  }
0x203: {  	[sflag:s18] =	ssyncset.done $0x0  }
0x204: {  	[sflag:s18] =	ssyncadd.s32 $0xFFFFE000  }
0x205: {  	_ =	swait.ge [sflag:s24], $0x2000  }
0x206: {  	[sflag:s24] =	ssyncset.done $0x0  }
0x207: {  	[sflag:s24] =	ssyncadd.s32 $0xFFFFE000  }
0x208: {  	[bflag:$0x0] =	sbarrier.arrive $0xFFFF  }
0x209: {  	s22 =	rddreg [dreg:$0xa]  }
0x20a: {  	[hbm:s22], [sflag:s17] =	dma.local [spmem:s19], $0x2800  }
0x20b: {  	_ =	swait.ge [sflag:s10], $0x2800  }
0x20c: {  	[sflag:s10] =	ssyncset.done $0x0  }
0x20d: {  	[sflag:s10] =	ssyncadd.s32 $0xFFFFD800  }
0x20e: {  	[bflag:$0x0] =	sbarrier.arrive $0xFFFF  }
0x20f: {  	[tilespmem:s8], [sflag:$0x5] =	stream.linear.gather [hbm4b:s26+s3], $0x2000, $0x38;
	[tilespmem:$0x18200] =	vst v63  }
0x210: {  	_ =	swait.ge [sflag:s10], $0x2000  }
0x211: {  	[sflag:s10] =	ssyncset.done $0x0  }
0x212: {  	[sflag:s10] =	ssyncadd.s32 $0xFFFFE000  }
0x213: {  	[spmem:s7] =	stream.linear.scatter [tilespmem:s8], [sflag:$0x5], $0x2000, $0x38;
	[tilespmem:$0x18200] =	vst v63  }
0x214: {  	_ =	swait.ge [sflag:s10], $0x2000  }
0x215: {  	[sflag:s10] =	ssyncset.done $0x0  }
0x216: {  	s23 =	rddreg [dreg:$0x10];
	[sflag:s10] =	ssyncadd.s32 $0xFFFFE000  }
0x217: {  	[spmem:s23] =	stream.linear.scatter [tilespmem:s8], [sflag:$0x5], $0x2000, $0x38;
	[tilespmem:$0x18200] =	vst v63  }
0x218: {  	_ =	swait.ge [sflag:s10], $0x2000  }
0x219: {  	[sflag:s10] =	ssyncset.done $0x0  }
0x21a: {  	s25 =	rddreg [dreg:$0x11];
	[sflag:s10] =	ssyncadd.s32 $0xFFFFE000  }
0x21b: {  	[spmem:s25] =	stream.linear.scatter [tilespmem:s8], [sflag:$0x5], $0x2000, $0x38;
	[tilespmem:$0x18200] =	vst v63  }
0x21c: {  	_ =	swait.ge [sflag:s10], $0x2000  }
0x21d: {  	[sflag:s10] =	ssyncset.done $0x0  }
0x21e: {  	s29 =	rddreg [dreg:$0x14];
	[sflag:s10] =	ssyncadd.s32 $0xFFFFE000  }
0x21f: {  	[spmem:s29] =	stream.linear.scatter [tilespmem:s8], [sflag:$0x5], $0x2000, $0x38;
	[tilespmem:$0x18200] =	vst v63  }
0x220: {  	_ =	swait.ge [sflag:s10], $0x2000  }
0x221: {  	[sflag:s10] =	ssyncset.done $0x0  }
0x222: {  	s22 =	rddreg [dreg:$0x15];
	[sflag:s10] =	ssyncadd.s32 $0xFFFFE000  }
0x223: {  	[spmem:s22] =	stream.linear.scatter [tilespmem:s8], [sflag:$0x5], $0x2000, $0x38;
	[tilespmem:$0x18200] =	vst v63  }
0x224: {  	_ =	swait.ge [sflag:s10], $0x2000  }
0x225: {  	[sflag:s10] =	ssyncset.done $0x0  }
0x226: {  	s23 =	rddreg [dreg:$0x16];
	[sflag:s10] =	ssyncadd.s32 $0xFFFFE000  }
0x227: {  	[spmem:s23] =	stream.linear.scatter [tilespmem:s8], [sflag:$0x5], $0x2000, $0x38;
	[tilespmem:$0x18200] =	vst v63  }
0x228: {  	_ =	swait.ge [sflag:s10], $0x2000  }
0x229: {  	[sflag:s10] =	ssyncset.done $0x0  }
0x22a: {  	s25 =	rddreg [dreg:$0x17];
	[sflag:s10] =	ssyncadd.s32 $0xFFFFE000  }
0x22b: {  	[spmem:s25] =	stream.linear.scatter [tilespmem:s8], [sflag:$0x5], $0x2000, $0x38;
	[tilespmem:$0x18200] =	vst v63  }
0x22c: {  	_ =	swait.ge [sflag:s10], $0x2000  }
0x22d: {  	[sflag:s10] =	ssyncset.done $0x0  }
0x22e: {  	[sflag:s10] =	ssyncadd.s32 $0xFFFFE000  }
0x22f: {  	[spmem:s31] =	stream.linear.scatter [tilespmem:s8], [sflag:$0x5], $0x2000, $0x38;
	[tilespmem:$0x18200] =	vst v63  }
0x230: {  	_ =	swait.ge [sflag:s10], $0x2000  }
0x231: {  	[sflag:s10] =	ssyncset.done $0x0  }
0x232: {  	[sflag:s10] =	ssyncadd.s32 $0xFFFFE000  }
0x233: {  	[spmem:s0] =	stream.linear.scatter [tilespmem:s8], [sflag:$0x5], $0x2000, $0x38;
	[tilespmem:$0x18200] =	vst v63  }
0x234: {  	_ =	swait.ge [sflag:s10], $0x2000  }
0x235: {  	[sflag:s10] =	ssyncset.done $0x0  }
0x236: {  	[sflag:s10] =	ssyncadd.s32 $0xFFFFE000  }
0x237: {  	[spmem:s4] =	stream.linear.scatter [tilespmem:s8], [sflag:$0x5], $0x2000, $0x38;
	[tilespmem:$0x18200] =	vst v63  }
0x238: {  	_ =	swait.ge [sflag:s10], $0x2000  }
0x239: {  	[sflag:s10] =	ssyncset.done $0x0  }
0x23a: {  	[sflag:s10] =	ssyncadd.s32 $0xFFFFE000  }
0x23b: {  	[bflag:$0x0] =	sbarrier.arrive $0xFFFF  }
0x23c: {  	[tilespmem:s8], [sflag:$0x5] =	stream.linear.gather [hbm4b:s28+s3], $0x2000, $0x38;
	[tilespmem:$0x18200] =	vst v63  }
0x23d: {  	_ =	swait.ge [sflag:s10], $0x2000  }
0x23e: {  	[sflag:s10] =	ssyncset.done $0x0  }
0x23f: {  	s28 =	rddreg [dreg:$0x8];
	[sflag:s10] =	ssyncadd.s32 $0xFFFFE000  }
0x240: {  	[tilespmem:s11], [sflag:$0x5] =	stream.linear.gather [hbm4b:s28+s3], $0x40, $0x38;
	[tilespmem:$0x18200] =	vst v63  }
0x241: {  	_ =	swait.ge [sflag:s10], $0x40  }
0x242: {  	[sflag:s10] =	ssyncset.done $0x0  }
0x243: {  	s29 =	sadd.s32 $0xFFFFF640, s20;
	[sflag:s10] =	ssyncadd.s32 $0xFFFFFFC0  }
0x244: {  	[spmem:s2] =	stream.indirect.scatter.add.f32 [tilespmem:s8], [sflag:$0x1], $0x80, s11, s13, $0xb8;
	[tilespmem:$0x18200] =	vst v63  }
0x245: {  	s22 =	sadd.s32 $0xA6C8, s29  }
0x246: {  	[tilespmem:s15], [sflag:$0x5] =	stream.linear.gather [hbm4b:s22+s3], $0x40, $0x38;
	[tilespmem:$0x18200] =	vst v63  }
0x247: {  	_ =	swait.ge [sflag:s10], $0x40  }
0x248: {  	[sflag:s10] =	ssyncset.done $0x0  }
0x249: {  	[sflag:s10] =	ssyncadd.s32 $0xFFFFFFC0  }
0x24a: {  	[spmem:s2] =	stream.indirect.scatter.add.f32 [tilespmem:s8], [sflag:$0x2], $0x80, s15, s13, $0xb8;
	[tilespmem:$0x18200] =	vst v63  }
0x24b: {  	_ =	swait.ge [sflag:s18], $0x2000  }
0x24c: {  	[sflag:s18] =	ssyncset.done $0x0  }
0x24d: {  	s5 =	sadd.s32 $0xA6D0, s29;
	[sflag:s18] =	ssyncadd.s32 $0xFFFFE000  }
0x24e: {  	[tilespmem:s11], [sflag:$0x5] =	stream.linear.gather [hbm4b:s5+s3], $0x40, $0x38;
	[tilespmem:$0x18200] =	vst v63  }
0x24f: {  	_ =	swait.ge [sflag:s10], $0x40  }
0x250: {  	[sflag:s10] =	ssyncset.done $0x0  }
0x251: {  	[sflag:s10] =	ssyncadd.s32 $0xFFFFFFC0  }
0x252: {  	_ =	swait.ge [sflag:s24], $0x2000  }
0x253: {  	s5 =	simm.s32 $0xFFFFF650;
	[sflag:s24] =	ssyncset.done $0x0  }
.LBB2_9:
0x254: {  	s23 =	smov.u32 s5  }
0x255: {  	s22 =	sadd.s32 s5, s20;
	[sflag:s24] =	ssyncadd.s32 $0xFFFFE000;
	s23 =	sadd.s32 $0x10, s5  }
0x256: {  	[spmem:s2] =	stream.indirect.scatter.add.f32 [tilespmem:s8], [sflag:$0x1], $0x80, s11, s13, $0xb8;
	[tilespmem:$0x18200] =	vst v63  }
0x257: {  	p1 =	sne.s32 s5, $0xFFFFFFF0;
	s25 =	sadd.s32 $0xA6C8, s22  }
0x258: {  	[tilespmem:s15], [sflag:$0x5] =	stream.linear.gather [hbm4b:s25+s3], $0x40, $0x38;
	[tilespmem:$0x18200] =	vst v63  }
0x259: {  	_ =	swait.ge [sflag:s10], $0x40  }
0x25a: {  	[sflag:s10] =	ssyncset.done $0x0  }
0x25b: {  	[sflag:s10] =	ssyncadd.s32 $0xFFFFFFC0  }
0x25c: {  	[spmem:s2] =	stream.indirect.scatter.add.f32 [tilespmem:s8], [sflag:$0x2], $0x80, s15, s13, $0xb8;
	[tilespmem:$0x18200] =	vst v63  }
0x25d: {  	_ =	swait.ge [sflag:s18], $0x2000  }
0x25e: {  	[sflag:s18] =	ssyncset.done $0x0  }
0x25f: {  	s5 =	sadd.s32 $0xA6D0, s22;
	[sflag:s18] =	ssyncadd.s32 $0xFFFFE000  }
0x260: {  	[tilespmem:s11], [sflag:$0x5] =	stream.linear.gather [hbm4b:s5+s3], $0x40, $0x38;
	[tilespmem:$0x18200] =	vst v63  }
.Ltmp6:
0x261: {  	_ =	swait.ge [sflag:s10], $0x40;
	(pc) =	sbr.rel @p1 .LBB2_9-.Ltmp6, $4  }
0x262: {  	[sflag:s10] =	ssyncset.done $0x0  }
0x263: {  	[sflag:s10] =	ssyncadd.s32 $0xFFFFFFC0  }
0x264: {  	_ =	swait.ge [sflag:s24], $0x2000  }
0x265: {  	s5 =	smov.u32 s23;
	[sflag:s24] =	ssyncset.done $0x0  }
0x266: {  	[sflag:s24] =	ssyncadd.s32 $0xFFFFE000  }
0x267: {  	[spmem:s2] =	stream.indirect.scatter.add.f32 [tilespmem:s8], [sflag:$0x1], $0x80, s11, s13, $0xb8;
	[tilespmem:$0x18200] =	vst v63  }
0x268: {  	s5 =	rddreg [dreg:$0xf]  }
0x269: {  	[tilespmem:s15], [sflag:$0x5] =	stream.linear.gather [hbm4b:s5+s3], $0x40, $0x38;
	[tilespmem:$0x18200] =	vst v63  }
0x26a: {  	_ =	swait.ge [sflag:s10], $0x40  }
0x26b: {  	[sflag:s10] =	ssyncset.done $0x0  }
0x26c: {  	[sflag:s10] =	ssyncadd.s32 $0xFFFFFFC0  }
0x26d: {  	[spmem:s2] =	stream.indirect.scatter.add.f32 [tilespmem:s8], [sflag:$0x2], $0x80, s15, s13, $0xb8;
	[tilespmem:$0x18200] =	vst v63  }
0x26e: {  	_ =	swait.ge [sflag:s18], $0x2000  }
0x26f: {  	[sflag:s18] =	ssyncset.done $0x0  }
0x270: {  	[sflag:s18] =	ssyncadd.s32 $0xFFFFE000  }
0x271: {  	_ =	swait.ge [sflag:s24], $0x2000  }
0x272: {  	[sflag:s24] =	ssyncset.done $0x0  }
0x273: {  	[sflag:s24] =	ssyncadd.s32 $0xFFFFE000  }
0x274: {  	[bflag:$0x0] =	sbarrier.arrive $0xFFFF  }
.Ltmp7:
0x275: {  	s29 =	rddreg [dreg:$0xb];
	(pc) =	sbr.rel .LBB2_11-.Ltmp7, $4  }
0x276: {  	[hbm:s29], [sflag:s17] =	dma.local [spmem:s19], $0x2800  }
0x277: {  	_ =	swait.ge [sflag:s10], $0x2800  }
0x278: {  	[sflag:s10] =	ssyncset.done $0x0  }
0x279: {  	s5 =	rddreg [dreg:$0x13];
	[sflag:s10] =	ssyncadd.s32 $0xFFFFD800  }
.LBB2_12:
0x27a: {  	_ =	sfence.sel $0x180000  }
0x27b: {  	[bflag:$0x0] =	sbarrier.arrive $0xFFFF  }
0x27c: {  	_ =	strace $0x90000047  }
0x27d: {  	s0 =	stileid.u32;
	[bflag:$0x2] =	sbarrier.arrive $0xFFFF  }
0x27e: {  	p0 =	sne.s32 s0, $0x0;
	s0 =	rddreg [dreg:$0x3]  }
0x27f: {  	s0 =	sadd.s32 @!p0 $0x100000, s0  }
0x280: {  	[sflag:s0] =	ssyncadd.tile.s32 @!p0 $0x1;
	_ =	shalt  }
.Lfunc_end2:
_tile_overlayer_lowered:
.L_overlay_start_2:
0x281: {  	(tag) =	ssettag $0x2  }
0x282: {  	s0 =	rddreg [dreg:$0x0];
	s2 =	stileid.u32  }
0x283: {  	s1 =	rddreg [dreg:$0x1];
	p0 =	sne.s32 s2, $0x0  }
0x284: {  	s3 =	rddreg [dreg:$0x2];
	[bflag:$0x3] =	sbarrier.arrive $0xFFFF;
	s2 =	simm.s32 @!p0 $0x1C05  }
0x285: {  	[timem:s3], [sflag:s2] =	dma.local @!p0 [hbm:s0], s1  }
0x286: {  	s0 =	simm.s32 @!p0 $0x5  }
0x287: {  	_ =	swait.ge @!p0 [sflag:s0], s1  }
0x288: {  	s1 =	ssub.s32 @!p0 $0x0, s1;
	[sflag:s0] =	ssyncset.done @!p0 $0x0  }
0x289: {  	[sflag:s0] =	ssyncadd.s32 @!p0 s1  }
0x28a: {  	[bflag:$0x3] =	sbarrier.arrive $0xFFFF  }
0x28b: {  	_ =	shalt  }

</sc_bundles>
